<compile_context>
chip_gen: v7x
topology: tpu7x:2x2x1
jax: 0.10.2.dev20260603
libtpu: 0.0.44.dev20260713+nightly
codegen_flags: <defaults>
</compile_context>

<pallas_src>
import functools

import numpy as np
import jax
import jax.numpy as jnp
from jax import lax
from jax.experimental import pallas as pl
from jax.experimental.pallas import tpu as pltpu
from jax.experimental.pallas import tpu_sc as plsc

B, T, P, N = 4096, 1000, 20, 50
PN = P * N
NC, NS = 2, 16
NW = NC * NS
ROWS_W = B // NW
RB = 16
NBLK = ROWS_W // RB
MB = RB * P
NFULL = PN // 16
TAIL0 = PN - 16
NTAILV = PN - NFULL * 16

_j2 = np.arange(MB)
_MRI = (_j2 // P).astype(np.int32)

_mesh = plsc.VectorSubcoreMesh(core_axis_name="c", subcore_axis_name="s")


@functools.partial(
    pl.kernel,
    out_type=jax.ShapeDtypeStruct((NW, 64), jnp.float32),
    mesh=_mesh,
    compiler_params=pltpu.CompilerParams(needs_layout_passes=False),
    scratch_types=[
        pltpu.VMEM((RB, T), jnp.float32),
        pltpu.VMEM((RB, T), jnp.float32),
        pltpu.VMEM((RB, PN), jnp.int32),
        pltpu.VMEM((RB, PN), jnp.int32),
        pltpu.VMEM((RB, P), jnp.int32),
        pltpu.VMEM((RB, P), jnp.int32),
        pltpu.VMEM((RB, P), jnp.int32),
        pltpu.VMEM((RB, P), jnp.int32),
        pltpu.VMEM((MB,), jnp.float32),
        pltpu.VMEM((16,), jnp.float32),
        pltpu.VMEM((64,), jnp.float32),
        pltpu.SemaphoreType.DMA,
        pltpu.SemaphoreType.DMA,
    ],
)
def _hinge_sc(scores_hbm, neg2d_hbm, pos_hbm, lev_hbm, marg_hbm,
              out_hbm,
              sc0, sc1, ng0, ng1, po0, po1, lv0, lv1,
              m_v, marg_v, out_v, sem0, sem1):
    wid = lax.axis_index("s") * NC + lax.axis_index("c")
    pltpu.sync_copy(marg_hbm, marg_v)
    row0w = wid * ROWS_W
    iota16 = lax.iota(jnp.int32, 16)
    bufs = ((sc0, ng0, po0, lv0, sem0), (sc1, ng1, po1, lv1, sem1))
    tail_keep = iota16 >= (16 - NTAILV)

    def issue(slot, bk):
        sc, ng, po, lv, sem = bufs[slot]
        row0 = row0w + bk * RB
        pltpu.async_copy(scores_hbm.at[pl.ds(row0, RB)], sc, sem)
        pltpu.async_copy(neg2d_hbm.at[pl.ds(row0, RB)], ng, sem)
        pltpu.async_copy(pos_hbm.at[pl.ds(row0, RB)], po, sem)
        pltpu.async_copy(lev_hbm.at[pl.ds(row0, RB)], lv, sem)

    def wait_slot(slot):
        sc, ng, po, lv, sem = bufs[slot]
        pltpu.make_async_copy(scores_hbm.at[pl.ds(0, RB)], sc, sem).wait()
        pltpu.make_async_copy(neg2d_hbm.at[pl.ds(0, RB)], ng, sem).wait()
        pltpu.make_async_copy(pos_hbm.at[pl.ds(0, RB)], po, sem).wait()
        pltpu.make_async_copy(lev_hbm.at[pl.ds(0, RB)], lv, sem).wait()

    def compute_block(slot, carry):
        sc, ng, po, lv, _ = bufs[slot]

        @plsc.parallel_loop(0, MB // 16, unroll=4)
        def mloop(i):
            off = i * 16
            j = iota16 + jnp.full((16,), off, jnp.int32)
            mri = j // P
            mpi = j - mri * P
            pos = plsc.load_gather(po, [mri, mpi])
            lev = plsc.load_gather(lv, [mri, mpi])
            safe_pos = jnp.where(pos == -1, 0, pos)
            psc = plsc.load_gather(sc, [mri, safe_pos])
            mg = plsc.load_gather(marg_v, [lev])
            m_v[pl.ds(off, 16)] = mg - psc

        def rowloop(r, cr):
            a = list(cr)
            rsplat = jnp.full((16,), r, jnp.int32)
            rp = r * P
            msp = [plsc.load_gather(m_v, [jnp.full((16,), rp + p, jnp.int32)])
                   for p in range(P)]

            def chunk(k, off, msel, extra_mask, a):
                neg = ng[r, pl.ds(off, 16)]
                msk = neg != -1
                if extra_mask is not None:
                    msk = msk & extra_mask
                safe_neg = jnp.where(msk, neg, 0)
                nsc = plsc.load_gather(sc, [rsplat, safe_neg])
                v = jnp.maximum(msel + nsc, 0.0)
                s = k % 4
                a[s] = a[s] + jnp.where(msk, v, 0.0)
                a[4 + s] = a[4 + s] + jnp.where(msk, 1, 0)
                return a

            for k in range(NFULL):
                off = k * 16
                p_lo = off // N
                p_hi = (off + 15) // N
                if p_lo == p_hi:
                    msel = msp[p_lo]
                else:
                    b = N * p_hi - off
                    msel = jnp.where(iota16 >= b, msp[p_hi], msp[p_lo])
                a = chunk(k, off, msel, None, a)
            a = chunk(NFULL, TAIL0, msp[P - 1], tail_keep, a)
            return tuple(a)

        return lax.fori_loop(0, RB, rowloop, carry)

    issue(0, 0)
    issue(1, 1)
    zf = jnp.zeros((16,), jnp.float32)
    zi = jnp.zeros((16,), jnp.int32)
    acc = (zf, zf, zf, zf, zi, zi, zi, zi)

    def blockpair(t, carry):
        wait_slot(0)
        carry = compute_block(0, carry)

        @pl.when(t < NBLK // 2 - 1)
        def _():
            issue(0, 2 * t + 2)

        wait_slot(1)
        carry = compute_block(1, carry)

        @pl.when(t < NBLK // 2 - 1)
        def _():
            issue(1, 2 * t + 3)

        return carry

    acc = lax.fori_loop(0, NBLK // 2, blockpair, acc)

    out_v[pl.ds(0, 16)] = acc[0] + acc[1]
    out_v[pl.ds(16, 16)] = acc[2] + acc[3]
    out_v[pl.ds(32, 16)] = (acc[4] + acc[5]).astype(jnp.float32)
    out_v[pl.ds(48, 16)] = (acc[6] + acc[7]).astype(jnp.float32)
    pltpu.sync_copy(out_v, out_hbm.at[wid])


def kernel(scores, pos_type_ids, neg_type_ids, levels, margin_ratio, margins):
    marg = (margins * margin_ratio).astype(jnp.float32)
    parts = _hinge_sc(
        scores,
        neg_type_ids.reshape(B, PN),
        pos_type_ids,
        levels,
        marg,
    )
    pr = parts.reshape(NW, 2, 32)
    return pr[:, 0].sum() / pr[:, 1].sum()

# --- scband reference (transcript-rebuilt; emitter-appended) ---
"""Pipeline reference for scband-indexed-hinge-loss-9148280340865 (READ-ONLY COPY).

The authoritative reference and input builder live on the scoring server;
editing this copy changes nothing except your own understanding.
"""

import jax, jax.numpy as jnp
import numpy as np


def setup_inputs(seed: int = 0) -> dict:
    key = jax.random.key(seed)
    k1, k2, k3, k4 = jax.random.split(key, 4)
    B, T, P, N, L = 4096, 1000, 20, 50, 16
    scores = jax.random.normal(k1, (B, T), dtype=jnp.float32)
    pos_type_ids = jax.random.randint(k2, (B, P), 0, T)
    neg_type_ids = jax.random.randint(k3, (B, P, N), 0, T)
    levels = jax.random.randint(k4, (B, P), 0, L)
    margins = jnp.asarray(np.array([0.1, 0.15, 0.2, 0.25, 0.3, 0.35, 0.4, 0.45, 0.5, 0.55, 0.6, 0.65, 0.7, 0.75, 0.8, 0.85], dtype=np.float32))
    return {"scores": scores, "pos_type_ids": pos_type_ids, "neg_type_ids": neg_type_ids, "levels": levels, "margin_ratio": 1.0, "margins": margins}


def reference(scores, pos_type_ids, neg_type_ids, levels, margin_ratio, margins):
    B, P = pos_type_ids.shape
    N = neg_type_ids.shape[2]
    neg_mask = (neg_type_ids != -1)
    neg_mask_r = neg_mask.astype(jnp.float32)
    pos_mask = (pos_type_ids != -1)
    pos_ids = jnp.where(pos_mask, pos_type_ids, 0)
    neg_ids = jnp.where(neg_mask, neg_type_ids, 0)
    batch_range = jnp.arange(B)
    pos_scores = scores[batch_range[:, None], pos_ids]
    neg_scores = scores[jnp.broadcast_to(batch_range[:, None, None], (B, P, N)), neg_ids]
    level_margins = margins[levels] * margin_ratio
    diff = jax.nn.relu(level_margins[:, :, None] - pos_scores[:, :, None] + neg_scores)
    return (diff * neg_mask_r).sum() / neg_mask_r.sum()

if __name__ == "__main__":
    import jax
    _d = setup_inputs()
    print(jax.jit(kernel)(*tuple(_d.values())))

</pallas_src>

<mosaic_0001>
#map = affine_map<(d0, d1) -> (0, 0)>
#map1 = affine_map<(d0, d1) -> (0)>
module attributes {stable_mosaic.version = 14 : i64} {
  func.func @_hinge_sc(%arg0: i32, %arg1: i32, %arg2: memref<4096x1000xf32, #tpu.memory_space<hbm>>, %arg3: memref<4096x1000xi32, #tpu.memory_space<hbm>>, %arg4: memref<4096x20xi32, #tpu.memory_space<hbm>>, %arg5: memref<4096x20xi32, #tpu.memory_space<hbm>>, %arg6: memref<16xf32, #tpu.memory_space<hbm>>, %arg7: memref<32x64xf32, #tpu.memory_space<hbm>>, %arg8: memref<16x1000xf32, #tpu.memory_space<vmem>>, %arg9: memref<16x1000xf32, #tpu.memory_space<vmem>>, %arg10: memref<16x1000xi32, #tpu.memory_space<vmem>>, %arg11: memref<16x1000xi32, #tpu.memory_space<vmem>>, %arg12: memref<16x20xi32, #tpu.memory_space<vmem>>, %arg13: memref<16x20xi32, #tpu.memory_space<vmem>>, %arg14: memref<16x20xi32, #tpu.memory_space<vmem>>, %arg15: memref<16x20xi32, #tpu.memory_space<vmem>>, %arg16: memref<320xf32, #tpu.memory_space<vmem>>, %arg17: memref<16xf32, #tpu.memory_space<vmem>>, %arg18: memref<64xf32, #tpu.memory_space<vmem>>, %arg19: memref<!tpu.dma_semaphore, #tpu.memory_space<semaphore_mem>>, %arg20: memref<!tpu.dma_semaphore, #tpu.memory_space<semaphore_mem>>) attributes {dimension_semantics = [#tpu.dimension_semantics<core_parallel>, #tpu.dimension_semantics<subcore_parallel>], iteration_bounds = array<i64: 2, 16>, scalar_prefetch = 0 : i64, scratch_operands = 13 : i64, tpu.core_type = #tpu.core_type<sc_vector_subcore>, window_params = [{transform_indices = #map}, {transform_indices = #map}, {transform_indices = #map}, {transform_indices = #map}, {transform_indices = #map1}, {transform_indices = #map}]} {
    %mul3A = arith.constant 2 : i32
    %mul3A_0 = arith.muli %arg1, %mul3A : i32
    %add3A = arith.addi %mul3A_0, %arg0 : i32
    "tpu.region"() ({
      %run_scoped3A = tpu.sem_alloc : memref<!tpu.dma_semaphore, #tpu.memory_space<semaphore_mem>>
      tpu.enqueue_dma source(%arg6 : memref<16xf32, #tpu.memory_space<hbm>>) target(%arg17 : memref<16xf32, #tpu.memory_space<vmem>>) target_semaphore(%run_scoped3A : memref<!tpu.dma_semaphore, #tpu.memory_space<semaphore_mem>>)
      tpu.wait_dma2 semaphore(%run_scoped3A : memref<!tpu.dma_semaphore, #tpu.memory_space<semaphore_mem>>) src(%arg6 : memref<16xf32, #tpu.memory_space<hbm>>) dst(%arg17 : memref<16xf32, #tpu.memory_space<vmem>>)
      tpu.yield
    }) : () -> ()
    %mul3A_1 = arith.constant 128 : i32
    %mul3A_2 = arith.muli %add3A, %mul3A_1 : i32
    %iota3A = tpu.iota {dimensions = array<i32: 0>} : vector<16xi32>
    %ge3A = arith.constant 8 : i32
    %ge3A_3 = vector.broadcast %ge3A : i32 to vector<16xi32>
    %ge3A_4 = arith.cmpi sge, %iota3A, %ge3A_3 : vector<16xi32>
    %add3A_5 = arith.constant 0 : i32
    %add3A_6 = arith.addi %mul3A_2, %add3A_5 : i32
    %dma_start3A = arith.constant 0 : i32
    %dma_start3A_7 = tpu.memref_slice %arg2[%add3A_6, %dma_start3A] : memref<4096x1000xf32, #tpu.memory_space<hbm>> -> memref<16x1000xf32, #tpu.memory_space<hbm>>
    %dma_start3A_8 = arith.constant 0 : i32
    %dma_start3A_9 = tpu.memref_slice %arg2[%add3A_6, %dma_start3A_8] : memref<4096x1000xf32, #tpu.memory_space<hbm>> -> memref<16x1000xf32, #tpu.memory_space<hbm>>
    tpu.enqueue_dma source(%dma_start3A_9 : memref<16x1000xf32, #tpu.memory_space<hbm>>) target(%arg8 : memref<16x1000xf32, #tpu.memory_space<vmem>>) target_semaphore(%arg19 : memref<!tpu.dma_semaphore, #tpu.memory_space<semaphore_mem>>)
    %dma_start3A_10 = arith.constant 0 : i32
    %dma_start3A_11 = tpu.memref_slice %arg3[%add3A_6, %dma_start3A_10] : memref<4096x1000xi32, #tpu.memory_space<hbm>> -> memref<16x1000xi32, #tpu.memory_space<hbm>>
    %dma_start3A_12 = arith.constant 0 : i32
    %dma_start3A_13 = tpu.memref_slice %arg3[%add3A_6, %dma_start3A_12] : memref<4096x1000xi32, #tpu.memory_space<hbm>> -> memref<16x1000xi32, #tpu.memory_space<hbm>>
    tpu.enqueue_dma source(%dma_start3A_13 : memref<16x1000xi32, #tpu.memory_space<hbm>>) target(%arg10 : memref<16x1000xi32, #tpu.memory_space<vmem>>) target_semaphore(%arg19 : memref<!tpu.dma_semaphore, #tpu.memory_space<semaphore_mem>>)
    %dma_start3A_14 = arith.constant 0 : i32
    %dma_start3A_15 = tpu.memref_slice %arg4[%add3A_6, %dma_start3A_14] : memref<4096x20xi32, #tpu.memory_space<hbm>> -> memref<16x20xi32, #tpu.memory_space<hbm>>
    %dma_start3A_16 = arith.constant 0 : i32
    %dma_start3A_17 = tpu.memref_slice %arg4[%add3A_6, %dma_start3A_16] : memref<4096x20xi32, #tpu.memory_space<hbm>> -> memref<16x20xi32, #tpu.memory_space<hbm>>
    tpu.enqueue_dma source(%dma_start3A_17 : memref<16x20xi32, #tpu.memory_space<hbm>>) target(%arg12 : memref<16x20xi32, #tpu.memory_space<vmem>>) target_semaphore(%arg19 : memref<!tpu.dma_semaphore, #tpu.memory_space<semaphore_mem>>)
    %dma_start3A_18 = arith.constant 0 : i32
    %dma_start3A_19 = tpu.memref_slice %arg5[%add3A_6, %dma_start3A_18] : memref<4096x20xi32, #tpu.memory_space<hbm>> -> memref<16x20xi32, #tpu.memory_space<hbm>>
    %dma_start3A_20 = arith.constant 0 : i32
    %dma_start3A_21 = tpu.memref_slice %arg5[%add3A_6, %dma_start3A_20] : memref<4096x20xi32, #tpu.memory_space<hbm>> -> memref<16x20xi32, #tpu.memory_space<hbm>>
    tpu.enqueue_dma source(%dma_start3A_21 : memref<16x20xi32, #tpu.memory_space<hbm>>) target(%arg14 : memref<16x20xi32, #tpu.memory_space<vmem>>) target_semaphore(%arg19 : memref<!tpu.dma_semaphore, #tpu.memory_space<semaphore_mem>>)
    %add3A_22 = arith.constant 16 : i32
    %add3A_23 = arith.addi %mul3A_2, %add3A_22 : i32
    %dma_start3A_24 = arith.constant 0 : i32
    %dma_start3A_25 = tpu.memref_slice %arg2[%add3A_23, %dma_start3A_24] : memref<4096x1000xf32, #tpu.memory_space<hbm>> -> memref<16x1000xf32, #tpu.memory_space<hbm>>
    %dma_start3A_26 = arith.constant 0 : i32
    %dma_start3A_27 = tpu.memref_slice %arg2[%add3A_23, %dma_start3A_26] : memref<4096x1000xf32, #tpu.memory_space<hbm>> -> memref<16x1000xf32, #tpu.memory_space<hbm>>
    tpu.enqueue_dma source(%dma_start3A_27 : memref<16x1000xf32, #tpu.memory_space<hbm>>) target(%arg9 : memref<16x1000xf32, #tpu.memory_space<vmem>>) target_semaphore(%arg20 : memref<!tpu.dma_semaphore, #tpu.memory_space<semaphore_mem>>)
    %dma_start3A_28 = arith.constant 0 : i32
    %dma_start3A_29 = tpu.memref_slice %arg3[%add3A_23, %dma_start3A_28] : memref<4096x1000xi32, #tpu.memory_space<hbm>> -> memref<16x1000xi32, #tpu.memory_space<hbm>>
    %dma_start3A_30 = arith.constant 0 : i32
    %dma_start3A_31 = tpu.memref_slice %arg3[%add3A_23, %dma_start3A_30] : memref<4096x1000xi32, #tpu.memory_space<hbm>> -> memref<16x1000xi32, #tpu.memory_space<hbm>>
    tpu.enqueue_dma source(%dma_start3A_31 : memref<16x1000xi32, #tpu.memory_space<hbm>>) target(%arg11 : memref<16x1000xi32, #tpu.memory_space<vmem>>) target_semaphore(%arg20 : memref<!tpu.dma_semaphore, #tpu.memory_space<semaphore_mem>>)
    %dma_start3A_32 = arith.constant 0 : i32
    %dma_start3A_33 = tpu.memref_slice %arg4[%add3A_23, %dma_start3A_32] : memref<4096x20xi32, #tpu.memory_space<hbm>> -> memref<16x20xi32, #tpu.memory_space<hbm>>
    %dma_start3A_34 = arith.constant 0 : i32
    %dma_start3A_35 = tpu.memref_slice %arg4[%add3A_23, %dma_start3A_34] : memref<4096x20xi32, #tpu.memory_space<hbm>> -> memref<16x20xi32, #tpu.memory_space<hbm>>
    tpu.enqueue_dma source(%dma_start3A_35 : memref<16x20xi32, #tpu.memory_space<hbm>>) target(%arg13 : memref<16x20xi32, #tpu.memory_space<vmem>>) target_semaphore(%arg20 : memref<!tpu.dma_semaphore, #tpu.memory_space<semaphore_mem>>)
    %dma_start3A_36 = arith.constant 0 : i32
    %dma_start3A_37 = tpu.memref_slice %arg5[%add3A_23, %dma_start3A_36] : memref<4096x20xi32, #tpu.memory_space<hbm>> -> memref<16x20xi32, #tpu.memory_space<hbm>>
    %dma_start3A_38 = arith.constant 0 : i32
    %dma_start3A_39 = tpu.memref_slice %arg5[%add3A_23, %dma_start3A_38] : memref<4096x20xi32, #tpu.memory_space<hbm>> -> memref<16x20xi32, #tpu.memory_space<hbm>>
    tpu.enqueue_dma source(%dma_start3A_39 : memref<16x20xi32, #tpu.memory_space<hbm>>) target(%arg15 : memref<16x20xi32, #tpu.memory_space<vmem>>) target_semaphore(%arg20 : memref<!tpu.dma_semaphore, #tpu.memory_space<semaphore_mem>>)
    %broadcast_in_dim3A = arith.constant 0.000000e+00 : f32
    %broadcast_in_dim3A_40 = vector.broadcast %broadcast_in_dim3A : f32 to vector<16xf32>
    %broadcast_in_dim3A_41 = arith.constant 0 : i32
    %broadcast_in_dim3A_42 = vector.broadcast %broadcast_in_dim3A_41 : i32 to vector<16xi32>
    %scan3A = arith.constant 0 : i32
    %scan3A_43 = arith.constant 4 : i32
    %scan3A_44 = arith.addi %scan3A, %scan3A_43 : i32
    %scan3A_45 = arith.constant 1 : i32
    %scan3A_46:8 = scf.for %scan3A_60 = %scan3A to %scan3A_44 step %scan3A_45 iter_args(%scan3A_61 = %broadcast_in_dim3A_40, %scan3A_62 = %broadcast_in_dim3A_40, %scan3A_63 = %broadcast_in_dim3A_40, %scan3A_64 = %broadcast_in_dim3A_40, %scan3A_65 = %broadcast_in_dim3A_42, %scan3A_66 = %broadcast_in_dim3A_42, %scan3A_67 = %broadcast_in_dim3A_42, %scan3A_68 = %broadcast_in_dim3A_42) -> (vector<16xf32>, vector<16xf32>, vector<16xf32>, vector<16xf32>, vector<16xi32>, vector<16xi32>, vector<16xi32>, vector<16xi32>)  : i32 {
      %dma_wait3A = arith.constant 0 : i32
      %dma_wait3A_69 = arith.constant 0 : i32
      %dma_wait3A_70 = tpu.memref_slice %arg2[%dma_wait3A, %dma_wait3A_69] : memref<4096x1000xf32, #tpu.memory_space<hbm>> -> memref<16x1000xf32, #tpu.memory_space<hbm>>
      %dma_wait3A_71 = arith.constant 0 : i32
      %dma_wait3A_72 = arith.constant 0 : i32
      %dma_wait3A_73 = tpu.memref_slice %arg2[%dma_wait3A_71, %dma_wait3A_72] : memref<4096x1000xf32, #tpu.memory_space<hbm>> -> memref<16x1000xf32, #tpu.memory_space<hbm>>
      tpu.wait_dma2 semaphore(%arg19 : memref<!tpu.dma_semaphore, #tpu.memory_space<semaphore_mem>>) src(%dma_wait3A_73 : memref<16x1000xf32, #tpu.memory_space<hbm>>) dst(%arg8 : memref<16x1000xf32, #tpu.memory_space<vmem>>)
      %dma_wait3A_74 = arith.constant 0 : i32
      %dma_wait3A_75 = arith.constant 0 : i32
      %dma_wait3A_76 = tpu.memref_slice %arg3[%dma_wait3A_74, %dma_wait3A_75] : memref<4096x1000xi32, #tpu.memory_space<hbm>> -> memref<16x1000xi32, #tpu.memory_space<hbm>>
      %dma_wait3A_77 = arith.constant 0 : i32
      %dma_wait3A_78 = arith.constant 0 : i32
      %dma_wait3A_79 = tpu.memref_slice %arg3[%dma_wait3A_77, %dma_wait3A_78] : memref<4096x1000xi32, #tpu.memory_space<hbm>> -> memref<16x1000xi32, #tpu.memory_space<hbm>>
      tpu.wait_dma2 semaphore(%arg19 : memref<!tpu.dma_semaphore, #tpu.memory_space<semaphore_mem>>) src(%dma_wait3A_79 : memref<16x1000xi32, #tpu.memory_space<hbm>>) dst(%arg10 : memref<16x1000xi32, #tpu.memory_space<vmem>>)
      %dma_wait3A_80 = arith.constant 0 : i32
      %dma_wait3A_81 = arith.constant 0 : i32
      %dma_wait3A_82 = tpu.memref_slice %arg4[%dma_wait3A_80, %dma_wait3A_81] : memref<4096x20xi32, #tpu.memory_space<hbm>> -> memref<16x20xi32, #tpu.memory_space<hbm>>
      %dma_wait3A_83 = arith.constant 0 : i32
      %dma_wait3A_84 = arith.constant 0 : i32
      %dma_wait3A_85 = tpu.memref_slice %arg4[%dma_wait3A_83, %dma_wait3A_84] : memref<4096x20xi32, #tpu.memory_space<hbm>> -> memref<16x20xi32, #tpu.memory_space<hbm>>
      tpu.wait_dma2 semaphore(%arg19 : memref<!tpu.dma_semaphore, #tpu.memory_space<semaphore_mem>>) src(%dma_wait3A_85 : memref<16x20xi32, #tpu.memory_space<hbm>>) dst(%arg12 : memref<16x20xi32, #tpu.memory_space<vmem>>)
      %dma_wait3A_86 = arith.constant 0 : i32
      %dma_wait3A_87 = arith.constant 0 : i32
      %dma_wait3A_88 = tpu.memref_slice %arg5[%dma_wait3A_86, %dma_wait3A_87] : memref<4096x20xi32, #tpu.memory_space<hbm>> -> memref<16x20xi32, #tpu.memory_space<hbm>>
      %dma_wait3A_89 = arith.constant 0 : i32
      %dma_wait3A_90 = arith.constant 0 : i32
      %dma_wait3A_91 = tpu.memref_slice %arg5[%dma_wait3A_89, %dma_wait3A_90] : memref<4096x20xi32, #tpu.memory_space<hbm>> -> memref<16x20xi32, #tpu.memory_space<hbm>>
      tpu.wait_dma2 semaphore(%arg19 : memref<!tpu.dma_semaphore, #tpu.memory_space<semaphore_mem>>) src(%dma_wait3A_91 : memref<16x20xi32, #tpu.memory_space<hbm>>) dst(%arg14 : memref<16x20xi32, #tpu.memory_space<vmem>>)
      %parallel_loop3A = arith.constant 0 : i32
      %parallel_loop3A_92 = arith.constant 20 : i32
      %parallel_loop3A_93 = arith.constant 1 : i32
      scf.for %parallel_loop3A_141 = %parallel_loop3A to %parallel_loop3A_92 step %parallel_loop3A_93  : i32 {
        %parallel_loop3A_142 = arith.constant 16 : i32
        %parallel_loop3A_143 = arith.muli %parallel_loop3A_141, %parallel_loop3A_142 : i32
        %parallel_loop3A_144 = vector.broadcast %parallel_loop3A_143 : i32 to vector<16xi32>
        %parallel_loop3A_145 = arith.addi %iota3A, %parallel_loop3A_144 : vector<16xi32>
        %parallel_loop3A_146 = arith.constant 20 : i32
        %parallel_loop3A_147 = vector.broadcast %parallel_loop3A_146 : i32 to vector<16xi32>
        %parallel_loop3A_148 = arith.divsi %parallel_loop3A_145, %parallel_loop3A_147 : vector<16xi32>
        %parallel_loop3A_149 = arith.constant 0 : i32
        %parallel_loop3A_150 = vector.broadcast %parallel_loop3A_149 : i32 to vector<16xi32>
        %parallel_loop3A_151 = arith.cmpi sgt, %parallel_loop3A_145, %parallel_loop3A_150 : vector<16xi32>
        %parallel_loop3A_152 = arith.extui %parallel_loop3A_151 : vector<16xi1> to vector<16xi32>
        %parallel_loop3A_153 = arith.constant 0 : i32
        %parallel_loop3A_154 = vector.broadcast %parallel_loop3A_153 : i32 to vector<16xi32>
        %parallel_loop3A_155 = arith.cmpi slt, %parallel_loop3A_145, %parallel_loop3A_154 : vector<16xi32>
        %parallel_loop3A_156 = arith.extui %parallel_loop3A_155 : vector<16xi1> to vector<16xi32>
        %parallel_loop3A_157 = arith.subi %parallel_loop3A_152, %parallel_loop3A_156 : vector<16xi32>
        %parallel_loop3A_158 = arith.constant 0 : i32
        %parallel_loop3A_159 = arith.cmpi sgt, %parallel_loop3A_146, %parallel_loop3A_158 : i32
        %parallel_loop3A_160 = arith.extui %parallel_loop3A_159 : i1 to i32
        %parallel_loop3A_161 = arith.constant 0 : i32
        %parallel_loop3A_162 = arith.cmpi slt, %parallel_loop3A_146, %parallel_loop3A_161 : i32
        %parallel_loop3A_163 = arith.extui %parallel_loop3A_162 : i1 to i32
        %parallel_loop3A_164 = arith.subi %parallel_loop3A_160, %parallel_loop3A_163 : i32
        %parallel_loop3A_165 = vector.broadcast %parallel_loop3A_164 : i32 to vector<16xi32>
        %parallel_loop3A_166 = arith.cmpi ne, %parallel_loop3A_157, %parallel_loop3A_165 : vector<16xi32>
        %parallel_loop3A_167 = vector.broadcast %parallel_loop3A_146 : i32 to vector<16xi32>
        %parallel_loop3A_168 = arith.remsi %parallel_loop3A_145, %parallel_loop3A_167 : vector<16xi32>
        %parallel_loop3A_169 = arith.constant 0 : i32
        %parallel_loop3A_170 = vector.broadcast %parallel_loop3A_169 : i32 to vector<16xi32>
        %parallel_loop3A_171 = arith.cmpi ne, %parallel_loop3A_168, %parallel_loop3A_170 : vector<16xi32>
        %parallel_loop3A_172 = arith.andi %parallel_loop3A_166, %parallel_loop3A_171 : vector<16xi1>
        %parallel_loop3A_173 = arith.constant 1 : i32
        %parallel_loop3A_174 = vector.broadcast %parallel_loop3A_173 : i32 to vector<16xi32>
        %parallel_loop3A_175 = arith.subi %parallel_loop3A_148, %parallel_loop3A_174 : vector<16xi32>
        %parallel_loop3A_176 = arith.select %parallel_loop3A_172, %parallel_loop3A_175, %parallel_loop3A_148 : vector<16xi1>, vector<16xi32>
        %parallel_loop3A_177 = arith.constant 20 : i32
        %parallel_loop3A_178 = vector.broadcast %parallel_loop3A_177 : i32 to vector<16xi32>
        %parallel_loop3A_179 = arith.muli %parallel_loop3A_176, %parallel_loop3A_178 : vector<16xi32>
        %parallel_loop3A_180 = arith.subi %parallel_loop3A_145, %parallel_loop3A_179 : vector<16xi32>
        %parallel_loop3A_181 = tpu.vector_load_idx %arg12[%parallel_loop3A_176, %parallel_loop3A_180] : memref<16x20xi32, #tpu.memory_space<vmem>>[vector<16xi32>, vector<16xi32>], vector<16xi32>,
        %parallel_loop3A_182 = tpu.vector_load_idx %arg14[%parallel_loop3A_176, %parallel_loop3A_180] : memref<16x20xi32, #tpu.memory_space<vmem>>[vector<16xi32>, vector<16xi32>], vector<16xi32>,
        %parallel_loop3A_183 = arith.constant -1 : i32
        %parallel_loop3A_184 = vector.broadcast %parallel_loop3A_183 : i32 to vector<16xi32>
        %parallel_loop3A_185 = arith.cmpi eq, %parallel_loop3A_181, %parallel_loop3A_184 : vector<16xi32>
        %parallel_loop3A_186 = arith.constant 0 : i32
        %parallel_loop3A_187 = vector.broadcast %parallel_loop3A_186 : i32 to vector<16xi32>
        %parallel_loop3A_188 = arith.select %parallel_loop3A_185, %parallel_loop3A_187, %parallel_loop3A_181 : vector<16xi1>, vector<16xi32>
        %parallel_loop3A_189 = tpu.vector_load_idx %arg8[%parallel_loop3A_176, %parallel_loop3A_188] : memref<16x1000xf32, #tpu.memory_space<vmem>>[vector<16xi32>, vector<16xi32>], vector<16xf32>,
        %parallel_loop3A_190 = tpu.vector_load_idx %arg17[%parallel_loop3A_182] : memref<16xf32, #tpu.memory_space<vmem>>[vector<16xi32>], vector<16xf32>,
        %parallel_loop3A_191 = arith.subf %parallel_loop3A_190, %parallel_loop3A_189 : vector<16xf32>
        %parallel_loop3A_192 = arith.index_cast %parallel_loop3A_143 : i32 to index
        %parallel_loop3A_193 = tpu.vector_load %arg16[%parallel_loop3A_192] {strides = array<i32>} : memref<320xf32, #tpu.memory_space<vmem>>, vector<16xf32>,
        tpu.vector_store %arg16[%parallel_loop3A_192], %parallel_loop3A_191 {strides = array<i32>} : memref<320xf32, #tpu.memory_space<vmem>>, vector<16xf32>,
      } {sc.loop_unroll_factor = 4 : i64, sc.parallel_access}
      %scan3A_94 = arith.constant 0 : i32
      %scan3A_95 = arith.constant 16 : i32
      %scan3A_96 = arith.addi %scan3A_94, %scan3A_95 : i32
      %scan3A_97 = arith.constant 1 : i32
      %scan3A_98:8 = scf.for %scan3A_141 = %scan3A_94 to %scan3A_96 step %scan3A_97 iter_args(%scan3A_142 = %scan3A_61, %scan3A_143 = %scan3A_62, %scan3A_144 = %scan3A_63, %scan3A_145 = %scan3A_64, %scan3A_146 = %scan3A_65, %scan3A_147 = %scan3A_66, %scan3A_148 = %scan3A_67, %scan3A_149 = %scan3A_68) -> (vector<16xf32>, vector<16xf32>, vector<16xf32>, vector<16xf32>, vector<16xi32>, vector<16xi32>, vector<16xi32>, vector<16xi32>)  : i32 {
        %broadcast_in_dim3A_150 = vector.broadcast %scan3A_141 : i32 to vector<16xi32>
        %mul3A_151 = arith.constant 20 : i32
        %mul3A_152 = arith.muli %scan3A_141, %mul3A_151 : i32
        %add3A_153 = arith.constant 0 : i32
        %add3A_154 = arith.addi %mul3A_152, %add3A_153 : i32
        %broadcast_in_dim3A_155 = vector.broadcast %add3A_154 : i32 to vector<16xi32>
        %gather3A = tpu.vector_load_idx %arg16[%broadcast_in_dim3A_155] : memref<320xf32, #tpu.memory_space<vmem>>[vector<16xi32>], vector<16xf32>,
        %add3A_156 = arith.constant 1 : i32
        %add3A_157 = arith.addi %mul3A_152, %add3A_156 : i32
        %broadcast_in_dim3A_158 = vector.broadcast %add3A_157 : i32 to vector<16xi32>
        %gather3A_159 = tpu.vector_load_idx %arg16[%broadcast_in_dim3A_158] : memref<320xf32, #tpu.memory_space<vmem>>[vector<16xi32>], vector<16xf32>,
        %add3A_160 = arith.constant 2 : i32
        %add3A_161 = arith.addi %mul3A_152, %add3A_160 : i32
        %broadcast_in_dim3A_162 = vector.broadcast %add3A_161 : i32 to vector<16xi32>
        %gather3A_163 = tpu.vector_load_idx %arg16[%broadcast_in_dim3A_162] : memref<320xf32, #tpu.memory_space<vmem>>[vector<16xi32>], vector<16xf32>,
        %add3A_164 = arith.constant 3 : i32
        %add3A_165 = arith.addi %mul3A_152, %add3A_164 : i32
        %broadcast_in_dim3A_166 = vector.broadcast %add3A_165 : i32 to vector<16xi32>
        %gather3A_167 = tpu.vector_load_idx %arg16[%broadcast_in_dim3A_166] : memref<320xf32, #tpu.memory_space<vmem>>[vector<16xi32>], vector<16xf32>,
        %add3A_168 = arith.constant 4 : i32
        %add3A_169 = arith.addi %mul3A_152, %add3A_168 : i32
        %broadcast_in_dim3A_170 = vector.broadcast %add3A_169 : i32 to vector<16xi32>
        %gather3A_171 = tpu.vector_load_idx %arg16[%broadcast_in_dim3A_170] : memref<320xf32, #tpu.memory_space<vmem>>[vector<16xi32>], vector<16xf32>,
        %add3A_172 = arith.constant 5 : i32
        %add3A_173 = arith.addi %mul3A_152, %add3A_172 : i32
        %broadcast_in_dim3A_174 = vector.broadcast %add3A_173 : i32 to vector<16xi32>
        %gather3A_175 = tpu.vector_load_idx %arg16[%broadcast_in_dim3A_174] : memref<320xf32, #tpu.memory_space<vmem>>[vector<16xi32>], vector<16xf32>,
        %add3A_176 = arith.constant 6 : i32
        %add3A_177 = arith.addi %mul3A_152, %add3A_176 : i32
        %broadcast_in_dim3A_178 = vector.broadcast %add3A_177 : i32 to vector<16xi32>
        %gather3A_179 = tpu.vector_load_idx %arg16[%broadcast_in_dim3A_178] : memref<320xf32, #tpu.memory_space<vmem>>[vector<16xi32>], vector<16xf32>,
        %add3A_180 = arith.constant 7 : i32
        %add3A_181 = arith.addi %mul3A_152, %add3A_180 : i32
        %broadcast_in_dim3A_182 = vector.broadcast %add3A_181 : i32 to vector<16xi32>
        %gather3A_183 = tpu.vector_load_idx %arg16[%broadcast_in_dim3A_182] : memref<320xf32, #tpu.memory_space<vmem>>[vector<16xi32>], vector<16xf32>,
        %add3A_184 = arith.constant 8 : i32
        %add3A_185 = arith.addi %mul3A_152, %add3A_184 : i32
        %broadcast_in_dim3A_186 = vector.broadcast %add3A_185 : i32 to vector<16xi32>
        %gather3A_187 = tpu.vector_load_idx %arg16[%broadcast_in_dim3A_186] : memref<320xf32, #tpu.memory_space<vmem>>[vector<16xi32>], vector<16xf32>,
        %add3A_188 = arith.constant 9 : i32
        %add3A_189 = arith.addi %mul3A_152, %add3A_188 : i32
        %broadcast_in_dim3A_190 = vector.broadcast %add3A_189 : i32 to vector<16xi32>
        %gather3A_191 = tpu.vector_load_idx %arg16[%broadcast_in_dim3A_190] : memref<320xf32, #tpu.memory_space<vmem>>[vector<16xi32>], vector<16xf32>,
        %add3A_192 = arith.constant 10 : i32
        %add3A_193 = arith.addi %mul3A_152, %add3A_192 : i32
        %broadcast_in_dim3A_194 = vector.broadcast %add3A_193 : i32 to vector<16xi32>
        %gather3A_195 = tpu.vector_load_idx %arg16[%broadcast_in_dim3A_194] : memref<320xf32, #tpu.memory_space<vmem>>[vector<16xi32>], vector<16xf32>,
        %add3A_196 = arith.constant 11 : i32
        %add3A_197 = arith.addi %mul3A_152, %add3A_196 : i32
        %broadcast_in_dim3A_198 = vector.broadcast %add3A_197 : i32 to vector<16xi32>
        %gather3A_199 = tpu.vector_load_idx %arg16[%broadcast_in_dim3A_198] : memref<320xf32, #tpu.memory_space<vmem>>[vector<16xi32>], vector<16xf32>,
        %add3A_200 = arith.constant 12 : i32
        %add3A_201 = arith.addi %mul3A_152, %add3A_200 : i32
        %broadcast_in_dim3A_202 = vector.broadcast %add3A_201 : i32 to vector<16xi32>
        %gather3A_203 = tpu.vector_load_idx %arg16[%broadcast_in_dim3A_202] : memref<320xf32, #tpu.memory_space<vmem>>[vector<16xi32>], vector<16xf32>,
        %add3A_204 = arith.constant 13 : i32
        %add3A_205 = arith.addi %mul3A_152, %add3A_204 : i32
        %broadcast_in_dim3A_206 = vector.broadcast %add3A_205 : i32 to vector<16xi32>
        %gather3A_207 = tpu.vector_load_idx %arg16[%broadcast_in_dim3A_206] : memref<320xf32, #tpu.memory_space<vmem>>[vector<16xi32>], vector<16xf32>,
        %add3A_208 = arith.constant 14 : i32
        %add3A_209 = arith.addi %mul3A_152, %add3A_208 : i32
        %broadcast_in_dim3A_210 = vector.broadcast %add3A_209 : i32 to vector<16xi32>
        %gather3A_211 = tpu.vector_load_idx %arg16[%broadcast_in_dim3A_210] : memref<320xf32, #tpu.memory_space<vmem>>[vector<16xi32>], vector<16xf32>,
        %add3A_212 = arith.constant 15 : i32
        %add3A_213 = arith.addi %mul3A_152, %add3A_212 : i32
        %broadcast_in_dim3A_214 = vector.broadcast %add3A_213 : i32 to vector<16xi32>
        %gather3A_215 = tpu.vector_load_idx %arg16[%broadcast_in_dim3A_214] : memref<320xf32, #tpu.memory_space<vmem>>[vector<16xi32>], vector<16xf32>,
        %add3A_216 = arith.constant 16 : i32
        %add3A_217 = arith.addi %mul3A_152, %add3A_216 : i32
        %broadcast_in_dim3A_218 = vector.broadcast %add3A_217 : i32 to vector<16xi32>
        %gather3A_219 = tpu.vector_load_idx %arg16[%broadcast_in_dim3A_218] : memref<320xf32, #tpu.memory_space<vmem>>[vector<16xi32>], vector<16xf32>,
        %add3A_220 = arith.constant 17 : i32
        %add3A_221 = arith.addi %mul3A_152, %add3A_220 : i32
        %broadcast_in_dim3A_222 = vector.broadcast %add3A_221 : i32 to vector<16xi32>
        %gather3A_223 = tpu.vector_load_idx %arg16[%broadcast_in_dim3A_222] : memref<320xf32, #tpu.memory_space<vmem>>[vector<16xi32>], vector<16xf32>,
        %add3A_224 = arith.constant 18 : i32
        %add3A_225 = arith.addi %mul3A_152, %add3A_224 : i32
        %broadcast_in_dim3A_226 = vector.broadcast %add3A_225 : i32 to vector<16xi32>
        %gather3A_227 = tpu.vector_load_idx %arg16[%broadcast_in_dim3A_226] : memref<320xf32, #tpu.memory_space<vmem>>[vector<16xi32>], vector<16xf32>,
        %add3A_228 = arith.constant 19 : i32
        %add3A_229 = arith.addi %mul3A_152, %add3A_228 : i32
        %broadcast_in_dim3A_230 = vector.broadcast %add3A_229 : i32 to vector<16xi32>
        %gather3A_231 = tpu.vector_load_idx %arg16[%broadcast_in_dim3A_230] : memref<320xf32, #tpu.memory_space<vmem>>[vector<16xi32>], vector<16xf32>,
        %get3A = arith.index_cast %scan3A_141 : i32 to index
        %get3A_232 = arith.constant 0 : index
        %get3A_233 = tpu.vector_load %arg10[%get3A, %get3A_232] {strides = array<i32>} : memref<16x1000xi32, #tpu.memory_space<vmem>>, vector<16xi32>,
        %ne3A = arith.constant -1 : i32
        %ne3A_234 = vector.broadcast %ne3A : i32 to vector<16xi32>
        %ne3A_235 = arith.cmpi ne, %get3A_233, %ne3A_234 : vector<16xi32>
        %jit3A = arith.constant 0 : i32
        %broadcast_in_dim3A_236 = vector.broadcast %jit3A : i32 to vector<16xi32>
        %select_n3A = arith.select %ne3A_235, %get3A_233, %broadcast_in_dim3A_236 : vector<16xi1>, vector<16xi32>
        %gather3A_237 = tpu.vector_load_idx %arg8[%broadcast_in_dim3A_150, %select_n3A] : memref<16x1000xf32, #tpu.memory_space<vmem>>[vector<16xi32>, vector<16xi32>], vector<16xf32>,
        %add3A_238 = arith.addf %gather3A, %gather3A_237 : vector<16xf32>
        %max3A = arith.constant 0.000000e+00 : f32
        %max3A_239 = vector.broadcast %max3A : f32 to vector<16xf32>
        %max3A_240 = arith.maximumf %add3A_238, %max3A_239 : vector<16xf32>
        %jit3A_241 = arith.constant 0.000000e+00 : f32
        %broadcast_in_dim3A_242 = vector.broadcast %jit3A_241 : f32 to vector<16xf32>
        %select_n3A_243 = arith.select %ne3A_235, %max3A_240, %broadcast_in_dim3A_242 : vector<16xi1>, vector<16xf32>
        %add3A_244 = arith.addf %scan3A_142, %select_n3A_243 : vector<16xf32>
        %jit3A_245 = arith.constant 1 : i32
        %jit3A_246 = arith.constant 0 : i32
        %broadcast_in_dim3A_247 = vector.broadcast %jit3A_245 : i32 to vector<16xi32>
        %broadcast_in_dim3A_248 = vector.broadcast %jit3A_246 : i32 to vector<16xi32>
        %select_n3A_249 = arith.select %ne3A_235, %broadcast_in_dim3A_247, %broadcast_in_dim3A_248 : vector<16xi1>, vector<16xi32>
        %add3A_250 = arith.addi %scan3A_146, %select_n3A_249 : vector<16xi32>
        %get3A_251 = arith.index_cast %scan3A_141 : i32 to index
        %get3A_252 = arith.constant 16 : index
        %get3A_253 = tpu.vector_load %arg10[%get3A_251, %get3A_252] {strides = array<i32>} : memref<16x1000xi32, #tpu.memory_space<vmem>>, vector<16xi32>,
        %ne3A_254 = arith.constant -1 : i32
        %ne3A_255 = vector.broadcast %ne3A_254 : i32 to vector<16xi32>
        %ne3A_256 = arith.cmpi ne, %get3A_253, %ne3A_255 : vector<16xi32>
        %jit3A_257 = arith.constant 0 : i32
        %broadcast_in_dim3A_258 = vector.broadcast %jit3A_257 : i32 to vector<16xi32>
        %select_n3A_259 = arith.select %ne3A_256, %get3A_253, %broadcast_in_dim3A_258 : vector<16xi1>, vector<16xi32>
        %gather3A_260 = tpu.vector_load_idx %arg8[%broadcast_in_dim3A_150, %select_n3A_259] : memref<16x1000xf32, #tpu.memory_space<vmem>>[vector<16xi32>, vector<16xi32>], vector<16xf32>,
        %add3A_261 = arith.addf %gather3A, %gather3A_260 : vector<16xf32>
        %max3A_262 = arith.constant 0.000000e+00 : f32
        %max3A_263 = vector.broadcast %max3A_262 : f32 to vector<16xf32>
        %max3A_264 = arith.maximumf %add3A_261, %max3A_263 : vector<16xf32>
        %jit3A_265 = arith.constant 0.000000e+00 : f32
        %broadcast_in_dim3A_266 = vector.broadcast %jit3A_265 : f32 to vector<16xf32>
        %select_n3A_267 = arith.select %ne3A_256, %max3A_264, %broadcast_in_dim3A_266 : vector<16xi1>, vector<16xf32>
        %add3A_268 = arith.addf %scan3A_143, %select_n3A_267 : vector<16xf32>
        %jit3A_269 = arith.constant 1 : i32
        %jit3A_270 = arith.constant 0 : i32
        %broadcast_in_dim3A_271 = vector.broadcast %jit3A_269 : i32 to vector<16xi32>
        %broadcast_in_dim3A_272 = vector.broadcast %jit3A_270 : i32 to vector<16xi32>
        %select_n3A_273 = arith.select %ne3A_256, %broadcast_in_dim3A_271, %broadcast_in_dim3A_272 : vector<16xi1>, vector<16xi32>
        %add3A_274 = arith.addi %scan3A_147, %select_n3A_273 : vector<16xi32>
        %get3A_275 = arith.index_cast %scan3A_141 : i32 to index
        %get3A_276 = arith.constant 32 : index
        %get3A_277 = tpu.vector_load %arg10[%get3A_275, %get3A_276] {strides = array<i32>} : memref<16x1000xi32, #tpu.memory_space<vmem>>, vector<16xi32>,
        %ne3A_278 = arith.constant -1 : i32
        %ne3A_279 = vector.broadcast %ne3A_278 : i32 to vector<16xi32>
        %ne3A_280 = arith.cmpi ne, %get3A_277, %ne3A_279 : vector<16xi32>
        %jit3A_281 = arith.constant 0 : i32
        %broadcast_in_dim3A_282 = vector.broadcast %jit3A_281 : i32 to vector<16xi32>
        %select_n3A_283 = arith.select %ne3A_280, %get3A_277, %broadcast_in_dim3A_282 : vector<16xi1>, vector<16xi32>
        %gather3A_284 = tpu.vector_load_idx %arg8[%broadcast_in_dim3A_150, %select_n3A_283] : memref<16x1000xf32, #tpu.memory_space<vmem>>[vector<16xi32>, vector<16xi32>], vector<16xf32>,
        %add3A_285 = arith.addf %gather3A, %gather3A_284 : vector<16xf32>
        %max3A_286 = arith.constant 0.000000e+00 : f32
        %max3A_287 = vector.broadcast %max3A_286 : f32 to vector<16xf32>
        %max3A_288 = arith.maximumf %add3A_285, %max3A_287 : vector<16xf32>
        %jit3A_289 = arith.constant 0.000000e+00 : f32
        %broadcast_in_dim3A_290 = vector.broadcast %jit3A_289 : f32 to vector<16xf32>
        %select_n3A_291 = arith.select %ne3A_280, %max3A_288, %broadcast_in_dim3A_290 : vector<16xi1>, vector<16xf32>
        %add3A_292 = arith.addf %scan3A_144, %select_n3A_291 : vector<16xf32>
        %jit3A_293 = arith.constant 1 : i32
        %jit3A_294 = arith.constant 0 : i32
        %broadcast_in_dim3A_295 = vector.broadcast %jit3A_293 : i32 to vector<16xi32>
        %broadcast_in_dim3A_296 = vector.broadcast %jit3A_294 : i32 to vector<16xi32>
        %select_n3A_297 = arith.select %ne3A_280, %broadcast_in_dim3A_295, %broadcast_in_dim3A_296 : vector<16xi1>, vector<16xi32>
        %add3A_298 = arith.addi %scan3A_148, %select_n3A_297 : vector<16xi32>
        %ge3A_299 = arith.constant 2 : i32
        %ge3A_300 = vector.broadcast %ge3A_299 : i32 to vector<16xi32>
        %ge3A_301 = arith.cmpi sge, %iota3A, %ge3A_300 : vector<16xi32>
        %select_n3A_302 = arith.select %ge3A_301, %gather3A_159, %gather3A : vector<16xi1>, vector<16xf32>
        %get3A_303 = arith.index_cast %scan3A_141 : i32 to index
        %get3A_304 = arith.constant 48 : index
        %get3A_305 = tpu.vector_load %arg10[%get3A_303, %get3A_304] {strides = array<i32>} : memref<16x1000xi32, #tpu.memory_space<vmem>>, vector<16xi32>,
        %ne3A_306 = arith.constant -1 : i32
        %ne3A_307 = vector.broadcast %ne3A_306 : i32 to vector<16xi32>
        %ne3A_308 = arith.cmpi ne, %get3A_305, %ne3A_307 : vector<16xi32>
        %jit3A_309 = arith.constant 0 : i32
        %broadcast_in_dim3A_310 = vector.broadcast %jit3A_309 : i32 to vector<16xi32>
        %select_n3A_311 = arith.select %ne3A_308, %get3A_305, %broadcast_in_dim3A_310 : vector<16xi1>, vector<16xi32>
        %gather3A_312 = tpu.vector_load_idx %arg8[%broadcast_in_dim3A_150, %select_n3A_311] : memref<16x1000xf32, #tpu.memory_space<vmem>>[vector<16xi32>, vector<16xi32>], vector<16xf32>,
        %add3A_313 = arith.addf %select_n3A_302, %gather3A_312 : vector<16xf32>
        %max3A_314 = arith.constant 0.000000e+00 : f32
        %max3A_315 = vector.broadcast %max3A_314 : f32 to vector<16xf32>
        %max3A_316 = arith.maximumf %add3A_313, %max3A_315 : vector<16xf32>
        %jit3A_317 = arith.constant 0.000000e+00 : f32
        %broadcast_in_dim3A_318 = vector.broadcast %jit3A_317 : f32 to vector<16xf32>
        %select_n3A_319 = arith.select %ne3A_308, %max3A_316, %broadcast_in_dim3A_318 : vector<16xi1>, vector<16xf32>
        %add3A_320 = arith.addf %scan3A_145, %select_n3A_319 : vector<16xf32>
        %jit3A_321 = arith.constant 1 : i32
        %jit3A_322 = arith.constant 0 : i32
        %broadcast_in_dim3A_323 = vector.broadcast %jit3A_321 : i32 to vector<16xi32>
        %broadcast_in_dim3A_324 = vector.broadcast %jit3A_322 : i32 to vector<16xi32>
        %select_n3A_325 = arith.select %ne3A_308, %broadcast_in_dim3A_323, %broadcast_in_dim3A_324 : vector<16xi1>, vector<16xi32>
        %add3A_326 = arith.addi %scan3A_149, %select_n3A_325 : vector<16xi32>
        %get3A_327 = arith.index_cast %scan3A_141 : i32 to index
        %get3A_328 = arith.constant 64 : index
        %get3A_329 = tpu.vector_load %arg10[%get3A_327, %get3A_328] {strides = array<i32>} : memref<16x1000xi32, #tpu.memory_space<vmem>>, vector<16xi32>,
        %ne3A_330 = arith.constant -1 : i32
        %ne3A_331 = vector.broadcast %ne3A_330 : i32 to vector<16xi32>
        %ne3A_332 = arith.cmpi ne, %get3A_329, %ne3A_331 : vector<16xi32>
        %jit3A_333 = arith.constant 0 : i32
        %broadcast_in_dim3A_334 = vector.broadcast %jit3A_333 : i32 to vector<16xi32>
        %select_n3A_335 = arith.select %ne3A_332, %get3A_329, %broadcast_in_dim3A_334 : vector<16xi1>, vector<16xi32>
        %gather3A_336 = tpu.vector_load_idx %arg8[%broadcast_in_dim3A_150, %select_n3A_335] : memref<16x1000xf32, #tpu.memory_space<vmem>>[vector<16xi32>, vector<16xi32>], vector<16xf32>,
        %add3A_337 = arith.addf %gather3A_159, %gather3A_336 : vector<16xf32>
        %max3A_338 = arith.constant 0.000000e+00 : f32
        %max3A_339 = vector.broadcast %max3A_338 : f32 to vector<16xf32>
        %max3A_340 = arith.maximumf %add3A_337, %max3A_339 : vector<16xf32>
        %jit3A_341 = arith.constant 0.000000e+00 : f32
        %broadcast_in_dim3A_342 = vector.broadcast %jit3A_341 : f32 to vector<16xf32>
        %select_n3A_343 = arith.select %ne3A_332, %max3A_340, %broadcast_in_dim3A_342 : vector<16xi1>, vector<16xf32>
        %add3A_344 = arith.addf %add3A_244, %select_n3A_343 : vector<16xf32>
        %jit3A_345 = arith.constant 1 : i32
        %jit3A_346 = arith.constant 0 : i32
        %broadcast_in_dim3A_347 = vector.broadcast %jit3A_345 : i32 to vector<16xi32>
        %broadcast_in_dim3A_348 = vector.broadcast %jit3A_346 : i32 to vector<16xi32>
        %select_n3A_349 = arith.select %ne3A_332, %broadcast_in_dim3A_347, %broadcast_in_dim3A_348 : vector<16xi1>, vector<16xi32>
        %add3A_350 = arith.addi %add3A_250, %select_n3A_349 : vector<16xi32>
        %get3A_351 = arith.index_cast %scan3A_141 : i32 to index
        %get3A_352 = arith.constant 80 : index
        %get3A_353 = tpu.vector_load %arg10[%get3A_351, %get3A_352] {strides = array<i32>} : memref<16x1000xi32, #tpu.memory_space<vmem>>, vector<16xi32>,
        %ne3A_354 = arith.constant -1 : i32
        %ne3A_355 = vector.broadcast %ne3A_354 : i32 to vector<16xi32>
        %ne3A_356 = arith.cmpi ne, %get3A_353, %ne3A_355 : vector<16xi32>
        %jit3A_357 = arith.constant 0 : i32
        %broadcast_in_dim3A_358 = vector.broadcast %jit3A_357 : i32 to vector<16xi32>
        %select_n3A_359 = arith.select %ne3A_356, %get3A_353, %broadcast_in_dim3A_358 : vector<16xi1>, vector<16xi32>
        %gather3A_360 = tpu.vector_load_idx %arg8[%broadcast_in_dim3A_150, %select_n3A_359] : memref<16x1000xf32, #tpu.memory_space<vmem>>[vector<16xi32>, vector<16xi32>], vector<16xf32>,
        %add3A_361 = arith.addf %gather3A_159, %gather3A_360 : vector<16xf32>
        %max3A_362 = arith.constant 0.000000e+00 : f32
        %max3A_363 = vector.broadcast %max3A_362 : f32 to vector<16xf32>
        %max3A_364 = arith.maximumf %add3A_361, %max3A_363 : vector<16xf32>
        %jit3A_365 = arith.constant 0.000000e+00 : f32
        %broadcast_in_dim3A_366 = vector.broadcast %jit3A_365 : f32 to vector<16xf32>
        %select_n3A_367 = arith.select %ne3A_356, %max3A_364, %broadcast_in_dim3A_366 : vector<16xi1>, vector<16xf32>
        %add3A_368 = arith.addf %add3A_268, %select_n3A_367 : vector<16xf32>
        %jit3A_369 = arith.constant 1 : i32
        %jit3A_370 = arith.constant 0 : i32
        %broadcast_in_dim3A_371 = vector.broadcast %jit3A_369 : i32 to vector<16xi32>
        %broadcast_in_dim3A_372 = vector.broadcast %jit3A_370 : i32 to vector<16xi32>
        %select_n3A_373 = arith.select %ne3A_356, %broadcast_in_dim3A_371, %broadcast_in_dim3A_372 : vector<16xi1>, vector<16xi32>
        %add3A_374 = arith.addi %add3A_274, %select_n3A_373 : vector<16xi32>
        %ge3A_375 = arith.constant 4 : i32
        %ge3A_376 = vector.broadcast %ge3A_375 : i32 to vector<16xi32>
        %ge3A_377 = arith.cmpi sge, %iota3A, %ge3A_376 : vector<16xi32>
        %select_n3A_378 = arith.select %ge3A_377, %gather3A_163, %gather3A_159 : vector<16xi1>, vector<16xf32>
        %get3A_379 = arith.index_cast %scan3A_141 : i32 to index
        %get3A_380 = arith.constant 96 : index
        %get3A_381 = tpu.vector_load %arg10[%get3A_379, %get3A_380] {strides = array<i32>} : memref<16x1000xi32, #tpu.memory_space<vmem>>, vector<16xi32>,
        %ne3A_382 = arith.constant -1 : i32
        %ne3A_383 = vector.broadcast %ne3A_382 : i32 to vector<16xi32>
        %ne3A_384 = arith.cmpi ne, %get3A_381, %ne3A_383 : vector<16xi32>
        %jit3A_385 = arith.constant 0 : i32
        %broadcast_in_dim3A_386 = vector.broadcast %jit3A_385 : i32 to vector<16xi32>
        %select_n3A_387 = arith.select %ne3A_384, %get3A_381, %broadcast_in_dim3A_386 : vector<16xi1>, vector<16xi32>
        %gather3A_388 = tpu.vector_load_idx %arg8[%broadcast_in_dim3A_150, %select_n3A_387] : memref<16x1000xf32, #tpu.memory_space<vmem>>[vector<16xi32>, vector<16xi32>], vector<16xf32>,
        %add3A_389 = arith.addf %select_n3A_378, %gather3A_388 : vector<16xf32>
        %max3A_390 = arith.constant 0.000000e+00 : f32
        %max3A_391 = vector.broadcast %max3A_390 : f32 to vector<16xf32>
        %max3A_392 = arith.maximumf %add3A_389, %max3A_391 : vector<16xf32>
        %jit3A_393 = arith.constant 0.000000e+00 : f32
        %broadcast_in_dim3A_394 = vector.broadcast %jit3A_393 : f32 to vector<16xf32>
        %select_n3A_395 = arith.select %ne3A_384, %max3A_392, %broadcast_in_dim3A_394 : vector<16xi1>, vector<16xf32>
        %add3A_396 = arith.addf %add3A_292, %select_n3A_395 : vector<16xf32>
        %jit3A_397 = arith.constant 1 : i32
        %jit3A_398 = arith.constant 0 : i32
        %broadcast_in_dim3A_399 = vector.broadcast %jit3A_397 : i32 to vector<16xi32>
        %broadcast_in_dim3A_400 = vector.broadcast %jit3A_398 : i32 to vector<16xi32>
        %select_n3A_401 = arith.select %ne3A_384, %broadcast_in_dim3A_399, %broadcast_in_dim3A_400 : vector<16xi1>, vector<16xi32>
        %add3A_402 = arith.addi %add3A_298, %select_n3A_401 : vector<16xi32>
        %get3A_403 = arith.index_cast %scan3A_141 : i32 to index
        %get3A_404 = arith.constant 112 : index
        %get3A_405 = tpu.vector_load %arg10[%get3A_403, %get3A_404] {strides = array<i32>} : memref<16x1000xi32, #tpu.memory_space<vmem>>, vector<16xi32>,
        %ne3A_406 = arith.constant -1 : i32
        %ne3A_407 = vector.broadcast %ne3A_406 : i32 to vector<16xi32>
        %ne3A_408 = arith.cmpi ne, %get3A_405, %ne3A_407 : vector<16xi32>
        %jit3A_409 = arith.constant 0 : i32
        %broadcast_in_dim3A_410 = vector.broadcast %jit3A_409 : i32 to vector<16xi32>
        %select_n3A_411 = arith.select %ne3A_408, %get3A_405, %broadcast_in_dim3A_410 : vector<16xi1>, vector<16xi32>
        %gather3A_412 = tpu.vector_load_idx %arg8[%broadcast_in_dim3A_150, %select_n3A_411] : memref<16x1000xf32, #tpu.memory_space<vmem>>[vector<16xi32>, vector<16xi32>], vector<16xf32>,
        %add3A_413 = arith.addf %gather3A_163, %gather3A_412 : vector<16xf32>
        %max3A_414 = arith.constant 0.000000e+00 : f32
        %max3A_415 = vector.broadcast %max3A_414 : f32 to vector<16xf32>
        %max3A_416 = arith.maximumf %add3A_413, %max3A_415 : vector<16xf32>
        %jit3A_417 = arith.constant 0.000000e+00 : f32
        %broadcast_in_dim3A_418 = vector.broadcast %jit3A_417 : f32 to vector<16xf32>
        %select_n3A_419 = arith.select %ne3A_408, %max3A_416, %broadcast_in_dim3A_418 : vector<16xi1>, vector<16xf32>
        %add3A_420 = arith.addf %add3A_320, %select_n3A_419 : vector<16xf32>
        %jit3A_421 = arith.constant 1 : i32
        %jit3A_422 = arith.constant 0 : i32
        %broadcast_in_dim3A_423 = vector.broadcast %jit3A_421 : i32 to vector<16xi32>
        %broadcast_in_dim3A_424 = vector.broadcast %jit3A_422 : i32 to vector<16xi32>
        %select_n3A_425 = arith.select %ne3A_408, %broadcast_in_dim3A_423, %broadcast_in_dim3A_424 : vector<16xi1>, vector<16xi32>
        %add3A_426 = arith.addi %add3A_326, %select_n3A_425 : vector<16xi32>
        %get3A_427 = arith.index_cast %scan3A_141 : i32 to index
        %get3A_428 = arith.constant 128 : index
        %get3A_429 = tpu.vector_load %arg10[%get3A_427, %get3A_428] {strides = array<i32>} : memref<16x1000xi32, #tpu.memory_space<vmem>>, vector<16xi32>,
        %ne3A_430 = arith.constant -1 : i32
        %ne3A_431 = vector.broadcast %ne3A_430 : i32 to vector<16xi32>
        %ne3A_432 = arith.cmpi ne, %get3A_429, %ne3A_431 : vector<16xi32>
        %jit3A_433 = arith.constant 0 : i32
        %broadcast_in_dim3A_434 = vector.broadcast %jit3A_433 : i32 to vector<16xi32>
        %select_n3A_435 = arith.select %ne3A_432, %get3A_429, %broadcast_in_dim3A_434 : vector<16xi1>, vector<16xi32>
        %gather3A_436 = tpu.vector_load_idx %arg8[%broadcast_in_dim3A_150, %select_n3A_435] : memref<16x1000xf32, #tpu.memory_space<vmem>>[vector<16xi32>, vector<16xi32>], vector<16xf32>,
        %add3A_437 = arith.addf %gather3A_163, %gather3A_436 : vector<16xf32>
        %max3A_438 = arith.constant 0.000000e+00 : f32
        %max3A_439 = vector.broadcast %max3A_438 : f32 to vector<16xf32>
        %max3A_440 = arith.maximumf %add3A_437, %max3A_439 : vector<16xf32>
        %jit3A_441 = arith.constant 0.000000e+00 : f32
        %broadcast_in_dim3A_442 = vector.broadcast %jit3A_441 : f32 to vector<16xf32>
        %select_n3A_443 = arith.select %ne3A_432, %max3A_440, %broadcast_in_dim3A_442 : vector<16xi1>, vector<16xf32>
        %add3A_444 = arith.addf %add3A_344, %select_n3A_443 : vector<16xf32>
        %jit3A_445 = arith.constant 1 : i32
        %jit3A_446 = arith.constant 0 : i32
        %broadcast_in_dim3A_447 = vector.broadcast %jit3A_445 : i32 to vector<16xi32>
        %broadcast_in_dim3A_448 = vector.broadcast %jit3A_446 : i32 to vector<16xi32>
        %select_n3A_449 = arith.select %ne3A_432, %broadcast_in_dim3A_447, %broadcast_in_dim3A_448 : vector<16xi1>, vector<16xi32>
        %add3A_450 = arith.addi %add3A_350, %select_n3A_449 : vector<16xi32>
        %ge3A_451 = arith.constant 6 : i32
        %ge3A_452 = vector.broadcast %ge3A_451 : i32 to vector<16xi32>
        %ge3A_453 = arith.cmpi sge, %iota3A, %ge3A_452 : vector<16xi32>
        %select_n3A_454 = arith.select %ge3A_453, %gather3A_167, %gather3A_163 : vector<16xi1>, vector<16xf32>
        %get3A_455 = arith.index_cast %scan3A_141 : i32 to index
        %get3A_456 = arith.constant 144 : index
        %get3A_457 = tpu.vector_load %arg10[%get3A_455, %get3A_456] {strides = array<i32>} : memref<16x1000xi32, #tpu.memory_space<vmem>>, vector<16xi32>,
        %ne3A_458 = arith.constant -1 : i32
        %ne3A_459 = vector.broadcast %ne3A_458 : i32 to vector<16xi32>
        %ne3A_460 = arith.cmpi ne, %get3A_457, %ne3A_459 : vector<16xi32>
        %jit3A_461 = arith.constant 0 : i32
        %broadcast_in_dim3A_462 = vector.broadcast %jit3A_461 : i32 to vector<16xi32>
        %select_n3A_463 = arith.select %ne3A_460, %get3A_457, %broadcast_in_dim3A_462 : vector<16xi1>, vector<16xi32>
        %gather3A_464 = tpu.vector_load_idx %arg8[%broadcast_in_dim3A_150, %select_n3A_463] : memref<16x1000xf32, #tpu.memory_space<vmem>>[vector<16xi32>, vector<16xi32>], vector<16xf32>,
        %add3A_465 = arith.addf %select_n3A_454, %gather3A_464 : vector<16xf32>
        %max3A_466 = arith.constant 0.000000e+00 : f32
        %max3A_467 = vector.broadcast %max3A_466 : f32 to vector<16xf32>
        %max3A_468 = arith.maximumf %add3A_465, %max3A_467 : vector<16xf32>
        %jit3A_469 = arith.constant 0.000000e+00 : f32
        %broadcast_in_dim3A_470 = vector.broadcast %jit3A_469 : f32 to vector<16xf32>
        %select_n3A_471 = arith.select %ne3A_460, %max3A_468, %broadcast_in_dim3A_470 : vector<16xi1>, vector<16xf32>
        %add3A_472 = arith.addf %add3A_368, %select_n3A_471 : vector<16xf32>
        %jit3A_473 = arith.constant 1 : i32
        %jit3A_474 = arith.constant 0 : i32
        %broadcast_in_dim3A_475 = vector.broadcast %jit3A_473 : i32 to vector<16xi32>
        %broadcast_in_dim3A_476 = vector.broadcast %jit3A_474 : i32 to vector<16xi32>
        %select_n3A_477 = arith.select %ne3A_460, %broadcast_in_dim3A_475, %broadcast_in_dim3A_476 : vector<16xi1>, vector<16xi32>
        %add3A_478 = arith.addi %add3A_374, %select_n3A_477 : vector<16xi32>
        %get3A_479 = arith.index_cast %scan3A_141 : i32 to index
        %get3A_480 = arith.constant 160 : index
        %get3A_481 = tpu.vector_load %arg10[%get3A_479, %get3A_480] {strides = array<i32>} : memref<16x1000xi32, #tpu.memory_space<vmem>>, vector<16xi32>,
        %ne3A_482 = arith.constant -1 : i32
        %ne3A_483 = vector.broadcast %ne3A_482 : i32 to vector<16xi32>
        %ne3A_484 = arith.cmpi ne, %get3A_481, %ne3A_483 : vector<16xi32>
        %jit3A_485 = arith.constant 0 : i32
        %broadcast_in_dim3A_486 = vector.broadcast %jit3A_485 : i32 to vector<16xi32>
        %select_n3A_487 = arith.select %ne3A_484, %get3A_481, %broadcast_in_dim3A_486 : vector<16xi1>, vector<16xi32>
        %gather3A_488 = tpu.vector_load_idx %arg8[%broadcast_in_dim3A_150, %select_n3A_487] : memref<16x1000xf32, #tpu.memory_space<vmem>>[vector<16xi32>, vector<16xi32>], vector<16xf32>,
        %add3A_489 = arith.addf %gather3A_167, %gather3A_488 : vector<16xf32>
        %max3A_490 = arith.constant 0.000000e+00 : f32
        %max3A_491 = vector.broadcast %max3A_490 : f32 to vector<16xf32>
        %max3A_492 = arith.maximumf %add3A_489, %max3A_491 : vector<16xf32>
        %jit3A_493 = arith.constant 0.000000e+00 : f32
        %broadcast_in_dim3A_494 = vector.broadcast %jit3A_493 : f32 to vector<16xf32>
        %select_n3A_495 = arith.select %ne3A_484, %max3A_492, %broadcast_in_dim3A_494 : vector<16xi1>, vector<16xf32>
        %add3A_496 = arith.addf %add3A_396, %select_n3A_495 : vector<16xf32>
        %jit3A_497 = arith.constant 1 : i32
        %jit3A_498 = arith.constant 0 : i32
        %broadcast_in_dim3A_499 = vector.broadcast %jit3A_497 : i32 to vector<16xi32>
        %broadcast_in_dim3A_500 = vector.broadcast %jit3A_498 : i32 to vector<16xi32>
        %select_n3A_501 = arith.select %ne3A_484, %broadcast_in_dim3A_499, %broadcast_in_dim3A_500 : vector<16xi1>, vector<16xi32>
        %add3A_502 = arith.addi %add3A_402, %select_n3A_501 : vector<16xi32>
        %get3A_503 = arith.index_cast %scan3A_141 : i32 to index
        %get3A_504 = arith.constant 176 : index
        %get3A_505 = tpu.vector_load %arg10[%get3A_503, %get3A_504] {strides = array<i32>} : memref<16x1000xi32, #tpu.memory_space<vmem>>, vector<16xi32>,
        %ne3A_506 = arith.constant -1 : i32
        %ne3A_507 = vector.broadcast %ne3A_506 : i32 to vector<16xi32>
        %ne3A_508 = arith.cmpi ne, %get3A_505, %ne3A_507 : vector<16xi32>
        %jit3A_509 = arith.constant 0 : i32
        %broadcast_in_dim3A_510 = vector.broadcast %jit3A_509 : i32 to vector<16xi32>
        %select_n3A_511 = arith.select %ne3A_508, %get3A_505, %broadcast_in_dim3A_510 : vector<16xi1>, vector<16xi32>
        %gather3A_512 = tpu.vector_load_idx %arg8[%broadcast_in_dim3A_150, %select_n3A_511] : memref<16x1000xf32, #tpu.memory_space<vmem>>[vector<16xi32>, vector<16xi32>], vector<16xf32>,
        %add3A_513 = arith.addf %gather3A_167, %gather3A_512 : vector<16xf32>
        %max3A_514 = arith.constant 0.000000e+00 : f32
        %max3A_515 = vector.broadcast %max3A_514 : f32 to vector<16xf32>
        %max3A_516 = arith.maximumf %add3A_513, %max3A_515 : vector<16xf32>
        %jit3A_517 = arith.constant 0.000000e+00 : f32
        %broadcast_in_dim3A_518 = vector.broadcast %jit3A_517 : f32 to vector<16xf32>
        %select_n3A_519 = arith.select %ne3A_508, %max3A_516, %broadcast_in_dim3A_518 : vector<16xi1>, vector<16xf32>
        %add3A_520 = arith.addf %add3A_420, %select_n3A_519 : vector<16xf32>
        %jit3A_521 = arith.constant 1 : i32
        %jit3A_522 = arith.constant 0 : i32
        %broadcast_in_dim3A_523 = vector.broadcast %jit3A_521 : i32 to vector<16xi32>
        %broadcast_in_dim3A_524 = vector.broadcast %jit3A_522 : i32 to vector<16xi32>
        %select_n3A_525 = arith.select %ne3A_508, %broadcast_in_dim3A_523, %broadcast_in_dim3A_524 : vector<16xi1>, vector<16xi32>
        %add3A_526 = arith.addi %add3A_426, %select_n3A_525 : vector<16xi32>
        %ge3A_527 = arith.constant 8 : i32
        %ge3A_528 = vector.broadcast %ge3A_527 : i32 to vector<16xi32>
        %ge3A_529 = arith.cmpi sge, %iota3A, %ge3A_528 : vector<16xi32>
        %select_n3A_530 = arith.select %ge3A_529, %gather3A_171, %gather3A_167 : vector<16xi1>, vector<16xf32>
        %get3A_531 = arith.index_cast %scan3A_141 : i32 to index
        %get3A_532 = arith.constant 192 : index
        %get3A_533 = tpu.vector_load %arg10[%get3A_531, %get3A_532] {strides = array<i32>} : memref<16x1000xi32, #tpu.memory_space<vmem>>, vector<16xi32>,
        %ne3A_534 = arith.constant -1 : i32
        %ne3A_535 = vector.broadcast %ne3A_534 : i32 to vector<16xi32>
        %ne3A_536 = arith.cmpi ne, %get3A_533, %ne3A_535 : vector<16xi32>
        %jit3A_537 = arith.constant 0 : i32
        %broadcast_in_dim3A_538 = vector.broadcast %jit3A_537 : i32 to vector<16xi32>
        %select_n3A_539 = arith.select %ne3A_536, %get3A_533, %broadcast_in_dim3A_538 : vector<16xi1>, vector<16xi32>
        %gather3A_540 = tpu.vector_load_idx %arg8[%broadcast_in_dim3A_150, %select_n3A_539] : memref<16x1000xf32, #tpu.memory_space<vmem>>[vector<16xi32>, vector<16xi32>], vector<16xf32>,
        %add3A_541 = arith.addf %select_n3A_530, %gather3A_540 : vector<16xf32>
        %max3A_542 = arith.constant 0.000000e+00 : f32
        %max3A_543 = vector.broadcast %max3A_542 : f32 to vector<16xf32>
        %max3A_544 = arith.maximumf %add3A_541, %max3A_543 : vector<16xf32>
        %jit3A_545 = arith.constant 0.000000e+00 : f32
        %broadcast_in_dim3A_546 = vector.broadcast %jit3A_545 : f32 to vector<16xf32>
        %select_n3A_547 = arith.select %ne3A_536, %max3A_544, %broadcast_in_dim3A_546 : vector<16xi1>, vector<16xf32>
        %add3A_548 = arith.addf %add3A_444, %select_n3A_547 : vector<16xf32>
        %jit3A_549 = arith.constant 1 : i32
        %jit3A_550 = arith.constant 0 : i32
        %broadcast_in_dim3A_551 = vector.broadcast %jit3A_549 : i32 to vector<16xi32>
        %broadcast_in_dim3A_552 = vector.broadcast %jit3A_550 : i32 to vector<16xi32>
        %select_n3A_553 = arith.select %ne3A_536, %broadcast_in_dim3A_551, %broadcast_in_dim3A_552 : vector<16xi1>, vector<16xi32>
        %add3A_554 = arith.addi %add3A_450, %select_n3A_553 : vector<16xi32>
        %get3A_555 = arith.index_cast %scan3A_141 : i32 to index
        %get3A_556 = arith.constant 208 : index
        %get3A_557 = tpu.vector_load %arg10[%get3A_555, %get3A_556] {strides = array<i32>} : memref<16x1000xi32, #tpu.memory_space<vmem>>, vector<16xi32>,
        %ne3A_558 = arith.constant -1 : i32
        %ne3A_559 = vector.broadcast %ne3A_558 : i32 to vector<16xi32>
        %ne3A_560 = arith.cmpi ne, %get3A_557, %ne3A_559 : vector<16xi32>
        %jit3A_561 = arith.constant 0 : i32
        %broadcast_in_dim3A_562 = vector.broadcast %jit3A_561 : i32 to vector<16xi32>
        %select_n3A_563 = arith.select %ne3A_560, %get3A_557, %broadcast_in_dim3A_562 : vector<16xi1>, vector<16xi32>
        %gather3A_564 = tpu.vector_load_idx %arg8[%broadcast_in_dim3A_150, %select_n3A_563] : memref<16x1000xf32, #tpu.memory_space<vmem>>[vector<16xi32>, vector<16xi32>], vector<16xf32>,
        %add3A_565 = arith.addf %gather3A_171, %gather3A_564 : vector<16xf32>
        %max3A_566 = arith.constant 0.000000e+00 : f32
        %max3A_567 = vector.broadcast %max3A_566 : f32 to vector<16xf32>
        %max3A_568 = arith.maximumf %add3A_565, %max3A_567 : vector<16xf32>
        %jit3A_569 = arith.constant 0.000000e+00 : f32
        %broadcast_in_dim3A_570 = vector.broadcast %jit3A_569 : f32 to vector<16xf32>
        %select_n3A_571 = arith.select %ne3A_560, %max3A_568, %broadcast_in_dim3A_570 : vector<16xi1>, vector<16xf32>
        %add3A_572 = arith.addf %add3A_472, %select_n3A_571 : vector<16xf32>
        %jit3A_573 = arith.constant 1 : i32
        %jit3A_574 = arith.constant 0 : i32
        %broadcast_in_dim3A_575 = vector.broadcast %jit3A_573 : i32 to vector<16xi32>
        %broadcast_in_dim3A_576 = vector.broadcast %jit3A_574 : i32 to vector<16xi32>
        %select_n3A_577 = arith.select %ne3A_560, %broadcast_in_dim3A_575, %broadcast_in_dim3A_576 : vector<16xi1>, vector<16xi32>
        %add3A_578 = arith.addi %add3A_478, %select_n3A_577 : vector<16xi32>
        %get3A_579 = arith.index_cast %scan3A_141 : i32 to index
        %get3A_580 = arith.constant 224 : index
        %get3A_581 = tpu.vector_load %arg10[%get3A_579, %get3A_580] {strides = array<i32>} : memref<16x1000xi32, #tpu.memory_space<vmem>>, vector<16xi32>,
        %ne3A_582 = arith.constant -1 : i32
        %ne3A_583 = vector.broadcast %ne3A_582 : i32 to vector<16xi32>
        %ne3A_584 = arith.cmpi ne, %get3A_581, %ne3A_583 : vector<16xi32>
        %jit3A_585 = arith.constant 0 : i32
        %broadcast_in_dim3A_586 = vector.broadcast %jit3A_585 : i32 to vector<16xi32>
        %select_n3A_587 = arith.select %ne3A_584, %get3A_581, %broadcast_in_dim3A_586 : vector<16xi1>, vector<16xi32>
        %gather3A_588 = tpu.vector_load_idx %arg8[%broadcast_in_dim3A_150, %select_n3A_587] : memref<16x1000xf32, #tpu.memory_space<vmem>>[vector<16xi32>, vector<16xi32>], vector<16xf32>,
        %add3A_589 = arith.addf %gather3A_171, %gather3A_588 : vector<16xf32>
        %max3A_590 = arith.constant 0.000000e+00 : f32
        %max3A_591 = vector.broadcast %max3A_590 : f32 to vector<16xf32>
        %max3A_592 = arith.maximumf %add3A_589, %max3A_591 : vector<16xf32>
        %jit3A_593 = arith.constant 0.000000e+00 : f32
        %broadcast_in_dim3A_594 = vector.broadcast %jit3A_593 : f32 to vector<16xf32>
        %select_n3A_595 = arith.select %ne3A_584, %max3A_592, %broadcast_in_dim3A_594 : vector<16xi1>, vector<16xf32>
        %add3A_596 = arith.addf %add3A_496, %select_n3A_595 : vector<16xf32>
        %jit3A_597 = arith.constant 1 : i32
        %jit3A_598 = arith.constant 0 : i32
        %broadcast_in_dim3A_599 = vector.broadcast %jit3A_597 : i32 to vector<16xi32>
        %broadcast_in_dim3A_600 = vector.broadcast %jit3A_598 : i32 to vector<16xi32>
        %select_n3A_601 = arith.select %ne3A_584, %broadcast_in_dim3A_599, %broadcast_in_dim3A_600 : vector<16xi1>, vector<16xi32>
        %add3A_602 = arith.addi %add3A_502, %select_n3A_601 : vector<16xi32>
        %ge3A_603 = arith.constant 10 : i32
        %ge3A_604 = vector.broadcast %ge3A_603 : i32 to vector<16xi32>
        %ge3A_605 = arith.cmpi sge, %iota3A, %ge3A_604 : vector<16xi32>
        %select_n3A_606 = arith.select %ge3A_605, %gather3A_175, %gather3A_171 : vector<16xi1>, vector<16xf32>
        %get3A_607 = arith.index_cast %scan3A_141 : i32 to index
        %get3A_608 = arith.constant 240 : index
        %get3A_609 = tpu.vector_load %arg10[%get3A_607, %get3A_608] {strides = array<i32>} : memref<16x1000xi32, #tpu.memory_space<vmem>>, vector<16xi32>,
        %ne3A_610 = arith.constant -1 : i32
        %ne3A_611 = vector.broadcast %ne3A_610 : i32 to vector<16xi32>
        %ne3A_612 = arith.cmpi ne, %get3A_609, %ne3A_611 : vector<16xi32>
        %jit3A_613 = arith.constant 0 : i32
        %broadcast_in_dim3A_614 = vector.broadcast %jit3A_613 : i32 to vector<16xi32>
        %select_n3A_615 = arith.select %ne3A_612, %get3A_609, %broadcast_in_dim3A_614 : vector<16xi1>, vector<16xi32>
        %gather3A_616 = tpu.vector_load_idx %arg8[%broadcast_in_dim3A_150, %select_n3A_615] : memref<16x1000xf32, #tpu.memory_space<vmem>>[vector<16xi32>, vector<16xi32>], vector<16xf32>,
        %add3A_617 = arith.addf %select_n3A_606, %gather3A_616 : vector<16xf32>
        %max3A_618 = arith.constant 0.000000e+00 : f32
        %max3A_619 = vector.broadcast %max3A_618 : f32 to vector<16xf32>
        %max3A_620 = arith.maximumf %add3A_617, %max3A_619 : vector<16xf32>
        %jit3A_621 = arith.constant 0.000000e+00 : f32
        %broadcast_in_dim3A_622 = vector.broadcast %jit3A_621 : f32 to vector<16xf32>
        %select_n3A_623 = arith.select %ne3A_612, %max3A_620, %broadcast_in_dim3A_622 : vector<16xi1>, vector<16xf32>
        %add3A_624 = arith.addf %add3A_520, %select_n3A_623 : vector<16xf32>
        %jit3A_625 = arith.constant 1 : i32
        %jit3A_626 = arith.constant 0 : i32
        %broadcast_in_dim3A_627 = vector.broadcast %jit3A_625 : i32 to vector<16xi32>
        %broadcast_in_dim3A_628 = vector.broadcast %jit3A_626 : i32 to vector<16xi32>
        %select_n3A_629 = arith.select %ne3A_612, %broadcast_in_dim3A_627, %broadcast_in_dim3A_628 : vector<16xi1>, vector<16xi32>
        %add3A_630 = arith.addi %add3A_526, %select_n3A_629 : vector<16xi32>
        %get3A_631 = arith.index_cast %scan3A_141 : i32 to index
        %get3A_632 = arith.constant 256 : index
        %get3A_633 = tpu.vector_load %arg10[%get3A_631, %get3A_632] {strides = array<i32>} : memref<16x1000xi32, #tpu.memory_space<vmem>>, vector<16xi32>,
        %ne3A_634 = arith.constant -1 : i32
        %ne3A_635 = vector.broadcast %ne3A_634 : i32 to vector<16xi32>
        %ne3A_636 = arith.cmpi ne, %get3A_633, %ne3A_635 : vector<16xi32>
        %jit3A_637 = arith.constant 0 : i32
        %broadcast_in_dim3A_638 = vector.broadcast %jit3A_637 : i32 to vector<16xi32>
        %select_n3A_639 = arith.select %ne3A_636, %get3A_633, %broadcast_in_dim3A_638 : vector<16xi1>, vector<16xi32>
        %gather3A_640 = tpu.vector_load_idx %arg8[%broadcast_in_dim3A_150, %select_n3A_639] : memref<16x1000xf32, #tpu.memory_space<vmem>>[vector<16xi32>, vector<16xi32>], vector<16xf32>,
        %add3A_641 = arith.addf %gather3A_175, %gather3A_640 : vector<16xf32>
        %max3A_642 = arith.constant 0.000000e+00 : f32
        %max3A_643 = vector.broadcast %max3A_642 : f32 to vector<16xf32>
        %max3A_644 = arith.maximumf %add3A_641, %max3A_643 : vector<16xf32>
        %jit3A_645 = arith.constant 0.000000e+00 : f32
        %broadcast_in_dim3A_646 = vector.broadcast %jit3A_645 : f32 to vector<16xf32>
        %select_n3A_647 = arith.select %ne3A_636, %max3A_644, %broadcast_in_dim3A_646 : vector<16xi1>, vector<16xf32>
        %add3A_648 = arith.addf %add3A_548, %select_n3A_647 : vector<16xf32>
        %jit3A_649 = arith.constant 1 : i32
        %jit3A_650 = arith.constant 0 : i32
        %broadcast_in_dim3A_651 = vector.broadcast %jit3A_649 : i32 to vector<16xi32>
        %broadcast_in_dim3A_652 = vector.broadcast %jit3A_650 : i32 to vector<16xi32>
        %select_n3A_653 = arith.select %ne3A_636, %broadcast_in_dim3A_651, %broadcast_in_dim3A_652 : vector<16xi1>, vector<16xi32>
        %add3A_654 = arith.addi %add3A_554, %select_n3A_653 : vector<16xi32>
        %get3A_655 = arith.index_cast %scan3A_141 : i32 to index
        %get3A_656 = arith.constant 272 : index
        %get3A_657 = tpu.vector_load %arg10[%get3A_655, %get3A_656] {strides = array<i32>} : memref<16x1000xi32, #tpu.memory_space<vmem>>, vector<16xi32>,
        %ne3A_658 = arith.constant -1 : i32
        %ne3A_659 = vector.broadcast %ne3A_658 : i32 to vector<16xi32>
        %ne3A_660 = arith.cmpi ne, %get3A_657, %ne3A_659 : vector<16xi32>
        %jit3A_661 = arith.constant 0 : i32
        %broadcast_in_dim3A_662 = vector.broadcast %jit3A_661 : i32 to vector<16xi32>
        %select_n3A_663 = arith.select %ne3A_660, %get3A_657, %broadcast_in_dim3A_662 : vector<16xi1>, vector<16xi32>
        %gather3A_664 = tpu.vector_load_idx %arg8[%broadcast_in_dim3A_150, %select_n3A_663] : memref<16x1000xf32, #tpu.memory_space<vmem>>[vector<16xi32>, vector<16xi32>], vector<16xf32>,
        %add3A_665 = arith.addf %gather3A_175, %gather3A_664 : vector<16xf32>
        %max3A_666 = arith.constant 0.000000e+00 : f32
        %max3A_667 = vector.broadcast %max3A_666 : f32 to vector<16xf32>
        %max3A_668 = arith.maximumf %add3A_665, %max3A_667 : vector<16xf32>
        %jit3A_669 = arith.constant 0.000000e+00 : f32
        %broadcast_in_dim3A_670 = vector.broadcast %jit3A_669 : f32 to vector<16xf32>
        %select_n3A_671 = arith.select %ne3A_660, %max3A_668, %broadcast_in_dim3A_670 : vector<16xi1>, vector<16xf32>
        %add3A_672 = arith.addf %add3A_572, %select_n3A_671 : vector<16xf32>
        %jit3A_673 = arith.constant 1 : i32
        %jit3A_674 = arith.constant 0 : i32
        %broadcast_in_dim3A_675 = vector.broadcast %jit3A_673 : i32 to vector<16xi32>
        %broadcast_in_dim3A_676 = vector.broadcast %jit3A_674 : i32 to vector<16xi32>
        %select_n3A_677 = arith.select %ne3A_660, %broadcast_in_dim3A_675, %broadcast_in_dim3A_676 : vector<16xi1>, vector<16xi32>
        %add3A_678 = arith.addi %add3A_578, %select_n3A_677 : vector<16xi32>
        %ge3A_679 = arith.constant 12 : i32
        %ge3A_680 = vector.broadcast %ge3A_679 : i32 to vector<16xi32>
        %ge3A_681 = arith.cmpi sge, %iota3A, %ge3A_680 : vector<16xi32>
        %select_n3A_682 = arith.select %ge3A_681, %gather3A_179, %gather3A_175 : vector<16xi1>, vector<16xf32>
        %get3A_683 = arith.index_cast %scan3A_141 : i32 to index
        %get3A_684 = arith.constant 288 : index
        %get3A_685 = tpu.vector_load %arg10[%get3A_683, %get3A_684] {strides = array<i32>} : memref<16x1000xi32, #tpu.memory_space<vmem>>, vector<16xi32>,
        %ne3A_686 = arith.constant -1 : i32
        %ne3A_687 = vector.broadcast %ne3A_686 : i32 to vector<16xi32>
        %ne3A_688 = arith.cmpi ne, %get3A_685, %ne3A_687 : vector<16xi32>
        %jit3A_689 = arith.constant 0 : i32
        %broadcast_in_dim3A_690 = vector.broadcast %jit3A_689 : i32 to vector<16xi32>
        %select_n3A_691 = arith.select %ne3A_688, %get3A_685, %broadcast_in_dim3A_690 : vector<16xi1>, vector<16xi32>
        %gather3A_692 = tpu.vector_load_idx %arg8[%broadcast_in_dim3A_150, %select_n3A_691] : memref<16x1000xf32, #tpu.memory_space<vmem>>[vector<16xi32>, vector<16xi32>], vector<16xf32>,
        %add3A_693 = arith.addf %select_n3A_682, %gather3A_692 : vector<16xf32>
        %max3A_694 = arith.constant 0.000000e+00 : f32
        %max3A_695 = vector.broadcast %max3A_694 : f32 to vector<16xf32>
        %max3A_696 = arith.maximumf %add3A_693, %max3A_695 : vector<16xf32>
        %jit3A_697 = arith.constant 0.000000e+00 : f32
        %broadcast_in_dim3A_698 = vector.broadcast %jit3A_697 : f32 to vector<16xf32>
        %select_n3A_699 = arith.select %ne3A_688, %max3A_696, %broadcast_in_dim3A_698 : vector<16xi1>, vector<16xf32>
        %add3A_700 = arith.addf %add3A_596, %select_n3A_699 : vector<16xf32>
        %jit3A_701 = arith.constant 1 : i32
        %jit3A_702 = arith.constant 0 : i32
        %broadcast_in_dim3A_703 = vector.broadcast %jit3A_701 : i32 to vector<16xi32>
        %broadcast_in_dim3A_704 = vector.broadcast %jit3A_702 : i32 to vector<16xi32>
        %select_n3A_705 = arith.select %ne3A_688, %broadcast_in_dim3A_703, %broadcast_in_dim3A_704 : vector<16xi1>, vector<16xi32>
        %add3A_706 = arith.addi %add3A_602, %select_n3A_705 : vector<16xi32>
        %get3A_707 = arith.index_cast %scan3A_141 : i32 to index
        %get3A_708 = arith.constant 304 : index
        %get3A_709 = tpu.vector_load %arg10[%get3A_707, %get3A_708] {strides = array<i32>} : memref<16x1000xi32, #tpu.memory_space<vmem>>, vector<16xi32>,
        %ne3A_710 = arith.constant -1 : i32
        %ne3A_711 = vector.broadcast %ne3A_710 : i32 to vector<16xi32>
        %ne3A_712 = arith.cmpi ne, %get3A_709, %ne3A_711 : vector<16xi32>
        %jit3A_713 = arith.constant 0 : i32
        %broadcast_in_dim3A_714 = vector.broadcast %jit3A_713 : i32 to vector<16xi32>
        %select_n3A_715 = arith.select %ne3A_712, %get3A_709, %broadcast_in_dim3A_714 : vector<16xi1>, vector<16xi32>
        %gather3A_716 = tpu.vector_load_idx %arg8[%broadcast_in_dim3A_150, %select_n3A_715] : memref<16x1000xf32, #tpu.memory_space<vmem>>[vector<16xi32>, vector<16xi32>], vector<16xf32>,
        %add3A_717 = arith.addf %gather3A_179, %gather3A_716 : vector<16xf32>
        %max3A_718 = arith.constant 0.000000e+00 : f32
        %max3A_719 = vector.broadcast %max3A_718 : f32 to vector<16xf32>
        %max3A_720 = arith.maximumf %add3A_717, %max3A_719 : vector<16xf32>
        %jit3A_721 = arith.constant 0.000000e+00 : f32
        %broadcast_in_dim3A_722 = vector.broadcast %jit3A_721 : f32 to vector<16xf32>
        %select_n3A_723 = arith.select %ne3A_712, %max3A_720, %broadcast_in_dim3A_722 : vector<16xi1>, vector<16xf32>
        %add3A_724 = arith.addf %add3A_624, %select_n3A_723 : vector<16xf32>
        %jit3A_725 = arith.constant 1 : i32
        %jit3A_726 = arith.constant 0 : i32
        %broadcast_in_dim3A_727 = vector.broadcast %jit3A_725 : i32 to vector<16xi32>
        %broadcast_in_dim3A_728 = vector.broadcast %jit3A_726 : i32 to vector<16xi32>
        %select_n3A_729 = arith.select %ne3A_712, %broadcast_in_dim3A_727, %broadcast_in_dim3A_728 : vector<16xi1>, vector<16xi32>
        %add3A_730 = arith.addi %add3A_630, %select_n3A_729 : vector<16xi32>
        %get3A_731 = arith.index_cast %scan3A_141 : i32 to index
        %get3A_732 = arith.constant 320 : index
        %get3A_733 = tpu.vector_load %arg10[%get3A_731, %get3A_732] {strides = array<i32>} : memref<16x1000xi32, #tpu.memory_space<vmem>>, vector<16xi32>,
        %ne3A_734 = arith.constant -1 : i32
        %ne3A_735 = vector.broadcast %ne3A_734 : i32 to vector<16xi32>
        %ne3A_736 = arith.cmpi ne, %get3A_733, %ne3A_735 : vector<16xi32>
        %jit3A_737 = arith.constant 0 : i32
        %broadcast_in_dim3A_738 = vector.broadcast %jit3A_737 : i32 to vector<16xi32>
        %select_n3A_739 = arith.select %ne3A_736, %get3A_733, %broadcast_in_dim3A_738 : vector<16xi1>, vector<16xi32>
        %gather3A_740 = tpu.vector_load_idx %arg8[%broadcast_in_dim3A_150, %select_n3A_739] : memref<16x1000xf32, #tpu.memory_space<vmem>>[vector<16xi32>, vector<16xi32>], vector<16xf32>,
        %add3A_741 = arith.addf %gather3A_179, %gather3A_740 : vector<16xf32>
        %max3A_742 = arith.constant 0.000000e+00 : f32
        %max3A_743 = vector.broadcast %max3A_742 : f32 to vector<16xf32>
        %max3A_744 = arith.maximumf %add3A_741, %max3A_743 : vector<16xf32>
        %jit3A_745 = arith.constant 0.000000e+00 : f32
        %broadcast_in_dim3A_746 = vector.broadcast %jit3A_745 : f32 to vector<16xf32>
        %select_n3A_747 = arith.select %ne3A_736, %max3A_744, %broadcast_in_dim3A_746 : vector<16xi1>, vector<16xf32>
        %add3A_748 = arith.addf %add3A_648, %select_n3A_747 : vector<16xf32>
        %jit3A_749 = arith.constant 1 : i32
        %jit3A_750 = arith.constant 0 : i32
        %broadcast_in_dim3A_751 = vector.broadcast %jit3A_749 : i32 to vector<16xi32>
        %broadcast_in_dim3A_752 = vector.broadcast %jit3A_750 : i32 to vector<16xi32>
        %select_n3A_753 = arith.select %ne3A_736, %broadcast_in_dim3A_751, %broadcast_in_dim3A_752 : vector<16xi1>, vector<16xi32>
        %add3A_754 = arith.addi %add3A_654, %select_n3A_753 : vector<16xi32>
        %ge3A_755 = arith.constant 14 : i32
        %ge3A_756 = vector.broadcast %ge3A_755 : i32 to vector<16xi32>
        %ge3A_757 = arith.cmpi sge, %iota3A, %ge3A_756 : vector<16xi32>
        %select_n3A_758 = arith.select %ge3A_757, %gather3A_183, %gather3A_179 : vector<16xi1>, vector<16xf32>
        %get3A_759 = arith.index_cast %scan3A_141 : i32 to index
        %get3A_760 = arith.constant 336 : index
        %get3A_761 = tpu.vector_load %arg10[%get3A_759, %get3A_760] {strides = array<i32>} : memref<16x1000xi32, #tpu.memory_space<vmem>>, vector<16xi32>,
        %ne3A_762 = arith.constant -1 : i32
        %ne3A_763 = vector.broadcast %ne3A_762 : i32 to vector<16xi32>
        %ne3A_764 = arith.cmpi ne, %get3A_761, %ne3A_763 : vector<16xi32>
        %jit3A_765 = arith.constant 0 : i32
        %broadcast_in_dim3A_766 = vector.broadcast %jit3A_765 : i32 to vector<16xi32>
        %select_n3A_767 = arith.select %ne3A_764, %get3A_761, %broadcast_in_dim3A_766 : vector<16xi1>, vector<16xi32>
        %gather3A_768 = tpu.vector_load_idx %arg8[%broadcast_in_dim3A_150, %select_n3A_767] : memref<16x1000xf32, #tpu.memory_space<vmem>>[vector<16xi32>, vector<16xi32>], vector<16xf32>,
        %add3A_769 = arith.addf %select_n3A_758, %gather3A_768 : vector<16xf32>
        %max3A_770 = arith.constant 0.000000e+00 : f32
        %max3A_771 = vector.broadcast %max3A_770 : f32 to vector<16xf32>
        %max3A_772 = arith.maximumf %add3A_769, %max3A_771 : vector<16xf32>
        %jit3A_773 = arith.constant 0.000000e+00 : f32
        %broadcast_in_dim3A_774 = vector.broadcast %jit3A_773 : f32 to vector<16xf32>
        %select_n3A_775 = arith.select %ne3A_764, %max3A_772, %broadcast_in_dim3A_774 : vector<16xi1>, vector<16xf32>
        %add3A_776 = arith.addf %add3A_672, %select_n3A_775 : vector<16xf32>
        %jit3A_777 = arith.constant 1 : i32
        %jit3A_778 = arith.constant 0 : i32
        %broadcast_in_dim3A_779 = vector.broadcast %jit3A_777 : i32 to vector<16xi32>
        %broadcast_in_dim3A_780 = vector.broadcast %jit3A_778 : i32 to vector<16xi32>
        %select_n3A_781 = arith.select %ne3A_764, %broadcast_in_dim3A_779, %broadcast_in_dim3A_780 : vector<16xi1>, vector<16xi32>
        %add3A_782 = arith.addi %add3A_678, %select_n3A_781 : vector<16xi32>
        %get3A_783 = arith.index_cast %scan3A_141 : i32 to index
        %get3A_784 = arith.constant 352 : index
        %get3A_785 = tpu.vector_load %arg10[%get3A_783, %get3A_784] {strides = array<i32>} : memref<16x1000xi32, #tpu.memory_space<vmem>>, vector<16xi32>,
        %ne3A_786 = arith.constant -1 : i32
        %ne3A_787 = vector.broadcast %ne3A_786 : i32 to vector<16xi32>
        %ne3A_788 = arith.cmpi ne, %get3A_785, %ne3A_787 : vector<16xi32>
        %jit3A_789 = arith.constant 0 : i32
        %broadcast_in_dim3A_790 = vector.broadcast %jit3A_789 : i32 to vector<16xi32>
        %select_n3A_791 = arith.select %ne3A_788, %get3A_785, %broadcast_in_dim3A_790 : vector<16xi1>, vector<16xi32>
        %gather3A_792 = tpu.vector_load_idx %arg8[%broadcast_in_dim3A_150, %select_n3A_791] : memref<16x1000xf32, #tpu.memory_space<vmem>>[vector<16xi32>, vector<16xi32>], vector<16xf32>,
        %add3A_793 = arith.addf %gather3A_183, %gather3A_792 : vector<16xf32>
        %max3A_794 = arith.constant 0.000000e+00 : f32
        %max3A_795 = vector.broadcast %max3A_794 : f32 to vector<16xf32>
        %max3A_796 = arith.maximumf %add3A_793, %max3A_795 : vector<16xf32>
        %jit3A_797 = arith.constant 0.000000e+00 : f32
        %broadcast_in_dim3A_798 = vector.broadcast %jit3A_797 : f32 to vector<16xf32>
        %select_n3A_799 = arith.select %ne3A_788, %max3A_796, %broadcast_in_dim3A_798 : vector<16xi1>, vector<16xf32>
        %add3A_800 = arith.addf %add3A_700, %select_n3A_799 : vector<16xf32>
        %jit3A_801 = arith.constant 1 : i32
        %jit3A_802 = arith.constant 0 : i32
        %broadcast_in_dim3A_803 = vector.broadcast %jit3A_801 : i32 to vector<16xi32>
        %broadcast_in_dim3A_804 = vector.broadcast %jit3A_802 : i32 to vector<16xi32>
        %select_n3A_805 = arith.select %ne3A_788, %broadcast_in_dim3A_803, %broadcast_in_dim3A_804 : vector<16xi1>, vector<16xi32>
        %add3A_806 = arith.addi %add3A_706, %select_n3A_805 : vector<16xi32>
        %get3A_807 = arith.index_cast %scan3A_141 : i32 to index
        %get3A_808 = arith.constant 368 : index
        %get3A_809 = tpu.vector_load %arg10[%get3A_807, %get3A_808] {strides = array<i32>} : memref<16x1000xi32, #tpu.memory_space<vmem>>, vector<16xi32>,
        %ne3A_810 = arith.constant -1 : i32
        %ne3A_811 = vector.broadcast %ne3A_810 : i32 to vector<16xi32>
        %ne3A_812 = arith.cmpi ne, %get3A_809, %ne3A_811 : vector<16xi32>
        %jit3A_813 = arith.constant 0 : i32
        %broadcast_in_dim3A_814 = vector.broadcast %jit3A_813 : i32 to vector<16xi32>
        %select_n3A_815 = arith.select %ne3A_812, %get3A_809, %broadcast_in_dim3A_814 : vector<16xi1>, vector<16xi32>
        %gather3A_816 = tpu.vector_load_idx %arg8[%broadcast_in_dim3A_150, %select_n3A_815] : memref<16x1000xf32, #tpu.memory_space<vmem>>[vector<16xi32>, vector<16xi32>], vector<16xf32>,
        %add3A_817 = arith.addf %gather3A_183, %gather3A_816 : vector<16xf32>
        %max3A_818 = arith.constant 0.000000e+00 : f32
        %max3A_819 = vector.broadcast %max3A_818 : f32 to vector<16xf32>
        %max3A_820 = arith.maximumf %add3A_817, %max3A_819 : vector<16xf32>
        %jit3A_821 = arith.constant 0.000000e+00 : f32
        %broadcast_in_dim3A_822 = vector.broadcast %jit3A_821 : f32 to vector<16xf32>
        %select_n3A_823 = arith.select %ne3A_812, %max3A_820, %broadcast_in_dim3A_822 : vector<16xi1>, vector<16xf32>
        %add3A_824 = arith.addf %add3A_724, %select_n3A_823 : vector<16xf32>
        %jit3A_825 = arith.constant 1 : i32
        %jit3A_826 = arith.constant 0 : i32
        %broadcast_in_dim3A_827 = vector.broadcast %jit3A_825 : i32 to vector<16xi32>
        %broadcast_in_dim3A_828 = vector.broadcast %jit3A_826 : i32 to vector<16xi32>
        %select_n3A_829 = arith.select %ne3A_812, %broadcast_in_dim3A_827, %broadcast_in_dim3A_828 : vector<16xi1>, vector<16xi32>
        %add3A_830 = arith.addi %add3A_730, %select_n3A_829 : vector<16xi32>
        %get3A_831 = arith.index_cast %scan3A_141 : i32 to index
        %get3A_832 = arith.constant 384 : index
        %get3A_833 = tpu.vector_load %arg10[%get3A_831, %get3A_832] {strides = array<i32>} : memref<16x1000xi32, #tpu.memory_space<vmem>>, vector<16xi32>,
        %ne3A_834 = arith.constant -1 : i32
        %ne3A_835 = vector.broadcast %ne3A_834 : i32 to vector<16xi32>
        %ne3A_836 = arith.cmpi ne, %get3A_833, %ne3A_835 : vector<16xi32>
        %jit3A_837 = arith.constant 0 : i32
        %broadcast_in_dim3A_838 = vector.broadcast %jit3A_837 : i32 to vector<16xi32>
        %select_n3A_839 = arith.select %ne3A_836, %get3A_833, %broadcast_in_dim3A_838 : vector<16xi1>, vector<16xi32>
        %gather3A_840 = tpu.vector_load_idx %arg8[%broadcast_in_dim3A_150, %select_n3A_839] : memref<16x1000xf32, #tpu.memory_space<vmem>>[vector<16xi32>, vector<16xi32>], vector<16xf32>,
        %add3A_841 = arith.addf %gather3A_183, %gather3A_840 : vector<16xf32>
        %max3A_842 = arith.constant 0.000000e+00 : f32
        %max3A_843 = vector.broadcast %max3A_842 : f32 to vector<16xf32>
        %max3A_844 = arith.maximumf %add3A_841, %max3A_843 : vector<16xf32>
        %jit3A_845 = arith.constant 0.000000e+00 : f32
        %broadcast_in_dim3A_846 = vector.broadcast %jit3A_845 : f32 to vector<16xf32>
        %select_n3A_847 = arith.select %ne3A_836, %max3A_844, %broadcast_in_dim3A_846 : vector<16xi1>, vector<16xf32>
        %add3A_848 = arith.addf %add3A_748, %select_n3A_847 : vector<16xf32>
        %jit3A_849 = arith.constant 1 : i32
        %jit3A_850 = arith.constant 0 : i32
        %broadcast_in_dim3A_851 = vector.broadcast %jit3A_849 : i32 to vector<16xi32>
        %broadcast_in_dim3A_852 = vector.broadcast %jit3A_850 : i32 to vector<16xi32>
        %select_n3A_853 = arith.select %ne3A_836, %broadcast_in_dim3A_851, %broadcast_in_dim3A_852 : vector<16xi1>, vector<16xi32>
        %add3A_854 = arith.addi %add3A_754, %select_n3A_853 : vector<16xi32>
        %get3A_855 = arith.index_cast %scan3A_141 : i32 to index
        %get3A_856 = arith.constant 400 : index
        %get3A_857 = tpu.vector_load %arg10[%get3A_855, %get3A_856] {strides = array<i32>} : memref<16x1000xi32, #tpu.memory_space<vmem>>, vector<16xi32>,
        %ne3A_858 = arith.constant -1 : i32
        %ne3A_859 = vector.broadcast %ne3A_858 : i32 to vector<16xi32>
        %ne3A_860 = arith.cmpi ne, %get3A_857, %ne3A_859 : vector<16xi32>
        %jit3A_861 = arith.constant 0 : i32
        %broadcast_in_dim3A_862 = vector.broadcast %jit3A_861 : i32 to vector<16xi32>
        %select_n3A_863 = arith.select %ne3A_860, %get3A_857, %broadcast_in_dim3A_862 : vector<16xi1>, vector<16xi32>
        %gather3A_864 = tpu.vector_load_idx %arg8[%broadcast_in_dim3A_150, %select_n3A_863] : memref<16x1000xf32, #tpu.memory_space<vmem>>[vector<16xi32>, vector<16xi32>], vector<16xf32>,
        %add3A_865 = arith.addf %gather3A_187, %gather3A_864 : vector<16xf32>
        %max3A_866 = arith.constant 0.000000e+00 : f32
        %max3A_867 = vector.broadcast %max3A_866 : f32 to vector<16xf32>
        %max3A_868 = arith.maximumf %add3A_865, %max3A_867 : vector<16xf32>
        %jit3A_869 = arith.constant 0.000000e+00 : f32
        %broadcast_in_dim3A_870 = vector.broadcast %jit3A_869 : f32 to vector<16xf32>
        %select_n3A_871 = arith.select %ne3A_860, %max3A_868, %broadcast_in_dim3A_870 : vector<16xi1>, vector<16xf32>
        %add3A_872 = arith.addf %add3A_776, %select_n3A_871 : vector<16xf32>
        %jit3A_873 = arith.constant 1 : i32
        %jit3A_874 = arith.constant 0 : i32
        %broadcast_in_dim3A_875 = vector.broadcast %jit3A_873 : i32 to vector<16xi32>
        %broadcast_in_dim3A_876 = vector.broadcast %jit3A_874 : i32 to vector<16xi32>
        %select_n3A_877 = arith.select %ne3A_860, %broadcast_in_dim3A_875, %broadcast_in_dim3A_876 : vector<16xi1>, vector<16xi32>
        %add3A_878 = arith.addi %add3A_782, %select_n3A_877 : vector<16xi32>
        %get3A_879 = arith.index_cast %scan3A_141 : i32 to index
        %get3A_880 = arith.constant 416 : index
        %get3A_881 = tpu.vector_load %arg10[%get3A_879, %get3A_880] {strides = array<i32>} : memref<16x1000xi32, #tpu.memory_space<vmem>>, vector<16xi32>,
        %ne3A_882 = arith.constant -1 : i32
        %ne3A_883 = vector.broadcast %ne3A_882 : i32 to vector<16xi32>
        %ne3A_884 = arith.cmpi ne, %get3A_881, %ne3A_883 : vector<16xi32>
        %jit3A_885 = arith.constant 0 : i32
        %broadcast_in_dim3A_886 = vector.broadcast %jit3A_885 : i32 to vector<16xi32>
        %select_n3A_887 = arith.select %ne3A_884, %get3A_881, %broadcast_in_dim3A_886 : vector<16xi1>, vector<16xi32>
        %gather3A_888 = tpu.vector_load_idx %arg8[%broadcast_in_dim3A_150, %select_n3A_887] : memref<16x1000xf32, #tpu.memory_space<vmem>>[vector<16xi32>, vector<16xi32>], vector<16xf32>,
        %add3A_889 = arith.addf %gather3A_187, %gather3A_888 : vector<16xf32>
        %max3A_890 = arith.constant 0.000000e+00 : f32
        %max3A_891 = vector.broadcast %max3A_890 : f32 to vector<16xf32>
        %max3A_892 = arith.maximumf %add3A_889, %max3A_891 : vector<16xf32>
        %jit3A_893 = arith.constant 0.000000e+00 : f32
        %broadcast_in_dim3A_894 = vector.broadcast %jit3A_893 : f32 to vector<16xf32>
        %select_n3A_895 = arith.select %ne3A_884, %max3A_892, %broadcast_in_dim3A_894 : vector<16xi1>, vector<16xf32>
        %add3A_896 = arith.addf %add3A_800, %select_n3A_895 : vector<16xf32>
        %jit3A_897 = arith.constant 1 : i32
        %jit3A_898 = arith.constant 0 : i32
        %broadcast_in_dim3A_899 = vector.broadcast %jit3A_897 : i32 to vector<16xi32>
        %broadcast_in_dim3A_900 = vector.broadcast %jit3A_898 : i32 to vector<16xi32>
        %select_n3A_901 = arith.select %ne3A_884, %broadcast_in_dim3A_899, %broadcast_in_dim3A_900 : vector<16xi1>, vector<16xi32>
        %add3A_902 = arith.addi %add3A_806, %select_n3A_901 : vector<16xi32>
        %get3A_903 = arith.index_cast %scan3A_141 : i32 to index
        %get3A_904 = arith.constant 432 : index
        %get3A_905 = tpu.vector_load %arg10[%get3A_903, %get3A_904] {strides = array<i32>} : memref<16x1000xi32, #tpu.memory_space<vmem>>, vector<16xi32>,
        %ne3A_906 = arith.constant -1 : i32
        %ne3A_907 = vector.broadcast %ne3A_906 : i32 to vector<16xi32>
        %ne3A_908 = arith.cmpi ne, %get3A_905, %ne3A_907 : vector<16xi32>
        %jit3A_909 = arith.constant 0 : i32
        %broadcast_in_dim3A_910 = vector.broadcast %jit3A_909 : i32 to vector<16xi32>
        %select_n3A_911 = arith.select %ne3A_908, %get3A_905, %broadcast_in_dim3A_910 : vector<16xi1>, vector<16xi32>
        %gather3A_912 = tpu.vector_load_idx %arg8[%broadcast_in_dim3A_150, %select_n3A_911] : memref<16x1000xf32, #tpu.memory_space<vmem>>[vector<16xi32>, vector<16xi32>], vector<16xf32>,
        %add3A_913 = arith.addf %gather3A_187, %gather3A_912 : vector<16xf32>
        %max3A_914 = arith.constant 0.000000e+00 : f32
        %max3A_915 = vector.broadcast %max3A_914 : f32 to vector<16xf32>
        %max3A_916 = arith.maximumf %add3A_913, %max3A_915 : vector<16xf32>
        %jit3A_917 = arith.constant 0.000000e+00 : f32
        %broadcast_in_dim3A_918 = vector.broadcast %jit3A_917 : f32 to vector<16xf32>
        %select_n3A_919 = arith.select %ne3A_908, %max3A_916, %broadcast_in_dim3A_918 : vector<16xi1>, vector<16xf32>
        %add3A_920 = arith.addf %add3A_824, %select_n3A_919 : vector<16xf32>
        %jit3A_921 = arith.constant 1 : i32
        %jit3A_922 = arith.constant 0 : i32
        %broadcast_in_dim3A_923 = vector.broadcast %jit3A_921 : i32 to vector<16xi32>
        %broadcast_in_dim3A_924 = vector.broadcast %jit3A_922 : i32 to vector<16xi32>
        %select_n3A_925 = arith.select %ne3A_908, %broadcast_in_dim3A_923, %broadcast_in_dim3A_924 : vector<16xi1>, vector<16xi32>
        %add3A_926 = arith.addi %add3A_830, %select_n3A_925 : vector<16xi32>
        %ge3A_927 = arith.constant 2 : i32
        %ge3A_928 = vector.broadcast %ge3A_927 : i32 to vector<16xi32>
        %ge3A_929 = arith.cmpi sge, %iota3A, %ge3A_928 : vector<16xi32>
        %select_n3A_930 = arith.select %ge3A_929, %gather3A_191, %gather3A_187 : vector<16xi1>, vector<16xf32>
        %get3A_931 = arith.index_cast %scan3A_141 : i32 to index
        %get3A_932 = arith.constant 448 : index
        %get3A_933 = tpu.vector_load %arg10[%get3A_931, %get3A_932] {strides = array<i32>} : memref<16x1000xi32, #tpu.memory_space<vmem>>, vector<16xi32>,
        %ne3A_934 = arith.constant -1 : i32
        %ne3A_935 = vector.broadcast %ne3A_934 : i32 to vector<16xi32>
        %ne3A_936 = arith.cmpi ne, %get3A_933, %ne3A_935 : vector<16xi32>
        %jit3A_937 = arith.constant 0 : i32
        %broadcast_in_dim3A_938 = vector.broadcast %jit3A_937 : i32 to vector<16xi32>
        %select_n3A_939 = arith.select %ne3A_936, %get3A_933, %broadcast_in_dim3A_938 : vector<16xi1>, vector<16xi32>
        %gather3A_940 = tpu.vector_load_idx %arg8[%broadcast_in_dim3A_150, %select_n3A_939] : memref<16x1000xf32, #tpu.memory_space<vmem>>[vector<16xi32>, vector<16xi32>], vector<16xf32>,
        %add3A_941 = arith.addf %select_n3A_930, %gather3A_940 : vector<16xf32>
        %max3A_942 = arith.constant 0.000000e+00 : f32
        %max3A_943 = vector.broadcast %max3A_942 : f32 to vector<16xf32>
        %max3A_944 = arith.maximumf %add3A_941, %max3A_943 : vector<16xf32>
        %jit3A_945 = arith.constant 0.000000e+00 : f32
        %broadcast_in_dim3A_946 = vector.broadcast %jit3A_945 : f32 to vector<16xf32>
        %select_n3A_947 = arith.select %ne3A_936, %max3A_944, %broadcast_in_dim3A_946 : vector<16xi1>, vector<16xf32>
        %add3A_948 = arith.addf %add3A_848, %select_n3A_947 : vector<16xf32>
        %jit3A_949 = arith.constant 1 : i32
        %jit3A_950 = arith.constant 0 : i32
        %broadcast_in_dim3A_951 = vector.broadcast %jit3A_949 : i32 to vector<16xi32>
        %broadcast_in_dim3A_952 = vector.broadcast %jit3A_950 : i32 to vector<16xi32>
        %select_n3A_953 = arith.select %ne3A_936, %broadcast_in_dim3A_951, %broadcast_in_dim3A_952 : vector<16xi1>, vector<16xi32>
        %add3A_954 = arith.addi %add3A_854, %select_n3A_953 : vector<16xi32>
        %get3A_955 = arith.index_cast %scan3A_141 : i32 to index
        %get3A_956 = arith.constant 464 : index
        %get3A_957 = tpu.vector_load %arg10[%get3A_955, %get3A_956] {strides = array<i32>} : memref<16x1000xi32, #tpu.memory_space<vmem>>, vector<16xi32>,
        %ne3A_958 = arith.constant -1 : i32
        %ne3A_959 = vector.broadcast %ne3A_958 : i32 to vector<16xi32>
        %ne3A_960 = arith.cmpi ne, %get3A_957, %ne3A_959 : vector<16xi32>
        %jit3A_961 = arith.constant 0 : i32
        %broadcast_in_dim3A_962 = vector.broadcast %jit3A_961 : i32 to vector<16xi32>
        %select_n3A_963 = arith.select %ne3A_960, %get3A_957, %broadcast_in_dim3A_962 : vector<16xi1>, vector<16xi32>
        %gather3A_964 = tpu.vector_load_idx %arg8[%broadcast_in_dim3A_150, %select_n3A_963] : memref<16x1000xf32, #tpu.memory_space<vmem>>[vector<16xi32>, vector<16xi32>], vector<16xf32>,
        %add3A_965 = arith.addf %gather3A_191, %gather3A_964 : vector<16xf32>
        %max3A_966 = arith.constant 0.000000e+00 : f32
        %max3A_967 = vector.broadcast %max3A_966 : f32 to vector<16xf32>
        %max3A_968 = arith.maximumf %add3A_965, %max3A_967 : vector<16xf32>
        %jit3A_969 = arith.constant 0.000000e+00 : f32
        %broadcast_in_dim3A_970 = vector.broadcast %jit3A_969 : f32 to vector<16xf32>
        %select_n3A_971 = arith.select %ne3A_960, %max3A_968, %broadcast_in_dim3A_970 : vector<16xi1>, vector<16xf32>
        %add3A_972 = arith.addf %add3A_872, %select_n3A_971 : vector<16xf32>
        %jit3A_973 = arith.constant 1 : i32
        %jit3A_974 = arith.constant 0 : i32
        %broadcast_in_dim3A_975 = vector.broadcast %jit3A_973 : i32 to vector<16xi32>
        %broadcast_in_dim3A_976 = vector.broadcast %jit3A_974 : i32 to vector<16xi32>
        %select_n3A_977 = arith.select %ne3A_960, %broadcast_in_dim3A_975, %broadcast_in_dim3A_976 : vector<16xi1>, vector<16xi32>
        %add3A_978 = arith.addi %add3A_878, %select_n3A_977 : vector<16xi32>
        %get3A_979 = arith.index_cast %scan3A_141 : i32 to index
        %get3A_980 = arith.constant 480 : index
        %get3A_981 = tpu.vector_load %arg10[%get3A_979, %get3A_980] {strides = array<i32>} : memref<16x1000xi32, #tpu.memory_space<vmem>>, vector<16xi32>,
        %ne3A_982 = arith.constant -1 : i32
        %ne3A_983 = vector.broadcast %ne3A_982 : i32 to vector<16xi32>
        %ne3A_984 = arith.cmpi ne, %get3A_981, %ne3A_983 : vector<16xi32>
        %jit3A_985 = arith.constant 0 : i32
        %broadcast_in_dim3A_986 = vector.broadcast %jit3A_985 : i32 to vector<16xi32>
        %select_n3A_987 = arith.select %ne3A_984, %get3A_981, %broadcast_in_dim3A_986 : vector<16xi1>, vector<16xi32>
        %gather3A_988 = tpu.vector_load_idx %arg8[%broadcast_in_dim3A_150, %select_n3A_987] : memref<16x1000xf32, #tpu.memory_space<vmem>>[vector<16xi32>, vector<16xi32>], vector<16xf32>,
        %add3A_989 = arith.addf %gather3A_191, %gather3A_988 : vector<16xf32>
        %max3A_990 = arith.constant 0.000000e+00 : f32
        %max3A_991 = vector.broadcast %max3A_990 : f32 to vector<16xf32>
        %max3A_992 = arith.maximumf %add3A_989, %max3A_991 : vector<16xf32>
        %jit3A_993 = arith.constant 0.000000e+00 : f32
        %broadcast_in_dim3A_994 = vector.broadcast %jit3A_993 : f32 to vector<16xf32>
        %select_n3A_995 = arith.select %ne3A_984, %max3A_992, %broadcast_in_dim3A_994 : vector<16xi1>, vector<16xf32>
        %add3A_996 = arith.addf %add3A_896, %select_n3A_995 : vector<16xf32>
        %jit3A_997 = arith.constant 1 : i32
        %jit3A_998 = arith.constant 0 : i32
        %broadcast_in_dim3A_999 = vector.broadcast %jit3A_997 : i32 to vector<16xi32>
        %broadcast_in_dim3A_1000 = vector.broadcast %jit3A_998 : i32 to vector<16xi32>
        %select_n3A_1001 = arith.select %ne3A_984, %broadcast_in_dim3A_999, %broadcast_in_dim3A_1000 : vector<16xi1>, vector<16xi32>
        %add3A_1002 = arith.addi %add3A_902, %select_n3A_1001 : vector<16xi32>
        %ge3A_1003 = arith.constant 4 : i32
        %ge3A_1004 = vector.broadcast %ge3A_1003 : i32 to vector<16xi32>
        %ge3A_1005 = arith.cmpi sge, %iota3A, %ge3A_1004 : vector<16xi32>
        %select_n3A_1006 = arith.select %ge3A_1005, %gather3A_195, %gather3A_191 : vector<16xi1>, vector<16xf32>
        %get3A_1007 = arith.index_cast %scan3A_141 : i32 to index
        %get3A_1008 = arith.constant 496 : index
        %get3A_1009 = tpu.vector_load %arg10[%get3A_1007, %get3A_1008] {strides = array<i32>} : memref<16x1000xi32, #tpu.memory_space<vmem>>, vector<16xi32>,
        %ne3A_1010 = arith.constant -1 : i32
        %ne3A_1011 = vector.broadcast %ne3A_1010 : i32 to vector<16xi32>
        %ne3A_1012 = arith.cmpi ne, %get3A_1009, %ne3A_1011 : vector<16xi32>
        %jit3A_1013 = arith.constant 0 : i32
        %broadcast_in_dim3A_1014 = vector.broadcast %jit3A_1013 : i32 to vector<16xi32>
        %select_n3A_1015 = arith.select %ne3A_1012, %get3A_1009, %broadcast_in_dim3A_1014 : vector<16xi1>, vector<16xi32>
        %gather3A_1016 = tpu.vector_load_idx %arg8[%broadcast_in_dim3A_150, %select_n3A_1015] : memref<16x1000xf32, #tpu.memory_space<vmem>>[vector<16xi32>, vector<16xi32>], vector<16xf32>,
        %add3A_1017 = arith.addf %select_n3A_1006, %gather3A_1016 : vector<16xf32>
        %max3A_1018 = arith.constant 0.000000e+00 : f32
        %max3A_1019 = vector.broadcast %max3A_1018 : f32 to vector<16xf32>
        %max3A_1020 = arith.maximumf %add3A_1017, %max3A_1019 : vector<16xf32>
        %jit3A_1021 = arith.constant 0.000000e+00 : f32
        %broadcast_in_dim3A_1022 = vector.broadcast %jit3A_1021 : f32 to vector<16xf32>
        %select_n3A_1023 = arith.select %ne3A_1012, %max3A_1020, %broadcast_in_dim3A_1022 : vector<16xi1>, vector<16xf32>
        %add3A_1024 = arith.addf %add3A_920, %select_n3A_1023 : vector<16xf32>
        %jit3A_1025 = arith.constant 1 : i32
        %jit3A_1026 = arith.constant 0 : i32
        %broadcast_in_dim3A_1027 = vector.broadcast %jit3A_1025 : i32 to vector<16xi32>
        %broadcast_in_dim3A_1028 = vector.broadcast %jit3A_1026 : i32 to vector<16xi32>
        %select_n3A_1029 = arith.select %ne3A_1012, %broadcast_in_dim3A_1027, %broadcast_in_dim3A_1028 : vector<16xi1>, vector<16xi32>
        %add3A_1030 = arith.addi %add3A_926, %select_n3A_1029 : vector<16xi32>
        %get3A_1031 = arith.index_cast %scan3A_141 : i32 to index
        %get3A_1032 = arith.constant 512 : index
        %get3A_1033 = tpu.vector_load %arg10[%get3A_1031, %get3A_1032] {strides = array<i32>} : memref<16x1000xi32, #tpu.memory_space<vmem>>, vector<16xi32>,
        %ne3A_1034 = arith.constant -1 : i32
        %ne3A_1035 = vector.broadcast %ne3A_1034 : i32 to vector<16xi32>
        %ne3A_1036 = arith.cmpi ne, %get3A_1033, %ne3A_1035 : vector<16xi32>
        %jit3A_1037 = arith.constant 0 : i32
        %broadcast_in_dim3A_1038 = vector.broadcast %jit3A_1037 : i32 to vector<16xi32>
        %select_n3A_1039 = arith.select %ne3A_1036, %get3A_1033, %broadcast_in_dim3A_1038 : vector<16xi1>, vector<16xi32>
        %gather3A_1040 = tpu.vector_load_idx %arg8[%broadcast_in_dim3A_150, %select_n3A_1039] : memref<16x1000xf32, #tpu.memory_space<vmem>>[vector<16xi32>, vector<16xi32>], vector<16xf32>,
        %add3A_1041 = arith.addf %gather3A_195, %gather3A_1040 : vector<16xf32>
        %max3A_1042 = arith.constant 0.000000e+00 : f32
        %max3A_1043 = vector.broadcast %max3A_1042 : f32 to vector<16xf32>
        %max3A_1044 = arith.maximumf %add3A_1041, %max3A_1043 : vector<16xf32>
        %jit3A_1045 = arith.constant 0.000000e+00 : f32
        %broadcast_in_dim3A_1046 = vector.broadcast %jit3A_1045 : f32 to vector<16xf32>
        %select_n3A_1047 = arith.select %ne3A_1036, %max3A_1044, %broadcast_in_dim3A_1046 : vector<16xi1>, vector<16xf32>
        %add3A_1048 = arith.addf %add3A_948, %select_n3A_1047 : vector<16xf32>
        %jit3A_1049 = arith.constant 1 : i32
        %jit3A_1050 = arith.constant 0 : i32
        %broadcast_in_dim3A_1051 = vector.broadcast %jit3A_1049 : i32 to vector<16xi32>
        %broadcast_in_dim3A_1052 = vector.broadcast %jit3A_1050 : i32 to vector<16xi32>
        %select_n3A_1053 = arith.select %ne3A_1036, %broadcast_in_dim3A_1051, %broadcast_in_dim3A_1052 : vector<16xi1>, vector<16xi32>
        %add3A_1054 = arith.addi %add3A_954, %select_n3A_1053 : vector<16xi32>
        %get3A_1055 = arith.index_cast %scan3A_141 : i32 to index
        %get3A_1056 = arith.constant 528 : index
        %get3A_1057 = tpu.vector_load %arg10[%get3A_1055, %get3A_1056] {strides = array<i32>} : memref<16x1000xi32, #tpu.memory_space<vmem>>, vector<16xi32>,
        %ne3A_1058 = arith.constant -1 : i32
        %ne3A_1059 = vector.broadcast %ne3A_1058 : i32 to vector<16xi32>
        %ne3A_1060 = arith.cmpi ne, %get3A_1057, %ne3A_1059 : vector<16xi32>
        %jit3A_1061 = arith.constant 0 : i32
        %broadcast_in_dim3A_1062 = vector.broadcast %jit3A_1061 : i32 to vector<16xi32>
        %select_n3A_1063 = arith.select %ne3A_1060, %get3A_1057, %broadcast_in_dim3A_1062 : vector<16xi1>, vector<16xi32>
        %gather3A_1064 = tpu.vector_load_idx %arg8[%broadcast_in_dim3A_150, %select_n3A_1063] : memref<16x1000xf32, #tpu.memory_space<vmem>>[vector<16xi32>, vector<16xi32>], vector<16xf32>,
        %add3A_1065 = arith.addf %gather3A_195, %gather3A_1064 : vector<16xf32>
        %max3A_1066 = arith.constant 0.000000e+00 : f32
        %max3A_1067 = vector.broadcast %max3A_1066 : f32 to vector<16xf32>
        %max3A_1068 = arith.maximumf %add3A_1065, %max3A_1067 : vector<16xf32>
        %jit3A_1069 = arith.constant 0.000000e+00 : f32
        %broadcast_in_dim3A_1070 = vector.broadcast %jit3A_1069 : f32 to vector<16xf32>
        %select_n3A_1071 = arith.select %ne3A_1060, %max3A_1068, %broadcast_in_dim3A_1070 : vector<16xi1>, vector<16xf32>
        %add3A_1072 = arith.addf %add3A_972, %select_n3A_1071 : vector<16xf32>
        %jit3A_1073 = arith.constant 1 : i32
        %jit3A_1074 = arith.constant 0 : i32
        %broadcast_in_dim3A_1075 = vector.broadcast %jit3A_1073 : i32 to vector<16xi32>
        %broadcast_in_dim3A_1076 = vector.broadcast %jit3A_1074 : i32 to vector<16xi32>
        %select_n3A_1077 = arith.select %ne3A_1060, %broadcast_in_dim3A_1075, %broadcast_in_dim3A_1076 : vector<16xi1>, vector<16xi32>
        %add3A_1078 = arith.addi %add3A_978, %select_n3A_1077 : vector<16xi32>
        %ge3A_1079 = arith.constant 6 : i32
        %ge3A_1080 = vector.broadcast %ge3A_1079 : i32 to vector<16xi32>
        %ge3A_1081 = arith.cmpi sge, %iota3A, %ge3A_1080 : vector<16xi32>
        %select_n3A_1082 = arith.select %ge3A_1081, %gather3A_199, %gather3A_195 : vector<16xi1>, vector<16xf32>
        %get3A_1083 = arith.index_cast %scan3A_141 : i32 to index
        %get3A_1084 = arith.constant 544 : index
        %get3A_1085 = tpu.vector_load %arg10[%get3A_1083, %get3A_1084] {strides = array<i32>} : memref<16x1000xi32, #tpu.memory_space<vmem>>, vector<16xi32>,
        %ne3A_1086 = arith.constant -1 : i32
        %ne3A_1087 = vector.broadcast %ne3A_1086 : i32 to vector<16xi32>
        %ne3A_1088 = arith.cmpi ne, %get3A_1085, %ne3A_1087 : vector<16xi32>
        %jit3A_1089 = arith.constant 0 : i32
        %broadcast_in_dim3A_1090 = vector.broadcast %jit3A_1089 : i32 to vector<16xi32>
        %select_n3A_1091 = arith.select %ne3A_1088, %get3A_1085, %broadcast_in_dim3A_1090 : vector<16xi1>, vector<16xi32>
        %gather3A_1092 = tpu.vector_load_idx %arg8[%broadcast_in_dim3A_150, %select_n3A_1091] : memref<16x1000xf32, #tpu.memory_space<vmem>>[vector<16xi32>, vector<16xi32>], vector<16xf32>,
        %add3A_1093 = arith.addf %select_n3A_1082, %gather3A_1092 : vector<16xf32>
        %max3A_1094 = arith.constant 0.000000e+00 : f32
        %max3A_1095 = vector.broadcast %max3A_1094 : f32 to vector<16xf32>
        %max3A_1096 = arith.maximumf %add3A_1093, %max3A_1095 : vector<16xf32>
        %jit3A_1097 = arith.constant 0.000000e+00 : f32
        %broadcast_in_dim3A_1098 = vector.broadcast %jit3A_1097 : f32 to vector<16xf32>
        %select_n3A_1099 = arith.select %ne3A_1088, %max3A_1096, %broadcast_in_dim3A_1098 : vector<16xi1>, vector<16xf32>
        %add3A_1100 = arith.addf %add3A_996, %select_n3A_1099 : vector<16xf32>
        %jit3A_1101 = arith.constant 1 : i32
        %jit3A_1102 = arith.constant 0 : i32
        %broadcast_in_dim3A_1103 = vector.broadcast %jit3A_1101 : i32 to vector<16xi32>
        %broadcast_in_dim3A_1104 = vector.broadcast %jit3A_1102 : i32 to vector<16xi32>
        %select_n3A_1105 = arith.select %ne3A_1088, %broadcast_in_dim3A_1103, %broadcast_in_dim3A_1104 : vector<16xi1>, vector<16xi32>
        %add3A_1106 = arith.addi %add3A_1002, %select_n3A_1105 : vector<16xi32>
        %get3A_1107 = arith.index_cast %scan3A_141 : i32 to index
        %get3A_1108 = arith.constant 560 : index
        %get3A_1109 = tpu.vector_load %arg10[%get3A_1107, %get3A_1108] {strides = array<i32>} : memref<16x1000xi32, #tpu.memory_space<vmem>>, vector<16xi32>,
        %ne3A_1110 = arith.constant -1 : i32
        %ne3A_1111 = vector.broadcast %ne3A_1110 : i32 to vector<16xi32>
        %ne3A_1112 = arith.cmpi ne, %get3A_1109, %ne3A_1111 : vector<16xi32>
        %jit3A_1113 = arith.constant 0 : i32
        %broadcast_in_dim3A_1114 = vector.broadcast %jit3A_1113 : i32 to vector<16xi32>
        %select_n3A_1115 = arith.select %ne3A_1112, %get3A_1109, %broadcast_in_dim3A_1114 : vector<16xi1>, vector<16xi32>
        %gather3A_1116 = tpu.vector_load_idx %arg8[%broadcast_in_dim3A_150, %select_n3A_1115] : memref<16x1000xf32, #tpu.memory_space<vmem>>[vector<16xi32>, vector<16xi32>], vector<16xf32>,
        %add3A_1117 = arith.addf %gather3A_199, %gather3A_1116 : vector<16xf32>
        %max3A_1118 = arith.constant 0.000000e+00 : f32
        %max3A_1119 = vector.broadcast %max3A_1118 : f32 to vector<16xf32>
        %max3A_1120 = arith.maximumf %add3A_1117, %max3A_1119 : vector<16xf32>
        %jit3A_1121 = arith.constant 0.000000e+00 : f32
        %broadcast_in_dim3A_1122 = vector.broadcast %jit3A_1121 : f32 to vector<16xf32>
        %select_n3A_1123 = arith.select %ne3A_1112, %max3A_1120, %broadcast_in_dim3A_1122 : vector<16xi1>, vector<16xf32>
        %add3A_1124 = arith.addf %add3A_1024, %select_n3A_1123 : vector<16xf32>
        %jit3A_1125 = arith.constant 1 : i32
        %jit3A_1126 = arith.constant 0 : i32
        %broadcast_in_dim3A_1127 = vector.broadcast %jit3A_1125 : i32 to vector<16xi32>
        %broadcast_in_dim3A_1128 = vector.broadcast %jit3A_1126 : i32 to vector<16xi32>
        %select_n3A_1129 = arith.select %ne3A_1112, %broadcast_in_dim3A_1127, %broadcast_in_dim3A_1128 : vector<16xi1>, vector<16xi32>
        %add3A_1130 = arith.addi %add3A_1030, %select_n3A_1129 : vector<16xi32>
        %get3A_1131 = arith.index_cast %scan3A_141 : i32 to index
        %get3A_1132 = arith.constant 576 : index
        %get3A_1133 = tpu.vector_load %arg10[%get3A_1131, %get3A_1132] {strides = array<i32>} : memref<16x1000xi32, #tpu.memory_space<vmem>>, vector<16xi32>,
        %ne3A_1134 = arith.constant -1 : i32
        %ne3A_1135 = vector.broadcast %ne3A_1134 : i32 to vector<16xi32>
        %ne3A_1136 = arith.cmpi ne, %get3A_1133, %ne3A_1135 : vector<16xi32>
        %jit3A_1137 = arith.constant 0 : i32
        %broadcast_in_dim3A_1138 = vector.broadcast %jit3A_1137 : i32 to vector<16xi32>
        %select_n3A_1139 = arith.select %ne3A_1136, %get3A_1133, %broadcast_in_dim3A_1138 : vector<16xi1>, vector<16xi32>
        %gather3A_1140 = tpu.vector_load_idx %arg8[%broadcast_in_dim3A_150, %select_n3A_1139] : memref<16x1000xf32, #tpu.memory_space<vmem>>[vector<16xi32>, vector<16xi32>], vector<16xf32>,
        %add3A_1141 = arith.addf %gather3A_199, %gather3A_1140 : vector<16xf32>
        %max3A_1142 = arith.constant 0.000000e+00 : f32
        %max3A_1143 = vector.broadcast %max3A_1142 : f32 to vector<16xf32>
        %max3A_1144 = arith.maximumf %add3A_1141, %max3A_1143 : vector<16xf32>
        %jit3A_1145 = arith.constant 0.000000e+00 : f32
        %broadcast_in_dim3A_1146 = vector.broadcast %jit3A_1145 : f32 to vector<16xf32>
        %select_n3A_1147 = arith.select %ne3A_1136, %max3A_1144, %broadcast_in_dim3A_1146 : vector<16xi1>, vector<16xf32>
        %add3A_1148 = arith.addf %add3A_1048, %select_n3A_1147 : vector<16xf32>
        %jit3A_1149 = arith.constant 1 : i32
        %jit3A_1150 = arith.constant 0 : i32
        %broadcast_in_dim3A_1151 = vector.broadcast %jit3A_1149 : i32 to vector<16xi32>
        %broadcast_in_dim3A_1152 = vector.broadcast %jit3A_1150 : i32 to vector<16xi32>
        %select_n3A_1153 = arith.select %ne3A_1136, %broadcast_in_dim3A_1151, %broadcast_in_dim3A_1152 : vector<16xi1>, vector<16xi32>
        %add3A_1154 = arith.addi %add3A_1054, %select_n3A_1153 : vector<16xi32>
        %ge3A_1155 = arith.constant 8 : i32
        %ge3A_1156 = vector.broadcast %ge3A_1155 : i32 to vector<16xi32>
        %ge3A_1157 = arith.cmpi sge, %iota3A, %ge3A_1156 : vector<16xi32>
        %select_n3A_1158 = arith.select %ge3A_1157, %gather3A_203, %gather3A_199 : vector<16xi1>, vector<16xf32>
        %get3A_1159 = arith.index_cast %scan3A_141 : i32 to index
        %get3A_1160 = arith.constant 592 : index
        %get3A_1161 = tpu.vector_load %arg10[%get3A_1159, %get3A_1160] {strides = array<i32>} : memref<16x1000xi32, #tpu.memory_space<vmem>>, vector<16xi32>,
        %ne3A_1162 = arith.constant -1 : i32
        %ne3A_1163 = vector.broadcast %ne3A_1162 : i32 to vector<16xi32>
        %ne3A_1164 = arith.cmpi ne, %get3A_1161, %ne3A_1163 : vector<16xi32>
        %jit3A_1165 = arith.constant 0 : i32
        %broadcast_in_dim3A_1166 = vector.broadcast %jit3A_1165 : i32 to vector<16xi32>
        %select_n3A_1167 = arith.select %ne3A_1164, %get3A_1161, %broadcast_in_dim3A_1166 : vector<16xi1>, vector<16xi32>
        %gather3A_1168 = tpu.vector_load_idx %arg8[%broadcast_in_dim3A_150, %select_n3A_1167] : memref<16x1000xf32, #tpu.memory_space<vmem>>[vector<16xi32>, vector<16xi32>], vector<16xf32>,
        %add3A_1169 = arith.addf %select_n3A_1158, %gather3A_1168 : vector<16xf32>
        %max3A_1170 = arith.constant 0.000000e+00 : f32
        %max3A_1171 = vector.broadcast %max3A_1170 : f32 to vector<16xf32>
        %max3A_1172 = arith.maximumf %add3A_1169, %max3A_1171 : vector<16xf32>
        %jit3A_1173 = arith.constant 0.000000e+00 : f32
        %broadcast_in_dim3A_1174 = vector.broadcast %jit3A_1173 : f32 to vector<16xf32>
        %select_n3A_1175 = arith.select %ne3A_1164, %max3A_1172, %broadcast_in_dim3A_1174 : vector<16xi1>, vector<16xf32>
        %add3A_1176 = arith.addf %add3A_1072, %select_n3A_1175 : vector<16xf32>
        %jit3A_1177 = arith.constant 1 : i32
        %jit3A_1178 = arith.constant 0 : i32
        %broadcast_in_dim3A_1179 = vector.broadcast %jit3A_1177 : i32 to vector<16xi32>
        %broadcast_in_dim3A_1180 = vector.broadcast %jit3A_1178 : i32 to vector<16xi32>
        %select_n3A_1181 = arith.select %ne3A_1164, %broadcast_in_dim3A_1179, %broadcast_in_dim3A_1180 : vector<16xi1>, vector<16xi32>
        %add3A_1182 = arith.addi %add3A_1078, %select_n3A_1181 : vector<16xi32>
        %get3A_1183 = arith.index_cast %scan3A_141 : i32 to index
        %get3A_1184 = arith.constant 608 : index
        %get3A_1185 = tpu.vector_load %arg10[%get3A_1183, %get3A_1184] {strides = array<i32>} : memref<16x1000xi32, #tpu.memory_space<vmem>>, vector<16xi32>,
        %ne3A_1186 = arith.constant -1 : i32
        %ne3A_1187 = vector.broadcast %ne3A_1186 : i32 to vector<16xi32>
        %ne3A_1188 = arith.cmpi ne, %get3A_1185, %ne3A_1187 : vector<16xi32>
        %jit3A_1189 = arith.constant 0 : i32
        %broadcast_in_dim3A_1190 = vector.broadcast %jit3A_1189 : i32 to vector<16xi32>
        %select_n3A_1191 = arith.select %ne3A_1188, %get3A_1185, %broadcast_in_dim3A_1190 : vector<16xi1>, vector<16xi32>
        %gather3A_1192 = tpu.vector_load_idx %arg8[%broadcast_in_dim3A_150, %select_n3A_1191] : memref<16x1000xf32, #tpu.memory_space<vmem>>[vector<16xi32>, vector<16xi32>], vector<16xf32>,
        %add3A_1193 = arith.addf %gather3A_203, %gather3A_1192 : vector<16xf32>
        %max3A_1194 = arith.constant 0.000000e+00 : f32
        %max3A_1195 = vector.broadcast %max3A_1194 : f32 to vector<16xf32>
        %max3A_1196 = arith.maximumf %add3A_1193, %max3A_1195 : vector<16xf32>
        %jit3A_1197 = arith.constant 0.000000e+00 : f32
        %broadcast_in_dim3A_1198 = vector.broadcast %jit3A_1197 : f32 to vector<16xf32>
        %select_n3A_1199 = arith.select %ne3A_1188, %max3A_1196, %broadcast_in_dim3A_1198 : vector<16xi1>, vector<16xf32>
        %add3A_1200 = arith.addf %add3A_1100, %select_n3A_1199 : vector<16xf32>
        %jit3A_1201 = arith.constant 1 : i32
        %jit3A_1202 = arith.constant 0 : i32
        %broadcast_in_dim3A_1203 = vector.broadcast %jit3A_1201 : i32 to vector<16xi32>
        %broadcast_in_dim3A_1204 = vector.broadcast %jit3A_1202 : i32 to vector<16xi32>
        %select_n3A_1205 = arith.select %ne3A_1188, %broadcast_in_dim3A_1203, %broadcast_in_dim3A_1204 : vector<16xi1>, vector<16xi32>
        %add3A_1206 = arith.addi %add3A_1106, %select_n3A_1205 : vector<16xi32>
        %get3A_1207 = arith.index_cast %scan3A_141 : i32 to index
        %get3A_1208 = arith.constant 624 : index
        %get3A_1209 = tpu.vector_load %arg10[%get3A_1207, %get3A_1208] {strides = array<i32>} : memref<16x1000xi32, #tpu.memory_space<vmem>>, vector<16xi32>,
        %ne3A_1210 = arith.constant -1 : i32
        %ne3A_1211 = vector.broadcast %ne3A_1210 : i32 to vector<16xi32>
        %ne3A_1212 = arith.cmpi ne, %get3A_1209, %ne3A_1211 : vector<16xi32>
        %jit3A_1213 = arith.constant 0 : i32
        %broadcast_in_dim3A_1214 = vector.broadcast %jit3A_1213 : i32 to vector<16xi32>
        %select_n3A_1215 = arith.select %ne3A_1212, %get3A_1209, %broadcast_in_dim3A_1214 : vector<16xi1>, vector<16xi32>
        %gather3A_1216 = tpu.vector_load_idx %arg8[%broadcast_in_dim3A_150, %select_n3A_1215] : memref<16x1000xf32, #tpu.memory_space<vmem>>[vector<16xi32>, vector<16xi32>], vector<16xf32>,
        %add3A_1217 = arith.addf %gather3A_203, %gather3A_1216 : vector<16xf32>
        %max3A_1218 = arith.constant 0.000000e+00 : f32
        %max3A_1219 = vector.broadcast %max3A_1218 : f32 to vector<16xf32>
        %max3A_1220 = arith.maximumf %add3A_1217, %max3A_1219 : vector<16xf32>
        %jit3A_1221 = arith.constant 0.000000e+00 : f32
        %broadcast_in_dim3A_1222 = vector.broadcast %jit3A_1221 : f32 to vector<16xf32>
        %select_n3A_1223 = arith.select %ne3A_1212, %max3A_1220, %broadcast_in_dim3A_1222 : vector<16xi1>, vector<16xf32>
        %add3A_1224 = arith.addf %add3A_1124, %select_n3A_1223 : vector<16xf32>
        %jit3A_1225 = arith.constant 1 : i32
        %jit3A_1226 = arith.constant 0 : i32
        %broadcast_in_dim3A_1227 = vector.broadcast %jit3A_1225 : i32 to vector<16xi32>
        %broadcast_in_dim3A_1228 = vector.broadcast %jit3A_1226 : i32 to vector<16xi32>
        %select_n3A_1229 = arith.select %ne3A_1212, %broadcast_in_dim3A_1227, %broadcast_in_dim3A_1228 : vector<16xi1>, vector<16xi32>
        %add3A_1230 = arith.addi %add3A_1130, %select_n3A_1229 : vector<16xi32>
        %ge3A_1231 = arith.constant 10 : i32
        %ge3A_1232 = vector.broadcast %ge3A_1231 : i32 to vector<16xi32>
        %ge3A_1233 = arith.cmpi sge, %iota3A, %ge3A_1232 : vector<16xi32>
        %select_n3A_1234 = arith.select %ge3A_1233, %gather3A_207, %gather3A_203 : vector<16xi1>, vector<16xf32>
        %get3A_1235 = arith.index_cast %scan3A_141 : i32 to index
        %get3A_1236 = arith.constant 640 : index
        %get3A_1237 = tpu.vector_load %arg10[%get3A_1235, %get3A_1236] {strides = array<i32>} : memref<16x1000xi32, #tpu.memory_space<vmem>>, vector<16xi32>,
        %ne3A_1238 = arith.constant -1 : i32
        %ne3A_1239 = vector.broadcast %ne3A_1238 : i32 to vector<16xi32>
        %ne3A_1240 = arith.cmpi ne, %get3A_1237, %ne3A_1239 : vector<16xi32>
        %jit3A_1241 = arith.constant 0 : i32
        %broadcast_in_dim3A_1242 = vector.broadcast %jit3A_1241 : i32 to vector<16xi32>
        %select_n3A_1243 = arith.select %ne3A_1240, %get3A_1237, %broadcast_in_dim3A_1242 : vector<16xi1>, vector<16xi32>
        %gather3A_1244 = tpu.vector_load_idx %arg8[%broadcast_in_dim3A_150, %select_n3A_1243] : memref<16x1000xf32, #tpu.memory_space<vmem>>[vector<16xi32>, vector<16xi32>], vector<16xf32>,
        %add3A_1245 = arith.addf %select_n3A_1234, %gather3A_1244 : vector<16xf32>
        %max3A_1246 = arith.constant 0.000000e+00 : f32
        %max3A_1247 = vector.broadcast %max3A_1246 : f32 to vector<16xf32>
        %max3A_1248 = arith.maximumf %add3A_1245, %max3A_1247 : vector<16xf32>
        %jit3A_1249 = arith.constant 0.000000e+00 : f32
        %broadcast_in_dim3A_1250 = vector.broadcast %jit3A_1249 : f32 to vector<16xf32>
        %select_n3A_1251 = arith.select %ne3A_1240, %max3A_1248, %broadcast_in_dim3A_1250 : vector<16xi1>, vector<16xf32>
        %add3A_1252 = arith.addf %add3A_1148, %select_n3A_1251 : vector<16xf32>
        %jit3A_1253 = arith.constant 1 : i32
        %jit3A_1254 = arith.constant 0 : i32
        %broadcast_in_dim3A_1255 = vector.broadcast %jit3A_1253 : i32 to vector<16xi32>
        %broadcast_in_dim3A_1256 = vector.broadcast %jit3A_1254 : i32 to vector<16xi32>
        %select_n3A_1257 = arith.select %ne3A_1240, %broadcast_in_dim3A_1255, %broadcast_in_dim3A_1256 : vector<16xi1>, vector<16xi32>
        %add3A_1258 = arith.addi %add3A_1154, %select_n3A_1257 : vector<16xi32>
        %get3A_1259 = arith.index_cast %scan3A_141 : i32 to index
        %get3A_1260 = arith.constant 656 : index
        %get3A_1261 = tpu.vector_load %arg10[%get3A_1259, %get3A_1260] {strides = array<i32>} : memref<16x1000xi32, #tpu.memory_space<vmem>>, vector<16xi32>,
        %ne3A_1262 = arith.constant -1 : i32
        %ne3A_1263 = vector.broadcast %ne3A_1262 : i32 to vector<16xi32>
        %ne3A_1264 = arith.cmpi ne, %get3A_1261, %ne3A_1263 : vector<16xi32>
        %jit3A_1265 = arith.constant 0 : i32
        %broadcast_in_dim3A_1266 = vector.broadcast %jit3A_1265 : i32 to vector<16xi32>
        %select_n3A_1267 = arith.select %ne3A_1264, %get3A_1261, %broadcast_in_dim3A_1266 : vector<16xi1>, vector<16xi32>
        %gather3A_1268 = tpu.vector_load_idx %arg8[%broadcast_in_dim3A_150, %select_n3A_1267] : memref<16x1000xf32, #tpu.memory_space<vmem>>[vector<16xi32>, vector<16xi32>], vector<16xf32>,
        %add3A_1269 = arith.addf %gather3A_207, %gather3A_1268 : vector<16xf32>
        %max3A_1270 = arith.constant 0.000000e+00 : f32
        %max3A_1271 = vector.broadcast %max3A_1270 : f32 to vector<16xf32>
        %max3A_1272 = arith.maximumf %add3A_1269, %max3A_1271 : vector<16xf32>
        %jit3A_1273 = arith.constant 0.000000e+00 : f32
        %broadcast_in_dim3A_1274 = vector.broadcast %jit3A_1273 : f32 to vector<16xf32>
        %select_n3A_1275 = arith.select %ne3A_1264, %max3A_1272, %broadcast_in_dim3A_1274 : vector<16xi1>, vector<16xf32>
        %add3A_1276 = arith.addf %add3A_1176, %select_n3A_1275 : vector<16xf32>
        %jit3A_1277 = arith.constant 1 : i32
        %jit3A_1278 = arith.constant 0 : i32
        %broadcast_in_dim3A_1279 = vector.broadcast %jit3A_1277 : i32 to vector<16xi32>
        %broadcast_in_dim3A_1280 = vector.broadcast %jit3A_1278 : i32 to vector<16xi32>
        %select_n3A_1281 = arith.select %ne3A_1264, %broadcast_in_dim3A_1279, %broadcast_in_dim3A_1280 : vector<16xi1>, vector<16xi32>
        %add3A_1282 = arith.addi %add3A_1182, %select_n3A_1281 : vector<16xi32>
        %get3A_1283 = arith.index_cast %scan3A_141 : i32 to index
        %get3A_1284 = arith.constant 672 : index
        %get3A_1285 = tpu.vector_load %arg10[%get3A_1283, %get3A_1284] {strides = array<i32>} : memref<16x1000xi32, #tpu.memory_space<vmem>>, vector<16xi32>,
        %ne3A_1286 = arith.constant -1 : i32
        %ne3A_1287 = vector.broadcast %ne3A_1286 : i32 to vector<16xi32>
        %ne3A_1288 = arith.cmpi ne, %get3A_1285, %ne3A_1287 : vector<16xi32>
        %jit3A_1289 = arith.constant 0 : i32
        %broadcast_in_dim3A_1290 = vector.broadcast %jit3A_1289 : i32 to vector<16xi32>
        %select_n3A_1291 = arith.select %ne3A_1288, %get3A_1285, %broadcast_in_dim3A_1290 : vector<16xi1>, vector<16xi32>
        %gather3A_1292 = tpu.vector_load_idx %arg8[%broadcast_in_dim3A_150, %select_n3A_1291] : memref<16x1000xf32, #tpu.memory_space<vmem>>[vector<16xi32>, vector<16xi32>], vector<16xf32>,
        %add3A_1293 = arith.addf %gather3A_207, %gather3A_1292 : vector<16xf32>
        %max3A_1294 = arith.constant 0.000000e+00 : f32
        %max3A_1295 = vector.broadcast %max3A_1294 : f32 to vector<16xf32>
        %max3A_1296 = arith.maximumf %add3A_1293, %max3A_1295 : vector<16xf32>
        %jit3A_1297 = arith.constant 0.000000e+00 : f32
        %broadcast_in_dim3A_1298 = vector.broadcast %jit3A_1297 : f32 to vector<16xf32>
        %select_n3A_1299 = arith.select %ne3A_1288, %max3A_1296, %broadcast_in_dim3A_1298 : vector<16xi1>, vector<16xf32>
        %add3A_1300 = arith.addf %add3A_1200, %select_n3A_1299 : vector<16xf32>
        %jit3A_1301 = arith.constant 1 : i32
        %jit3A_1302 = arith.constant 0 : i32
        %broadcast_in_dim3A_1303 = vector.broadcast %jit3A_1301 : i32 to vector<16xi32>
        %broadcast_in_dim3A_1304 = vector.broadcast %jit3A_1302 : i32 to vector<16xi32>
        %select_n3A_1305 = arith.select %ne3A_1288, %broadcast_in_dim3A_1303, %broadcast_in_dim3A_1304 : vector<16xi1>, vector<16xi32>
        %add3A_1306 = arith.addi %add3A_1206, %select_n3A_1305 : vector<16xi32>
        %ge3A_1307 = arith.constant 12 : i32
        %ge3A_1308 = vector.broadcast %ge3A_1307 : i32 to vector<16xi32>
        %ge3A_1309 = arith.cmpi sge, %iota3A, %ge3A_1308 : vector<16xi32>
        %select_n3A_1310 = arith.select %ge3A_1309, %gather3A_211, %gather3A_207 : vector<16xi1>, vector<16xf32>
        %get3A_1311 = arith.index_cast %scan3A_141 : i32 to index
        %get3A_1312 = arith.constant 688 : index
        %get3A_1313 = tpu.vector_load %arg10[%get3A_1311, %get3A_1312] {strides = array<i32>} : memref<16x1000xi32, #tpu.memory_space<vmem>>, vector<16xi32>,
        %ne3A_1314 = arith.constant -1 : i32
        %ne3A_1315 = vector.broadcast %ne3A_1314 : i32 to vector<16xi32>
        %ne3A_1316 = arith.cmpi ne, %get3A_1313, %ne3A_1315 : vector<16xi32>
        %jit3A_1317 = arith.constant 0 : i32
        %broadcast_in_dim3A_1318 = vector.broadcast %jit3A_1317 : i32 to vector<16xi32>
        %select_n3A_1319 = arith.select %ne3A_1316, %get3A_1313, %broadcast_in_dim3A_1318 : vector<16xi1>, vector<16xi32>
        %gather3A_1320 = tpu.vector_load_idx %arg8[%broadcast_in_dim3A_150, %select_n3A_1319] : memref<16x1000xf32, #tpu.memory_space<vmem>>[vector<16xi32>, vector<16xi32>], vector<16xf32>,
        %add3A_1321 = arith.addf %select_n3A_1310, %gather3A_1320 : vector<16xf32>
        %max3A_1322 = arith.constant 0.000000e+00 : f32
        %max3A_1323 = vector.broadcast %max3A_1322 : f32 to vector<16xf32>
        %max3A_1324 = arith.maximumf %add3A_1321, %max3A_1323 : vector<16xf32>
        %jit3A_1325 = arith.constant 0.000000e+00 : f32
        %broadcast_in_dim3A_1326 = vector.broadcast %jit3A_1325 : f32 to vector<16xf32>
        %select_n3A_1327 = arith.select %ne3A_1316, %max3A_1324, %broadcast_in_dim3A_1326 : vector<16xi1>, vector<16xf32>
        %add3A_1328 = arith.addf %add3A_1224, %select_n3A_1327 : vector<16xf32>
        %jit3A_1329 = arith.constant 1 : i32
        %jit3A_1330 = arith.constant 0 : i32
        %broadcast_in_dim3A_1331 = vector.broadcast %jit3A_1329 : i32 to vector<16xi32>
        %broadcast_in_dim3A_1332 = vector.broadcast %jit3A_1330 : i32 to vector<16xi32>
        %select_n3A_1333 = arith.select %ne3A_1316, %broadcast_in_dim3A_1331, %broadcast_in_dim3A_1332 : vector<16xi1>, vector<16xi32>
        %add3A_1334 = arith.addi %add3A_1230, %select_n3A_1333 : vector<16xi32>
        %get3A_1335 = arith.index_cast %scan3A_141 : i32 to index
        %get3A_1336 = arith.constant 704 : index
        %get3A_1337 = tpu.vector_load %arg10[%get3A_1335, %get3A_1336] {strides = array<i32>} : memref<16x1000xi32, #tpu.memory_space<vmem>>, vector<16xi32>,
        %ne3A_1338 = arith.constant -1 : i32
        %ne3A_1339 = vector.broadcast %ne3A_1338 : i32 to vector<16xi32>
        %ne3A_1340 = arith.cmpi ne, %get3A_1337, %ne3A_1339 : vector<16xi32>
        %jit3A_1341 = arith.constant 0 : i32
        %broadcast_in_dim3A_1342 = vector.broadcast %jit3A_1341 : i32 to vector<16xi32>
        %select_n3A_1343 = arith.select %ne3A_1340, %get3A_1337, %broadcast_in_dim3A_1342 : vector<16xi1>, vector<16xi32>
        %gather3A_1344 = tpu.vector_load_idx %arg8[%broadcast_in_dim3A_150, %select_n3A_1343] : memref<16x1000xf32, #tpu.memory_space<vmem>>[vector<16xi32>, vector<16xi32>], vector<16xf32>,
        %add3A_1345 = arith.addf %gather3A_211, %gather3A_1344 : vector<16xf32>
        %max3A_1346 = arith.constant 0.000000e+00 : f32
        %max3A_1347 = vector.broadcast %max3A_1346 : f32 to vector<16xf32>
        %max3A_1348 = arith.maximumf %add3A_1345, %max3A_1347 : vector<16xf32>
        %jit3A_1349 = arith.constant 0.000000e+00 : f32
        %broadcast_in_dim3A_1350 = vector.broadcast %jit3A_1349 : f32 to vector<16xf32>
        %select_n3A_1351 = arith.select %ne3A_1340, %max3A_1348, %broadcast_in_dim3A_1350 : vector<16xi1>, vector<16xf32>
        %add3A_1352 = arith.addf %add3A_1252, %select_n3A_1351 : vector<16xf32>
        %jit3A_1353 = arith.constant 1 : i32
        %jit3A_1354 = arith.constant 0 : i32
        %broadcast_in_dim3A_1355 = vector.broadcast %jit3A_1353 : i32 to vector<16xi32>
        %broadcast_in_dim3A_1356 = vector.broadcast %jit3A_1354 : i32 to vector<16xi32>
        %select_n3A_1357 = arith.select %ne3A_1340, %broadcast_in_dim3A_1355, %broadcast_in_dim3A_1356 : vector<16xi1>, vector<16xi32>
        %add3A_1358 = arith.addi %add3A_1258, %select_n3A_1357 : vector<16xi32>
        %get3A_1359 = arith.index_cast %scan3A_141 : i32 to index
        %get3A_1360 = arith.constant 720 : index
        %get3A_1361 = tpu.vector_load %arg10[%get3A_1359, %get3A_1360] {strides = array<i32>} : memref<16x1000xi32, #tpu.memory_space<vmem>>, vector<16xi32>,
        %ne3A_1362 = arith.constant -1 : i32
        %ne3A_1363 = vector.broadcast %ne3A_1362 : i32 to vector<16xi32>
        %ne3A_1364 = arith.cmpi ne, %get3A_1361, %ne3A_1363 : vector<16xi32>
        %jit3A_1365 = arith.constant 0 : i32
        %broadcast_in_dim3A_1366 = vector.broadcast %jit3A_1365 : i32 to vector<16xi32>
        %select_n3A_1367 = arith.select %ne3A_1364, %get3A_1361, %broadcast_in_dim3A_1366 : vector<16xi1>, vector<16xi32>
        %gather3A_1368 = tpu.vector_load_idx %arg8[%broadcast_in_dim3A_150, %select_n3A_1367] : memref<16x1000xf32, #tpu.memory_space<vmem>>[vector<16xi32>, vector<16xi32>], vector<16xf32>,
        %add3A_1369 = arith.addf %gather3A_211, %gather3A_1368 : vector<16xf32>
        %max3A_1370 = arith.constant 0.000000e+00 : f32
        %max3A_1371 = vector.broadcast %max3A_1370 : f32 to vector<16xf32>
        %max3A_1372 = arith.maximumf %add3A_1369, %max3A_1371 : vector<16xf32>
        %jit3A_1373 = arith.constant 0.000000e+00 : f32
        %broadcast_in_dim3A_1374 = vector.broadcast %jit3A_1373 : f32 to vector<16xf32>
        %select_n3A_1375 = arith.select %ne3A_1364, %max3A_1372, %broadcast_in_dim3A_1374 : vector<16xi1>, vector<16xf32>
        %add3A_1376 = arith.addf %add3A_1276, %select_n3A_1375 : vector<16xf32>
        %jit3A_1377 = arith.constant 1 : i32
        %jit3A_1378 = arith.constant 0 : i32
        %broadcast_in_dim3A_1379 = vector.broadcast %jit3A_1377 : i32 to vector<16xi32>
        %broadcast_in_dim3A_1380 = vector.broadcast %jit3A_1378 : i32 to vector<16xi32>
        %select_n3A_1381 = arith.select %ne3A_1364, %broadcast_in_dim3A_1379, %broadcast_in_dim3A_1380 : vector<16xi1>, vector<16xi32>
        %add3A_1382 = arith.addi %add3A_1282, %select_n3A_1381 : vector<16xi32>
        %ge3A_1383 = arith.constant 14 : i32
        %ge3A_1384 = vector.broadcast %ge3A_1383 : i32 to vector<16xi32>
        %ge3A_1385 = arith.cmpi sge, %iota3A, %ge3A_1384 : vector<16xi32>
        %select_n3A_1386 = arith.select %ge3A_1385, %gather3A_215, %gather3A_211 : vector<16xi1>, vector<16xf32>
        %get3A_1387 = arith.index_cast %scan3A_141 : i32 to index
        %get3A_1388 = arith.constant 736 : index
        %get3A_1389 = tpu.vector_load %arg10[%get3A_1387, %get3A_1388] {strides = array<i32>} : memref<16x1000xi32, #tpu.memory_space<vmem>>, vector<16xi32>,
        %ne3A_1390 = arith.constant -1 : i32
        %ne3A_1391 = vector.broadcast %ne3A_1390 : i32 to vector<16xi32>
        %ne3A_1392 = arith.cmpi ne, %get3A_1389, %ne3A_1391 : vector<16xi32>
        %jit3A_1393 = arith.constant 0 : i32
        %broadcast_in_dim3A_1394 = vector.broadcast %jit3A_1393 : i32 to vector<16xi32>
        %select_n3A_1395 = arith.select %ne3A_1392, %get3A_1389, %broadcast_in_dim3A_1394 : vector<16xi1>, vector<16xi32>
        %gather3A_1396 = tpu.vector_load_idx %arg8[%broadcast_in_dim3A_150, %select_n3A_1395] : memref<16x1000xf32, #tpu.memory_space<vmem>>[vector<16xi32>, vector<16xi32>], vector<16xf32>,
        %add3A_1397 = arith.addf %select_n3A_1386, %gather3A_1396 : vector<16xf32>
        %max3A_1398 = arith.constant 0.000000e+00 : f32
        %max3A_1399 = vector.broadcast %max3A_1398 : f32 to vector<16xf32>
        %max3A_1400 = arith.maximumf %add3A_1397, %max3A_1399 : vector<16xf32>
        %jit3A_1401 = arith.constant 0.000000e+00 : f32
        %broadcast_in_dim3A_1402 = vector.broadcast %jit3A_1401 : f32 to vector<16xf32>
        %select_n3A_1403 = arith.select %ne3A_1392, %max3A_1400, %broadcast_in_dim3A_1402 : vector<16xi1>, vector<16xf32>
        %add3A_1404 = arith.addf %add3A_1300, %select_n3A_1403 : vector<16xf32>
        %jit3A_1405 = arith.constant 1 : i32
        %jit3A_1406 = arith.constant 0 : i32
        %broadcast_in_dim3A_1407 = vector.broadcast %jit3A_1405 : i32 to vector<16xi32>
        %broadcast_in_dim3A_1408 = vector.broadcast %jit3A_1406 : i32 to vector<16xi32>
        %select_n3A_1409 = arith.select %ne3A_1392, %broadcast_in_dim3A_1407, %broadcast_in_dim3A_1408 : vector<16xi1>, vector<16xi32>
        %add3A_1410 = arith.addi %add3A_1306, %select_n3A_1409 : vector<16xi32>
        %get3A_1411 = arith.index_cast %scan3A_141 : i32 to index
        %get3A_1412 = arith.constant 752 : index
        %get3A_1413 = tpu.vector_load %arg10[%get3A_1411, %get3A_1412] {strides = array<i32>} : memref<16x1000xi32, #tpu.memory_space<vmem>>, vector<16xi32>,
        %ne3A_1414 = arith.constant -1 : i32
        %ne3A_1415 = vector.broadcast %ne3A_1414 : i32 to vector<16xi32>
        %ne3A_1416 = arith.cmpi ne, %get3A_1413, %ne3A_1415 : vector<16xi32>
        %jit3A_1417 = arith.constant 0 : i32
        %broadcast_in_dim3A_1418 = vector.broadcast %jit3A_1417 : i32 to vector<16xi32>
        %select_n3A_1419 = arith.select %ne3A_1416, %get3A_1413, %broadcast_in_dim3A_1418 : vector<16xi1>, vector<16xi32>
        %gather3A_1420 = tpu.vector_load_idx %arg8[%broadcast_in_dim3A_150, %select_n3A_1419] : memref<16x1000xf32, #tpu.memory_space<vmem>>[vector<16xi32>, vector<16xi32>], vector<16xf32>,
        %add3A_1421 = arith.addf %gather3A_215, %gather3A_1420 : vector<16xf32>
        %max3A_1422 = arith.constant 0.000000e+00 : f32
        %max3A_1423 = vector.broadcast %max3A_1422 : f32 to vector<16xf32>
        %max3A_1424 = arith.maximumf %add3A_1421, %max3A_1423 : vector<16xf32>
        %jit3A_1425 = arith.constant 0.000000e+00 : f32
        %broadcast_in_dim3A_1426 = vector.broadcast %jit3A_1425 : f32 to vector<16xf32>
        %select_n3A_1427 = arith.select %ne3A_1416, %max3A_1424, %broadcast_in_dim3A_1426 : vector<16xi1>, vector<16xf32>
        %add3A_1428 = arith.addf %add3A_1328, %select_n3A_1427 : vector<16xf32>
        %jit3A_1429 = arith.constant 1 : i32
        %jit3A_1430 = arith.constant 0 : i32
        %broadcast_in_dim3A_1431 = vector.broadcast %jit3A_1429 : i32 to vector<16xi32>
        %broadcast_in_dim3A_1432 = vector.broadcast %jit3A_1430 : i32 to vector<16xi32>
        %select_n3A_1433 = arith.select %ne3A_1416, %broadcast_in_dim3A_1431, %broadcast_in_dim3A_1432 : vector<16xi1>, vector<16xi32>
        %add3A_1434 = arith.addi %add3A_1334, %select_n3A_1433 : vector<16xi32>
        %get3A_1435 = arith.index_cast %scan3A_141 : i32 to index
        %get3A_1436 = arith.constant 768 : index
        %get3A_1437 = tpu.vector_load %arg10[%get3A_1435, %get3A_1436] {strides = array<i32>} : memref<16x1000xi32, #tpu.memory_space<vmem>>, vector<16xi32>,
        %ne3A_1438 = arith.constant -1 : i32
        %ne3A_1439 = vector.broadcast %ne3A_1438 : i32 to vector<16xi32>
        %ne3A_1440 = arith.cmpi ne, %get3A_1437, %ne3A_1439 : vector<16xi32>
        %jit3A_1441 = arith.constant 0 : i32
        %broadcast_in_dim3A_1442 = vector.broadcast %jit3A_1441 : i32 to vector<16xi32>
        %select_n3A_1443 = arith.select %ne3A_1440, %get3A_1437, %broadcast_in_dim3A_1442 : vector<16xi1>, vector<16xi32>
        %gather3A_1444 = tpu.vector_load_idx %arg8[%broadcast_in_dim3A_150, %select_n3A_1443] : memref<16x1000xf32, #tpu.memory_space<vmem>>[vector<16xi32>, vector<16xi32>], vector<16xf32>,
        %add3A_1445 = arith.addf %gather3A_215, %gather3A_1444 : vector<16xf32>
        %max3A_1446 = arith.constant 0.000000e+00 : f32
        %max3A_1447 = vector.broadcast %max3A_1446 : f32 to vector<16xf32>
        %max3A_1448 = arith.maximumf %add3A_1445, %max3A_1447 : vector<16xf32>
        %jit3A_1449 = arith.constant 0.000000e+00 : f32
        %broadcast_in_dim3A_1450 = vector.broadcast %jit3A_1449 : f32 to vector<16xf32>
        %select_n3A_1451 = arith.select %ne3A_1440, %max3A_1448, %broadcast_in_dim3A_1450 : vector<16xi1>, vector<16xf32>
        %add3A_1452 = arith.addf %add3A_1352, %select_n3A_1451 : vector<16xf32>
        %jit3A_1453 = arith.constant 1 : i32
        %jit3A_1454 = arith.constant 0 : i32
        %broadcast_in_dim3A_1455 = vector.broadcast %jit3A_1453 : i32 to vector<16xi32>
        %broadcast_in_dim3A_1456 = vector.broadcast %jit3A_1454 : i32 to vector<16xi32>
        %select_n3A_1457 = arith.select %ne3A_1440, %broadcast_in_dim3A_1455, %broadcast_in_dim3A_1456 : vector<16xi1>, vector<16xi32>
        %add3A_1458 = arith.addi %add3A_1358, %select_n3A_1457 : vector<16xi32>
        %get3A_1459 = arith.index_cast %scan3A_141 : i32 to index
        %get3A_1460 = arith.constant 784 : index
        %get3A_1461 = tpu.vector_load %arg10[%get3A_1459, %get3A_1460] {strides = array<i32>} : memref<16x1000xi32, #tpu.memory_space<vmem>>, vector<16xi32>,
        %ne3A_1462 = arith.constant -1 : i32
        %ne3A_1463 = vector.broadcast %ne3A_1462 : i32 to vector<16xi32>
        %ne3A_1464 = arith.cmpi ne, %get3A_1461, %ne3A_1463 : vector<16xi32>
        %jit3A_1465 = arith.constant 0 : i32
        %broadcast_in_dim3A_1466 = vector.broadcast %jit3A_1465 : i32 to vector<16xi32>
        %select_n3A_1467 = arith.select %ne3A_1464, %get3A_1461, %broadcast_in_dim3A_1466 : vector<16xi1>, vector<16xi32>
        %gather3A_1468 = tpu.vector_load_idx %arg8[%broadcast_in_dim3A_150, %select_n3A_1467] : memref<16x1000xf32, #tpu.memory_space<vmem>>[vector<16xi32>, vector<16xi32>], vector<16xf32>,
        %add3A_1469 = arith.addf %gather3A_215, %gather3A_1468 : vector<16xf32>
        %max3A_1470 = arith.constant 0.000000e+00 : f32
        %max3A_1471 = vector.broadcast %max3A_1470 : f32 to vector<16xf32>
        %max3A_1472 = arith.maximumf %add3A_1469, %max3A_1471 : vector<16xf32>
        %jit3A_1473 = arith.constant 0.000000e+00 : f32
        %broadcast_in_dim3A_1474 = vector.broadcast %jit3A_1473 : f32 to vector<16xf32>
        %select_n3A_1475 = arith.select %ne3A_1464, %max3A_1472, %broadcast_in_dim3A_1474 : vector<16xi1>, vector<16xf32>
        %add3A_1476 = arith.addf %add3A_1376, %select_n3A_1475 : vector<16xf32>
        %jit3A_1477 = arith.constant 1 : i32
        %jit3A_1478 = arith.constant 0 : i32
        %broadcast_in_dim3A_1479 = vector.broadcast %jit3A_1477 : i32 to vector<16xi32>
        %broadcast_in_dim3A_1480 = vector.broadcast %jit3A_1478 : i32 to vector<16xi32>
        %select_n3A_1481 = arith.select %ne3A_1464, %broadcast_in_dim3A_1479, %broadcast_in_dim3A_1480 : vector<16xi1>, vector<16xi32>
        %add3A_1482 = arith.addi %add3A_1382, %select_n3A_1481 : vector<16xi32>
        %get3A_1483 = arith.index_cast %scan3A_141 : i32 to index
        %get3A_1484 = arith.constant 800 : index
        %get3A_1485 = tpu.vector_load %arg10[%get3A_1483, %get3A_1484] {strides = array<i32>} : memref<16x1000xi32, #tpu.memory_space<vmem>>, vector<16xi32>,
        %ne3A_1486 = arith.constant -1 : i32
        %ne3A_1487 = vector.broadcast %ne3A_1486 : i32 to vector<16xi32>
        %ne3A_1488 = arith.cmpi ne, %get3A_1485, %ne3A_1487 : vector<16xi32>
        %jit3A_1489 = arith.constant 0 : i32
        %broadcast_in_dim3A_1490 = vector.broadcast %jit3A_1489 : i32 to vector<16xi32>
        %select_n3A_1491 = arith.select %ne3A_1488, %get3A_1485, %broadcast_in_dim3A_1490 : vector<16xi1>, vector<16xi32>
        %gather3A_1492 = tpu.vector_load_idx %arg8[%broadcast_in_dim3A_150, %select_n3A_1491] : memref<16x1000xf32, #tpu.memory_space<vmem>>[vector<16xi32>, vector<16xi32>], vector<16xf32>,
        %add3A_1493 = arith.addf %gather3A_219, %gather3A_1492 : vector<16xf32>
        %max3A_1494 = arith.constant 0.000000e+00 : f32
        %max3A_1495 = vector.broadcast %max3A_1494 : f32 to vector<16xf32>
        %max3A_1496 = arith.maximumf %add3A_1493, %max3A_1495 : vector<16xf32>
        %jit3A_1497 = arith.constant 0.000000e+00 : f32
        %broadcast_in_dim3A_1498 = vector.broadcast %jit3A_1497 : f32 to vector<16xf32>
        %select_n3A_1499 = arith.select %ne3A_1488, %max3A_1496, %broadcast_in_dim3A_1498 : vector<16xi1>, vector<16xf32>
        %add3A_1500 = arith.addf %add3A_1404, %select_n3A_1499 : vector<16xf32>
        %jit3A_1501 = arith.constant 1 : i32
        %jit3A_1502 = arith.constant 0 : i32
        %broadcast_in_dim3A_1503 = vector.broadcast %jit3A_1501 : i32 to vector<16xi32>
        %broadcast_in_dim3A_1504 = vector.broadcast %jit3A_1502 : i32 to vector<16xi32>
        %select_n3A_1505 = arith.select %ne3A_1488, %broadcast_in_dim3A_1503, %broadcast_in_dim3A_1504 : vector<16xi1>, vector<16xi32>
        %add3A_1506 = arith.addi %add3A_1410, %select_n3A_1505 : vector<16xi32>
        %get3A_1507 = arith.index_cast %scan3A_141 : i32 to index
        %get3A_1508 = arith.constant 816 : index
        %get3A_1509 = tpu.vector_load %arg10[%get3A_1507, %get3A_1508] {strides = array<i32>} : memref<16x1000xi32, #tpu.memory_space<vmem>>, vector<16xi32>,
        %ne3A_1510 = arith.constant -1 : i32
        %ne3A_1511 = vector.broadcast %ne3A_1510 : i32 to vector<16xi32>
        %ne3A_1512 = arith.cmpi ne, %get3A_1509, %ne3A_1511 : vector<16xi32>
        %jit3A_1513 = arith.constant 0 : i32
        %broadcast_in_dim3A_1514 = vector.broadcast %jit3A_1513 : i32 to vector<16xi32>
        %select_n3A_1515 = arith.select %ne3A_1512, %get3A_1509, %broadcast_in_dim3A_1514 : vector<16xi1>, vector<16xi32>
        %gather3A_1516 = tpu.vector_load_idx %arg8[%broadcast_in_dim3A_150, %select_n3A_1515] : memref<16x1000xf32, #tpu.memory_space<vmem>>[vector<16xi32>, vector<16xi32>], vector<16xf32>,
        %add3A_1517 = arith.addf %gather3A_219, %gather3A_1516 : vector<16xf32>
        %max3A_1518 = arith.constant 0.000000e+00 : f32
        %max3A_1519 = vector.broadcast %max3A_1518 : f32 to vector<16xf32>
        %max3A_1520 = arith.maximumf %add3A_1517, %max3A_1519 : vector<16xf32>
        %jit3A_1521 = arith.constant 0.000000e+00 : f32
        %broadcast_in_dim3A_1522 = vector.broadcast %jit3A_1521 : f32 to vector<16xf32>
        %select_n3A_1523 = arith.select %ne3A_1512, %max3A_1520, %broadcast_in_dim3A_1522 : vector<16xi1>, vector<16xf32>
        %add3A_1524 = arith.addf %add3A_1428, %select_n3A_1523 : vector<16xf32>
        %jit3A_1525 = arith.constant 1 : i32
        %jit3A_1526 = arith.constant 0 : i32
        %broadcast_in_dim3A_1527 = vector.broadcast %jit3A_1525 : i32 to vector<16xi32>
        %broadcast_in_dim3A_1528 = vector.broadcast %jit3A_1526 : i32 to vector<16xi32>
        %select_n3A_1529 = arith.select %ne3A_1512, %broadcast_in_dim3A_1527, %broadcast_in_dim3A_1528 : vector<16xi1>, vector<16xi32>
        %add3A_1530 = arith.addi %add3A_1434, %select_n3A_1529 : vector<16xi32>
        %get3A_1531 = arith.index_cast %scan3A_141 : i32 to index
        %get3A_1532 = arith.constant 832 : index
        %get3A_1533 = tpu.vector_load %arg10[%get3A_1531, %get3A_1532] {strides = array<i32>} : memref<16x1000xi32, #tpu.memory_space<vmem>>, vector<16xi32>,
        %ne3A_1534 = arith.constant -1 : i32
        %ne3A_1535 = vector.broadcast %ne3A_1534 : i32 to vector<16xi32>
        %ne3A_1536 = arith.cmpi ne, %get3A_1533, %ne3A_1535 : vector<16xi32>
        %jit3A_1537 = arith.constant 0 : i32
        %broadcast_in_dim3A_1538 = vector.broadcast %jit3A_1537 : i32 to vector<16xi32>
        %select_n3A_1539 = arith.select %ne3A_1536, %get3A_1533, %broadcast_in_dim3A_1538 : vector<16xi1>, vector<16xi32>
        %gather3A_1540 = tpu.vector_load_idx %arg8[%broadcast_in_dim3A_150, %select_n3A_1539] : memref<16x1000xf32, #tpu.memory_space<vmem>>[vector<16xi32>, vector<16xi32>], vector<16xf32>,
        %add3A_1541 = arith.addf %gather3A_219, %gather3A_1540 : vector<16xf32>
        %max3A_1542 = arith.constant 0.000000e+00 : f32
        %max3A_1543 = vector.broadcast %max3A_1542 : f32 to vector<16xf32>
        %max3A_1544 = arith.maximumf %add3A_1541, %max3A_1543 : vector<16xf32>
        %jit3A_1545 = arith.constant 0.000000e+00 : f32
        %broadcast_in_dim3A_1546 = vector.broadcast %jit3A_1545 : f32 to vector<16xf32>
        %select_n3A_1547 = arith.select %ne3A_1536, %max3A_1544, %broadcast_in_dim3A_1546 : vector<16xi1>, vector<16xf32>
        %add3A_1548 = arith.addf %add3A_1452, %select_n3A_1547 : vector<16xf32>
        %jit3A_1549 = arith.constant 1 : i32
        %jit3A_1550 = arith.constant 0 : i32
        %broadcast_in_dim3A_1551 = vector.broadcast %jit3A_1549 : i32 to vector<16xi32>
        %broadcast_in_dim3A_1552 = vector.broadcast %jit3A_1550 : i32 to vector<16xi32>
        %select_n3A_1553 = arith.select %ne3A_1536, %broadcast_in_dim3A_1551, %broadcast_in_dim3A_1552 : vector<16xi1>, vector<16xi32>
        %add3A_1554 = arith.addi %add3A_1458, %select_n3A_1553 : vector<16xi32>
        %ge3A_1555 = arith.constant 2 : i32
        %ge3A_1556 = vector.broadcast %ge3A_1555 : i32 to vector<16xi32>
        %ge3A_1557 = arith.cmpi sge, %iota3A, %ge3A_1556 : vector<16xi32>
        %select_n3A_1558 = arith.select %ge3A_1557, %gather3A_223, %gather3A_219 : vector<16xi1>, vector<16xf32>
        %get3A_1559 = arith.index_cast %scan3A_141 : i32 to index
        %get3A_1560 = arith.constant 848 : index
        %get3A_1561 = tpu.vector_load %arg10[%get3A_1559, %get3A_1560] {strides = array<i32>} : memref<16x1000xi32, #tpu.memory_space<vmem>>, vector<16xi32>,
        %ne3A_1562 = arith.constant -1 : i32
        %ne3A_1563 = vector.broadcast %ne3A_1562 : i32 to vector<16xi32>
        %ne3A_1564 = arith.cmpi ne, %get3A_1561, %ne3A_1563 : vector<16xi32>
        %jit3A_1565 = arith.constant 0 : i32
        %broadcast_in_dim3A_1566 = vector.broadcast %jit3A_1565 : i32 to vector<16xi32>
        %select_n3A_1567 = arith.select %ne3A_1564, %get3A_1561, %broadcast_in_dim3A_1566 : vector<16xi1>, vector<16xi32>
        %gather3A_1568 = tpu.vector_load_idx %arg8[%broadcast_in_dim3A_150, %select_n3A_1567] : memref<16x1000xf32, #tpu.memory_space<vmem>>[vector<16xi32>, vector<16xi32>], vector<16xf32>,
        %add3A_1569 = arith.addf %select_n3A_1558, %gather3A_1568 : vector<16xf32>
        %max3A_1570 = arith.constant 0.000000e+00 : f32
        %max3A_1571 = vector.broadcast %max3A_1570 : f32 to vector<16xf32>
        %max3A_1572 = arith.maximumf %add3A_1569, %max3A_1571 : vector<16xf32>
        %jit3A_1573 = arith.constant 0.000000e+00 : f32
        %broadcast_in_dim3A_1574 = vector.broadcast %jit3A_1573 : f32 to vector<16xf32>
        %select_n3A_1575 = arith.select %ne3A_1564, %max3A_1572, %broadcast_in_dim3A_1574 : vector<16xi1>, vector<16xf32>
        %add3A_1576 = arith.addf %add3A_1476, %select_n3A_1575 : vector<16xf32>
        %jit3A_1577 = arith.constant 1 : i32
        %jit3A_1578 = arith.constant 0 : i32
        %broadcast_in_dim3A_1579 = vector.broadcast %jit3A_1577 : i32 to vector<16xi32>
        %broadcast_in_dim3A_1580 = vector.broadcast %jit3A_1578 : i32 to vector<16xi32>
        %select_n3A_1581 = arith.select %ne3A_1564, %broadcast_in_dim3A_1579, %broadcast_in_dim3A_1580 : vector<16xi1>, vector<16xi32>
        %add3A_1582 = arith.addi %add3A_1482, %select_n3A_1581 : vector<16xi32>
        %get3A_1583 = arith.index_cast %scan3A_141 : i32 to index
        %get3A_1584 = arith.constant 864 : index
        %get3A_1585 = tpu.vector_load %arg10[%get3A_1583, %get3A_1584] {strides = array<i32>} : memref<16x1000xi32, #tpu.memory_space<vmem>>, vector<16xi32>,
        %ne3A_1586 = arith.constant -1 : i32
        %ne3A_1587 = vector.broadcast %ne3A_1586 : i32 to vector<16xi32>
        %ne3A_1588 = arith.cmpi ne, %get3A_1585, %ne3A_1587 : vector<16xi32>
        %jit3A_1589 = arith.constant 0 : i32
        %broadcast_in_dim3A_1590 = vector.broadcast %jit3A_1589 : i32 to vector<16xi32>
        %select_n3A_1591 = arith.select %ne3A_1588, %get3A_1585, %broadcast_in_dim3A_1590 : vector<16xi1>, vector<16xi32>
        %gather3A_1592 = tpu.vector_load_idx %arg8[%broadcast_in_dim3A_150, %select_n3A_1591] : memref<16x1000xf32, #tpu.memory_space<vmem>>[vector<16xi32>, vector<16xi32>], vector<16xf32>,
        %add3A_1593 = arith.addf %gather3A_223, %gather3A_1592 : vector<16xf32>
        %max3A_1594 = arith.constant 0.000000e+00 : f32
        %max3A_1595 = vector.broadcast %max3A_1594 : f32 to vector<16xf32>
        %max3A_1596 = arith.maximumf %add3A_1593, %max3A_1595 : vector<16xf32>
        %jit3A_1597 = arith.constant 0.000000e+00 : f32
        %broadcast_in_dim3A_1598 = vector.broadcast %jit3A_1597 : f32 to vector<16xf32>
        %select_n3A_1599 = arith.select %ne3A_1588, %max3A_1596, %broadcast_in_dim3A_1598 : vector<16xi1>, vector<16xf32>
        %add3A_1600 = arith.addf %add3A_1500, %select_n3A_1599 : vector<16xf32>
        %jit3A_1601 = arith.constant 1 : i32
        %jit3A_1602 = arith.constant 0 : i32
        %broadcast_in_dim3A_1603 = vector.broadcast %jit3A_1601 : i32 to vector<16xi32>
        %broadcast_in_dim3A_1604 = vector.broadcast %jit3A_1602 : i32 to vector<16xi32>
        %select_n3A_1605 = arith.select %ne3A_1588, %broadcast_in_dim3A_1603, %broadcast_in_dim3A_1604 : vector<16xi1>, vector<16xi32>
        %add3A_1606 = arith.addi %add3A_1506, %select_n3A_1605 : vector<16xi32>
        %get3A_1607 = arith.index_cast %scan3A_141 : i32 to index
        %get3A_1608 = arith.constant 880 : index
        %get3A_1609 = tpu.vector_load %arg10[%get3A_1607, %get3A_1608] {strides = array<i32>} : memref<16x1000xi32, #tpu.memory_space<vmem>>, vector<16xi32>,
        %ne3A_1610 = arith.constant -1 : i32
        %ne3A_1611 = vector.broadcast %ne3A_1610 : i32 to vector<16xi32>
        %ne3A_1612 = arith.cmpi ne, %get3A_1609, %ne3A_1611 : vector<16xi32>
        %jit3A_1613 = arith.constant 0 : i32
        %broadcast_in_dim3A_1614 = vector.broadcast %jit3A_1613 : i32 to vector<16xi32>
        %select_n3A_1615 = arith.select %ne3A_1612, %get3A_1609, %broadcast_in_dim3A_1614 : vector<16xi1>, vector<16xi32>
        %gather3A_1616 = tpu.vector_load_idx %arg8[%broadcast_in_dim3A_150, %select_n3A_1615] : memref<16x1000xf32, #tpu.memory_space<vmem>>[vector<16xi32>, vector<16xi32>], vector<16xf32>,
        %add3A_1617 = arith.addf %gather3A_223, %gather3A_1616 : vector<16xf32>
        %max3A_1618 = arith.constant 0.000000e+00 : f32
        %max3A_1619 = vector.broadcast %max3A_1618 : f32 to vector<16xf32>
        %max3A_1620 = arith.maximumf %add3A_1617, %max3A_1619 : vector<16xf32>
        %jit3A_1621 = arith.constant 0.000000e+00 : f32
        %broadcast_in_dim3A_1622 = vector.broadcast %jit3A_1621 : f32 to vector<16xf32>
        %select_n3A_1623 = arith.select %ne3A_1612, %max3A_1620, %broadcast_in_dim3A_1622 : vector<16xi1>, vector<16xf32>
        %add3A_1624 = arith.addf %add3A_1524, %select_n3A_1623 : vector<16xf32>
        %jit3A_1625 = arith.constant 1 : i32
        %jit3A_1626 = arith.constant 0 : i32
        %broadcast_in_dim3A_1627 = vector.broadcast %jit3A_1625 : i32 to vector<16xi32>
        %broadcast_in_dim3A_1628 = vector.broadcast %jit3A_1626 : i32 to vector<16xi32>
        %select_n3A_1629 = arith.select %ne3A_1612, %broadcast_in_dim3A_1627, %broadcast_in_dim3A_1628 : vector<16xi1>, vector<16xi32>
        %add3A_1630 = arith.addi %add3A_1530, %select_n3A_1629 : vector<16xi32>
        %ge3A_1631 = arith.constant 4 : i32
        %ge3A_1632 = vector.broadcast %ge3A_1631 : i32 to vector<16xi32>
        %ge3A_1633 = arith.cmpi sge, %iota3A, %ge3A_1632 : vector<16xi32>
        %select_n3A_1634 = arith.select %ge3A_1633, %gather3A_227, %gather3A_223 : vector<16xi1>, vector<16xf32>
        %get3A_1635 = arith.index_cast %scan3A_141 : i32 to index
        %get3A_1636 = arith.constant 896 : index
        %get3A_1637 = tpu.vector_load %arg10[%get3A_1635, %get3A_1636] {strides = array<i32>} : memref<16x1000xi32, #tpu.memory_space<vmem>>, vector<16xi32>,
        %ne3A_1638 = arith.constant -1 : i32
        %ne3A_1639 = vector.broadcast %ne3A_1638 : i32 to vector<16xi32>
        %ne3A_1640 = arith.cmpi ne, %get3A_1637, %ne3A_1639 : vector<16xi32>
        %jit3A_1641 = arith.constant 0 : i32
        %broadcast_in_dim3A_1642 = vector.broadcast %jit3A_1641 : i32 to vector<16xi32>
        %select_n3A_1643 = arith.select %ne3A_1640, %get3A_1637, %broadcast_in_dim3A_1642 : vector<16xi1>, vector<16xi32>
        %gather3A_1644 = tpu.vector_load_idx %arg8[%broadcast_in_dim3A_150, %select_n3A_1643] : memref<16x1000xf32, #tpu.memory_space<vmem>>[vector<16xi32>, vector<16xi32>], vector<16xf32>,
        %add3A_1645 = arith.addf %select_n3A_1634, %gather3A_1644 : vector<16xf32>
        %max3A_1646 = arith.constant 0.000000e+00 : f32
        %max3A_1647 = vector.broadcast %max3A_1646 : f32 to vector<16xf32>
        %max3A_1648 = arith.maximumf %add3A_1645, %max3A_1647 : vector<16xf32>
        %jit3A_1649 = arith.constant 0.000000e+00 : f32
        %broadcast_in_dim3A_1650 = vector.broadcast %jit3A_1649 : f32 to vector<16xf32>
        %select_n3A_1651 = arith.select %ne3A_1640, %max3A_1648, %broadcast_in_dim3A_1650 : vector<16xi1>, vector<16xf32>
        %add3A_1652 = arith.addf %add3A_1548, %select_n3A_1651 : vector<16xf32>
        %jit3A_1653 = arith.constant 1 : i32
        %jit3A_1654 = arith.constant 0 : i32
        %broadcast_in_dim3A_1655 = vector.broadcast %jit3A_1653 : i32 to vector<16xi32>
        %broadcast_in_dim3A_1656 = vector.broadcast %jit3A_1654 : i32 to vector<16xi32>
        %select_n3A_1657 = arith.select %ne3A_1640, %broadcast_in_dim3A_1655, %broadcast_in_dim3A_1656 : vector<16xi1>, vector<16xi32>
        %add3A_1658 = arith.addi %add3A_1554, %select_n3A_1657 : vector<16xi32>
        %get3A_1659 = arith.index_cast %scan3A_141 : i32 to index
        %get3A_1660 = arith.constant 912 : index
        %get3A_1661 = tpu.vector_load %arg10[%get3A_1659, %get3A_1660] {strides = array<i32>} : memref<16x1000xi32, #tpu.memory_space<vmem>>, vector<16xi32>,
        %ne3A_1662 = arith.constant -1 : i32
        %ne3A_1663 = vector.broadcast %ne3A_1662 : i32 to vector<16xi32>
        %ne3A_1664 = arith.cmpi ne, %get3A_1661, %ne3A_1663 : vector<16xi32>
        %jit3A_1665 = arith.constant 0 : i32
        %broadcast_in_dim3A_1666 = vector.broadcast %jit3A_1665 : i32 to vector<16xi32>
        %select_n3A_1667 = arith.select %ne3A_1664, %get3A_1661, %broadcast_in_dim3A_1666 : vector<16xi1>, vector<16xi32>
        %gather3A_1668 = tpu.vector_load_idx %arg8[%broadcast_in_dim3A_150, %select_n3A_1667] : memref<16x1000xf32, #tpu.memory_space<vmem>>[vector<16xi32>, vector<16xi32>], vector<16xf32>,
        %add3A_1669 = arith.addf %gather3A_227, %gather3A_1668 : vector<16xf32>
        %max3A_1670 = arith.constant 0.000000e+00 : f32
        %max3A_1671 = vector.broadcast %max3A_1670 : f32 to vector<16xf32>
        %max3A_1672 = arith.maximumf %add3A_1669, %max3A_1671 : vector<16xf32>
        %jit3A_1673 = arith.constant 0.000000e+00 : f32
        %broadcast_in_dim3A_1674 = vector.broadcast %jit3A_1673 : f32 to vector<16xf32>
        %select_n3A_1675 = arith.select %ne3A_1664, %max3A_1672, %broadcast_in_dim3A_1674 : vector<16xi1>, vector<16xf32>
        %add3A_1676 = arith.addf %add3A_1576, %select_n3A_1675 : vector<16xf32>
        %jit3A_1677 = arith.constant 1 : i32
        %jit3A_1678 = arith.constant 0 : i32
        %broadcast_in_dim3A_1679 = vector.broadcast %jit3A_1677 : i32 to vector<16xi32>
        %broadcast_in_dim3A_1680 = vector.broadcast %jit3A_1678 : i32 to vector<16xi32>
        %select_n3A_1681 = arith.select %ne3A_1664, %broadcast_in_dim3A_1679, %broadcast_in_dim3A_1680 : vector<16xi1>, vector<16xi32>
        %add3A_1682 = arith.addi %add3A_1582, %select_n3A_1681 : vector<16xi32>
        %get3A_1683 = arith.index_cast %scan3A_141 : i32 to index
        %get3A_1684 = arith.constant 928 : index
        %get3A_1685 = tpu.vector_load %arg10[%get3A_1683, %get3A_1684] {strides = array<i32>} : memref<16x1000xi32, #tpu.memory_space<vmem>>, vector<16xi32>,
        %ne3A_1686 = arith.constant -1 : i32
        %ne3A_1687 = vector.broadcast %ne3A_1686 : i32 to vector<16xi32>
        %ne3A_1688 = arith.cmpi ne, %get3A_1685, %ne3A_1687 : vector<16xi32>
        %jit3A_1689 = arith.constant 0 : i32
        %broadcast_in_dim3A_1690 = vector.broadcast %jit3A_1689 : i32 to vector<16xi32>
        %select_n3A_1691 = arith.select %ne3A_1688, %get3A_1685, %broadcast_in_dim3A_1690 : vector<16xi1>, vector<16xi32>
        %gather3A_1692 = tpu.vector_load_idx %arg8[%broadcast_in_dim3A_150, %select_n3A_1691] : memref<16x1000xf32, #tpu.memory_space<vmem>>[vector<16xi32>, vector<16xi32>], vector<16xf32>,
        %add3A_1693 = arith.addf %gather3A_227, %gather3A_1692 : vector<16xf32>
        %max3A_1694 = arith.constant 0.000000e+00 : f32
        %max3A_1695 = vector.broadcast %max3A_1694 : f32 to vector<16xf32>
        %max3A_1696 = arith.maximumf %add3A_1693, %max3A_1695 : vector<16xf32>
        %jit3A_1697 = arith.constant 0.000000e+00 : f32
        %broadcast_in_dim3A_1698 = vector.broadcast %jit3A_1697 : f32 to vector<16xf32>
        %select_n3A_1699 = arith.select %ne3A_1688, %max3A_1696, %broadcast_in_dim3A_1698 : vector<16xi1>, vector<16xf32>
        %add3A_1700 = arith.addf %add3A_1600, %select_n3A_1699 : vector<16xf32>
        %jit3A_1701 = arith.constant 1 : i32
        %jit3A_1702 = arith.constant 0 : i32
        %broadcast_in_dim3A_1703 = vector.broadcast %jit3A_1701 : i32 to vector<16xi32>
        %broadcast_in_dim3A_1704 = vector.broadcast %jit3A_1702 : i32 to vector<16xi32>
        %select_n3A_1705 = arith.select %ne3A_1688, %broadcast_in_dim3A_1703, %broadcast_in_dim3A_1704 : vector<16xi1>, vector<16xi32>
        %add3A_1706 = arith.addi %add3A_1606, %select_n3A_1705 : vector<16xi32>
        %ge3A_1707 = arith.constant 6 : i32
        %ge3A_1708 = vector.broadcast %ge3A_1707 : i32 to vector<16xi32>
        %ge3A_1709 = arith.cmpi sge, %iota3A, %ge3A_1708 : vector<16xi32>
        %select_n3A_1710 = arith.select %ge3A_1709, %gather3A_231, %gather3A_227 : vector<16xi1>, vector<16xf32>
        %get3A_1711 = arith.index_cast %scan3A_141 : i32 to index
        %get3A_1712 = arith.constant 944 : index
        %get3A_1713 = tpu.vector_load %arg10[%get3A_1711, %get3A_1712] {strides = array<i32>} : memref<16x1000xi32, #tpu.memory_space<vmem>>, vector<16xi32>,
        %ne3A_1714 = arith.constant -1 : i32
        %ne3A_1715 = vector.broadcast %ne3A_1714 : i32 to vector<16xi32>
        %ne3A_1716 = arith.cmpi ne, %get3A_1713, %ne3A_1715 : vector<16xi32>
        %jit3A_1717 = arith.constant 0 : i32
        %broadcast_in_dim3A_1718 = vector.broadcast %jit3A_1717 : i32 to vector<16xi32>
        %select_n3A_1719 = arith.select %ne3A_1716, %get3A_1713, %broadcast_in_dim3A_1718 : vector<16xi1>, vector<16xi32>
        %gather3A_1720 = tpu.vector_load_idx %arg8[%broadcast_in_dim3A_150, %select_n3A_1719] : memref<16x1000xf32, #tpu.memory_space<vmem>>[vector<16xi32>, vector<16xi32>], vector<16xf32>,
        %add3A_1721 = arith.addf %select_n3A_1710, %gather3A_1720 : vector<16xf32>
        %max3A_1722 = arith.constant 0.000000e+00 : f32
        %max3A_1723 = vector.broadcast %max3A_1722 : f32 to vector<16xf32>
        %max3A_1724 = arith.maximumf %add3A_1721, %max3A_1723 : vector<16xf32>
        %jit3A_1725 = arith.constant 0.000000e+00 : f32
        %broadcast_in_dim3A_1726 = vector.broadcast %jit3A_1725 : f32 to vector<16xf32>
        %select_n3A_1727 = arith.select %ne3A_1716, %max3A_1724, %broadcast_in_dim3A_1726 : vector<16xi1>, vector<16xf32>
        %add3A_1728 = arith.addf %add3A_1624, %select_n3A_1727 : vector<16xf32>
        %jit3A_1729 = arith.constant 1 : i32
        %jit3A_1730 = arith.constant 0 : i32
        %broadcast_in_dim3A_1731 = vector.broadcast %jit3A_1729 : i32 to vector<16xi32>
        %broadcast_in_dim3A_1732 = vector.broadcast %jit3A_1730 : i32 to vector<16xi32>
        %select_n3A_1733 = arith.select %ne3A_1716, %broadcast_in_dim3A_1731, %broadcast_in_dim3A_1732 : vector<16xi1>, vector<16xi32>
        %add3A_1734 = arith.addi %add3A_1630, %select_n3A_1733 : vector<16xi32>
        %get3A_1735 = arith.index_cast %scan3A_141 : i32 to index
        %get3A_1736 = arith.constant 960 : index
        %get3A_1737 = tpu.vector_load %arg10[%get3A_1735, %get3A_1736] {strides = array<i32>} : memref<16x1000xi32, #tpu.memory_space<vmem>>, vector<16xi32>,
        %ne3A_1738 = arith.constant -1 : i32
        %ne3A_1739 = vector.broadcast %ne3A_1738 : i32 to vector<16xi32>
        %ne3A_1740 = arith.cmpi ne, %get3A_1737, %ne3A_1739 : vector<16xi32>
        %jit3A_1741 = arith.constant 0 : i32
        %broadcast_in_dim3A_1742 = vector.broadcast %jit3A_1741 : i32 to vector<16xi32>
        %select_n3A_1743 = arith.select %ne3A_1740, %get3A_1737, %broadcast_in_dim3A_1742 : vector<16xi1>, vector<16xi32>
        %gather3A_1744 = tpu.vector_load_idx %arg8[%broadcast_in_dim3A_150, %select_n3A_1743] : memref<16x1000xf32, #tpu.memory_space<vmem>>[vector<16xi32>, vector<16xi32>], vector<16xf32>,
        %add3A_1745 = arith.addf %gather3A_231, %gather3A_1744 : vector<16xf32>
        %max3A_1746 = arith.constant 0.000000e+00 : f32
        %max3A_1747 = vector.broadcast %max3A_1746 : f32 to vector<16xf32>
        %max3A_1748 = arith.maximumf %add3A_1745, %max3A_1747 : vector<16xf32>
        %jit3A_1749 = arith.constant 0.000000e+00 : f32
        %broadcast_in_dim3A_1750 = vector.broadcast %jit3A_1749 : f32 to vector<16xf32>
        %select_n3A_1751 = arith.select %ne3A_1740, %max3A_1748, %broadcast_in_dim3A_1750 : vector<16xi1>, vector<16xf32>
        %add3A_1752 = arith.addf %add3A_1652, %select_n3A_1751 : vector<16xf32>
        %jit3A_1753 = arith.constant 1 : i32
        %jit3A_1754 = arith.constant 0 : i32
        %broadcast_in_dim3A_1755 = vector.broadcast %jit3A_1753 : i32 to vector<16xi32>
        %broadcast_in_dim3A_1756 = vector.broadcast %jit3A_1754 : i32 to vector<16xi32>
        %select_n3A_1757 = arith.select %ne3A_1740, %broadcast_in_dim3A_1755, %broadcast_in_dim3A_1756 : vector<16xi1>, vector<16xi32>
        %add3A_1758 = arith.addi %add3A_1658, %select_n3A_1757 : vector<16xi32>
        %get3A_1759 = arith.index_cast %scan3A_141 : i32 to index
        %get3A_1760 = arith.constant 976 : index
        %get3A_1761 = tpu.vector_load %arg10[%get3A_1759, %get3A_1760] {strides = array<i32>} : memref<16x1000xi32, #tpu.memory_space<vmem>>, vector<16xi32>,
        %ne3A_1762 = arith.constant -1 : i32
        %ne3A_1763 = vector.broadcast %ne3A_1762 : i32 to vector<16xi32>
        %ne3A_1764 = arith.cmpi ne, %get3A_1761, %ne3A_1763 : vector<16xi32>
        %jit3A_1765 = arith.constant 0 : i32
        %broadcast_in_dim3A_1766 = vector.broadcast %jit3A_1765 : i32 to vector<16xi32>
        %select_n3A_1767 = arith.select %ne3A_1764, %get3A_1761, %broadcast_in_dim3A_1766 : vector<16xi1>, vector<16xi32>
        %gather3A_1768 = tpu.vector_load_idx %arg8[%broadcast_in_dim3A_150, %select_n3A_1767] : memref<16x1000xf32, #tpu.memory_space<vmem>>[vector<16xi32>, vector<16xi32>], vector<16xf32>,
        %add3A_1769 = arith.addf %gather3A_231, %gather3A_1768 : vector<16xf32>
        %max3A_1770 = arith.constant 0.000000e+00 : f32
        %max3A_1771 = vector.broadcast %max3A_1770 : f32 to vector<16xf32>
        %max3A_1772 = arith.maximumf %add3A_1769, %max3A_1771 : vector<16xf32>
        %jit3A_1773 = arith.constant 0.000000e+00 : f32
        %broadcast_in_dim3A_1774 = vector.broadcast %jit3A_1773 : f32 to vector<16xf32>
        %select_n3A_1775 = arith.select %ne3A_1764, %max3A_1772, %broadcast_in_dim3A_1774 : vector<16xi1>, vector<16xf32>
        %add3A_1776 = arith.addf %add3A_1676, %select_n3A_1775 : vector<16xf32>
        %jit3A_1777 = arith.constant 1 : i32
        %jit3A_1778 = arith.constant 0 : i32
        %broadcast_in_dim3A_1779 = vector.broadcast %jit3A_1777 : i32 to vector<16xi32>
        %broadcast_in_dim3A_1780 = vector.broadcast %jit3A_1778 : i32 to vector<16xi32>
        %select_n3A_1781 = arith.select %ne3A_1764, %broadcast_in_dim3A_1779, %broadcast_in_dim3A_1780 : vector<16xi1>, vector<16xi32>
        %add3A_1782 = arith.addi %add3A_1682, %select_n3A_1781 : vector<16xi32>
        %get3A_1783 = arith.index_cast %scan3A_141 : i32 to index
        %get3A_1784 = arith.constant 984 : index
        %get3A_1785 = tpu.vector_load %arg10[%get3A_1783, %get3A_1784] {strides = array<i32>} : memref<16x1000xi32, #tpu.memory_space<vmem>>, vector<16xi32>,
        %ne3A_1786 = arith.constant -1 : i32
        %ne3A_1787 = vector.broadcast %ne3A_1786 : i32 to vector<16xi32>
        %ne3A_1788 = arith.cmpi ne, %get3A_1785, %ne3A_1787 : vector<16xi32>
        %and3A = arith.andi %ne3A_1788, %ge3A_4 : vector<16xi1>
        %jit3A_1789 = arith.constant 0 : i32
        %broadcast_in_dim3A_1790 = vector.broadcast %jit3A_1789 : i32 to vector<16xi32>
        %select_n3A_1791 = arith.select %and3A, %get3A_1785, %broadcast_in_dim3A_1790 : vector<16xi1>, vector<16xi32>
        %gather3A_1792 = tpu.vector_load_idx %arg8[%broadcast_in_dim3A_150, %select_n3A_1791] : memref<16x1000xf32, #tpu.memory_space<vmem>>[vector<16xi32>, vector<16xi32>], vector<16xf32>,
        %add3A_1793 = arith.addf %gather3A_231, %gather3A_1792 : vector<16xf32>
        %max3A_1794 = arith.constant 0.000000e+00 : f32
        %max3A_1795 = vector.broadcast %max3A_1794 : f32 to vector<16xf32>
        %max3A_1796 = arith.maximumf %add3A_1793, %max3A_1795 : vector<16xf32>
        %jit3A_1797 = arith.constant 0.000000e+00 : f32
        %broadcast_in_dim3A_1798 = vector.broadcast %jit3A_1797 : f32 to vector<16xf32>
        %select_n3A_1799 = arith.select %and3A, %max3A_1796, %broadcast_in_dim3A_1798 : vector<16xi1>, vector<16xf32>
        %add3A_1800 = arith.addf %add3A_1700, %select_n3A_1799 : vector<16xf32>
        %jit3A_1801 = arith.constant 1 : i32
        %jit3A_1802 = arith.constant 0 : i32
        %broadcast_in_dim3A_1803 = vector.broadcast %jit3A_1801 : i32 to vector<16xi32>
        %broadcast_in_dim3A_1804 = vector.broadcast %jit3A_1802 : i32 to vector<16xi32>
        %select_n3A_1805 = arith.select %and3A, %broadcast_in_dim3A_1803, %broadcast_in_dim3A_1804 : vector<16xi1>, vector<16xi32>
        %add3A_1806 = arith.addi %add3A_1706, %select_n3A_1805 : vector<16xi32>
        scf.yield %add3A_1752, %add3A_1776, %add3A_1800, %add3A_1728, %add3A_1758, %add3A_1782, %add3A_1806, %add3A_1734 : vector<16xf32>, vector<16xf32>, vector<16xf32>, vector<16xf32>, vector<16xi32>, vector<16xi32>, vector<16xi32>, vector<16xi32>
      }
      %scan3A_99 = arith.constant 16 : i32
      %lt3A = arith.constant 3 : i32
      %lt3A_100 = arith.cmpi slt, %scan3A_60, %lt3A : i32
      %convert_element_type3A_101 = arith.extui %lt3A_100 : i1 to i32
      %cond3A = arith.constant 0 : i32
      %cond3A_102 = arith.cmpi ne, %convert_element_type3A_101, %cond3A : i32
      scf.if %cond3A_102 {
        %mul3A_141 = arith.constant 2 : i32
        %mul3A_142 = arith.muli %mul3A_141, %scan3A_60 : i32
        %add3A_143 = arith.constant 2 : i32
        %add3A_144 = arith.addi %mul3A_142, %add3A_143 : i32
        %mul3A_145 = arith.constant 16 : i32
        %mul3A_146 = arith.muli %add3A_144, %mul3A_145 : i32
        %add3A_147 = arith.addi %mul3A_2, %mul3A_146 : i32
        %dma_start3A_148 = arith.constant 0 : i32
        %dma_start3A_149 = tpu.memref_slice %arg2[%add3A_147, %dma_start3A_148] : memref<4096x1000xf32, #tpu.memory_space<hbm>> -> memref<16x1000xf32, #tpu.memory_space<hbm>>
        %dma_start3A_150 = arith.constant 0 : i32
        %dma_start3A_151 = tpu.memref_slice %arg2[%add3A_147, %dma_start3A_150] : memref<4096x1000xf32, #tpu.memory_space<hbm>> -> memref<16x1000xf32, #tpu.memory_space<hbm>>
        tpu.enqueue_dma source(%dma_start3A_151 : memref<16x1000xf32, #tpu.memory_space<hbm>>) target(%arg8 : memref<16x1000xf32, #tpu.memory_space<vmem>>) target_semaphore(%arg19 : memref<!tpu.dma_semaphore, #tpu.memory_space<semaphore_mem>>)
        %dma_start3A_152 = arith.constant 0 : i32
        %dma_start3A_153 = tpu.memref_slice %arg3[%add3A_147, %dma_start3A_152] : memref<4096x1000xi32, #tpu.memory_space<hbm>> -> memref<16x1000xi32, #tpu.memory_space<hbm>>
        %dma_start3A_154 = arith.constant 0 : i32
        %dma_start3A_155 = tpu.memref_slice %arg3[%add3A_147, %dma_start3A_154] : memref<4096x1000xi32, #tpu.memory_space<hbm>> -> memref<16x1000xi32, #tpu.memory_space<hbm>>
        tpu.enqueue_dma source(%dma_start3A_155 : memref<16x1000xi32, #tpu.memory_space<hbm>>) target(%arg10 : memref<16x1000xi32, #tpu.memory_space<vmem>>) target_semaphore(%arg19 : memref<!tpu.dma_semaphore, #tpu.memory_space<semaphore_mem>>)
        %dma_start3A_156 = arith.constant 0 : i32
        %dma_start3A_157 = tpu.memref_slice %arg4[%add3A_147, %dma_start3A_156] : memref<4096x20xi32, #tpu.memory_space<hbm>> -> memref<16x20xi32, #tpu.memory_space<hbm>>
        %dma_start3A_158 = arith.constant 0 : i32
        %dma_start3A_159 = tpu.memref_slice %arg4[%add3A_147, %dma_start3A_158] : memref<4096x20xi32, #tpu.memory_space<hbm>> -> memref<16x20xi32, #tpu.memory_space<hbm>>
        tpu.enqueue_dma source(%dma_start3A_159 : memref<16x20xi32, #tpu.memory_space<hbm>>) target(%arg12 : memref<16x20xi32, #tpu.memory_space<vmem>>) target_semaphore(%arg19 : memref<!tpu.dma_semaphore, #tpu.memory_space<semaphore_mem>>)
        %dma_start3A_160 = arith.constant 0 : i32
        %dma_start3A_161 = tpu.memref_slice %arg5[%add3A_147, %dma_start3A_160] : memref<4096x20xi32, #tpu.memory_space<hbm>> -> memref<16x20xi32, #tpu.memory_space<hbm>>
        %dma_start3A_162 = arith.constant 0 : i32
        %dma_start3A_163 = tpu.memref_slice %arg5[%add3A_147, %dma_start3A_162] : memref<4096x20xi32, #tpu.memory_space<hbm>> -> memref<16x20xi32, #tpu.memory_space<hbm>>
        tpu.enqueue_dma source(%dma_start3A_163 : memref<16x20xi32, #tpu.memory_space<hbm>>) target(%arg14 : memref<16x20xi32, #tpu.memory_space<vmem>>) target_semaphore(%arg19 : memref<!tpu.dma_semaphore, #tpu.memory_space<semaphore_mem>>)
      } else {
      }
      %dma_wait3A_103 = arith.constant 0 : i32
      %dma_wait3A_104 = arith.constant 0 : i32
      %dma_wait3A_105 = tpu.memref_slice %arg2[%dma_wait3A_103, %dma_wait3A_104] : memref<4096x1000xf32, #tpu.memory_space<hbm>> -> memref<16x1000xf32, #tpu.memory_space<hbm>>
      %dma_wait3A_106 = arith.constant 0 : i32
      %dma_wait3A_107 = arith.constant 0 : i32
      %dma_wait3A_108 = tpu.memref_slice %arg2[%dma_wait3A_106, %dma_wait3A_107] : memref<4096x1000xf32, #tpu.memory_space<hbm>> -> memref<16x1000xf32, #tpu.memory_space<hbm>>
      tpu.wait_dma2 semaphore(%arg20 : memref<!tpu.dma_semaphore, #tpu.memory_space<semaphore_mem>>) src(%dma_wait3A_108 : memref<16x1000xf32, #tpu.memory_space<hbm>>) dst(%arg9 : memref<16x1000xf32, #tpu.memory_space<vmem>>)
      %dma_wait3A_109 = arith.constant 0 : i32
      %dma_wait3A_110 = arith.constant 0 : i32
      %dma_wait3A_111 = tpu.memref_slice %arg3[%dma_wait3A_109, %dma_wait3A_110] : memref<4096x1000xi32, #tpu.memory_space<hbm>> -> memref<16x1000xi32, #tpu.memory_space<hbm>>
      %dma_wait3A_112 = arith.constant 0 : i32
      %dma_wait3A_113 = arith.constant 0 : i32
      %dma_wait3A_114 = tpu.memref_slice %arg3[%dma_wait3A_112, %dma_wait3A_113] : memref<4096x1000xi32, #tpu.memory_space<hbm>> -> memref<16x1000xi32, #tpu.memory_space<hbm>>
      tpu.wait_dma2 semaphore(%arg20 : memref<!tpu.dma_semaphore, #tpu.memory_space<semaphore_mem>>) src(%dma_wait3A_114 : memref<16x1000xi32, #tpu.memory_space<hbm>>) dst(%arg11 : memref<16x1000xi32, #tpu.memory_space<vmem>>)
      %dma_wait3A_115 = arith.constant 0 : i32
      %dma_wait3A_116 = arith.constant 0 : i32
      %dma_wait3A_117 = tpu.memref_slice %arg4[%dma_wait3A_115, %dma_wait3A_116] : memref<4096x20xi32, #tpu.memory_space<hbm>> -> memref<16x20xi32, #tpu.memory_space<hbm>>
      %dma_wait3A_118 = arith.constant 0 : i32
      %dma_wait3A_119 = arith.constant 0 : i32
      %dma_wait3A_120 = tpu.memref_slice %arg4[%dma_wait3A_118, %dma_wait3A_119] : memref<4096x20xi32, #tpu.memory_space<hbm>> -> memref<16x20xi32, #tpu.memory_space<hbm>>
      tpu.wait_dma2 semaphore(%arg20 : memref<!tpu.dma_semaphore, #tpu.memory_space<semaphore_mem>>) src(%dma_wait3A_120 : memref<16x20xi32, #tpu.memory_space<hbm>>) dst(%arg13 : memref<16x20xi32, #tpu.memory_space<vmem>>)
      %dma_wait3A_121 = arith.constant 0 : i32
      %dma_wait3A_122 = arith.constant 0 : i32
      %dma_wait3A_123 = tpu.memref_slice %arg5[%dma_wait3A_121, %dma_wait3A_122] : memref<4096x20xi32, #tpu.memory_space<hbm>> -> memref<16x20xi32, #tpu.memory_space<hbm>>
      %dma_wait3A_124 = arith.constant 0 : i32
      %dma_wait3A_125 = arith.constant 0 : i32
      %dma_wait3A_126 = tpu.memref_slice %arg5[%dma_wait3A_124, %dma_wait3A_125] : memref<4096x20xi32, #tpu.memory_space<hbm>> -> memref<16x20xi32, #tpu.memory_space<hbm>>
      tpu.wait_dma2 semaphore(%arg20 : memref<!tpu.dma_semaphore, #tpu.memory_space<semaphore_mem>>) src(%dma_wait3A_126 : memref<16x20xi32, #tpu.memory_space<hbm>>) dst(%arg15 : memref<16x20xi32, #tpu.memory_space<vmem>>)
      %parallel_loop3A_127 = arith.constant 0 : i32
      %parallel_loop3A_128 = arith.constant 20 : i32
      %parallel_loop3A_129 = arith.constant 1 : i32
      scf.for %parallel_loop3A_141 = %parallel_loop3A_127 to %parallel_loop3A_128 step %parallel_loop3A_129  : i32 {
        %parallel_loop3A_142 = arith.constant 16 : i32
        %parallel_loop3A_143 = arith.muli %parallel_loop3A_141, %parallel_loop3A_142 : i32
        %parallel_loop3A_144 = vector.broadcast %parallel_loop3A_143 : i32 to vector<16xi32>
        %parallel_loop3A_145 = arith.addi %iota3A, %parallel_loop3A_144 : vector<16xi32>
        %parallel_loop3A_146 = arith.constant 20 : i32
        %parallel_loop3A_147 = vector.broadcast %parallel_loop3A_146 : i32 to vector<16xi32>
        %parallel_loop3A_148 = arith.divsi %parallel_loop3A_145, %parallel_loop3A_147 : vector<16xi32>
        %parallel_loop3A_149 = arith.constant 0 : i32
        %parallel_loop3A_150 = vector.broadcast %parallel_loop3A_149 : i32 to vector<16xi32>
        %parallel_loop3A_151 = arith.cmpi sgt, %parallel_loop3A_145, %parallel_loop3A_150 : vector<16xi32>
        %parallel_loop3A_152 = arith.extui %parallel_loop3A_151 : vector<16xi1> to vector<16xi32>
        %parallel_loop3A_153 = arith.constant 0 : i32
        %parallel_loop3A_154 = vector.broadcast %parallel_loop3A_153 : i32 to vector<16xi32>
        %parallel_loop3A_155 = arith.cmpi slt, %parallel_loop3A_145, %parallel_loop3A_154 : vector<16xi32>
        %parallel_loop3A_156 = arith.extui %parallel_loop3A_155 : vector<16xi1> to vector<16xi32>
        %parallel_loop3A_157 = arith.subi %parallel_loop3A_152, %parallel_loop3A_156 : vector<16xi32>
        %parallel_loop3A_158 = arith.constant 0 : i32
        %parallel_loop3A_159 = arith.cmpi sgt, %parallel_loop3A_146, %parallel_loop3A_158 : i32
        %parallel_loop3A_160 = arith.extui %parallel_loop3A_159 : i1 to i32
        %parallel_loop3A_161 = arith.constant 0 : i32
        %parallel_loop3A_162 = arith.cmpi slt, %parallel_loop3A_146, %parallel_loop3A_161 : i32
        %parallel_loop3A_163 = arith.extui %parallel_loop3A_162 : i1 to i32
        %parallel_loop3A_164 = arith.subi %parallel_loop3A_160, %parallel_loop3A_163 : i32
        %parallel_loop3A_165 = vector.broadcast %parallel_loop3A_164 : i32 to vector<16xi32>
        %parallel_loop3A_166 = arith.cmpi ne, %parallel_loop3A_157, %parallel_loop3A_165 : vector<16xi32>
        %parallel_loop3A_167 = vector.broadcast %parallel_loop3A_146 : i32 to vector<16xi32>
        %parallel_loop3A_168 = arith.remsi %parallel_loop3A_145, %parallel_loop3A_167 : vector<16xi32>
        %parallel_loop3A_169 = arith.constant 0 : i32
        %parallel_loop3A_170 = vector.broadcast %parallel_loop3A_169 : i32 to vector<16xi32>
        %parallel_loop3A_171 = arith.cmpi ne, %parallel_loop3A_168, %parallel_loop3A_170 : vector<16xi32>
        %parallel_loop3A_172 = arith.andi %parallel_loop3A_166, %parallel_loop3A_171 : vector<16xi1>
        %parallel_loop3A_173 = arith.constant 1 : i32
        %parallel_loop3A_174 = vector.broadcast %parallel_loop3A_173 : i32 to vector<16xi32>
        %parallel_loop3A_175 = arith.subi %parallel_loop3A_148, %parallel_loop3A_174 : vector<16xi32>
        %parallel_loop3A_176 = arith.select %parallel_loop3A_172, %parallel_loop3A_175, %parallel_loop3A_148 : vector<16xi1>, vector<16xi32>
        %parallel_loop3A_177 = arith.constant 20 : i32
        %parallel_loop3A_178 = vector.broadcast %parallel_loop3A_177 : i32 to vector<16xi32>
        %parallel_loop3A_179 = arith.muli %parallel_loop3A_176, %parallel_loop3A_178 : vector<16xi32>
        %parallel_loop3A_180 = arith.subi %parallel_loop3A_145, %parallel_loop3A_179 : vector<16xi32>
        %parallel_loop3A_181 = tpu.vector_load_idx %arg13[%parallel_loop3A_176, %parallel_loop3A_180] : memref<16x20xi32, #tpu.memory_space<vmem>>[vector<16xi32>, vector<16xi32>], vector<16xi32>,
        %parallel_loop3A_182 = tpu.vector_load_idx %arg15[%parallel_loop3A_176, %parallel_loop3A_180] : memref<16x20xi32, #tpu.memory_space<vmem>>[vector<16xi32>, vector<16xi32>], vector<16xi32>,
        %parallel_loop3A_183 = arith.constant -1 : i32
        %parallel_loop3A_184 = vector.broadcast %parallel_loop3A_183 : i32 to vector<16xi32>
        %parallel_loop3A_185 = arith.cmpi eq, %parallel_loop3A_181, %parallel_loop3A_184 : vector<16xi32>
        %parallel_loop3A_186 = arith.constant 0 : i32
        %parallel_loop3A_187 = vector.broadcast %parallel_loop3A_186 : i32 to vector<16xi32>
        %parallel_loop3A_188 = arith.select %parallel_loop3A_185, %parallel_loop3A_187, %parallel_loop3A_181 : vector<16xi1>, vector<16xi32>
        %parallel_loop3A_189 = tpu.vector_load_idx %arg9[%parallel_loop3A_176, %parallel_loop3A_188] : memref<16x1000xf32, #tpu.memory_space<vmem>>[vector<16xi32>, vector<16xi32>], vector<16xf32>,
        %parallel_loop3A_190 = tpu.vector_load_idx %arg17[%parallel_loop3A_182] : memref<16xf32, #tpu.memory_space<vmem>>[vector<16xi32>], vector<16xf32>,
        %parallel_loop3A_191 = arith.subf %parallel_loop3A_190, %parallel_loop3A_189 : vector<16xf32>
        %parallel_loop3A_192 = arith.index_cast %parallel_loop3A_143 : i32 to index
        %parallel_loop3A_193 = tpu.vector_load %arg16[%parallel_loop3A_192] {strides = array<i32>} : memref<320xf32, #tpu.memory_space<vmem>>, vector<16xf32>,
        tpu.vector_store %arg16[%parallel_loop3A_192], %parallel_loop3A_191 {strides = array<i32>} : memref<320xf32, #tpu.memory_space<vmem>>, vector<16xf32>,
      } {sc.loop_unroll_factor = 4 : i64, sc.parallel_access}
      %scan3A_130 = arith.constant 0 : i32
      %scan3A_131 = arith.constant 16 : i32
      %scan3A_132 = arith.addi %scan3A_130, %scan3A_131 : i32
      %scan3A_133 = arith.constant 1 : i32
      %scan3A_134:8 = scf.for %scan3A_141 = %scan3A_130 to %scan3A_132 step %scan3A_133 iter_args(%scan3A_142 = %scan3A_98#0, %scan3A_143 = %scan3A_98#1, %scan3A_144 = %scan3A_98#2, %scan3A_145 = %scan3A_98#3, %scan3A_146 = %scan3A_98#4, %scan3A_147 = %scan3A_98#5, %scan3A_148 = %scan3A_98#6, %scan3A_149 = %scan3A_98#7) -> (vector<16xf32>, vector<16xf32>, vector<16xf32>, vector<16xf32>, vector<16xi32>, vector<16xi32>, vector<16xi32>, vector<16xi32>)  : i32 {
        %broadcast_in_dim3A_150 = vector.broadcast %scan3A_141 : i32 to vector<16xi32>
        %mul3A_151 = arith.constant 20 : i32
        %mul3A_152 = arith.muli %scan3A_141, %mul3A_151 : i32
        %add3A_153 = arith.constant 0 : i32
        %add3A_154 = arith.addi %mul3A_152, %add3A_153 : i32
        %broadcast_in_dim3A_155 = vector.broadcast %add3A_154 : i32 to vector<16xi32>
        %gather3A = tpu.vector_load_idx %arg16[%broadcast_in_dim3A_155] : memref<320xf32, #tpu.memory_space<vmem>>[vector<16xi32>], vector<16xf32>,
        %add3A_156 = arith.constant 1 : i32
        %add3A_157 = arith.addi %mul3A_152, %add3A_156 : i32
        %broadcast_in_dim3A_158 = vector.broadcast %add3A_157 : i32 to vector<16xi32>
        %gather3A_159 = tpu.vector_load_idx %arg16[%broadcast_in_dim3A_158] : memref<320xf32, #tpu.memory_space<vmem>>[vector<16xi32>], vector<16xf32>,
        %add3A_160 = arith.constant 2 : i32
        %add3A_161 = arith.addi %mul3A_152, %add3A_160 : i32
        %broadcast_in_dim3A_162 = vector.broadcast %add3A_161 : i32 to vector<16xi32>
        %gather3A_163 = tpu.vector_load_idx %arg16[%broadcast_in_dim3A_162] : memref<320xf32, #tpu.memory_space<vmem>>[vector<16xi32>], vector<16xf32>,
        %add3A_164 = arith.constant 3 : i32
        %add3A_165 = arith.addi %mul3A_152, %add3A_164 : i32
        %broadcast_in_dim3A_166 = vector.broadcast %add3A_165 : i32 to vector<16xi32>
        %gather3A_167 = tpu.vector_load_idx %arg16[%broadcast_in_dim3A_166] : memref<320xf32, #tpu.memory_space<vmem>>[vector<16xi32>], vector<16xf32>,
        %add3A_168 = arith.constant 4 : i32
        %add3A_169 = arith.addi %mul3A_152, %add3A_168 : i32
        %broadcast_in_dim3A_170 = vector.broadcast %add3A_169 : i32 to vector<16xi32>
        %gather3A_171 = tpu.vector_load_idx %arg16[%broadcast_in_dim3A_170] : memref<320xf32, #tpu.memory_space<vmem>>[vector<16xi32>], vector<16xf32>,
        %add3A_172 = arith.constant 5 : i32
        %add3A_173 = arith.addi %mul3A_152, %add3A_172 : i32
        %broadcast_in_dim3A_174 = vector.broadcast %add3A_173 : i32 to vector<16xi32>
        %gather3A_175 = tpu.vector_load_idx %arg16[%broadcast_in_dim3A_174] : memref<320xf32, #tpu.memory_space<vmem>>[vector<16xi32>], vector<16xf32>,
        %add3A_176 = arith.constant 6 : i32
        %add3A_177 = arith.addi %mul3A_152, %add3A_176 : i32
        %broadcast_in_dim3A_178 = vector.broadcast %add3A_177 : i32 to vector<16xi32>
        %gather3A_179 = tpu.vector_load_idx %arg16[%broadcast_in_dim3A_178] : memref<320xf32, #tpu.memory_space<vmem>>[vector<16xi32>], vector<16xf32>,
        %add3A_180 = arith.constant 7 : i32
        %add3A_181 = arith.addi %mul3A_152, %add3A_180 : i32
        %broadcast_in_dim3A_182 = vector.broadcast %add3A_181 : i32 to vector<16xi32>
        %gather3A_183 = tpu.vector_load_idx %arg16[%broadcast_in_dim3A_182] : memref<320xf32, #tpu.memory_space<vmem>>[vector<16xi32>], vector<16xf32>,
        %add3A_184 = arith.constant 8 : i32
        %add3A_185 = arith.addi %mul3A_152, %add3A_184 : i32
        %broadcast_in_dim3A_186 = vector.broadcast %add3A_185 : i32 to vector<16xi32>
        %gather3A_187 = tpu.vector_load_idx %arg16[%broadcast_in_dim3A_186] : memref<320xf32, #tpu.memory_space<vmem>>[vector<16xi32>], vector<16xf32>,
        %add3A_188 = arith.constant 9 : i32
        %add3A_189 = arith.addi %mul3A_152, %add3A_188 : i32
        %broadcast_in_dim3A_190 = vector.broadcast %add3A_189 : i32 to vector<16xi32>
        %gather3A_191 = tpu.vector_load_idx %arg16[%broadcast_in_dim3A_190] : memref<320xf32, #tpu.memory_space<vmem>>[vector<16xi32>], vector<16xf32>,
        %add3A_192 = arith.constant 10 : i32
        %add3A_193 = arith.addi %mul3A_152, %add3A_192 : i32
        %broadcast_in_dim3A_194 = vector.broadcast %add3A_193 : i32 to vector<16xi32>
        %gather3A_195 = tpu.vector_load_idx %arg16[%broadcast_in_dim3A_194] : memref<320xf32, #tpu.memory_space<vmem>>[vector<16xi32>], vector<16xf32>,
        %add3A_196 = arith.constant 11 : i32
        %add3A_197 = arith.addi %mul3A_152, %add3A_196 : i32
        %broadcast_in_dim3A_198 = vector.broadcast %add3A_197 : i32 to vector<16xi32>
        %gather3A_199 = tpu.vector_load_idx %arg16[%broadcast_in_dim3A_198] : memref<320xf32, #tpu.memory_space<vmem>>[vector<16xi32>], vector<16xf32>,
        %add3A_200 = arith.constant 12 : i32
        %add3A_201 = arith.addi %mul3A_152, %add3A_200 : i32
        %broadcast_in_dim3A_202 = vector.broadcast %add3A_201 : i32 to vector<16xi32>
        %gather3A_203 = tpu.vector_load_idx %arg16[%broadcast_in_dim3A_202] : memref<320xf32, #tpu.memory_space<vmem>>[vector<16xi32>], vector<16xf32>,
        %add3A_204 = arith.constant 13 : i32
        %add3A_205 = arith.addi %mul3A_152, %add3A_204 : i32
        %broadcast_in_dim3A_206 = vector.broadcast %add3A_205 : i32 to vector<16xi32>
        %gather3A_207 = tpu.vector_load_idx %arg16[%broadcast_in_dim3A_206] : memref<320xf32, #tpu.memory_space<vmem>>[vector<16xi32>], vector<16xf32>,
        %add3A_208 = arith.constant 14 : i32
        %add3A_209 = arith.addi %mul3A_152, %add3A_208 : i32
        %broadcast_in_dim3A_210 = vector.broadcast %add3A_209 : i32 to vector<16xi32>
        %gather3A_211 = tpu.vector_load_idx %arg16[%broadcast_in_dim3A_210] : memref<320xf32, #tpu.memory_space<vmem>>[vector<16xi32>], vector<16xf32>,
        %add3A_212 = arith.constant 15 : i32
        %add3A_213 = arith.addi %mul3A_152, %add3A_212 : i32
        %broadcast_in_dim3A_214 = vector.broadcast %add3A_213 : i32 to vector<16xi32>
        %gather3A_215 = tpu.vector_load_idx %arg16[%broadcast_in_dim3A_214] : memref<320xf32, #tpu.memory_space<vmem>>[vector<16xi32>], vector<16xf32>,
        %add3A_216 = arith.constant 16 : i32
        %add3A_217 = arith.addi %mul3A_152, %add3A_216 : i32
        %broadcast_in_dim3A_218 = vector.broadcast %add3A_217 : i32 to vector<16xi32>
        %gather3A_219 = tpu.vector_load_idx %arg16[%broadcast_in_dim3A_218] : memref<320xf32, #tpu.memory_space<vmem>>[vector<16xi32>], vector<16xf32>,
        %add3A_220 = arith.constant 17 : i32
        %add3A_221 = arith.addi %mul3A_152, %add3A_220 : i32
        %broadcast_in_dim3A_222 = vector.broadcast %add3A_221 : i32 to vector<16xi32>
        %gather3A_223 = tpu.vector_load_idx %arg16[%broadcast_in_dim3A_222] : memref<320xf32, #tpu.memory_space<vmem>>[vector<16xi32>], vector<16xf32>,
        %add3A_224 = arith.constant 18 : i32
        %add3A_225 = arith.addi %mul3A_152, %add3A_224 : i32
        %broadcast_in_dim3A_226 = vector.broadcast %add3A_225 : i32 to vector<16xi32>
        %gather3A_227 = tpu.vector_load_idx %arg16[%broadcast_in_dim3A_226] : memref<320xf32, #tpu.memory_space<vmem>>[vector<16xi32>], vector<16xf32>,
        %add3A_228 = arith.constant 19 : i32
        %add3A_229 = arith.addi %mul3A_152, %add3A_228 : i32
        %broadcast_in_dim3A_230 = vector.broadcast %add3A_229 : i32 to vector<16xi32>
        %gather3A_231 = tpu.vector_load_idx %arg16[%broadcast_in_dim3A_230] : memref<320xf32, #tpu.memory_space<vmem>>[vector<16xi32>], vector<16xf32>,
        %get3A = arith.index_cast %scan3A_141 : i32 to index
        %get3A_232 = arith.constant 0 : index
        %get3A_233 = tpu.vector_load %arg11[%get3A, %get3A_232] {strides = array<i32>} : memref<16x1000xi32, #tpu.memory_space<vmem>>, vector<16xi32>,
        %ne3A = arith.constant -1 : i32
        %ne3A_234 = vector.broadcast %ne3A : i32 to vector<16xi32>
        %ne3A_235 = arith.cmpi ne, %get3A_233, %ne3A_234 : vector<16xi32>
        %jit3A = arith.constant 0 : i32
        %broadcast_in_dim3A_236 = vector.broadcast %jit3A : i32 to vector<16xi32>
        %select_n3A = arith.select %ne3A_235, %get3A_233, %broadcast_in_dim3A_236 : vector<16xi1>, vector<16xi32>
        %gather3A_237 = tpu.vector_load_idx %arg9[%broadcast_in_dim3A_150, %select_n3A] : memref<16x1000xf32, #tpu.memory_space<vmem>>[vector<16xi32>, vector<16xi32>], vector<16xf32>,
        %add3A_238 = arith.addf %gather3A, %gather3A_237 : vector<16xf32>
        %max3A = arith.constant 0.000000e+00 : f32
        %max3A_239 = vector.broadcast %max3A : f32 to vector<16xf32>
        %max3A_240 = arith.maximumf %add3A_238, %max3A_239 : vector<16xf32>
        %jit3A_241 = arith.constant 0.000000e+00 : f32
        %broadcast_in_dim3A_242 = vector.broadcast %jit3A_241 : f32 to vector<16xf32>
        %select_n3A_243 = arith.select %ne3A_235, %max3A_240, %broadcast_in_dim3A_242 : vector<16xi1>, vector<16xf32>
        %add3A_244 = arith.addf %scan3A_142, %select_n3A_243 : vector<16xf32>
        %jit3A_245 = arith.constant 1 : i32
        %jit3A_246 = arith.constant 0 : i32
        %broadcast_in_dim3A_247 = vector.broadcast %jit3A_245 : i32 to vector<16xi32>
        %broadcast_in_dim3A_248 = vector.broadcast %jit3A_246 : i32 to vector<16xi32>
        %select_n3A_249 = arith.select %ne3A_235, %broadcast_in_dim3A_247, %broadcast_in_dim3A_248 : vector<16xi1>, vector<16xi32>
        %add3A_250 = arith.addi %scan3A_146, %select_n3A_249 : vector<16xi32>
        %get3A_251 = arith.index_cast %scan3A_141 : i32 to index
        %get3A_252 = arith.constant 16 : index
        %get3A_253 = tpu.vector_load %arg11[%get3A_251, %get3A_252] {strides = array<i32>} : memref<16x1000xi32, #tpu.memory_space<vmem>>, vector<16xi32>,
        %ne3A_254 = arith.constant -1 : i32
        %ne3A_255 = vector.broadcast %ne3A_254 : i32 to vector<16xi32>
        %ne3A_256 = arith.cmpi ne, %get3A_253, %ne3A_255 : vector<16xi32>
        %jit3A_257 = arith.constant 0 : i32
        %broadcast_in_dim3A_258 = vector.broadcast %jit3A_257 : i32 to vector<16xi32>
        %select_n3A_259 = arith.select %ne3A_256, %get3A_253, %broadcast_in_dim3A_258 : vector<16xi1>, vector<16xi32>
        %gather3A_260 = tpu.vector_load_idx %arg9[%broadcast_in_dim3A_150, %select_n3A_259] : memref<16x1000xf32, #tpu.memory_space<vmem>>[vector<16xi32>, vector<16xi32>], vector<16xf32>,
        %add3A_261 = arith.addf %gather3A, %gather3A_260 : vector<16xf32>
        %max3A_262 = arith.constant 0.000000e+00 : f32
        %max3A_263 = vector.broadcast %max3A_262 : f32 to vector<16xf32>
        %max3A_264 = arith.maximumf %add3A_261, %max3A_263 : vector<16xf32>
        %jit3A_265 = arith.constant 0.000000e+00 : f32
        %broadcast_in_dim3A_266 = vector.broadcast %jit3A_265 : f32 to vector<16xf32>
        %select_n3A_267 = arith.select %ne3A_256, %max3A_264, %broadcast_in_dim3A_266 : vector<16xi1>, vector<16xf32>
        %add3A_268 = arith.addf %scan3A_143, %select_n3A_267 : vector<16xf32>
        %jit3A_269 = arith.constant 1 : i32
        %jit3A_270 = arith.constant 0 : i32
        %broadcast_in_dim3A_271 = vector.broadcast %jit3A_269 : i32 to vector<16xi32>
        %broadcast_in_dim3A_272 = vector.broadcast %jit3A_270 : i32 to vector<16xi32>
        %select_n3A_273 = arith.select %ne3A_256, %broadcast_in_dim3A_271, %broadcast_in_dim3A_272 : vector<16xi1>, vector<16xi32>
        %add3A_274 = arith.addi %scan3A_147, %select_n3A_273 : vector<16xi32>
        %get3A_275 = arith.index_cast %scan3A_141 : i32 to index
        %get3A_276 = arith.constant 32 : index
        %get3A_277 = tpu.vector_load %arg11[%get3A_275, %get3A_276] {strides = array<i32>} : memref<16x1000xi32, #tpu.memory_space<vmem>>, vector<16xi32>,
        %ne3A_278 = arith.constant -1 : i32
        %ne3A_279 = vector.broadcast %ne3A_278 : i32 to vector<16xi32>
        %ne3A_280 = arith.cmpi ne, %get3A_277, %ne3A_279 : vector<16xi32>
        %jit3A_281 = arith.constant 0 : i32
        %broadcast_in_dim3A_282 = vector.broadcast %jit3A_281 : i32 to vector<16xi32>
        %select_n3A_283 = arith.select %ne3A_280, %get3A_277, %broadcast_in_dim3A_282 : vector<16xi1>, vector<16xi32>
        %gather3A_284 = tpu.vector_load_idx %arg9[%broadcast_in_dim3A_150, %select_n3A_283] : memref<16x1000xf32, #tpu.memory_space<vmem>>[vector<16xi32>, vector<16xi32>], vector<16xf32>,
        %add3A_285 = arith.addf %gather3A, %gather3A_284 : vector<16xf32>
        %max3A_286 = arith.constant 0.000000e+00 : f32
        %max3A_287 = vector.broadcast %max3A_286 : f32 to vector<16xf32>
        %max3A_288 = arith.maximumf %add3A_285, %max3A_287 : vector<16xf32>
        %jit3A_289 = arith.constant 0.000000e+00 : f32
        %broadcast_in_dim3A_290 = vector.broadcast %jit3A_289 : f32 to vector<16xf32>
        %select_n3A_291 = arith.select %ne3A_280, %max3A_288, %broadcast_in_dim3A_290 : vector<16xi1>, vector<16xf32>
        %add3A_292 = arith.addf %scan3A_144, %select_n3A_291 : vector<16xf32>
        %jit3A_293 = arith.constant 1 : i32
        %jit3A_294 = arith.constant 0 : i32
        %broadcast_in_dim3A_295 = vector.broadcast %jit3A_293 : i32 to vector<16xi32>
        %broadcast_in_dim3A_296 = vector.broadcast %jit3A_294 : i32 to vector<16xi32>
        %select_n3A_297 = arith.select %ne3A_280, %broadcast_in_dim3A_295, %broadcast_in_dim3A_296 : vector<16xi1>, vector<16xi32>
        %add3A_298 = arith.addi %scan3A_148, %select_n3A_297 : vector<16xi32>
        %ge3A_299 = arith.constant 2 : i32
        %ge3A_300 = vector.broadcast %ge3A_299 : i32 to vector<16xi32>
        %ge3A_301 = arith.cmpi sge, %iota3A, %ge3A_300 : vector<16xi32>
        %select_n3A_302 = arith.select %ge3A_301, %gather3A_159, %gather3A : vector<16xi1>, vector<16xf32>
        %get3A_303 = arith.index_cast %scan3A_141 : i32 to index
        %get3A_304 = arith.constant 48 : index
        %get3A_305 = tpu.vector_load %arg11[%get3A_303, %get3A_304] {strides = array<i32>} : memref<16x1000xi32, #tpu.memory_space<vmem>>, vector<16xi32>,
        %ne3A_306 = arith.constant -1 : i32
        %ne3A_307 = vector.broadcast %ne3A_306 : i32 to vector<16xi32>
        %ne3A_308 = arith.cmpi ne, %get3A_305, %ne3A_307 : vector<16xi32>
        %jit3A_309 = arith.constant 0 : i32
        %broadcast_in_dim3A_310 = vector.broadcast %jit3A_309 : i32 to vector<16xi32>
        %select_n3A_311 = arith.select %ne3A_308, %get3A_305, %broadcast_in_dim3A_310 : vector<16xi1>, vector<16xi32>
        %gather3A_312 = tpu.vector_load_idx %arg9[%broadcast_in_dim3A_150, %select_n3A_311] : memref<16x1000xf32, #tpu.memory_space<vmem>>[vector<16xi32>, vector<16xi32>], vector<16xf32>,
        %add3A_313 = arith.addf %select_n3A_302, %gather3A_312 : vector<16xf32>
        %max3A_314 = arith.constant 0.000000e+00 : f32
        %max3A_315 = vector.broadcast %max3A_314 : f32 to vector<16xf32>
        %max3A_316 = arith.maximumf %add3A_313, %max3A_315 : vector<16xf32>
        %jit3A_317 = arith.constant 0.000000e+00 : f32
        %broadcast_in_dim3A_318 = vector.broadcast %jit3A_317 : f32 to vector<16xf32>
        %select_n3A_319 = arith.select %ne3A_308, %max3A_316, %broadcast_in_dim3A_318 : vector<16xi1>, vector<16xf32>
        %add3A_320 = arith.addf %scan3A_145, %select_n3A_319 : vector<16xf32>
        %jit3A_321 = arith.constant 1 : i32
        %jit3A_322 = arith.constant 0 : i32
        %broadcast_in_dim3A_323 = vector.broadcast %jit3A_321 : i32 to vector<16xi32>
        %broadcast_in_dim3A_324 = vector.broadcast %jit3A_322 : i32 to vector<16xi32>
        %select_n3A_325 = arith.select %ne3A_308, %broadcast_in_dim3A_323, %broadcast_in_dim3A_324 : vector<16xi1>, vector<16xi32>
        %add3A_326 = arith.addi %scan3A_149, %select_n3A_325 : vector<16xi32>
        %get3A_327 = arith.index_cast %scan3A_141 : i32 to index
        %get3A_328 = arith.constant 64 : index
        %get3A_329 = tpu.vector_load %arg11[%get3A_327, %get3A_328] {strides = array<i32>} : memref<16x1000xi32, #tpu.memory_space<vmem>>, vector<16xi32>,
        %ne3A_330 = arith.constant -1 : i32
        %ne3A_331 = vector.broadcast %ne3A_330 : i32 to vector<16xi32>
        %ne3A_332 = arith.cmpi ne, %get3A_329, %ne3A_331 : vector<16xi32>
        %jit3A_333 = arith.constant 0 : i32
        %broadcast_in_dim3A_334 = vector.broadcast %jit3A_333 : i32 to vector<16xi32>
        %select_n3A_335 = arith.select %ne3A_332, %get3A_329, %broadcast_in_dim3A_334 : vector<16xi1>, vector<16xi32>
        %gather3A_336 = tpu.vector_load_idx %arg9[%broadcast_in_dim3A_150, %select_n3A_335] : memref<16x1000xf32, #tpu.memory_space<vmem>>[vector<16xi32>, vector<16xi32>], vector<16xf32>,
        %add3A_337 = arith.addf %gather3A_159, %gather3A_336 : vector<16xf32>
        %max3A_338 = arith.constant 0.000000e+00 : f32
        %max3A_339 = vector.broadcast %max3A_338 : f32 to vector<16xf32>
        %max3A_340 = arith.maximumf %add3A_337, %max3A_339 : vector<16xf32>
        %jit3A_341 = arith.constant 0.000000e+00 : f32
        %broadcast_in_dim3A_342 = vector.broadcast %jit3A_341 : f32 to vector<16xf32>
        %select_n3A_343 = arith.select %ne3A_332, %max3A_340, %broadcast_in_dim3A_342 : vector<16xi1>, vector<16xf32>
        %add3A_344 = arith.addf %add3A_244, %select_n3A_343 : vector<16xf32>
        %jit3A_345 = arith.constant 1 : i32
        %jit3A_346 = arith.constant 0 : i32
        %broadcast_in_dim3A_347 = vector.broadcast %jit3A_345 : i32 to vector<16xi32>
        %broadcast_in_dim3A_348 = vector.broadcast %jit3A_346 : i32 to vector<16xi32>
        %select_n3A_349 = arith.select %ne3A_332, %broadcast_in_dim3A_347, %broadcast_in_dim3A_348 : vector<16xi1>, vector<16xi32>
        %add3A_350 = arith.addi %add3A_250, %select_n3A_349 : vector<16xi32>
        %get3A_351 = arith.index_cast %scan3A_141 : i32 to index
        %get3A_352 = arith.constant 80 : index
        %get3A_353 = tpu.vector_load %arg11[%get3A_351, %get3A_352] {strides = array<i32>} : memref<16x1000xi32, #tpu.memory_space<vmem>>, vector<16xi32>,
        %ne3A_354 = arith.constant -1 : i32
        %ne3A_355 = vector.broadcast %ne3A_354 : i32 to vector<16xi32>
        %ne3A_356 = arith.cmpi ne, %get3A_353, %ne3A_355 : vector<16xi32>
        %jit3A_357 = arith.constant 0 : i32
        %broadcast_in_dim3A_358 = vector.broadcast %jit3A_357 : i32 to vector<16xi32>
        %select_n3A_359 = arith.select %ne3A_356, %get3A_353, %broadcast_in_dim3A_358 : vector<16xi1>, vector<16xi32>
        %gather3A_360 = tpu.vector_load_idx %arg9[%broadcast_in_dim3A_150, %select_n3A_359] : memref<16x1000xf32, #tpu.memory_space<vmem>>[vector<16xi32>, vector<16xi32>], vector<16xf32>,
        %add3A_361 = arith.addf %gather3A_159, %gather3A_360 : vector<16xf32>
        %max3A_362 = arith.constant 0.000000e+00 : f32
        %max3A_363 = vector.broadcast %max3A_362 : f32 to vector<16xf32>
        %max3A_364 = arith.maximumf %add3A_361, %max3A_363 : vector<16xf32>
        %jit3A_365 = arith.constant 0.000000e+00 : f32
        %broadcast_in_dim3A_366 = vector.broadcast %jit3A_365 : f32 to vector<16xf32>
        %select_n3A_367 = arith.select %ne3A_356, %max3A_364, %broadcast_in_dim3A_366 : vector<16xi1>, vector<16xf32>
        %add3A_368 = arith.addf %add3A_268, %select_n3A_367 : vector<16xf32>
        %jit3A_369 = arith.constant 1 : i32
        %jit3A_370 = arith.constant 0 : i32
        %broadcast_in_dim3A_371 = vector.broadcast %jit3A_369 : i32 to vector<16xi32>
        %broadcast_in_dim3A_372 = vector.broadcast %jit3A_370 : i32 to vector<16xi32>
        %select_n3A_373 = arith.select %ne3A_356, %broadcast_in_dim3A_371, %broadcast_in_dim3A_372 : vector<16xi1>, vector<16xi32>
        %add3A_374 = arith.addi %add3A_274, %select_n3A_373 : vector<16xi32>
        %ge3A_375 = arith.constant 4 : i32
        %ge3A_376 = vector.broadcast %ge3A_375 : i32 to vector<16xi32>
        %ge3A_377 = arith.cmpi sge, %iota3A, %ge3A_376 : vector<16xi32>
        %select_n3A_378 = arith.select %ge3A_377, %gather3A_163, %gather3A_159 : vector<16xi1>, vector<16xf32>
        %get3A_379 = arith.index_cast %scan3A_141 : i32 to index
        %get3A_380 = arith.constant 96 : index
        %get3A_381 = tpu.vector_load %arg11[%get3A_379, %get3A_380] {strides = array<i32>} : memref<16x1000xi32, #tpu.memory_space<vmem>>, vector<16xi32>,
        %ne3A_382 = arith.constant -1 : i32
        %ne3A_383 = vector.broadcast %ne3A_382 : i32 to vector<16xi32>
        %ne3A_384 = arith.cmpi ne, %get3A_381, %ne3A_383 : vector<16xi32>
        %jit3A_385 = arith.constant 0 : i32
        %broadcast_in_dim3A_386 = vector.broadcast %jit3A_385 : i32 to vector<16xi32>
        %select_n3A_387 = arith.select %ne3A_384, %get3A_381, %broadcast_in_dim3A_386 : vector<16xi1>, vector<16xi32>
        %gather3A_388 = tpu.vector_load_idx %arg9[%broadcast_in_dim3A_150, %select_n3A_387] : memref<16x1000xf32, #tpu.memory_space<vmem>>[vector<16xi32>, vector<16xi32>], vector<16xf32>,
        %add3A_389 = arith.addf %select_n3A_378, %gather3A_388 : vector<16xf32>
        %max3A_390 = arith.constant 0.000000e+00 : f32
        %max3A_391 = vector.broadcast %max3A_390 : f32 to vector<16xf32>
        %max3A_392 = arith.maximumf %add3A_389, %max3A_391 : vector<16xf32>
        %jit3A_393 = arith.constant 0.000000e+00 : f32
        %broadcast_in_dim3A_394 = vector.broadcast %jit3A_393 : f32 to vector<16xf32>
        %select_n3A_395 = arith.select %ne3A_384, %max3A_392, %broadcast_in_dim3A_394 : vector<16xi1>, vector<16xf32>
        %add3A_396 = arith.addf %add3A_292, %select_n3A_395 : vector<16xf32>
        %jit3A_397 = arith.constant 1 : i32
        %jit3A_398 = arith.constant 0 : i32
        %broadcast_in_dim3A_399 = vector.broadcast %jit3A_397 : i32 to vector<16xi32>
        %broadcast_in_dim3A_400 = vector.broadcast %jit3A_398 : i32 to vector<16xi32>
        %select_n3A_401 = arith.select %ne3A_384, %broadcast_in_dim3A_399, %broadcast_in_dim3A_400 : vector<16xi1>, vector<16xi32>
        %add3A_402 = arith.addi %add3A_298, %select_n3A_401 : vector<16xi32>
        %get3A_403 = arith.index_cast %scan3A_141 : i32 to index
        %get3A_404 = arith.constant 112 : index
        %get3A_405 = tpu.vector_load %arg11[%get3A_403, %get3A_404] {strides = array<i32>} : memref<16x1000xi32, #tpu.memory_space<vmem>>, vector<16xi32>,
        %ne3A_406 = arith.constant -1 : i32
        %ne3A_407 = vector.broadcast %ne3A_406 : i32 to vector<16xi32>
        %ne3A_408 = arith.cmpi ne, %get3A_405, %ne3A_407 : vector<16xi32>
        %jit3A_409 = arith.constant 0 : i32
        %broadcast_in_dim3A_410 = vector.broadcast %jit3A_409 : i32 to vector<16xi32>
        %select_n3A_411 = arith.select %ne3A_408, %get3A_405, %broadcast_in_dim3A_410 : vector<16xi1>, vector<16xi32>
        %gather3A_412 = tpu.vector_load_idx %arg9[%broadcast_in_dim3A_150, %select_n3A_411] : memref<16x1000xf32, #tpu.memory_space<vmem>>[vector<16xi32>, vector<16xi32>], vector<16xf32>,
        %add3A_413 = arith.addf %gather3A_163, %gather3A_412 : vector<16xf32>
        %max3A_414 = arith.constant 0.000000e+00 : f32
        %max3A_415 = vector.broadcast %max3A_414 : f32 to vector<16xf32>
        %max3A_416 = arith.maximumf %add3A_413, %max3A_415 : vector<16xf32>
        %jit3A_417 = arith.constant 0.000000e+00 : f32
        %broadcast_in_dim3A_418 = vector.broadcast %jit3A_417 : f32 to vector<16xf32>
        %select_n3A_419 = arith.select %ne3A_408, %max3A_416, %broadcast_in_dim3A_418 : vector<16xi1>, vector<16xf32>
        %add3A_420 = arith.addf %add3A_320, %select_n3A_419 : vector<16xf32>
        %jit3A_421 = arith.constant 1 : i32
        %jit3A_422 = arith.constant 0 : i32
        %broadcast_in_dim3A_423 = vector.broadcast %jit3A_421 : i32 to vector<16xi32>
        %broadcast_in_dim3A_424 = vector.broadcast %jit3A_422 : i32 to vector<16xi32>
        %select_n3A_425 = arith.select %ne3A_408, %broadcast_in_dim3A_423, %broadcast_in_dim3A_424 : vector<16xi1>, vector<16xi32>
        %add3A_426 = arith.addi %add3A_326, %select_n3A_425 : vector<16xi32>
        %get3A_427 = arith.index_cast %scan3A_141 : i32 to index
        %get3A_428 = arith.constant 128 : index
        %get3A_429 = tpu.vector_load %arg11[%get3A_427, %get3A_428] {strides = array<i32>} : memref<16x1000xi32, #tpu.memory_space<vmem>>, vector<16xi32>,
        %ne3A_430 = arith.constant -1 : i32
        %ne3A_431 = vector.broadcast %ne3A_430 : i32 to vector<16xi32>
        %ne3A_432 = arith.cmpi ne, %get3A_429, %ne3A_431 : vector<16xi32>
        %jit3A_433 = arith.constant 0 : i32
        %broadcast_in_dim3A_434 = vector.broadcast %jit3A_433 : i32 to vector<16xi32>
        %select_n3A_435 = arith.select %ne3A_432, %get3A_429, %broadcast_in_dim3A_434 : vector<16xi1>, vector<16xi32>
        %gather3A_436 = tpu.vector_load_idx %arg9[%broadcast_in_dim3A_150, %select_n3A_435] : memref<16x1000xf32, #tpu.memory_space<vmem>>[vector<16xi32>, vector<16xi32>], vector<16xf32>,
        %add3A_437 = arith.addf %gather3A_163, %gather3A_436 : vector<16xf32>
        %max3A_438 = arith.constant 0.000000e+00 : f32
        %max3A_439 = vector.broadcast %max3A_438 : f32 to vector<16xf32>
        %max3A_440 = arith.maximumf %add3A_437, %max3A_439 : vector<16xf32>
        %jit3A_441 = arith.constant 0.000000e+00 : f32
        %broadcast_in_dim3A_442 = vector.broadcast %jit3A_441 : f32 to vector<16xf32>
        %select_n3A_443 = arith.select %ne3A_432, %max3A_440, %broadcast_in_dim3A_442 : vector<16xi1>, vector<16xf32>
        %add3A_444 = arith.addf %add3A_344, %select_n3A_443 : vector<16xf32>
        %jit3A_445 = arith.constant 1 : i32
        %jit3A_446 = arith.constant 0 : i32
        %broadcast_in_dim3A_447 = vector.broadcast %jit3A_445 : i32 to vector<16xi32>
        %broadcast_in_dim3A_448 = vector.broadcast %jit3A_446 : i32 to vector<16xi32>
        %select_n3A_449 = arith.select %ne3A_432, %broadcast_in_dim3A_447, %broadcast_in_dim3A_448 : vector<16xi1>, vector<16xi32>
        %add3A_450 = arith.addi %add3A_350, %select_n3A_449 : vector<16xi32>
        %ge3A_451 = arith.constant 6 : i32
        %ge3A_452 = vector.broadcast %ge3A_451 : i32 to vector<16xi32>
        %ge3A_453 = arith.cmpi sge, %iota3A, %ge3A_452 : vector<16xi32>
        %select_n3A_454 = arith.select %ge3A_453, %gather3A_167, %gather3A_163 : vector<16xi1>, vector<16xf32>
        %get3A_455 = arith.index_cast %scan3A_141 : i32 to index
        %get3A_456 = arith.constant 144 : index
        %get3A_457 = tpu.vector_load %arg11[%get3A_455, %get3A_456] {strides = array<i32>} : memref<16x1000xi32, #tpu.memory_space<vmem>>, vector<16xi32>,
        %ne3A_458 = arith.constant -1 : i32
        %ne3A_459 = vector.broadcast %ne3A_458 : i32 to vector<16xi32>
        %ne3A_460 = arith.cmpi ne, %get3A_457, %ne3A_459 : vector<16xi32>
        %jit3A_461 = arith.constant 0 : i32
        %broadcast_in_dim3A_462 = vector.broadcast %jit3A_461 : i32 to vector<16xi32>
        %select_n3A_463 = arith.select %ne3A_460, %get3A_457, %broadcast_in_dim3A_462 : vector<16xi1>, vector<16xi32>
        %gather3A_464 = tpu.vector_load_idx %arg9[%broadcast_in_dim3A_150, %select_n3A_463] : memref<16x1000xf32, #tpu.memory_space<vmem>>[vector<16xi32>, vector<16xi32>], vector<16xf32>,
        %add3A_465 = arith.addf %select_n3A_454, %gather3A_464 : vector<16xf32>
        %max3A_466 = arith.constant 0.000000e+00 : f32
        %max3A_467 = vector.broadcast %max3A_466 : f32 to vector<16xf32>
        %max3A_468 = arith.maximumf %add3A_465, %max3A_467 : vector<16xf32>
        %jit3A_469 = arith.constant 0.000000e+00 : f32
        %broadcast_in_dim3A_470 = vector.broadcast %jit3A_469 : f32 to vector<16xf32>
        %select_n3A_471 = arith.select %ne3A_460, %max3A_468, %broadcast_in_dim3A_470 : vector<16xi1>, vector<16xf32>
        %add3A_472 = arith.addf %add3A_368, %select_n3A_471 : vector<16xf32>
        %jit3A_473 = arith.constant 1 : i32
        %jit3A_474 = arith.constant 0 : i32
        %broadcast_in_dim3A_475 = vector.broadcast %jit3A_473 : i32 to vector<16xi32>
        %broadcast_in_dim3A_476 = vector.broadcast %jit3A_474 : i32 to vector<16xi32>
        %select_n3A_477 = arith.select %ne3A_460, %broadcast_in_dim3A_475, %broadcast_in_dim3A_476 : vector<16xi1>, vector<16xi32>
        %add3A_478 = arith.addi %add3A_374, %select_n3A_477 : vector<16xi32>
        %get3A_479 = arith.index_cast %scan3A_141 : i32 to index
        %get3A_480 = arith.constant 160 : index
        %get3A_481 = tpu.vector_load %arg11[%get3A_479, %get3A_480] {strides = array<i32>} : memref<16x1000xi32, #tpu.memory_space<vmem>>, vector<16xi32>,
        %ne3A_482 = arith.constant -1 : i32
        %ne3A_483 = vector.broadcast %ne3A_482 : i32 to vector<16xi32>
        %ne3A_484 = arith.cmpi ne, %get3A_481, %ne3A_483 : vector<16xi32>
        %jit3A_485 = arith.constant 0 : i32
        %broadcast_in_dim3A_486 = vector.broadcast %jit3A_485 : i32 to vector<16xi32>
        %select_n3A_487 = arith.select %ne3A_484, %get3A_481, %broadcast_in_dim3A_486 : vector<16xi1>, vector<16xi32>
        %gather3A_488 = tpu.vector_load_idx %arg9[%broadcast_in_dim3A_150, %select_n3A_487] : memref<16x1000xf32, #tpu.memory_space<vmem>>[vector<16xi32>, vector<16xi32>], vector<16xf32>,
        %add3A_489 = arith.addf %gather3A_167, %gather3A_488 : vector<16xf32>
        %max3A_490 = arith.constant 0.000000e+00 : f32
        %max3A_491 = vector.broadcast %max3A_490 : f32 to vector<16xf32>
        %max3A_492 = arith.maximumf %add3A_489, %max3A_491 : vector<16xf32>
        %jit3A_493 = arith.constant 0.000000e+00 : f32
        %broadcast_in_dim3A_494 = vector.broadcast %jit3A_493 : f32 to vector<16xf32>
        %select_n3A_495 = arith.select %ne3A_484, %max3A_492, %broadcast_in_dim3A_494 : vector<16xi1>, vector<16xf32>
        %add3A_496 = arith.addf %add3A_396, %select_n3A_495 : vector<16xf32>
        %jit3A_497 = arith.constant 1 : i32
        %jit3A_498 = arith.constant 0 : i32
        %broadcast_in_dim3A_499 = vector.broadcast %jit3A_497 : i32 to vector<16xi32>
        %broadcast_in_dim3A_500 = vector.broadcast %jit3A_498 : i32 to vector<16xi32>
        %select_n3A_501 = arith.select %ne3A_484, %broadcast_in_dim3A_499, %broadcast_in_dim3A_500 : vector<16xi1>, vector<16xi32>
        %add3A_502 = arith.addi %add3A_402, %select_n3A_501 : vector<16xi32>
        %get3A_503 = arith.index_cast %scan3A_141 : i32 to index
        %get3A_504 = arith.constant 176 : index
        %get3A_505 = tpu.vector_load %arg11[%get3A_503, %get3A_504] {strides = array<i32>} : memref<16x1000xi32, #tpu.memory_space<vmem>>, vector<16xi32>,
        %ne3A_506 = arith.constant -1 : i32
        %ne3A_507 = vector.broadcast %ne3A_506 : i32 to vector<16xi32>
        %ne3A_508 = arith.cmpi ne, %get3A_505, %ne3A_507 : vector<16xi32>
        %jit3A_509 = arith.constant 0 : i32
        %broadcast_in_dim3A_510 = vector.broadcast %jit3A_509 : i32 to vector<16xi32>
        %select_n3A_511 = arith.select %ne3A_508, %get3A_505, %broadcast_in_dim3A_510 : vector<16xi1>, vector<16xi32>
        %gather3A_512 = tpu.vector_load_idx %arg9[%broadcast_in_dim3A_150, %select_n3A_511] : memref<16x1000xf32, #tpu.memory_space<vmem>>[vector<16xi32>, vector<16xi32>], vector<16xf32>,
        %add3A_513 = arith.addf %gather3A_167, %gather3A_512 : vector<16xf32>
        %max3A_514 = arith.constant 0.000000e+00 : f32
        %max3A_515 = vector.broadcast %max3A_514 : f32 to vector<16xf32>
        %max3A_516 = arith.maximumf %add3A_513, %max3A_515 : vector<16xf32>
        %jit3A_517 = arith.constant 0.000000e+00 : f32
        %broadcast_in_dim3A_518 = vector.broadcast %jit3A_517 : f32 to vector<16xf32>
        %select_n3A_519 = arith.select %ne3A_508, %max3A_516, %broadcast_in_dim3A_518 : vector<16xi1>, vector<16xf32>
        %add3A_520 = arith.addf %add3A_420, %select_n3A_519 : vector<16xf32>
        %jit3A_521 = arith.constant 1 : i32
        %jit3A_522 = arith.constant 0 : i32
        %broadcast_in_dim3A_523 = vector.broadcast %jit3A_521 : i32 to vector<16xi32>
        %broadcast_in_dim3A_524 = vector.broadcast %jit3A_522 : i32 to vector<16xi32>
        %select_n3A_525 = arith.select %ne3A_508, %broadcast_in_dim3A_523, %broadcast_in_dim3A_524 : vector<16xi1>, vector<16xi32>
        %add3A_526 = arith.addi %add3A_426, %select_n3A_525 : vector<16xi32>
        %ge3A_527 = arith.constant 8 : i32
        %ge3A_528 = vector.broadcast %ge3A_527 : i32 to vector<16xi32>
        %ge3A_529 = arith.cmpi sge, %iota3A, %ge3A_528 : vector<16xi32>
        %select_n3A_530 = arith.select %ge3A_529, %gather3A_171, %gather3A_167 : vector<16xi1>, vector<16xf32>
        %get3A_531 = arith.index_cast %scan3A_141 : i32 to index
        %get3A_532 = arith.constant 192 : index
        %get3A_533 = tpu.vector_load %arg11[%get3A_531, %get3A_532] {strides = array<i32>} : memref<16x1000xi32, #tpu.memory_space<vmem>>, vector<16xi32>,
        %ne3A_534 = arith.constant -1 : i32
        %ne3A_535 = vector.broadcast %ne3A_534 : i32 to vector<16xi32>
        %ne3A_536 = arith.cmpi ne, %get3A_533, %ne3A_535 : vector<16xi32>
        %jit3A_537 = arith.constant 0 : i32
        %broadcast_in_dim3A_538 = vector.broadcast %jit3A_537 : i32 to vector<16xi32>
        %select_n3A_539 = arith.select %ne3A_536, %get3A_533, %broadcast_in_dim3A_538 : vector<16xi1>, vector<16xi32>
        %gather3A_540 = tpu.vector_load_idx %arg9[%broadcast_in_dim3A_150, %select_n3A_539] : memref<16x1000xf32, #tpu.memory_space<vmem>>[vector<16xi32>, vector<16xi32>], vector<16xf32>,
        %add3A_541 = arith.addf %select_n3A_530, %gather3A_540 : vector<16xf32>
        %max3A_542 = arith.constant 0.000000e+00 : f32
        %max3A_543 = vector.broadcast %max3A_542 : f32 to vector<16xf32>
        %max3A_544 = arith.maximumf %add3A_541, %max3A_543 : vector<16xf32>
        %jit3A_545 = arith.constant 0.000000e+00 : f32
        %broadcast_in_dim3A_546 = vector.broadcast %jit3A_545 : f32 to vector<16xf32>
        %select_n3A_547 = arith.select %ne3A_536, %max3A_544, %broadcast_in_dim3A_546 : vector<16xi1>, vector<16xf32>
        %add3A_548 = arith.addf %add3A_444, %select_n3A_547 : vector<16xf32>
        %jit3A_549 = arith.constant 1 : i32
        %jit3A_550 = arith.constant 0 : i32
        %broadcast_in_dim3A_551 = vector.broadcast %jit3A_549 : i32 to vector<16xi32>
        %broadcast_in_dim3A_552 = vector.broadcast %jit3A_550 : i32 to vector<16xi32>
        %select_n3A_553 = arith.select %ne3A_536, %broadcast_in_dim3A_551, %broadcast_in_dim3A_552 : vector<16xi1>, vector<16xi32>
        %add3A_554 = arith.addi %add3A_450, %select_n3A_553 : vector<16xi32>
        %get3A_555 = arith.index_cast %scan3A_141 : i32 to index
        %get3A_556 = arith.constant 208 : index
        %get3A_557 = tpu.vector_load %arg11[%get3A_555, %get3A_556] {strides = array<i32>} : memref<16x1000xi32, #tpu.memory_space<vmem>>, vector<16xi32>,
        %ne3A_558 = arith.constant -1 : i32
        %ne3A_559 = vector.broadcast %ne3A_558 : i32 to vector<16xi32>
        %ne3A_560 = arith.cmpi ne, %get3A_557, %ne3A_559 : vector<16xi32>
        %jit3A_561 = arith.constant 0 : i32
        %broadcast_in_dim3A_562 = vector.broadcast %jit3A_561 : i32 to vector<16xi32>
        %select_n3A_563 = arith.select %ne3A_560, %get3A_557, %broadcast_in_dim3A_562 : vector<16xi1>, vector<16xi32>
        %gather3A_564 = tpu.vector_load_idx %arg9[%broadcast_in_dim3A_150, %select_n3A_563] : memref<16x1000xf32, #tpu.memory_space<vmem>>[vector<16xi32>, vector<16xi32>], vector<16xf32>,
        %add3A_565 = arith.addf %gather3A_171, %gather3A_564 : vector<16xf32>
        %max3A_566 = arith.constant 0.000000e+00 : f32
        %max3A_567 = vector.broadcast %max3A_566 : f32 to vector<16xf32>
        %max3A_568 = arith.maximumf %add3A_565, %max3A_567 : vector<16xf32>
        %jit3A_569 = arith.constant 0.000000e+00 : f32
        %broadcast_in_dim3A_570 = vector.broadcast %jit3A_569 : f32 to vector<16xf32>
        %select_n3A_571 = arith.select %ne3A_560, %max3A_568, %broadcast_in_dim3A_570 : vector<16xi1>, vector<16xf32>
        %add3A_572 = arith.addf %add3A_472, %select_n3A_571 : vector<16xf32>
        %jit3A_573 = arith.constant 1 : i32
        %jit3A_574 = arith.constant 0 : i32
        %broadcast_in_dim3A_575 = vector.broadcast %jit3A_573 : i32 to vector<16xi32>
        %broadcast_in_dim3A_576 = vector.broadcast %jit3A_574 : i32 to vector<16xi32>
        %select_n3A_577 = arith.select %ne3A_560, %broadcast_in_dim3A_575, %broadcast_in_dim3A_576 : vector<16xi1>, vector<16xi32>
        %add3A_578 = arith.addi %add3A_478, %select_n3A_577 : vector<16xi32>
        %get3A_579 = arith.index_cast %scan3A_141 : i32 to index
        %get3A_580 = arith.constant 224 : index
        %get3A_581 = tpu.vector_load %arg11[%get3A_579, %get3A_580] {strides = array<i32>} : memref<16x1000xi32, #tpu.memory_space<vmem>>, vector<16xi32>,
        %ne3A_582 = arith.constant -1 : i32
        %ne3A_583 = vector.broadcast %ne3A_582 : i32 to vector<16xi32>
        %ne3A_584 = arith.cmpi ne, %get3A_581, %ne3A_583 : vector<16xi32>
        %jit3A_585 = arith.constant 0 : i32
        %broadcast_in_dim3A_586 = vector.broadcast %jit3A_585 : i32 to vector<16xi32>
        %select_n3A_587 = arith.select %ne3A_584, %get3A_581, %broadcast_in_dim3A_586 : vector<16xi1>, vector<16xi32>
        %gather3A_588 = tpu.vector_load_idx %arg9[%broadcast_in_dim3A_150, %select_n3A_587] : memref<16x1000xf32, #tpu.memory_space<vmem>>[vector<16xi32>, vector<16xi32>], vector<16xf32>,
        %add3A_589 = arith.addf %gather3A_171, %gather3A_588 : vector<16xf32>
        %max3A_590 = arith.constant 0.000000e+00 : f32
        %max3A_591 = vector.broadcast %max3A_590 : f32 to vector<16xf32>
        %max3A_592 = arith.maximumf %add3A_589, %max3A_591 : vector<16xf32>
        %jit3A_593 = arith.constant 0.000000e+00 : f32
        %broadcast_in_dim3A_594 = vector.broadcast %jit3A_593 : f32 to vector<16xf32>
        %select_n3A_595 = arith.select %ne3A_584, %max3A_592, %broadcast_in_dim3A_594 : vector<16xi1>, vector<16xf32>
        %add3A_596 = arith.addf %add3A_496, %select_n3A_595 : vector<16xf32>
        %jit3A_597 = arith.constant 1 : i32
        %jit3A_598 = arith.constant 0 : i32
        %broadcast_in_dim3A_599 = vector.broadcast %jit3A_597 : i32 to vector<16xi32>
        %broadcast_in_dim3A_600 = vector.broadcast %jit3A_598 : i32 to vector<16xi32>
        %select_n3A_601 = arith.select %ne3A_584, %broadcast_in_dim3A_599, %broadcast_in_dim3A_600 : vector<16xi1>, vector<16xi32>
        %add3A_602 = arith.addi %add3A_502, %select_n3A_601 : vector<16xi32>
        %ge3A_603 = arith.constant 10 : i32
        %ge3A_604 = vector.broadcast %ge3A_603 : i32 to vector<16xi32>
        %ge3A_605 = arith.cmpi sge, %iota3A, %ge3A_604 : vector<16xi32>
        %select_n3A_606 = arith.select %ge3A_605, %gather3A_175, %gather3A_171 : vector<16xi1>, vector<16xf32>
        %get3A_607 = arith.index_cast %scan3A_141 : i32 to index
        %get3A_608 = arith.constant 240 : index
        %get3A_609 = tpu.vector_load %arg11[%get3A_607, %get3A_608] {strides = array<i32>} : memref<16x1000xi32, #tpu.memory_space<vmem>>, vector<16xi32>,
        %ne3A_610 = arith.constant -1 : i32
        %ne3A_611 = vector.broadcast %ne3A_610 : i32 to vector<16xi32>
        %ne3A_612 = arith.cmpi ne, %get3A_609, %ne3A_611 : vector<16xi32>
        %jit3A_613 = arith.constant 0 : i32
        %broadcast_in_dim3A_614 = vector.broadcast %jit3A_613 : i32 to vector<16xi32>
        %select_n3A_615 = arith.select %ne3A_612, %get3A_609, %broadcast_in_dim3A_614 : vector<16xi1>, vector<16xi32>
        %gather3A_616 = tpu.vector_load_idx %arg9[%broadcast_in_dim3A_150, %select_n3A_615] : memref<16x1000xf32, #tpu.memory_space<vmem>>[vector<16xi32>, vector<16xi32>], vector<16xf32>,
        %add3A_617 = arith.addf %select_n3A_606, %gather3A_616 : vector<16xf32>
        %max3A_618 = arith.constant 0.000000e+00 : f32
        %max3A_619 = vector.broadcast %max3A_618 : f32 to vector<16xf32>
        %max3A_620 = arith.maximumf %add3A_617, %max3A_619 : vector<16xf32>
        %jit3A_621 = arith.constant 0.000000e+00 : f32
        %broadcast_in_dim3A_622 = vector.broadcast %jit3A_621 : f32 to vector<16xf32>
        %select_n3A_623 = arith.select %ne3A_612, %max3A_620, %broadcast_in_dim3A_622 : vector<16xi1>, vector<16xf32>
        %add3A_624 = arith.addf %add3A_520, %select_n3A_623 : vector<16xf32>
        %jit3A_625 = arith.constant 1 : i32
        %jit3A_626 = arith.constant 0 : i32
        %broadcast_in_dim3A_627 = vector.broadcast %jit3A_625 : i32 to vector<16xi32>
        %broadcast_in_dim3A_628 = vector.broadcast %jit3A_626 : i32 to vector<16xi32>
        %select_n3A_629 = arith.select %ne3A_612, %broadcast_in_dim3A_627, %broadcast_in_dim3A_628 : vector<16xi1>, vector<16xi32>
        %add3A_630 = arith.addi %add3A_526, %select_n3A_629 : vector<16xi32>
        %get3A_631 = arith.index_cast %scan3A_141 : i32 to index
        %get3A_632 = arith.constant 256 : index
        %get3A_633 = tpu.vector_load %arg11[%get3A_631, %get3A_632] {strides = array<i32>} : memref<16x1000xi32, #tpu.memory_space<vmem>>, vector<16xi32>,
        %ne3A_634 = arith.constant -1 : i32
        %ne3A_635 = vector.broadcast %ne3A_634 : i32 to vector<16xi32>
        %ne3A_636 = arith.cmpi ne, %get3A_633, %ne3A_635 : vector<16xi32>
        %jit3A_637 = arith.constant 0 : i32
        %broadcast_in_dim3A_638 = vector.broadcast %jit3A_637 : i32 to vector<16xi32>
        %select_n3A_639 = arith.select %ne3A_636, %get3A_633, %broadcast_in_dim3A_638 : vector<16xi1>, vector<16xi32>
        %gather3A_640 = tpu.vector_load_idx %arg9[%broadcast_in_dim3A_150, %select_n3A_639] : memref<16x1000xf32, #tpu.memory_space<vmem>>[vector<16xi32>, vector<16xi32>], vector<16xf32>,
        %add3A_641 = arith.addf %gather3A_175, %gather3A_640 : vector<16xf32>
        %max3A_642 = arith.constant 0.000000e+00 : f32
        %max3A_643 = vector.broadcast %max3A_642 : f32 to vector<16xf32>
        %max3A_644 = arith.maximumf %add3A_641, %max3A_643 : vector<16xf32>
        %jit3A_645 = arith.constant 0.000000e+00 : f32
        %broadcast_in_dim3A_646 = vector.broadcast %jit3A_645 : f32 to vector<16xf32>
        %select_n3A_647 = arith.select %ne3A_636, %max3A_644, %broadcast_in_dim3A_646 : vector<16xi1>, vector<16xf32>
        %add3A_648 = arith.addf %add3A_548, %select_n3A_647 : vector<16xf32>
        %jit3A_649 = arith.constant 1 : i32
        %jit3A_650 = arith.constant 0 : i32
        %broadcast_in_dim3A_651 = vector.broadcast %jit3A_649 : i32 to vector<16xi32>
        %broadcast_in_dim3A_652 = vector.broadcast %jit3A_650 : i32 to vector<16xi32>
        %select_n3A_653 = arith.select %ne3A_636, %broadcast_in_dim3A_651, %broadcast_in_dim3A_652 : vector<16xi1>, vector<16xi32>
        %add3A_654 = arith.addi %add3A_554, %select_n3A_653 : vector<16xi32>
        %get3A_655 = arith.index_cast %scan3A_141 : i32 to index
        %get3A_656 = arith.constant 272 : index
        %get3A_657 = tpu.vector_load %arg11[%get3A_655, %get3A_656] {strides = array<i32>} : memref<16x1000xi32, #tpu.memory_space<vmem>>, vector<16xi32>,
        %ne3A_658 = arith.constant -1 : i32
        %ne3A_659 = vector.broadcast %ne3A_658 : i32 to vector<16xi32>
        %ne3A_660 = arith.cmpi ne, %get3A_657, %ne3A_659 : vector<16xi32>
        %jit3A_661 = arith.constant 0 : i32
        %broadcast_in_dim3A_662 = vector.broadcast %jit3A_661 : i32 to vector<16xi32>
        %select_n3A_663 = arith.select %ne3A_660, %get3A_657, %broadcast_in_dim3A_662 : vector<16xi1>, vector<16xi32>
        %gather3A_664 = tpu.vector_load_idx %arg9[%broadcast_in_dim3A_150, %select_n3A_663] : memref<16x1000xf32, #tpu.memory_space<vmem>>[vector<16xi32>, vector<16xi32>], vector<16xf32>,
        %add3A_665 = arith.addf %gather3A_175, %gather3A_664 : vector<16xf32>
        %max3A_666 = arith.constant 0.000000e+00 : f32
        %max3A_667 = vector.broadcast %max3A_666 : f32 to vector<16xf32>
        %max3A_668 = arith.maximumf %add3A_665, %max3A_667 : vector<16xf32>
        %jit3A_669 = arith.constant 0.000000e+00 : f32
        %broadcast_in_dim3A_670 = vector.broadcast %jit3A_669 : f32 to vector<16xf32>
        %select_n3A_671 = arith.select %ne3A_660, %max3A_668, %broadcast_in_dim3A_670 : vector<16xi1>, vector<16xf32>
        %add3A_672 = arith.addf %add3A_572, %select_n3A_671 : vector<16xf32>
        %jit3A_673 = arith.constant 1 : i32
        %jit3A_674 = arith.constant 0 : i32
        %broadcast_in_dim3A_675 = vector.broadcast %jit3A_673 : i32 to vector<16xi32>
        %broadcast_in_dim3A_676 = vector.broadcast %jit3A_674 : i32 to vector<16xi32>
        %select_n3A_677 = arith.select %ne3A_660, %broadcast_in_dim3A_675, %broadcast_in_dim3A_676 : vector<16xi1>, vector<16xi32>
        %add3A_678 = arith.addi %add3A_578, %select_n3A_677 : vector<16xi32>
        %ge3A_679 = arith.constant 12 : i32
        %ge3A_680 = vector.broadcast %ge3A_679 : i32 to vector<16xi32>
        %ge3A_681 = arith.cmpi sge, %iota3A, %ge3A_680 : vector<16xi32>
        %select_n3A_682 = arith.select %ge3A_681, %gather3A_179, %gather3A_175 : vector<16xi1>, vector<16xf32>
        %get3A_683 = arith.index_cast %scan3A_141 : i32 to index
        %get3A_684 = arith.constant 288 : index
        %get3A_685 = tpu.vector_load %arg11[%get3A_683, %get3A_684] {strides = array<i32>} : memref<16x1000xi32, #tpu.memory_space<vmem>>, vector<16xi32>,
        %ne3A_686 = arith.constant -1 : i32
        %ne3A_687 = vector.broadcast %ne3A_686 : i32 to vector<16xi32>
        %ne3A_688 = arith.cmpi ne, %get3A_685, %ne3A_687 : vector<16xi32>
        %jit3A_689 = arith.constant 0 : i32
        %broadcast_in_dim3A_690 = vector.broadcast %jit3A_689 : i32 to vector<16xi32>
        %select_n3A_691 = arith.select %ne3A_688, %get3A_685, %broadcast_in_dim3A_690 : vector<16xi1>, vector<16xi32>
        %gather3A_692 = tpu.vector_load_idx %arg9[%broadcast_in_dim3A_150, %select_n3A_691] : memref<16x1000xf32, #tpu.memory_space<vmem>>[vector<16xi32>, vector<16xi32>], vector<16xf32>,
        %add3A_693 = arith.addf %select_n3A_682, %gather3A_692 : vector<16xf32>
        %max3A_694 = arith.constant 0.000000e+00 : f32
        %max3A_695 = vector.broadcast %max3A_694 : f32 to vector<16xf32>
        %max3A_696 = arith.maximumf %add3A_693, %max3A_695 : vector<16xf32>
        %jit3A_697 = arith.constant 0.000000e+00 : f32
        %broadcast_in_dim3A_698 = vector.broadcast %jit3A_697 : f32 to vector<16xf32>
        %select_n3A_699 = arith.select %ne3A_688, %max3A_696, %broadcast_in_dim3A_698 : vector<16xi1>, vector<16xf32>
        %add3A_700 = arith.addf %add3A_596, %select_n3A_699 : vector<16xf32>
        %jit3A_701 = arith.constant 1 : i32
        %jit3A_702 = arith.constant 0 : i32
        %broadcast_in_dim3A_703 = vector.broadcast %jit3A_701 : i32 to vector<16xi32>
        %broadcast_in_dim3A_704 = vector.broadcast %jit3A_702 : i32 to vector<16xi32>
        %select_n3A_705 = arith.select %ne3A_688, %broadcast_in_dim3A_703, %broadcast_in_dim3A_704 : vector<16xi1>, vector<16xi32>
        %add3A_706 = arith.addi %add3A_602, %select_n3A_705 : vector<16xi32>
        %get3A_707 = arith.index_cast %scan3A_141 : i32 to index
        %get3A_708 = arith.constant 304 : index
        %get3A_709 = tpu.vector_load %arg11[%get3A_707, %get3A_708] {strides = array<i32>} : memref<16x1000xi32, #tpu.memory_space<vmem>>, vector<16xi32>,
        %ne3A_710 = arith.constant -1 : i32
        %ne3A_711 = vector.broadcast %ne3A_710 : i32 to vector<16xi32>
        %ne3A_712 = arith.cmpi ne, %get3A_709, %ne3A_711 : vector<16xi32>
        %jit3A_713 = arith.constant 0 : i32
        %broadcast_in_dim3A_714 = vector.broadcast %jit3A_713 : i32 to vector<16xi32>
        %select_n3A_715 = arith.select %ne3A_712, %get3A_709, %broadcast_in_dim3A_714 : vector<16xi1>, vector<16xi32>
        %gather3A_716 = tpu.vector_load_idx %arg9[%broadcast_in_dim3A_150, %select_n3A_715] : memref<16x1000xf32, #tpu.memory_space<vmem>>[vector<16xi32>, vector<16xi32>], vector<16xf32>,
        %add3A_717 = arith.addf %gather3A_179, %gather3A_716 : vector<16xf32>
        %max3A_718 = arith.constant 0.000000e+00 : f32
        %max3A_719 = vector.broadcast %max3A_718 : f32 to vector<16xf32>
        %max3A_720 = arith.maximumf %add3A_717, %max3A_719 : vector<16xf32>
        %jit3A_721 = arith.constant 0.000000e+00 : f32
        %broadcast_in_dim3A_722 = vector.broadcast %jit3A_721 : f32 to vector<16xf32>
        %select_n3A_723 = arith.select %ne3A_712, %max3A_720, %broadcast_in_dim3A_722 : vector<16xi1>, vector<16xf32>
        %add3A_724 = arith.addf %add3A_624, %select_n3A_723 : vector<16xf32>
        %jit3A_725 = arith.constant 1 : i32
        %jit3A_726 = arith.constant 0 : i32
        %broadcast_in_dim3A_727 = vector.broadcast %jit3A_725 : i32 to vector<16xi32>
        %broadcast_in_dim3A_728 = vector.broadcast %jit3A_726 : i32 to vector<16xi32>
        %select_n3A_729 = arith.select %ne3A_712, %broadcast_in_dim3A_727, %broadcast_in_dim3A_728 : vector<16xi1>, vector<16xi32>
        %add3A_730 = arith.addi %add3A_630, %select_n3A_729 : vector<16xi32>
        %get3A_731 = arith.index_cast %scan3A_141 : i32 to index
        %get3A_732 = arith.constant 320 : index
        %get3A_733 = tpu.vector_load %arg11[%get3A_731, %get3A_732] {strides = array<i32>} : memref<16x1000xi32, #tpu.memory_space<vmem>>, vector<16xi32>,
        %ne3A_734 = arith.constant -1 : i32
        %ne3A_735 = vector.broadcast %ne3A_734 : i32 to vector<16xi32>
        %ne3A_736 = arith.cmpi ne, %get3A_733, %ne3A_735 : vector<16xi32>
        %jit3A_737 = arith.constant 0 : i32
        %broadcast_in_dim3A_738 = vector.broadcast %jit3A_737 : i32 to vector<16xi32>
        %select_n3A_739 = arith.select %ne3A_736, %get3A_733, %broadcast_in_dim3A_738 : vector<16xi1>, vector<16xi32>
        %gather3A_740 = tpu.vector_load_idx %arg9[%broadcast_in_dim3A_150, %select_n3A_739] : memref<16x1000xf32, #tpu.memory_space<vmem>>[vector<16xi32>, vector<16xi32>], vector<16xf32>,
        %add3A_741 = arith.addf %gather3A_179, %gather3A_740 : vector<16xf32>
        %max3A_742 = arith.constant 0.000000e+00 : f32
        %max3A_743 = vector.broadcast %max3A_742 : f32 to vector<16xf32>
        %max3A_744 = arith.maximumf %add3A_741, %max3A_743 : vector<16xf32>
        %jit3A_745 = arith.constant 0.000000e+00 : f32
        %broadcast_in_dim3A_746 = vector.broadcast %jit3A_745 : f32 to vector<16xf32>
        %select_n3A_747 = arith.select %ne3A_736, %max3A_744, %broadcast_in_dim3A_746 : vector<16xi1>, vector<16xf32>
        %add3A_748 = arith.addf %add3A_648, %select_n3A_747 : vector<16xf32>
        %jit3A_749 = arith.constant 1 : i32
        %jit3A_750 = arith.constant 0 : i32
        %broadcast_in_dim3A_751 = vector.broadcast %jit3A_749 : i32 to vector<16xi32>
        %broadcast_in_dim3A_752 = vector.broadcast %jit3A_750 : i32 to vector<16xi32>
        %select_n3A_753 = arith.select %ne3A_736, %broadcast_in_dim3A_751, %broadcast_in_dim3A_752 : vector<16xi1>, vector<16xi32>
        %add3A_754 = arith.addi %add3A_654, %select_n3A_753 : vector<16xi32>
        %ge3A_755 = arith.constant 14 : i32
        %ge3A_756 = vector.broadcast %ge3A_755 : i32 to vector<16xi32>
        %ge3A_757 = arith.cmpi sge, %iota3A, %ge3A_756 : vector<16xi32>
        %select_n3A_758 = arith.select %ge3A_757, %gather3A_183, %gather3A_179 : vector<16xi1>, vector<16xf32>
        %get3A_759 = arith.index_cast %scan3A_141 : i32 to index
        %get3A_760 = arith.constant 336 : index
        %get3A_761 = tpu.vector_load %arg11[%get3A_759, %get3A_760] {strides = array<i32>} : memref<16x1000xi32, #tpu.memory_space<vmem>>, vector<16xi32>,
        %ne3A_762 = arith.constant -1 : i32
        %ne3A_763 = vector.broadcast %ne3A_762 : i32 to vector<16xi32>
        %ne3A_764 = arith.cmpi ne, %get3A_761, %ne3A_763 : vector<16xi32>
        %jit3A_765 = arith.constant 0 : i32
        %broadcast_in_dim3A_766 = vector.broadcast %jit3A_765 : i32 to vector<16xi32>
        %select_n3A_767 = arith.select %ne3A_764, %get3A_761, %broadcast_in_dim3A_766 : vector<16xi1>, vector<16xi32>
        %gather3A_768 = tpu.vector_load_idx %arg9[%broadcast_in_dim3A_150, %select_n3A_767] : memref<16x1000xf32, #tpu.memory_space<vmem>>[vector<16xi32>, vector<16xi32>], vector<16xf32>,
        %add3A_769 = arith.addf %select_n3A_758, %gather3A_768 : vector<16xf32>
        %max3A_770 = arith.constant 0.000000e+00 : f32
        %max3A_771 = vector.broadcast %max3A_770 : f32 to vector<16xf32>
        %max3A_772 = arith.maximumf %add3A_769, %max3A_771 : vector<16xf32>
        %jit3A_773 = arith.constant 0.000000e+00 : f32
        %broadcast_in_dim3A_774 = vector.broadcast %jit3A_773 : f32 to vector<16xf32>
        %select_n3A_775 = arith.select %ne3A_764, %max3A_772, %broadcast_in_dim3A_774 : vector<16xi1>, vector<16xf32>
        %add3A_776 = arith.addf %add3A_672, %select_n3A_775 : vector<16xf32>
        %jit3A_777 = arith.constant 1 : i32
        %jit3A_778 = arith.constant 0 : i32
        %broadcast_in_dim3A_779 = vector.broadcast %jit3A_777 : i32 to vector<16xi32>
        %broadcast_in_dim3A_780 = vector.broadcast %jit3A_778 : i32 to vector<16xi32>
        %select_n3A_781 = arith.select %ne3A_764, %broadcast_in_dim3A_779, %broadcast_in_dim3A_780 : vector<16xi1>, vector<16xi32>
        %add3A_782 = arith.addi %add3A_678, %select_n3A_781 : vector<16xi32>
        %get3A_783 = arith.index_cast %scan3A_141 : i32 to index
        %get3A_784 = arith.constant 352 : index
        %get3A_785 = tpu.vector_load %arg11[%get3A_783, %get3A_784] {strides = array<i32>} : memref<16x1000xi32, #tpu.memory_space<vmem>>, vector<16xi32>,
        %ne3A_786 = arith.constant -1 : i32
        %ne3A_787 = vector.broadcast %ne3A_786 : i32 to vector<16xi32>
        %ne3A_788 = arith.cmpi ne, %get3A_785, %ne3A_787 : vector<16xi32>
        %jit3A_789 = arith.constant 0 : i32
        %broadcast_in_dim3A_790 = vector.broadcast %jit3A_789 : i32 to vector<16xi32>
        %select_n3A_791 = arith.select %ne3A_788, %get3A_785, %broadcast_in_dim3A_790 : vector<16xi1>, vector<16xi32>
        %gather3A_792 = tpu.vector_load_idx %arg9[%broadcast_in_dim3A_150, %select_n3A_791] : memref<16x1000xf32, #tpu.memory_space<vmem>>[vector<16xi32>, vector<16xi32>], vector<16xf32>,
        %add3A_793 = arith.addf %gather3A_183, %gather3A_792 : vector<16xf32>
        %max3A_794 = arith.constant 0.000000e+00 : f32
        %max3A_795 = vector.broadcast %max3A_794 : f32 to vector<16xf32>
        %max3A_796 = arith.maximumf %add3A_793, %max3A_795 : vector<16xf32>
        %jit3A_797 = arith.constant 0.000000e+00 : f32
        %broadcast_in_dim3A_798 = vector.broadcast %jit3A_797 : f32 to vector<16xf32>
        %select_n3A_799 = arith.select %ne3A_788, %max3A_796, %broadcast_in_dim3A_798 : vector<16xi1>, vector<16xf32>
        %add3A_800 = arith.addf %add3A_700, %select_n3A_799 : vector<16xf32>
        %jit3A_801 = arith.constant 1 : i32
        %jit3A_802 = arith.constant 0 : i32
        %broadcast_in_dim3A_803 = vector.broadcast %jit3A_801 : i32 to vector<16xi32>
        %broadcast_in_dim3A_804 = vector.broadcast %jit3A_802 : i32 to vector<16xi32>
        %select_n3A_805 = arith.select %ne3A_788, %broadcast_in_dim3A_803, %broadcast_in_dim3A_804 : vector<16xi1>, vector<16xi32>
        %add3A_806 = arith.addi %add3A_706, %select_n3A_805 : vector<16xi32>
        %get3A_807 = arith.index_cast %scan3A_141 : i32 to index
        %get3A_808 = arith.constant 368 : index
        %get3A_809 = tpu.vector_load %arg11[%get3A_807, %get3A_808] {strides = array<i32>} : memref<16x1000xi32, #tpu.memory_space<vmem>>, vector<16xi32>,
        %ne3A_810 = arith.constant -1 : i32
        %ne3A_811 = vector.broadcast %ne3A_810 : i32 to vector<16xi32>
        %ne3A_812 = arith.cmpi ne, %get3A_809, %ne3A_811 : vector<16xi32>
        %jit3A_813 = arith.constant 0 : i32
        %broadcast_in_dim3A_814 = vector.broadcast %jit3A_813 : i32 to vector<16xi32>
        %select_n3A_815 = arith.select %ne3A_812, %get3A_809, %broadcast_in_dim3A_814 : vector<16xi1>, vector<16xi32>
        %gather3A_816 = tpu.vector_load_idx %arg9[%broadcast_in_dim3A_150, %select_n3A_815] : memref<16x1000xf32, #tpu.memory_space<vmem>>[vector<16xi32>, vector<16xi32>], vector<16xf32>,
        %add3A_817 = arith.addf %gather3A_183, %gather3A_816 : vector<16xf32>
        %max3A_818 = arith.constant 0.000000e+00 : f32
        %max3A_819 = vector.broadcast %max3A_818 : f32 to vector<16xf32>
        %max3A_820 = arith.maximumf %add3A_817, %max3A_819 : vector<16xf32>
        %jit3A_821 = arith.constant 0.000000e+00 : f32
        %broadcast_in_dim3A_822 = vector.broadcast %jit3A_821 : f32 to vector<16xf32>
        %select_n3A_823 = arith.select %ne3A_812, %max3A_820, %broadcast_in_dim3A_822 : vector<16xi1>, vector<16xf32>
        %add3A_824 = arith.addf %add3A_724, %select_n3A_823 : vector<16xf32>
        %jit3A_825 = arith.constant 1 : i32
        %jit3A_826 = arith.constant 0 : i32
        %broadcast_in_dim3A_827 = vector.broadcast %jit3A_825 : i32 to vector<16xi32>
        %broadcast_in_dim3A_828 = vector.broadcast %jit3A_826 : i32 to vector<16xi32>
        %select_n3A_829 = arith.select %ne3A_812, %broadcast_in_dim3A_827, %broadcast_in_dim3A_828 : vector<16xi1>, vector<16xi32>
        %add3A_830 = arith.addi %add3A_730, %select_n3A_829 : vector<16xi32>
        %get3A_831 = arith.index_cast %scan3A_141 : i32 to index
        %get3A_832 = arith.constant 384 : index
        %get3A_833 = tpu.vector_load %arg11[%get3A_831, %get3A_832] {strides = array<i32>} : memref<16x1000xi32, #tpu.memory_space<vmem>>, vector<16xi32>,
        %ne3A_834 = arith.constant -1 : i32
        %ne3A_835 = vector.broadcast %ne3A_834 : i32 to vector<16xi32>
        %ne3A_836 = arith.cmpi ne, %get3A_833, %ne3A_835 : vector<16xi32>
        %jit3A_837 = arith.constant 0 : i32
        %broadcast_in_dim3A_838 = vector.broadcast %jit3A_837 : i32 to vector<16xi32>
        %select_n3A_839 = arith.select %ne3A_836, %get3A_833, %broadcast_in_dim3A_838 : vector<16xi1>, vector<16xi32>
        %gather3A_840 = tpu.vector_load_idx %arg9[%broadcast_in_dim3A_150, %select_n3A_839] : memref<16x1000xf32, #tpu.memory_space<vmem>>[vector<16xi32>, vector<16xi32>], vector<16xf32>,
        %add3A_841 = arith.addf %gather3A_183, %gather3A_840 : vector<16xf32>
        %max3A_842 = arith.constant 0.000000e+00 : f32
        %max3A_843 = vector.broadcast %max3A_842 : f32 to vector<16xf32>
        %max3A_844 = arith.maximumf %add3A_841, %max3A_843 : vector<16xf32>
        %jit3A_845 = arith.constant 0.000000e+00 : f32
        %broadcast_in_dim3A_846 = vector.broadcast %jit3A_845 : f32 to vector<16xf32>
        %select_n3A_847 = arith.select %ne3A_836, %max3A_844, %broadcast_in_dim3A_846 : vector<16xi1>, vector<16xf32>
        %add3A_848 = arith.addf %add3A_748, %select_n3A_847 : vector<16xf32>
        %jit3A_849 = arith.constant 1 : i32
        %jit3A_850 = arith.constant 0 : i32
        %broadcast_in_dim3A_851 = vector.broadcast %jit3A_849 : i32 to vector<16xi32>
        %broadcast_in_dim3A_852 = vector.broadcast %jit3A_850 : i32 to vector<16xi32>
        %select_n3A_853 = arith.select %ne3A_836, %broadcast_in_dim3A_851, %broadcast_in_dim3A_852 : vector<16xi1>, vector<16xi32>
        %add3A_854 = arith.addi %add3A_754, %select_n3A_853 : vector<16xi32>
        %get3A_855 = arith.index_cast %scan3A_141 : i32 to index
        %get3A_856 = arith.constant 400 : index
        %get3A_857 = tpu.vector_load %arg11[%get3A_855, %get3A_856] {strides = array<i32>} : memref<16x1000xi32, #tpu.memory_space<vmem>>, vector<16xi32>,
        %ne3A_858 = arith.constant -1 : i32
        %ne3A_859 = vector.broadcast %ne3A_858 : i32 to vector<16xi32>
        %ne3A_860 = arith.cmpi ne, %get3A_857, %ne3A_859 : vector<16xi32>
        %jit3A_861 = arith.constant 0 : i32
        %broadcast_in_dim3A_862 = vector.broadcast %jit3A_861 : i32 to vector<16xi32>
        %select_n3A_863 = arith.select %ne3A_860, %get3A_857, %broadcast_in_dim3A_862 : vector<16xi1>, vector<16xi32>
        %gather3A_864 = tpu.vector_load_idx %arg9[%broadcast_in_dim3A_150, %select_n3A_863] : memref<16x1000xf32, #tpu.memory_space<vmem>>[vector<16xi32>, vector<16xi32>], vector<16xf32>,
        %add3A_865 = arith.addf %gather3A_187, %gather3A_864 : vector<16xf32>
        %max3A_866 = arith.constant 0.000000e+00 : f32
        %max3A_867 = vector.broadcast %max3A_866 : f32 to vector<16xf32>
        %max3A_868 = arith.maximumf %add3A_865, %max3A_867 : vector<16xf32>
        %jit3A_869 = arith.constant 0.000000e+00 : f32
        %broadcast_in_dim3A_870 = vector.broadcast %jit3A_869 : f32 to vector<16xf32>
        %select_n3A_871 = arith.select %ne3A_860, %max3A_868, %broadcast_in_dim3A_870 : vector<16xi1>, vector<16xf32>
        %add3A_872 = arith.addf %add3A_776, %select_n3A_871 : vector<16xf32>
        %jit3A_873 = arith.constant 1 : i32
        %jit3A_874 = arith.constant 0 : i32
        %broadcast_in_dim3A_875 = vector.broadcast %jit3A_873 : i32 to vector<16xi32>
        %broadcast_in_dim3A_876 = vector.broadcast %jit3A_874 : i32 to vector<16xi32>
        %select_n3A_877 = arith.select %ne3A_860, %broadcast_in_dim3A_875, %broadcast_in_dim3A_876 : vector<16xi1>, vector<16xi32>
        %add3A_878 = arith.addi %add3A_782, %select_n3A_877 : vector<16xi32>
        %get3A_879 = arith.index_cast %scan3A_141 : i32 to index
        %get3A_880 = arith.constant 416 : index
        %get3A_881 = tpu.vector_load %arg11[%get3A_879, %get3A_880] {strides = array<i32>} : memref<16x1000xi32, #tpu.memory_space<vmem>>, vector<16xi32>,
        %ne3A_882 = arith.constant -1 : i32
        %ne3A_883 = vector.broadcast %ne3A_882 : i32 to vector<16xi32>
        %ne3A_884 = arith.cmpi ne, %get3A_881, %ne3A_883 : vector<16xi32>
        %jit3A_885 = arith.constant 0 : i32
        %broadcast_in_dim3A_886 = vector.broadcast %jit3A_885 : i32 to vector<16xi32>
        %select_n3A_887 = arith.select %ne3A_884, %get3A_881, %broadcast_in_dim3A_886 : vector<16xi1>, vector<16xi32>
        %gather3A_888 = tpu.vector_load_idx %arg9[%broadcast_in_dim3A_150, %select_n3A_887] : memref<16x1000xf32, #tpu.memory_space<vmem>>[vector<16xi32>, vector<16xi32>], vector<16xf32>,
        %add3A_889 = arith.addf %gather3A_187, %gather3A_888 : vector<16xf32>
        %max3A_890 = arith.constant 0.000000e+00 : f32
        %max3A_891 = vector.broadcast %max3A_890 : f32 to vector<16xf32>
        %max3A_892 = arith.maximumf %add3A_889, %max3A_891 : vector<16xf32>
        %jit3A_893 = arith.constant 0.000000e+00 : f32
        %broadcast_in_dim3A_894 = vector.broadcast %jit3A_893 : f32 to vector<16xf32>
        %select_n3A_895 = arith.select %ne3A_884, %max3A_892, %broadcast_in_dim3A_894 : vector<16xi1>, vector<16xf32>
        %add3A_896 = arith.addf %add3A_800, %select_n3A_895 : vector<16xf32>
        %jit3A_897 = arith.constant 1 : i32
        %jit3A_898 = arith.constant 0 : i32
        %broadcast_in_dim3A_899 = vector.broadcast %jit3A_897 : i32 to vector<16xi32>
        %broadcast_in_dim3A_900 = vector.broadcast %jit3A_898 : i32 to vector<16xi32>
        %select_n3A_901 = arith.select %ne3A_884, %broadcast_in_dim3A_899, %broadcast_in_dim3A_900 : vector<16xi1>, vector<16xi32>
        %add3A_902 = arith.addi %add3A_806, %select_n3A_901 : vector<16xi32>
        %get3A_903 = arith.index_cast %scan3A_141 : i32 to index
        %get3A_904 = arith.constant 432 : index
        %get3A_905 = tpu.vector_load %arg11[%get3A_903, %get3A_904] {strides = array<i32>} : memref<16x1000xi32, #tpu.memory_space<vmem>>, vector<16xi32>,
        %ne3A_906 = arith.constant -1 : i32
        %ne3A_907 = vector.broadcast %ne3A_906 : i32 to vector<16xi32>
        %ne3A_908 = arith.cmpi ne, %get3A_905, %ne3A_907 : vector<16xi32>
        %jit3A_909 = arith.constant 0 : i32
        %broadcast_in_dim3A_910 = vector.broadcast %jit3A_909 : i32 to vector<16xi32>
        %select_n3A_911 = arith.select %ne3A_908, %get3A_905, %broadcast_in_dim3A_910 : vector<16xi1>, vector<16xi32>
        %gather3A_912 = tpu.vector_load_idx %arg9[%broadcast_in_dim3A_150, %select_n3A_911] : memref<16x1000xf32, #tpu.memory_space<vmem>>[vector<16xi32>, vector<16xi32>], vector<16xf32>,
        %add3A_913 = arith.addf %gather3A_187, %gather3A_912 : vector<16xf32>
        %max3A_914 = arith.constant 0.000000e+00 : f32
        %max3A_915 = vector.broadcast %max3A_914 : f32 to vector<16xf32>
        %max3A_916 = arith.maximumf %add3A_913, %max3A_915 : vector<16xf32>
        %jit3A_917 = arith.constant 0.000000e+00 : f32
        %broadcast_in_dim3A_918 = vector.broadcast %jit3A_917 : f32 to vector<16xf32>
        %select_n3A_919 = arith.select %ne3A_908, %max3A_916, %broadcast_in_dim3A_918 : vector<16xi1>, vector<16xf32>
        %add3A_920 = arith.addf %add3A_824, %select_n3A_919 : vector<16xf32>
        %jit3A_921 = arith.constant 1 : i32
        %jit3A_922 = arith.constant 0 : i32
        %broadcast_in_dim3A_923 = vector.broadcast %jit3A_921 : i32 to vector<16xi32>
        %broadcast_in_dim3A_924 = vector.broadcast %jit3A_922 : i32 to vector<16xi32>
        %select_n3A_925 = arith.select %ne3A_908, %broadcast_in_dim3A_923, %broadcast_in_dim3A_924 : vector<16xi1>, vector<16xi32>
        %add3A_926 = arith.addi %add3A_830, %select_n3A_925 : vector<16xi32>
        %ge3A_927 = arith.constant 2 : i32
        %ge3A_928 = vector.broadcast %ge3A_927 : i32 to vector<16xi32>
        %ge3A_929 = arith.cmpi sge, %iota3A, %ge3A_928 : vector<16xi32>
        %select_n3A_930 = arith.select %ge3A_929, %gather3A_191, %gather3A_187 : vector<16xi1>, vector<16xf32>
        %get3A_931 = arith.index_cast %scan3A_141 : i32 to index
        %get3A_932 = arith.constant 448 : index
        %get3A_933 = tpu.vector_load %arg11[%get3A_931, %get3A_932] {strides = array<i32>} : memref<16x1000xi32, #tpu.memory_space<vmem>>, vector<16xi32>,
        %ne3A_934 = arith.constant -1 : i32
        %ne3A_935 = vector.broadcast %ne3A_934 : i32 to vector<16xi32>
        %ne3A_936 = arith.cmpi ne, %get3A_933, %ne3A_935 : vector<16xi32>
        %jit3A_937 = arith.constant 0 : i32
        %broadcast_in_dim3A_938 = vector.broadcast %jit3A_937 : i32 to vector<16xi32>
        %select_n3A_939 = arith.select %ne3A_936, %get3A_933, %broadcast_in_dim3A_938 : vector<16xi1>, vector<16xi32>
        %gather3A_940 = tpu.vector_load_idx %arg9[%broadcast_in_dim3A_150, %select_n3A_939] : memref<16x1000xf32, #tpu.memory_space<vmem>>[vector<16xi32>, vector<16xi32>], vector<16xf32>,
        %add3A_941 = arith.addf %select_n3A_930, %gather3A_940 : vector<16xf32>
        %max3A_942 = arith.constant 0.000000e+00 : f32
        %max3A_943 = vector.broadcast %max3A_942 : f32 to vector<16xf32>
        %max3A_944 = arith.maximumf %add3A_941, %max3A_943 : vector<16xf32>
        %jit3A_945 = arith.constant 0.000000e+00 : f32
        %broadcast_in_dim3A_946 = vector.broadcast %jit3A_945 : f32 to vector<16xf32>
        %select_n3A_947 = arith.select %ne3A_936, %max3A_944, %broadcast_in_dim3A_946 : vector<16xi1>, vector<16xf32>
        %add3A_948 = arith.addf %add3A_848, %select_n3A_947 : vector<16xf32>
        %jit3A_949 = arith.constant 1 : i32
        %jit3A_950 = arith.constant 0 : i32
        %broadcast_in_dim3A_951 = vector.broadcast %jit3A_949 : i32 to vector<16xi32>
        %broadcast_in_dim3A_952 = vector.broadcast %jit3A_950 : i32 to vector<16xi32>
        %select_n3A_953 = arith.select %ne3A_936, %broadcast_in_dim3A_951, %broadcast_in_dim3A_952 : vector<16xi1>, vector<16xi32>
        %add3A_954 = arith.addi %add3A_854, %select_n3A_953 : vector<16xi32>
        %get3A_955 = arith.index_cast %scan3A_141 : i32 to index
        %get3A_956 = arith.constant 464 : index
        %get3A_957 = tpu.vector_load %arg11[%get3A_955, %get3A_956] {strides = array<i32>} : memref<16x1000xi32, #tpu.memory_space<vmem>>, vector<16xi32>,
        %ne3A_958 = arith.constant -1 : i32
        %ne3A_959 = vector.broadcast %ne3A_958 : i32 to vector<16xi32>
        %ne3A_960 = arith.cmpi ne, %get3A_957, %ne3A_959 : vector<16xi32>
        %jit3A_961 = arith.constant 0 : i32
        %broadcast_in_dim3A_962 = vector.broadcast %jit3A_961 : i32 to vector<16xi32>
        %select_n3A_963 = arith.select %ne3A_960, %get3A_957, %broadcast_in_dim3A_962 : vector<16xi1>, vector<16xi32>
        %gather3A_964 = tpu.vector_load_idx %arg9[%broadcast_in_dim3A_150, %select_n3A_963] : memref<16x1000xf32, #tpu.memory_space<vmem>>[vector<16xi32>, vector<16xi32>], vector<16xf32>,
        %add3A_965 = arith.addf %gather3A_191, %gather3A_964 : vector<16xf32>
        %max3A_966 = arith.constant 0.000000e+00 : f32
        %max3A_967 = vector.broadcast %max3A_966 : f32 to vector<16xf32>
        %max3A_968 = arith.maximumf %add3A_965, %max3A_967 : vector<16xf32>
        %jit3A_969 = arith.constant 0.000000e+00 : f32
        %broadcast_in_dim3A_970 = vector.broadcast %jit3A_969 : f32 to vector<16xf32>
        %select_n3A_971 = arith.select %ne3A_960, %max3A_968, %broadcast_in_dim3A_970 : vector<16xi1>, vector<16xf32>
        %add3A_972 = arith.addf %add3A_872, %select_n3A_971 : vector<16xf32>
        %jit3A_973 = arith.constant 1 : i32
        %jit3A_974 = arith.constant 0 : i32
        %broadcast_in_dim3A_975 = vector.broadcast %jit3A_973 : i32 to vector<16xi32>
        %broadcast_in_dim3A_976 = vector.broadcast %jit3A_974 : i32 to vector<16xi32>
        %select_n3A_977 = arith.select %ne3A_960, %broadcast_in_dim3A_975, %broadcast_in_dim3A_976 : vector<16xi1>, vector<16xi32>
        %add3A_978 = arith.addi %add3A_878, %select_n3A_977 : vector<16xi32>
        %get3A_979 = arith.index_cast %scan3A_141 : i32 to index
        %get3A_980 = arith.constant 480 : index
        %get3A_981 = tpu.vector_load %arg11[%get3A_979, %get3A_980] {strides = array<i32>} : memref<16x1000xi32, #tpu.memory_space<vmem>>, vector<16xi32>,
        %ne3A_982 = arith.constant -1 : i32
        %ne3A_983 = vector.broadcast %ne3A_982 : i32 to vector<16xi32>
        %ne3A_984 = arith.cmpi ne, %get3A_981, %ne3A_983 : vector<16xi32>
        %jit3A_985 = arith.constant 0 : i32
        %broadcast_in_dim3A_986 = vector.broadcast %jit3A_985 : i32 to vector<16xi32>
        %select_n3A_987 = arith.select %ne3A_984, %get3A_981, %broadcast_in_dim3A_986 : vector<16xi1>, vector<16xi32>
        %gather3A_988 = tpu.vector_load_idx %arg9[%broadcast_in_dim3A_150, %select_n3A_987] : memref<16x1000xf32, #tpu.memory_space<vmem>>[vector<16xi32>, vector<16xi32>], vector<16xf32>,
        %add3A_989 = arith.addf %gather3A_191, %gather3A_988 : vector<16xf32>
        %max3A_990 = arith.constant 0.000000e+00 : f32
        %max3A_991 = vector.broadcast %max3A_990 : f32 to vector<16xf32>
        %max3A_992 = arith.maximumf %add3A_989, %max3A_991 : vector<16xf32>
        %jit3A_993 = arith.constant 0.000000e+00 : f32
        %broadcast_in_dim3A_994 = vector.broadcast %jit3A_993 : f32 to vector<16xf32>
        %select_n3A_995 = arith.select %ne3A_984, %max3A_992, %broadcast_in_dim3A_994 : vector<16xi1>, vector<16xf32>
        %add3A_996 = arith.addf %add3A_896, %select_n3A_995 : vector<16xf32>
        %jit3A_997 = arith.constant 1 : i32
        %jit3A_998 = arith.constant 0 : i32
        %broadcast_in_dim3A_999 = vector.broadcast %jit3A_997 : i32 to vector<16xi32>
        %broadcast_in_dim3A_1000 = vector.broadcast %jit3A_998 : i32 to vector<16xi32>
        %select_n3A_1001 = arith.select %ne3A_984, %broadcast_in_dim3A_999, %broadcast_in_dim3A_1000 : vector<16xi1>, vector<16xi32>
        %add3A_1002 = arith.addi %add3A_902, %select_n3A_1001 : vector<16xi32>
        %ge3A_1003 = arith.constant 4 : i32
        %ge3A_1004 = vector.broadcast %ge3A_1003 : i32 to vector<16xi32>
        %ge3A_1005 = arith.cmpi sge, %iota3A, %ge3A_1004 : vector<16xi32>
        %select_n3A_1006 = arith.select %ge3A_1005, %gather3A_195, %gather3A_191 : vector<16xi1>, vector<16xf32>
        %get3A_1007 = arith.index_cast %scan3A_141 : i32 to index
        %get3A_1008 = arith.constant 496 : index
        %get3A_1009 = tpu.vector_load %arg11[%get3A_1007, %get3A_1008] {strides = array<i32>} : memref<16x1000xi32, #tpu.memory_space<vmem>>, vector<16xi32>,
        %ne3A_1010 = arith.constant -1 : i32
        %ne3A_1011 = vector.broadcast %ne3A_1010 : i32 to vector<16xi32>
        %ne3A_1012 = arith.cmpi ne, %get3A_1009, %ne3A_1011 : vector<16xi32>
        %jit3A_1013 = arith.constant 0 : i32
        %broadcast_in_dim3A_1014 = vector.broadcast %jit3A_1013 : i32 to vector<16xi32>
        %select_n3A_1015 = arith.select %ne3A_1012, %get3A_1009, %broadcast_in_dim3A_1014 : vector<16xi1>, vector<16xi32>
        %gather3A_1016 = tpu.vector_load_idx %arg9[%broadcast_in_dim3A_150, %select_n3A_1015] : memref<16x1000xf32, #tpu.memory_space<vmem>>[vector<16xi32>, vector<16xi32>], vector<16xf32>,
        %add3A_1017 = arith.addf %select_n3A_1006, %gather3A_1016 : vector<16xf32>
        %max3A_1018 = arith.constant 0.000000e+00 : f32
        %max3A_1019 = vector.broadcast %max3A_1018 : f32 to vector<16xf32>
        %max3A_1020 = arith.maximumf %add3A_1017, %max3A_1019 : vector<16xf32>
        %jit3A_1021 = arith.constant 0.000000e+00 : f32
        %broadcast_in_dim3A_1022 = vector.broadcast %jit3A_1021 : f32 to vector<16xf32>
        %select_n3A_1023 = arith.select %ne3A_1012, %max3A_1020, %broadcast_in_dim3A_1022 : vector<16xi1>, vector<16xf32>
        %add3A_1024 = arith.addf %add3A_920, %select_n3A_1023 : vector<16xf32>
        %jit3A_1025 = arith.constant 1 : i32
        %jit3A_1026 = arith.constant 0 : i32
        %broadcast_in_dim3A_1027 = vector.broadcast %jit3A_1025 : i32 to vector<16xi32>
        %broadcast_in_dim3A_1028 = vector.broadcast %jit3A_1026 : i32 to vector<16xi32>
        %select_n3A_1029 = arith.select %ne3A_1012, %broadcast_in_dim3A_1027, %broadcast_in_dim3A_1028 : vector<16xi1>, vector<16xi32>
        %add3A_1030 = arith.addi %add3A_926, %select_n3A_1029 : vector<16xi32>
        %get3A_1031 = arith.index_cast %scan3A_141 : i32 to index
        %get3A_1032 = arith.constant 512 : index
        %get3A_1033 = tpu.vector_load %arg11[%get3A_1031, %get3A_1032] {strides = array<i32>} : memref<16x1000xi32, #tpu.memory_space<vmem>>, vector<16xi32>,
        %ne3A_1034 = arith.constant -1 : i32
        %ne3A_1035 = vector.broadcast %ne3A_1034 : i32 to vector<16xi32>
        %ne3A_1036 = arith.cmpi ne, %get3A_1033, %ne3A_1035 : vector<16xi32>
        %jit3A_1037 = arith.constant 0 : i32
        %broadcast_in_dim3A_1038 = vector.broadcast %jit3A_1037 : i32 to vector<16xi32>
        %select_n3A_1039 = arith.select %ne3A_1036, %get3A_1033, %broadcast_in_dim3A_1038 : vector<16xi1>, vector<16xi32>
        %gather3A_1040 = tpu.vector_load_idx %arg9[%broadcast_in_dim3A_150, %select_n3A_1039] : memref<16x1000xf32, #tpu.memory_space<vmem>>[vector<16xi32>, vector<16xi32>], vector<16xf32>,
        %add3A_1041 = arith.addf %gather3A_195, %gather3A_1040 : vector<16xf32>
        %max3A_1042 = arith.constant 0.000000e+00 : f32
        %max3A_1043 = vector.broadcast %max3A_1042 : f32 to vector<16xf32>
        %max3A_1044 = arith.maximumf %add3A_1041, %max3A_1043 : vector<16xf32>
        %jit3A_1045 = arith.constant 0.000000e+00 : f32
        %broadcast_in_dim3A_1046 = vector.broadcast %jit3A_1045 : f32 to vector<16xf32>
        %select_n3A_1047 = arith.select %ne3A_1036, %max3A_1044, %broadcast_in_dim3A_1046 : vector<16xi1>, vector<16xf32>
        %add3A_1048 = arith.addf %add3A_948, %select_n3A_1047 : vector<16xf32>
        %jit3A_1049 = arith.constant 1 : i32
        %jit3A_1050 = arith.constant 0 : i32
        %broadcast_in_dim3A_1051 = vector.broadcast %jit3A_1049 : i32 to vector<16xi32>
        %broadcast_in_dim3A_1052 = vector.broadcast %jit3A_1050 : i32 to vector<16xi32>
        %select_n3A_1053 = arith.select %ne3A_1036, %broadcast_in_dim3A_1051, %broadcast_in_dim3A_1052 : vector<16xi1>, vector<16xi32>
        %add3A_1054 = arith.addi %add3A_954, %select_n3A_1053 : vector<16xi32>
        %get3A_1055 = arith.index_cast %scan3A_141 : i32 to index
        %get3A_1056 = arith.constant 528 : index
        %get3A_1057 = tpu.vector_load %arg11[%get3A_1055, %get3A_1056] {strides = array<i32>} : memref<16x1000xi32, #tpu.memory_space<vmem>>, vector<16xi32>,
        %ne3A_1058 = arith.constant -1 : i32
        %ne3A_1059 = vector.broadcast %ne3A_1058 : i32 to vector<16xi32>
        %ne3A_1060 = arith.cmpi ne, %get3A_1057, %ne3A_1059 : vector<16xi32>
        %jit3A_1061 = arith.constant 0 : i32
        %broadcast_in_dim3A_1062 = vector.broadcast %jit3A_1061 : i32 to vector<16xi32>
        %select_n3A_1063 = arith.select %ne3A_1060, %get3A_1057, %broadcast_in_dim3A_1062 : vector<16xi1>, vector<16xi32>
        %gather3A_1064 = tpu.vector_load_idx %arg9[%broadcast_in_dim3A_150, %select_n3A_1063] : memref<16x1000xf32, #tpu.memory_space<vmem>>[vector<16xi32>, vector<16xi32>], vector<16xf32>,
        %add3A_1065 = arith.addf %gather3A_195, %gather3A_1064 : vector<16xf32>
        %max3A_1066 = arith.constant 0.000000e+00 : f32
        %max3A_1067 = vector.broadcast %max3A_1066 : f32 to vector<16xf32>
        %max3A_1068 = arith.maximumf %add3A_1065, %max3A_1067 : vector<16xf32>
        %jit3A_1069 = arith.constant 0.000000e+00 : f32
        %broadcast_in_dim3A_1070 = vector.broadcast %jit3A_1069 : f32 to vector<16xf32>
        %select_n3A_1071 = arith.select %ne3A_1060, %max3A_1068, %broadcast_in_dim3A_1070 : vector<16xi1>, vector<16xf32>
        %add3A_1072 = arith.addf %add3A_972, %select_n3A_1071 : vector<16xf32>
        %jit3A_1073 = arith.constant 1 : i32
        %jit3A_1074 = arith.constant 0 : i32
        %broadcast_in_dim3A_1075 = vector.broadcast %jit3A_1073 : i32 to vector<16xi32>
        %broadcast_in_dim3A_1076 = vector.broadcast %jit3A_1074 : i32 to vector<16xi32>
        %select_n3A_1077 = arith.select %ne3A_1060, %broadcast_in_dim3A_1075, %broadcast_in_dim3A_1076 : vector<16xi1>, vector<16xi32>
        %add3A_1078 = arith.addi %add3A_978, %select_n3A_1077 : vector<16xi32>
        %ge3A_1079 = arith.constant 6 : i32
        %ge3A_1080 = vector.broadcast %ge3A_1079 : i32 to vector<16xi32>
        %ge3A_1081 = arith.cmpi sge, %iota3A, %ge3A_1080 : vector<16xi32>
        %select_n3A_1082 = arith.select %ge3A_1081, %gather3A_199, %gather3A_195 : vector<16xi1>, vector<16xf32>
        %get3A_1083 = arith.index_cast %scan3A_141 : i32 to index
        %get3A_1084 = arith.constant 544 : index
        %get3A_1085 = tpu.vector_load %arg11[%get3A_1083, %get3A_1084] {strides = array<i32>} : memref<16x1000xi32, #tpu.memory_space<vmem>>, vector<16xi32>,
        %ne3A_1086 = arith.constant -1 : i32
        %ne3A_1087 = vector.broadcast %ne3A_1086 : i32 to vector<16xi32>
        %ne3A_1088 = arith.cmpi ne, %get3A_1085, %ne3A_1087 : vector<16xi32>
        %jit3A_1089 = arith.constant 0 : i32
        %broadcast_in_dim3A_1090 = vector.broadcast %jit3A_1089 : i32 to vector<16xi32>
        %select_n3A_1091 = arith.select %ne3A_1088, %get3A_1085, %broadcast_in_dim3A_1090 : vector<16xi1>, vector<16xi32>
        %gather3A_1092 = tpu.vector_load_idx %arg9[%broadcast_in_dim3A_150, %select_n3A_1091] : memref<16x1000xf32, #tpu.memory_space<vmem>>[vector<16xi32>, vector<16xi32>], vector<16xf32>,
        %add3A_1093 = arith.addf %select_n3A_1082, %gather3A_1092 : vector<16xf32>
        %max3A_1094 = arith.constant 0.000000e+00 : f32
        %max3A_1095 = vector.broadcast %max3A_1094 : f32 to vector<16xf32>
        %max3A_1096 = arith.maximumf %add3A_1093, %max3A_1095 : vector<16xf32>
        %jit3A_1097 = arith.constant 0.000000e+00 : f32
        %broadcast_in_dim3A_1098 = vector.broadcast %jit3A_1097 : f32 to vector<16xf32>
        %select_n3A_1099 = arith.select %ne3A_1088, %max3A_1096, %broadcast_in_dim3A_1098 : vector<16xi1>, vector<16xf32>
        %add3A_1100 = arith.addf %add3A_996, %select_n3A_1099 : vector<16xf32>
        %jit3A_1101 = arith.constant 1 : i32
        %jit3A_1102 = arith.constant 0 : i32
        %broadcast_in_dim3A_1103 = vector.broadcast %jit3A_1101 : i32 to vector<16xi32>
        %broadcast_in_dim3A_1104 = vector.broadcast %jit3A_1102 : i32 to vector<16xi32>
        %select_n3A_1105 = arith.select %ne3A_1088, %broadcast_in_dim3A_1103, %broadcast_in_dim3A_1104 : vector<16xi1>, vector<16xi32>
        %add3A_1106 = arith.addi %add3A_1002, %select_n3A_1105 : vector<16xi32>
        %get3A_1107 = arith.index_cast %scan3A_141 : i32 to index
        %get3A_1108 = arith.constant 560 : index
        %get3A_1109 = tpu.vector_load %arg11[%get3A_1107, %get3A_1108] {strides = array<i32>} : memref<16x1000xi32, #tpu.memory_space<vmem>>, vector<16xi32>,
        %ne3A_1110 = arith.constant -1 : i32
        %ne3A_1111 = vector.broadcast %ne3A_1110 : i32 to vector<16xi32>
        %ne3A_1112 = arith.cmpi ne, %get3A_1109, %ne3A_1111 : vector<16xi32>
        %jit3A_1113 = arith.constant 0 : i32
        %broadcast_in_dim3A_1114 = vector.broadcast %jit3A_1113 : i32 to vector<16xi32>
        %select_n3A_1115 = arith.select %ne3A_1112, %get3A_1109, %broadcast_in_dim3A_1114 : vector<16xi1>, vector<16xi32>
        %gather3A_1116 = tpu.vector_load_idx %arg9[%broadcast_in_dim3A_150, %select_n3A_1115] : memref<16x1000xf32, #tpu.memory_space<vmem>>[vector<16xi32>, vector<16xi32>], vector<16xf32>,
        %add3A_1117 = arith.addf %gather3A_199, %gather3A_1116 : vector<16xf32>
        %max3A_1118 = arith.constant 0.000000e+00 : f32
        %max3A_1119 = vector.broadcast %max3A_1118 : f32 to vector<16xf32>
        %max3A_1120 = arith.maximumf %add3A_1117, %max3A_1119 : vector<16xf32>
        %jit3A_1121 = arith.constant 0.000000e+00 : f32
        %broadcast_in_dim3A_1122 = vector.broadcast %jit3A_1121 : f32 to vector<16xf32>
        %select_n3A_1123 = arith.select %ne3A_1112, %max3A_1120, %broadcast_in_dim3A_1122 : vector<16xi1>, vector<16xf32>
        %add3A_1124 = arith.addf %add3A_1024, %select_n3A_1123 : vector<16xf32>
        %jit3A_1125 = arith.constant 1 : i32
        %jit3A_1126 = arith.constant 0 : i32
        %broadcast_in_dim3A_1127 = vector.broadcast %jit3A_1125 : i32 to vector<16xi32>
        %broadcast_in_dim3A_1128 = vector.broadcast %jit3A_1126 : i32 to vector<16xi32>
        %select_n3A_1129 = arith.select %ne3A_1112, %broadcast_in_dim3A_1127, %broadcast_in_dim3A_1128 : vector<16xi1>, vector<16xi32>
        %add3A_1130 = arith.addi %add3A_1030, %select_n3A_1129 : vector<16xi32>
        %get3A_1131 = arith.index_cast %scan3A_141 : i32 to index
        %get3A_1132 = arith.constant 576 : index
        %get3A_1133 = tpu.vector_load %arg11[%get3A_1131, %get3A_1132] {strides = array<i32>} : memref<16x1000xi32, #tpu.memory_space<vmem>>, vector<16xi32>,
        %ne3A_1134 = arith.constant -1 : i32
        %ne3A_1135 = vector.broadcast %ne3A_1134 : i32 to vector<16xi32>
        %ne3A_1136 = arith.cmpi ne, %get3A_1133, %ne3A_1135 : vector<16xi32>
        %jit3A_1137 = arith.constant 0 : i32
        %broadcast_in_dim3A_1138 = vector.broadcast %jit3A_1137 : i32 to vector<16xi32>
        %select_n3A_1139 = arith.select %ne3A_1136, %get3A_1133, %broadcast_in_dim3A_1138 : vector<16xi1>, vector<16xi32>
        %gather3A_1140 = tpu.vector_load_idx %arg9[%broadcast_in_dim3A_150, %select_n3A_1139] : memref<16x1000xf32, #tpu.memory_space<vmem>>[vector<16xi32>, vector<16xi32>], vector<16xf32>,
        %add3A_1141 = arith.addf %gather3A_199, %gather3A_1140 : vector<16xf32>
        %max3A_1142 = arith.constant 0.000000e+00 : f32
        %max3A_1143 = vector.broadcast %max3A_1142 : f32 to vector<16xf32>
        %max3A_1144 = arith.maximumf %add3A_1141, %max3A_1143 : vector<16xf32>
        %jit3A_1145 = arith.constant 0.000000e+00 : f32
        %broadcast_in_dim3A_1146 = vector.broadcast %jit3A_1145 : f32 to vector<16xf32>
        %select_n3A_1147 = arith.select %ne3A_1136, %max3A_1144, %broadcast_in_dim3A_1146 : vector<16xi1>, vector<16xf32>
        %add3A_1148 = arith.addf %add3A_1048, %select_n3A_1147 : vector<16xf32>
        %jit3A_1149 = arith.constant 1 : i32
        %jit3A_1150 = arith.constant 0 : i32
        %broadcast_in_dim3A_1151 = vector.broadcast %jit3A_1149 : i32 to vector<16xi32>
        %broadcast_in_dim3A_1152 = vector.broadcast %jit3A_1150 : i32 to vector<16xi32>
        %select_n3A_1153 = arith.select %ne3A_1136, %broadcast_in_dim3A_1151, %broadcast_in_dim3A_1152 : vector<16xi1>, vector<16xi32>
        %add3A_1154 = arith.addi %add3A_1054, %select_n3A_1153 : vector<16xi32>
        %ge3A_1155 = arith.constant 8 : i32
        %ge3A_1156 = vector.broadcast %ge3A_1155 : i32 to vector<16xi32>
        %ge3A_1157 = arith.cmpi sge, %iota3A, %ge3A_1156 : vector<16xi32>
        %select_n3A_1158 = arith.select %ge3A_1157, %gather3A_203, %gather3A_199 : vector<16xi1>, vector<16xf32>
        %get3A_1159 = arith.index_cast %scan3A_141 : i32 to index
        %get3A_1160 = arith.constant 592 : index
        %get3A_1161 = tpu.vector_load %arg11[%get3A_1159, %get3A_1160] {strides = array<i32>} : memref<16x1000xi32, #tpu.memory_space<vmem>>, vector<16xi32>,
        %ne3A_1162 = arith.constant -1 : i32
        %ne3A_1163 = vector.broadcast %ne3A_1162 : i32 to vector<16xi32>
        %ne3A_1164 = arith.cmpi ne, %get3A_1161, %ne3A_1163 : vector<16xi32>
        %jit3A_1165 = arith.constant 0 : i32
        %broadcast_in_dim3A_1166 = vector.broadcast %jit3A_1165 : i32 to vector<16xi32>
        %select_n3A_1167 = arith.select %ne3A_1164, %get3A_1161, %broadcast_in_dim3A_1166 : vector<16xi1>, vector<16xi32>
        %gather3A_1168 = tpu.vector_load_idx %arg9[%broadcast_in_dim3A_150, %select_n3A_1167] : memref<16x1000xf32, #tpu.memory_space<vmem>>[vector<16xi32>, vector<16xi32>], vector<16xf32>,
        %add3A_1169 = arith.addf %select_n3A_1158, %gather3A_1168 : vector<16xf32>
        %max3A_1170 = arith.constant 0.000000e+00 : f32
        %max3A_1171 = vector.broadcast %max3A_1170 : f32 to vector<16xf32>
        %max3A_1172 = arith.maximumf %add3A_1169, %max3A_1171 : vector<16xf32>
        %jit3A_1173 = arith.constant 0.000000e+00 : f32
        %broadcast_in_dim3A_1174 = vector.broadcast %jit3A_1173 : f32 to vector<16xf32>
        %select_n3A_1175 = arith.select %ne3A_1164, %max3A_1172, %broadcast_in_dim3A_1174 : vector<16xi1>, vector<16xf32>
        %add3A_1176 = arith.addf %add3A_1072, %select_n3A_1175 : vector<16xf32>
        %jit3A_1177 = arith.constant 1 : i32
        %jit3A_1178 = arith.constant 0 : i32
        %broadcast_in_dim3A_1179 = vector.broadcast %jit3A_1177 : i32 to vector<16xi32>
        %broadcast_in_dim3A_1180 = vector.broadcast %jit3A_1178 : i32 to vector<16xi32>
        %select_n3A_1181 = arith.select %ne3A_1164, %broadcast_in_dim3A_1179, %broadcast_in_dim3A_1180 : vector<16xi1>, vector<16xi32>
        %add3A_1182 = arith.addi %add3A_1078, %select_n3A_1181 : vector<16xi32>
        %get3A_1183 = arith.index_cast %scan3A_141 : i32 to index
        %get3A_1184 = arith.constant 608 : index
        %get3A_1185 = tpu.vector_load %arg11[%get3A_1183, %get3A_1184] {strides = array<i32>} : memref<16x1000xi32, #tpu.memory_space<vmem>>, vector<16xi32>,
        %ne3A_1186 = arith.constant -1 : i32
        %ne3A_1187 = vector.broadcast %ne3A_1186 : i32 to vector<16xi32>
        %ne3A_1188 = arith.cmpi ne, %get3A_1185, %ne3A_1187 : vector<16xi32>
        %jit3A_1189 = arith.constant 0 : i32
        %broadcast_in_dim3A_1190 = vector.broadcast %jit3A_1189 : i32 to vector<16xi32>
        %select_n3A_1191 = arith.select %ne3A_1188, %get3A_1185, %broadcast_in_dim3A_1190 : vector<16xi1>, vector<16xi32>
        %gather3A_1192 = tpu.vector_load_idx %arg9[%broadcast_in_dim3A_150, %select_n3A_1191] : memref<16x1000xf32, #tpu.memory_space<vmem>>[vector<16xi32>, vector<16xi32>], vector<16xf32>,
        %add3A_1193 = arith.addf %gather3A_203, %gather3A_1192 : vector<16xf32>
        %max3A_1194 = arith.constant 0.000000e+00 : f32
        %max3A_1195 = vector.broadcast %max3A_1194 : f32 to vector<16xf32>
        %max3A_1196 = arith.maximumf %add3A_1193, %max3A_1195 : vector<16xf32>
        %jit3A_1197 = arith.constant 0.000000e+00 : f32
        %broadcast_in_dim3A_1198 = vector.broadcast %jit3A_1197 : f32 to vector<16xf32>
        %select_n3A_1199 = arith.select %ne3A_1188, %max3A_1196, %broadcast_in_dim3A_1198 : vector<16xi1>, vector<16xf32>
        %add3A_1200 = arith.addf %add3A_1100, %select_n3A_1199 : vector<16xf32>
        %jit3A_1201 = arith.constant 1 : i32
        %jit3A_1202 = arith.constant 0 : i32
        %broadcast_in_dim3A_1203 = vector.broadcast %jit3A_1201 : i32 to vector<16xi32>
        %broadcast_in_dim3A_1204 = vector.broadcast %jit3A_1202 : i32 to vector<16xi32>
        %select_n3A_1205 = arith.select %ne3A_1188, %broadcast_in_dim3A_1203, %broadcast_in_dim3A_1204 : vector<16xi1>, vector<16xi32>
        %add3A_1206 = arith.addi %add3A_1106, %select_n3A_1205 : vector<16xi32>
        %get3A_1207 = arith.index_cast %scan3A_141 : i32 to index
        %get3A_1208 = arith.constant 624 : index
        %get3A_1209 = tpu.vector_load %arg11[%get3A_1207, %get3A_1208] {strides = array<i32>} : memref<16x1000xi32, #tpu.memory_space<vmem>>, vector<16xi32>,
        %ne3A_1210 = arith.constant -1 : i32
        %ne3A_1211 = vector.broadcast %ne3A_1210 : i32 to vector<16xi32>
        %ne3A_1212 = arith.cmpi ne, %get3A_1209, %ne3A_1211 : vector<16xi32>
        %jit3A_1213 = arith.constant 0 : i32
        %broadcast_in_dim3A_1214 = vector.broadcast %jit3A_1213 : i32 to vector<16xi32>
        %select_n3A_1215 = arith.select %ne3A_1212, %get3A_1209, %broadcast_in_dim3A_1214 : vector<16xi1>, vector<16xi32>
        %gather3A_1216 = tpu.vector_load_idx %arg9[%broadcast_in_dim3A_150, %select_n3A_1215] : memref<16x1000xf32, #tpu.memory_space<vmem>>[vector<16xi32>, vector<16xi32>], vector<16xf32>,
        %add3A_1217 = arith.addf %gather3A_203, %gather3A_1216 : vector<16xf32>
        %max3A_1218 = arith.constant 0.000000e+00 : f32
        %max3A_1219 = vector.broadcast %max3A_1218 : f32 to vector<16xf32>
        %max3A_1220 = arith.maximumf %add3A_1217, %max3A_1219 : vector<16xf32>
        %jit3A_1221 = arith.constant 0.000000e+00 : f32
        %broadcast_in_dim3A_1222 = vector.broadcast %jit3A_1221 : f32 to vector<16xf32>
        %select_n3A_1223 = arith.select %ne3A_1212, %max3A_1220, %broadcast_in_dim3A_1222 : vector<16xi1>, vector<16xf32>
        %add3A_1224 = arith.addf %add3A_1124, %select_n3A_1223 : vector<16xf32>
        %jit3A_1225 = arith.constant 1 : i32
        %jit3A_1226 = arith.constant 0 : i32
        %broadcast_in_dim3A_1227 = vector.broadcast %jit3A_1225 : i32 to vector<16xi32>
        %broadcast_in_dim3A_1228 = vector.broadcast %jit3A_1226 : i32 to vector<16xi32>
        %select_n3A_1229 = arith.select %ne3A_1212, %broadcast_in_dim3A_1227, %broadcast_in_dim3A_1228 : vector<16xi1>, vector<16xi32>
        %add3A_1230 = arith.addi %add3A_1130, %select_n3A_1229 : vector<16xi32>
        %ge3A_1231 = arith.constant 10 : i32
        %ge3A_1232 = vector.broadcast %ge3A_1231 : i32 to vector<16xi32>
        %ge3A_1233 = arith.cmpi sge, %iota3A, %ge3A_1232 : vector<16xi32>
        %select_n3A_1234 = arith.select %ge3A_1233, %gather3A_207, %gather3A_203 : vector<16xi1>, vector<16xf32>
        %get3A_1235 = arith.index_cast %scan3A_141 : i32 to index
        %get3A_1236 = arith.constant 640 : index
        %get3A_1237 = tpu.vector_load %arg11[%get3A_1235, %get3A_1236] {strides = array<i32>} : memref<16x1000xi32, #tpu.memory_space<vmem>>, vector<16xi32>,
        %ne3A_1238 = arith.constant -1 : i32
        %ne3A_1239 = vector.broadcast %ne3A_1238 : i32 to vector<16xi32>
        %ne3A_1240 = arith.cmpi ne, %get3A_1237, %ne3A_1239 : vector<16xi32>
        %jit3A_1241 = arith.constant 0 : i32
        %broadcast_in_dim3A_1242 = vector.broadcast %jit3A_1241 : i32 to vector<16xi32>
        %select_n3A_1243 = arith.select %ne3A_1240, %get3A_1237, %broadcast_in_dim3A_1242 : vector<16xi1>, vector<16xi32>
        %gather3A_1244 = tpu.vector_load_idx %arg9[%broadcast_in_dim3A_150, %select_n3A_1243] : memref<16x1000xf32, #tpu.memory_space<vmem>>[vector<16xi32>, vector<16xi32>], vector<16xf32>,
        %add3A_1245 = arith.addf %select_n3A_1234, %gather3A_1244 : vector<16xf32>
        %max3A_1246 = arith.constant 0.000000e+00 : f32
        %max3A_1247 = vector.broadcast %max3A_1246 : f32 to vector<16xf32>
        %max3A_1248 = arith.maximumf %add3A_1245, %max3A_1247 : vector<16xf32>
        %jit3A_1249 = arith.constant 0.000000e+00 : f32
        %broadcast_in_dim3A_1250 = vector.broadcast %jit3A_1249 : f32 to vector<16xf32>
        %select_n3A_1251 = arith.select %ne3A_1240, %max3A_1248, %broadcast_in_dim3A_1250 : vector<16xi1>, vector<16xf32>
        %add3A_1252 = arith.addf %add3A_1148, %select_n3A_1251 : vector<16xf32>
        %jit3A_1253 = arith.constant 1 : i32
        %jit3A_1254 = arith.constant 0 : i32
        %broadcast_in_dim3A_1255 = vector.broadcast %jit3A_1253 : i32 to vector<16xi32>
        %broadcast_in_dim3A_1256 = vector.broadcast %jit3A_1254 : i32 to vector<16xi32>
        %select_n3A_1257 = arith.select %ne3A_1240, %broadcast_in_dim3A_1255, %broadcast_in_dim3A_1256 : vector<16xi1>, vector<16xi32>
        %add3A_1258 = arith.addi %add3A_1154, %select_n3A_1257 : vector<16xi32>
        %get3A_1259 = arith.index_cast %scan3A_141 : i32 to index
        %get3A_1260 = arith.constant 656 : index
        %get3A_1261 = tpu.vector_load %arg11[%get3A_1259, %get3A_1260] {strides = array<i32>} : memref<16x1000xi32, #tpu.memory_space<vmem>>, vector<16xi32>,
        %ne3A_1262 = arith.constant -1 : i32
        %ne3A_1263 = vector.broadcast %ne3A_1262 : i32 to vector<16xi32>
        %ne3A_1264 = arith.cmpi ne, %get3A_1261, %ne3A_1263 : vector<16xi32>
        %jit3A_1265 = arith.constant 0 : i32
        %broadcast_in_dim3A_1266 = vector.broadcast %jit3A_1265 : i32 to vector<16xi32>
        %select_n3A_1267 = arith.select %ne3A_1264, %get3A_1261, %broadcast_in_dim3A_1266 : vector<16xi1>, vector<16xi32>
        %gather3A_1268 = tpu.vector_load_idx %arg9[%broadcast_in_dim3A_150, %select_n3A_1267] : memref<16x1000xf32, #tpu.memory_space<vmem>>[vector<16xi32>, vector<16xi32>], vector<16xf32>,
        %add3A_1269 = arith.addf %gather3A_207, %gather3A_1268 : vector<16xf32>
        %max3A_1270 = arith.constant 0.000000e+00 : f32
        %max3A_1271 = vector.broadcast %max3A_1270 : f32 to vector<16xf32>
        %max3A_1272 = arith.maximumf %add3A_1269, %max3A_1271 : vector<16xf32>
        %jit3A_1273 = arith.constant 0.000000e+00 : f32
        %broadcast_in_dim3A_1274 = vector.broadcast %jit3A_1273 : f32 to vector<16xf32>
        %select_n3A_1275 = arith.select %ne3A_1264, %max3A_1272, %broadcast_in_dim3A_1274 : vector<16xi1>, vector<16xf32>
        %add3A_1276 = arith.addf %add3A_1176, %select_n3A_1275 : vector<16xf32>
        %jit3A_1277 = arith.constant 1 : i32
        %jit3A_1278 = arith.constant 0 : i32
        %broadcast_in_dim3A_1279 = vector.broadcast %jit3A_1277 : i32 to vector<16xi32>
        %broadcast_in_dim3A_1280 = vector.broadcast %jit3A_1278 : i32 to vector<16xi32>
        %select_n3A_1281 = arith.select %ne3A_1264, %broadcast_in_dim3A_1279, %broadcast_in_dim3A_1280 : vector<16xi1>, vector<16xi32>
        %add3A_1282 = arith.addi %add3A_1182, %select_n3A_1281 : vector<16xi32>
        %get3A_1283 = arith.index_cast %scan3A_141 : i32 to index
        %get3A_1284 = arith.constant 672 : index
        %get3A_1285 = tpu.vector_load %arg11[%get3A_1283, %get3A_1284] {strides = array<i32>} : memref<16x1000xi32, #tpu.memory_space<vmem>>, vector<16xi32>,
        %ne3A_1286 = arith.constant -1 : i32
        %ne3A_1287 = vector.broadcast %ne3A_1286 : i32 to vector<16xi32>
        %ne3A_1288 = arith.cmpi ne, %get3A_1285, %ne3A_1287 : vector<16xi32>
        %jit3A_1289 = arith.constant 0 : i32
        %broadcast_in_dim3A_1290 = vector.broadcast %jit3A_1289 : i32 to vector<16xi32>
        %select_n3A_1291 = arith.select %ne3A_1288, %get3A_1285, %broadcast_in_dim3A_1290 : vector<16xi1>, vector<16xi32>
        %gather3A_1292 = tpu.vector_load_idx %arg9[%broadcast_in_dim3A_150, %select_n3A_1291] : memref<16x1000xf32, #tpu.memory_space<vmem>>[vector<16xi32>, vector<16xi32>], vector<16xf32>,
        %add3A_1293 = arith.addf %gather3A_207, %gather3A_1292 : vector<16xf32>
        %max3A_1294 = arith.constant 0.000000e+00 : f32
        %max3A_1295 = vector.broadcast %max3A_1294 : f32 to vector<16xf32>
        %max3A_1296 = arith.maximumf %add3A_1293, %max3A_1295 : vector<16xf32>
        %jit3A_1297 = arith.constant 0.000000e+00 : f32
        %broadcast_in_dim3A_1298 = vector.broadcast %jit3A_1297 : f32 to vector<16xf32>
        %select_n3A_1299 = arith.select %ne3A_1288, %max3A_1296, %broadcast_in_dim3A_1298 : vector<16xi1>, vector<16xf32>
        %add3A_1300 = arith.addf %add3A_1200, %select_n3A_1299 : vector<16xf32>
        %jit3A_1301 = arith.constant 1 : i32
        %jit3A_1302 = arith.constant 0 : i32
        %broadcast_in_dim3A_1303 = vector.broadcast %jit3A_1301 : i32 to vector<16xi32>
        %broadcast_in_dim3A_1304 = vector.broadcast %jit3A_1302 : i32 to vector<16xi32>
        %select_n3A_1305 = arith.select %ne3A_1288, %broadcast_in_dim3A_1303, %broadcast_in_dim3A_1304 : vector<16xi1>, vector<16xi32>
        %add3A_1306 = arith.addi %add3A_1206, %select_n3A_1305 : vector<16xi32>
        %ge3A_1307 = arith.constant 12 : i32
        %ge3A_1308 = vector.broadcast %ge3A_1307 : i32 to vector<16xi32>
        %ge3A_1309 = arith.cmpi sge, %iota3A, %ge3A_1308 : vector<16xi32>
        %select_n3A_1310 = arith.select %ge3A_1309, %gather3A_211, %gather3A_207 : vector<16xi1>, vector<16xf32>
        %get3A_1311 = arith.index_cast %scan3A_141 : i32 to index
        %get3A_1312 = arith.constant 688 : index
        %get3A_1313 = tpu.vector_load %arg11[%get3A_1311, %get3A_1312] {strides = array<i32>} : memref<16x1000xi32, #tpu.memory_space<vmem>>, vector<16xi32>,
        %ne3A_1314 = arith.constant -1 : i32
        %ne3A_1315 = vector.broadcast %ne3A_1314 : i32 to vector<16xi32>
        %ne3A_1316 = arith.cmpi ne, %get3A_1313, %ne3A_1315 : vector<16xi32>
        %jit3A_1317 = arith.constant 0 : i32
        %broadcast_in_dim3A_1318 = vector.broadcast %jit3A_1317 : i32 to vector<16xi32>
        %select_n3A_1319 = arith.select %ne3A_1316, %get3A_1313, %broadcast_in_dim3A_1318 : vector<16xi1>, vector<16xi32>
        %gather3A_1320 = tpu.vector_load_idx %arg9[%broadcast_in_dim3A_150, %select_n3A_1319] : memref<16x1000xf32, #tpu.memory_space<vmem>>[vector<16xi32>, vector<16xi32>], vector<16xf32>,
        %add3A_1321 = arith.addf %select_n3A_1310, %gather3A_1320 : vector<16xf32>
        %max3A_1322 = arith.constant 0.000000e+00 : f32
        %max3A_1323 = vector.broadcast %max3A_1322 : f32 to vector<16xf32>
        %max3A_1324 = arith.maximumf %add3A_1321, %max3A_1323 : vector<16xf32>
        %jit3A_1325 = arith.constant 0.000000e+00 : f32
        %broadcast_in_dim3A_1326 = vector.broadcast %jit3A_1325 : f32 to vector<16xf32>
        %select_n3A_1327 = arith.select %ne3A_1316, %max3A_1324, %broadcast_in_dim3A_1326 : vector<16xi1>, vector<16xf32>
        %add3A_1328 = arith.addf %add3A_1224, %select_n3A_1327 : vector<16xf32>
        %jit3A_1329 = arith.constant 1 : i32
        %jit3A_1330 = arith.constant 0 : i32
        %broadcast_in_dim3A_1331 = vector.broadcast %jit3A_1329 : i32 to vector<16xi32>
        %broadcast_in_dim3A_1332 = vector.broadcast %jit3A_1330 : i32 to vector<16xi32>
        %select_n3A_1333 = arith.select %ne3A_1316, %broadcast_in_dim3A_1331, %broadcast_in_dim3A_1332 : vector<16xi1>, vector<16xi32>
        %add3A_1334 = arith.addi %add3A_1230, %select_n3A_1333 : vector<16xi32>
        %get3A_1335 = arith.index_cast %scan3A_141 : i32 to index
        %get3A_1336 = arith.constant 704 : index
        %get3A_1337 = tpu.vector_load %arg11[%get3A_1335, %get3A_1336] {strides = array<i32>} : memref<16x1000xi32, #tpu.memory_space<vmem>>, vector<16xi32>,
        %ne3A_1338 = arith.constant -1 : i32
        %ne3A_1339 = vector.broadcast %ne3A_1338 : i32 to vector<16xi32>
        %ne3A_1340 = arith.cmpi ne, %get3A_1337, %ne3A_1339 : vector<16xi32>
        %jit3A_1341 = arith.constant 0 : i32
        %broadcast_in_dim3A_1342 = vector.broadcast %jit3A_1341 : i32 to vector<16xi32>
        %select_n3A_1343 = arith.select %ne3A_1340, %get3A_1337, %broadcast_in_dim3A_1342 : vector<16xi1>, vector<16xi32>
        %gather3A_1344 = tpu.vector_load_idx %arg9[%broadcast_in_dim3A_150, %select_n3A_1343] : memref<16x1000xf32, #tpu.memory_space<vmem>>[vector<16xi32>, vector<16xi32>], vector<16xf32>,
        %add3A_1345 = arith.addf %gather3A_211, %gather3A_1344 : vector<16xf32>
        %max3A_1346 = arith.constant 0.000000e+00 : f32
        %max3A_1347 = vector.broadcast %max3A_1346 : f32 to vector<16xf32>
        %max3A_1348 = arith.maximumf %add3A_1345, %max3A_1347 : vector<16xf32>
        %jit3A_1349 = arith.constant 0.000000e+00 : f32
        %broadcast_in_dim3A_1350 = vector.broadcast %jit3A_1349 : f32 to vector<16xf32>
        %select_n3A_1351 = arith.select %ne3A_1340, %max3A_1348, %broadcast_in_dim3A_1350 : vector<16xi1>, vector<16xf32>
        %add3A_1352 = arith.addf %add3A_1252, %select_n3A_1351 : vector<16xf32>
        %jit3A_1353 = arith.constant 1 : i32
        %jit3A_1354 = arith.constant 0 : i32
        %broadcast_in_dim3A_1355 = vector.broadcast %jit3A_1353 : i32 to vector<16xi32>
        %broadcast_in_dim3A_1356 = vector.broadcast %jit3A_1354 : i32 to vector<16xi32>
        %select_n3A_1357 = arith.select %ne3A_1340, %broadcast_in_dim3A_1355, %broadcast_in_dim3A_1356 : vector<16xi1>, vector<16xi32>
        %add3A_1358 = arith.addi %add3A_1258, %select_n3A_1357 : vector<16xi32>
        %get3A_1359 = arith.index_cast %scan3A_141 : i32 to index
        %get3A_1360 = arith.constant 720 : index
        %get3A_1361 = tpu.vector_load %arg11[%get3A_1359, %get3A_1360] {strides = array<i32>} : memref<16x1000xi32, #tpu.memory_space<vmem>>, vector<16xi32>,
        %ne3A_1362 = arith.constant -1 : i32
        %ne3A_1363 = vector.broadcast %ne3A_1362 : i32 to vector<16xi32>
        %ne3A_1364 = arith.cmpi ne, %get3A_1361, %ne3A_1363 : vector<16xi32>
        %jit3A_1365 = arith.constant 0 : i32
        %broadcast_in_dim3A_1366 = vector.broadcast %jit3A_1365 : i32 to vector<16xi32>
        %select_n3A_1367 = arith.select %ne3A_1364, %get3A_1361, %broadcast_in_dim3A_1366 : vector<16xi1>, vector<16xi32>
        %gather3A_1368 = tpu.vector_load_idx %arg9[%broadcast_in_dim3A_150, %select_n3A_1367] : memref<16x1000xf32, #tpu.memory_space<vmem>>[vector<16xi32>, vector<16xi32>], vector<16xf32>,
        %add3A_1369 = arith.addf %gather3A_211, %gather3A_1368 : vector<16xf32>
        %max3A_1370 = arith.constant 0.000000e+00 : f32
        %max3A_1371 = vector.broadcast %max3A_1370 : f32 to vector<16xf32>
        %max3A_1372 = arith.maximumf %add3A_1369, %max3A_1371 : vector<16xf32>
        %jit3A_1373 = arith.constant 0.000000e+00 : f32
        %broadcast_in_dim3A_1374 = vector.broadcast %jit3A_1373 : f32 to vector<16xf32>
        %select_n3A_1375 = arith.select %ne3A_1364, %max3A_1372, %broadcast_in_dim3A_1374 : vector<16xi1>, vector<16xf32>
        %add3A_1376 = arith.addf %add3A_1276, %select_n3A_1375 : vector<16xf32>
        %jit3A_1377 = arith.constant 1 : i32
        %jit3A_1378 = arith.constant 0 : i32
        %broadcast_in_dim3A_1379 = vector.broadcast %jit3A_1377 : i32 to vector<16xi32>
        %broadcast_in_dim3A_1380 = vector.broadcast %jit3A_1378 : i32 to vector<16xi32>
        %select_n3A_1381 = arith.select %ne3A_1364, %broadcast_in_dim3A_1379, %broadcast_in_dim3A_1380 : vector<16xi1>, vector<16xi32>
        %add3A_1382 = arith.addi %add3A_1282, %select_n3A_1381 : vector<16xi32>
        %ge3A_1383 = arith.constant 14 : i32
        %ge3A_1384 = vector.broadcast %ge3A_1383 : i32 to vector<16xi32>
        %ge3A_1385 = arith.cmpi sge, %iota3A, %ge3A_1384 : vector<16xi32>
        %select_n3A_1386 = arith.select %ge3A_1385, %gather3A_215, %gather3A_211 : vector<16xi1>, vector<16xf32>
        %get3A_1387 = arith.index_cast %scan3A_141 : i32 to index
        %get3A_1388 = arith.constant 736 : index
        %get3A_1389 = tpu.vector_load %arg11[%get3A_1387, %get3A_1388] {strides = array<i32>} : memref<16x1000xi32, #tpu.memory_space<vmem>>, vector<16xi32>,
        %ne3A_1390 = arith.constant -1 : i32
        %ne3A_1391 = vector.broadcast %ne3A_1390 : i32 to vector<16xi32>
        %ne3A_1392 = arith.cmpi ne, %get3A_1389, %ne3A_1391 : vector<16xi32>
        %jit3A_1393 = arith.constant 0 : i32
        %broadcast_in_dim3A_1394 = vector.broadcast %jit3A_1393 : i32 to vector<16xi32>
        %select_n3A_1395 = arith.select %ne3A_1392, %get3A_1389, %broadcast_in_dim3A_1394 : vector<16xi1>, vector<16xi32>
        %gather3A_1396 = tpu.vector_load_idx %arg9[%broadcast_in_dim3A_150, %select_n3A_1395] : memref<16x1000xf32, #tpu.memory_space<vmem>>[vector<16xi32>, vector<16xi32>], vector<16xf32>,
        %add3A_1397 = arith.addf %select_n3A_1386, %gather3A_1396 : vector<16xf32>
        %max3A_1398 = arith.constant 0.000000e+00 : f32
        %max3A_1399 = vector.broadcast %max3A_1398 : f32 to vector<16xf32>
        %max3A_1400 = arith.maximumf %add3A_1397, %max3A_1399 : vector<16xf32>
        %jit3A_1401 = arith.constant 0.000000e+00 : f32
        %broadcast_in_dim3A_1402 = vector.broadcast %jit3A_1401 : f32 to vector<16xf32>
        %select_n3A_1403 = arith.select %ne3A_1392, %max3A_1400, %broadcast_in_dim3A_1402 : vector<16xi1>, vector<16xf32>
        %add3A_1404 = arith.addf %add3A_1300, %select_n3A_1403 : vector<16xf32>
        %jit3A_1405 = arith.constant 1 : i32
        %jit3A_1406 = arith.constant 0 : i32
        %broadcast_in_dim3A_1407 = vector.broadcast %jit3A_1405 : i32 to vector<16xi32>
        %broadcast_in_dim3A_1408 = vector.broadcast %jit3A_1406 : i32 to vector<16xi32>
        %select_n3A_1409 = arith.select %ne3A_1392, %broadcast_in_dim3A_1407, %broadcast_in_dim3A_1408 : vector<16xi1>, vector<16xi32>
        %add3A_1410 = arith.addi %add3A_1306, %select_n3A_1409 : vector<16xi32>
        %get3A_1411 = arith.index_cast %scan3A_141 : i32 to index
        %get3A_1412 = arith.constant 752 : index
        %get3A_1413 = tpu.vector_load %arg11[%get3A_1411, %get3A_1412] {strides = array<i32>} : memref<16x1000xi32, #tpu.memory_space<vmem>>, vector<16xi32>,
        %ne3A_1414 = arith.constant -1 : i32
        %ne3A_1415 = vector.broadcast %ne3A_1414 : i32 to vector<16xi32>
        %ne3A_1416 = arith.cmpi ne, %get3A_1413, %ne3A_1415 : vector<16xi32>
        %jit3A_1417 = arith.constant 0 : i32
        %broadcast_in_dim3A_1418 = vector.broadcast %jit3A_1417 : i32 to vector<16xi32>
        %select_n3A_1419 = arith.select %ne3A_1416, %get3A_1413, %broadcast_in_dim3A_1418 : vector<16xi1>, vector<16xi32>
        %gather3A_1420 = tpu.vector_load_idx %arg9[%broadcast_in_dim3A_150, %select_n3A_1419] : memref<16x1000xf32, #tpu.memory_space<vmem>>[vector<16xi32>, vector<16xi32>], vector<16xf32>,
        %add3A_1421 = arith.addf %gather3A_215, %gather3A_1420 : vector<16xf32>
        %max3A_1422 = arith.constant 0.000000e+00 : f32
        %max3A_1423 = vector.broadcast %max3A_1422 : f32 to vector<16xf32>
        %max3A_1424 = arith.maximumf %add3A_1421, %max3A_1423 : vector<16xf32>
        %jit3A_1425 = arith.constant 0.000000e+00 : f32
        %broadcast_in_dim3A_1426 = vector.broadcast %jit3A_1425 : f32 to vector<16xf32>
        %select_n3A_1427 = arith.select %ne3A_1416, %max3A_1424, %broadcast_in_dim3A_1426 : vector<16xi1>, vector<16xf32>
        %add3A_1428 = arith.addf %add3A_1328, %select_n3A_1427 : vector<16xf32>
        %jit3A_1429 = arith.constant 1 : i32
        %jit3A_1430 = arith.constant 0 : i32
        %broadcast_in_dim3A_1431 = vector.broadcast %jit3A_1429 : i32 to vector<16xi32>
        %broadcast_in_dim3A_1432 = vector.broadcast %jit3A_1430 : i32 to vector<16xi32>
        %select_n3A_1433 = arith.select %ne3A_1416, %broadcast_in_dim3A_1431, %broadcast_in_dim3A_1432 : vector<16xi1>, vector<16xi32>
        %add3A_1434 = arith.addi %add3A_1334, %select_n3A_1433 : vector<16xi32>
        %get3A_1435 = arith.index_cast %scan3A_141 : i32 to index
        %get3A_1436 = arith.constant 768 : index
        %get3A_1437 = tpu.vector_load %arg11[%get3A_1435, %get3A_1436] {strides = array<i32>} : memref<16x1000xi32, #tpu.memory_space<vmem>>, vector<16xi32>,
        %ne3A_1438 = arith.constant -1 : i32
        %ne3A_1439 = vector.broadcast %ne3A_1438 : i32 to vector<16xi32>
        %ne3A_1440 = arith.cmpi ne, %get3A_1437, %ne3A_1439 : vector<16xi32>
        %jit3A_1441 = arith.constant 0 : i32
        %broadcast_in_dim3A_1442 = vector.broadcast %jit3A_1441 : i32 to vector<16xi32>
        %select_n3A_1443 = arith.select %ne3A_1440, %get3A_1437, %broadcast_in_dim3A_1442 : vector<16xi1>, vector<16xi32>
        %gather3A_1444 = tpu.vector_load_idx %arg9[%broadcast_in_dim3A_150, %select_n3A_1443] : memref<16x1000xf32, #tpu.memory_space<vmem>>[vector<16xi32>, vector<16xi32>], vector<16xf32>,
        %add3A_1445 = arith.addf %gather3A_215, %gather3A_1444 : vector<16xf32>
        %max3A_1446 = arith.constant 0.000000e+00 : f32
        %max3A_1447 = vector.broadcast %max3A_1446 : f32 to vector<16xf32>
        %max3A_1448 = arith.maximumf %add3A_1445, %max3A_1447 : vector<16xf32>
        %jit3A_1449 = arith.constant 0.000000e+00 : f32
        %broadcast_in_dim3A_1450 = vector.broadcast %jit3A_1449 : f32 to vector<16xf32>
        %select_n3A_1451 = arith.select %ne3A_1440, %max3A_1448, %broadcast_in_dim3A_1450 : vector<16xi1>, vector<16xf32>
        %add3A_1452 = arith.addf %add3A_1352, %select_n3A_1451 : vector<16xf32>
        %jit3A_1453 = arith.constant 1 : i32
        %jit3A_1454 = arith.constant 0 : i32
        %broadcast_in_dim3A_1455 = vector.broadcast %jit3A_1453 : i32 to vector<16xi32>
        %broadcast_in_dim3A_1456 = vector.broadcast %jit3A_1454 : i32 to vector<16xi32>
        %select_n3A_1457 = arith.select %ne3A_1440, %broadcast_in_dim3A_1455, %broadcast_in_dim3A_1456 : vector<16xi1>, vector<16xi32>
        %add3A_1458 = arith.addi %add3A_1358, %select_n3A_1457 : vector<16xi32>
        %get3A_1459 = arith.index_cast %scan3A_141 : i32 to index
        %get3A_1460 = arith.constant 784 : index
        %get3A_1461 = tpu.vector_load %arg11[%get3A_1459, %get3A_1460] {strides = array<i32>} : memref<16x1000xi32, #tpu.memory_space<vmem>>, vector<16xi32>,
        %ne3A_1462 = arith.constant -1 : i32
        %ne3A_1463 = vector.broadcast %ne3A_1462 : i32 to vector<16xi32>
        %ne3A_1464 = arith.cmpi ne, %get3A_1461, %ne3A_1463 : vector<16xi32>
        %jit3A_1465 = arith.constant 0 : i32
        %broadcast_in_dim3A_1466 = vector.broadcast %jit3A_1465 : i32 to vector<16xi32>
        %select_n3A_1467 = arith.select %ne3A_1464, %get3A_1461, %broadcast_in_dim3A_1466 : vector<16xi1>, vector<16xi32>
        %gather3A_1468 = tpu.vector_load_idx %arg9[%broadcast_in_dim3A_150, %select_n3A_1467] : memref<16x1000xf32, #tpu.memory_space<vmem>>[vector<16xi32>, vector<16xi32>], vector<16xf32>,
        %add3A_1469 = arith.addf %gather3A_215, %gather3A_1468 : vector<16xf32>
        %max3A_1470 = arith.constant 0.000000e+00 : f32
        %max3A_1471 = vector.broadcast %max3A_1470 : f32 to vector<16xf32>
        %max3A_1472 = arith.maximumf %add3A_1469, %max3A_1471 : vector<16xf32>
        %jit3A_1473 = arith.constant 0.000000e+00 : f32
        %broadcast_in_dim3A_1474 = vector.broadcast %jit3A_1473 : f32 to vector<16xf32>
        %select_n3A_1475 = arith.select %ne3A_1464, %max3A_1472, %broadcast_in_dim3A_1474 : vector<16xi1>, vector<16xf32>
        %add3A_1476 = arith.addf %add3A_1376, %select_n3A_1475 : vector<16xf32>
        %jit3A_1477 = arith.constant 1 : i32
        %jit3A_1478 = arith.constant 0 : i32
        %broadcast_in_dim3A_1479 = vector.broadcast %jit3A_1477 : i32 to vector<16xi32>
        %broadcast_in_dim3A_1480 = vector.broadcast %jit3A_1478 : i32 to vector<16xi32>
        %select_n3A_1481 = arith.select %ne3A_1464, %broadcast_in_dim3A_1479, %broadcast_in_dim3A_1480 : vector<16xi1>, vector<16xi32>
        %add3A_1482 = arith.addi %add3A_1382, %select_n3A_1481 : vector<16xi32>
        %get3A_1483 = arith.index_cast %scan3A_141 : i32 to index
        %get3A_1484 = arith.constant 800 : index
        %get3A_1485 = tpu.vector_load %arg11[%get3A_1483, %get3A_1484] {strides = array<i32>} : memref<16x1000xi32, #tpu.memory_space<vmem>>, vector<16xi32>,
        %ne3A_1486 = arith.constant -1 : i32
        %ne3A_1487 = vector.broadcast %ne3A_1486 : i32 to vector<16xi32>
        %ne3A_1488 = arith.cmpi ne, %get3A_1485, %ne3A_1487 : vector<16xi32>
        %jit3A_1489 = arith.constant 0 : i32
        %broadcast_in_dim3A_1490 = vector.broadcast %jit3A_1489 : i32 to vector<16xi32>
        %select_n3A_1491 = arith.select %ne3A_1488, %get3A_1485, %broadcast_in_dim3A_1490 : vector<16xi1>, vector<16xi32>
        %gather3A_1492 = tpu.vector_load_idx %arg9[%broadcast_in_dim3A_150, %select_n3A_1491] : memref<16x1000xf32, #tpu.memory_space<vmem>>[vector<16xi32>, vector<16xi32>], vector<16xf32>,
        %add3A_1493 = arith.addf %gather3A_219, %gather3A_1492 : vector<16xf32>
        %max3A_1494 = arith.constant 0.000000e+00 : f32
        %max3A_1495 = vector.broadcast %max3A_1494 : f32 to vector<16xf32>
        %max3A_1496 = arith.maximumf %add3A_1493, %max3A_1495 : vector<16xf32>
        %jit3A_1497 = arith.constant 0.000000e+00 : f32
        %broadcast_in_dim3A_1498 = vector.broadcast %jit3A_1497 : f32 to vector<16xf32>
        %select_n3A_1499 = arith.select %ne3A_1488, %max3A_1496, %broadcast_in_dim3A_1498 : vector<16xi1>, vector<16xf32>
        %add3A_1500 = arith.addf %add3A_1404, %select_n3A_1499 : vector<16xf32>
        %jit3A_1501 = arith.constant 1 : i32
        %jit3A_1502 = arith.constant 0 : i32
        %broadcast_in_dim3A_1503 = vector.broadcast %jit3A_1501 : i32 to vector<16xi32>
        %broadcast_in_dim3A_1504 = vector.broadcast %jit3A_1502 : i32 to vector<16xi32>
        %select_n3A_1505 = arith.select %ne3A_1488, %broadcast_in_dim3A_1503, %broadcast_in_dim3A_1504 : vector<16xi1>, vector<16xi32>
        %add3A_1506 = arith.addi %add3A_1410, %select_n3A_1505 : vector<16xi32>
        %get3A_1507 = arith.index_cast %scan3A_141 : i32 to index
        %get3A_1508 = arith.constant 816 : index
        %get3A_1509 = tpu.vector_load %arg11[%get3A_1507, %get3A_1508] {strides = array<i32>} : memref<16x1000xi32, #tpu.memory_space<vmem>>, vector<16xi32>,
        %ne3A_1510 = arith.constant -1 : i32
        %ne3A_1511 = vector.broadcast %ne3A_1510 : i32 to vector<16xi32>
        %ne3A_1512 = arith.cmpi ne, %get3A_1509, %ne3A_1511 : vector<16xi32>
        %jit3A_1513 = arith.constant 0 : i32
        %broadcast_in_dim3A_1514 = vector.broadcast %jit3A_1513 : i32 to vector<16xi32>
        %select_n3A_1515 = arith.select %ne3A_1512, %get3A_1509, %broadcast_in_dim3A_1514 : vector<16xi1>, vector<16xi32>
        %gather3A_1516 = tpu.vector_load_idx %arg9[%broadcast_in_dim3A_150, %select_n3A_1515] : memref<16x1000xf32, #tpu.memory_space<vmem>>[vector<16xi32>, vector<16xi32>], vector<16xf32>,
        %add3A_1517 = arith.addf %gather3A_219, %gather3A_1516 : vector<16xf32>
        %max3A_1518 = arith.constant 0.000000e+00 : f32
        %max3A_1519 = vector.broadcast %max3A_1518 : f32 to vector<16xf32>
        %max3A_1520 = arith.maximumf %add3A_1517, %max3A_1519 : vector<16xf32>
        %jit3A_1521 = arith.constant 0.000000e+00 : f32
        %broadcast_in_dim3A_1522 = vector.broadcast %jit3A_1521 : f32 to vector<16xf32>
        %select_n3A_1523 = arith.select %ne3A_1512, %max3A_1520, %broadcast_in_dim3A_1522 : vector<16xi1>, vector<16xf32>
        %add3A_1524 = arith.addf %add3A_1428, %select_n3A_1523 : vector<16xf32>
        %jit3A_1525 = arith.constant 1 : i32
        %jit3A_1526 = arith.constant 0 : i32
        %broadcast_in_dim3A_1527 = vector.broadcast %jit3A_1525 : i32 to vector<16xi32>
        %broadcast_in_dim3A_1528 = vector.broadcast %jit3A_1526 : i32 to vector<16xi32>
        %select_n3A_1529 = arith.select %ne3A_1512, %broadcast_in_dim3A_1527, %broadcast_in_dim3A_1528 : vector<16xi1>, vector<16xi32>
        %add3A_1530 = arith.addi %add3A_1434, %select_n3A_1529 : vector<16xi32>
        %get3A_1531 = arith.index_cast %scan3A_141 : i32 to index
        %get3A_1532 = arith.constant 832 : index
        %get3A_1533 = tpu.vector_load %arg11[%get3A_1531, %get3A_1532] {strides = array<i32>} : memref<16x1000xi32, #tpu.memory_space<vmem>>, vector<16xi32>,
        %ne3A_1534 = arith.constant -1 : i32
        %ne3A_1535 = vector.broadcast %ne3A_1534 : i32 to vector<16xi32>
        %ne3A_1536 = arith.cmpi ne, %get3A_1533, %ne3A_1535 : vector<16xi32>
        %jit3A_1537 = arith.constant 0 : i32
        %broadcast_in_dim3A_1538 = vector.broadcast %jit3A_1537 : i32 to vector<16xi32>
        %select_n3A_1539 = arith.select %ne3A_1536, %get3A_1533, %broadcast_in_dim3A_1538 : vector<16xi1>, vector<16xi32>
        %gather3A_1540 = tpu.vector_load_idx %arg9[%broadcast_in_dim3A_150, %select_n3A_1539] : memref<16x1000xf32, #tpu.memory_space<vmem>>[vector<16xi32>, vector<16xi32>], vector<16xf32>,
        %add3A_1541 = arith.addf %gather3A_219, %gather3A_1540 : vector<16xf32>
        %max3A_1542 = arith.constant 0.000000e+00 : f32
        %max3A_1543 = vector.broadcast %max3A_1542 : f32 to vector<16xf32>
        %max3A_1544 = arith.maximumf %add3A_1541, %max3A_1543 : vector<16xf32>
        %jit3A_1545 = arith.constant 0.000000e+00 : f32
        %broadcast_in_dim3A_1546 = vector.broadcast %jit3A_1545 : f32 to vector<16xf32>
        %select_n3A_1547 = arith.select %ne3A_1536, %max3A_1544, %broadcast_in_dim3A_1546 : vector<16xi1>, vector<16xf32>
        %add3A_1548 = arith.addf %add3A_1452, %select_n3A_1547 : vector<16xf32>
        %jit3A_1549 = arith.constant 1 : i32
        %jit3A_1550 = arith.constant 0 : i32
        %broadcast_in_dim3A_1551 = vector.broadcast %jit3A_1549 : i32 to vector<16xi32>
        %broadcast_in_dim3A_1552 = vector.broadcast %jit3A_1550 : i32 to vector<16xi32>
        %select_n3A_1553 = arith.select %ne3A_1536, %broadcast_in_dim3A_1551, %broadcast_in_dim3A_1552 : vector<16xi1>, vector<16xi32>
        %add3A_1554 = arith.addi %add3A_1458, %select_n3A_1553 : vector<16xi32>
        %ge3A_1555 = arith.constant 2 : i32
        %ge3A_1556 = vector.broadcast %ge3A_1555 : i32 to vector<16xi32>
        %ge3A_1557 = arith.cmpi sge, %iota3A, %ge3A_1556 : vector<16xi32>
        %select_n3A_1558 = arith.select %ge3A_1557, %gather3A_223, %gather3A_219 : vector<16xi1>, vector<16xf32>
        %get3A_1559 = arith.index_cast %scan3A_141 : i32 to index
        %get3A_1560 = arith.constant 848 : index
        %get3A_1561 = tpu.vector_load %arg11[%get3A_1559, %get3A_1560] {strides = array<i32>} : memref<16x1000xi32, #tpu.memory_space<vmem>>, vector<16xi32>,
        %ne3A_1562 = arith.constant -1 : i32
        %ne3A_1563 = vector.broadcast %ne3A_1562 : i32 to vector<16xi32>
        %ne3A_1564 = arith.cmpi ne, %get3A_1561, %ne3A_1563 : vector<16xi32>
        %jit3A_1565 = arith.constant 0 : i32
        %broadcast_in_dim3A_1566 = vector.broadcast %jit3A_1565 : i32 to vector<16xi32>
        %select_n3A_1567 = arith.select %ne3A_1564, %get3A_1561, %broadcast_in_dim3A_1566 : vector<16xi1>, vector<16xi32>
        %gather3A_1568 = tpu.vector_load_idx %arg9[%broadcast_in_dim3A_150, %select_n3A_1567] : memref<16x1000xf32, #tpu.memory_space<vmem>>[vector<16xi32>, vector<16xi32>], vector<16xf32>,
        %add3A_1569 = arith.addf %select_n3A_1558, %gather3A_1568 : vector<16xf32>
        %max3A_1570 = arith.constant 0.000000e+00 : f32
        %max3A_1571 = vector.broadcast %max3A_1570 : f32 to vector<16xf32>
        %max3A_1572 = arith.maximumf %add3A_1569, %max3A_1571 : vector<16xf32>
        %jit3A_1573 = arith.constant 0.000000e+00 : f32
        %broadcast_in_dim3A_1574 = vector.broadcast %jit3A_1573 : f32 to vector<16xf32>
        %select_n3A_1575 = arith.select %ne3A_1564, %max3A_1572, %broadcast_in_dim3A_1574 : vector<16xi1>, vector<16xf32>
        %add3A_1576 = arith.addf %add3A_1476, %select_n3A_1575 : vector<16xf32>
        %jit3A_1577 = arith.constant 1 : i32
        %jit3A_1578 = arith.constant 0 : i32
        %broadcast_in_dim3A_1579 = vector.broadcast %jit3A_1577 : i32 to vector<16xi32>
        %broadcast_in_dim3A_1580 = vector.broadcast %jit3A_1578 : i32 to vector<16xi32>
        %select_n3A_1581 = arith.select %ne3A_1564, %broadcast_in_dim3A_1579, %broadcast_in_dim3A_1580 : vector<16xi1>, vector<16xi32>
        %add3A_1582 = arith.addi %add3A_1482, %select_n3A_1581 : vector<16xi32>
        %get3A_1583 = arith.index_cast %scan3A_141 : i32 to index
        %get3A_1584 = arith.constant 864 : index
        %get3A_1585 = tpu.vector_load %arg11[%get3A_1583, %get3A_1584] {strides = array<i32>} : memref<16x1000xi32, #tpu.memory_space<vmem>>, vector<16xi32>,
        %ne3A_1586 = arith.constant -1 : i32
        %ne3A_1587 = vector.broadcast %ne3A_1586 : i32 to vector<16xi32>
        %ne3A_1588 = arith.cmpi ne, %get3A_1585, %ne3A_1587 : vector<16xi32>
        %jit3A_1589 = arith.constant 0 : i32
        %broadcast_in_dim3A_1590 = vector.broadcast %jit3A_1589 : i32 to vector<16xi32>
        %select_n3A_1591 = arith.select %ne3A_1588, %get3A_1585, %broadcast_in_dim3A_1590 : vector<16xi1>, vector<16xi32>
        %gather3A_1592 = tpu.vector_load_idx %arg9[%broadcast_in_dim3A_150, %select_n3A_1591] : memref<16x1000xf32, #tpu.memory_space<vmem>>[vector<16xi32>, vector<16xi32>], vector<16xf32>,
        %add3A_1593 = arith.addf %gather3A_223, %gather3A_1592 : vector<16xf32>
        %max3A_1594 = arith.constant 0.000000e+00 : f32
        %max3A_1595 = vector.broadcast %max3A_1594 : f32 to vector<16xf32>
        %max3A_1596 = arith.maximumf %add3A_1593, %max3A_1595 : vector<16xf32>
        %jit3A_1597 = arith.constant 0.000000e+00 : f32
        %broadcast_in_dim3A_1598 = vector.broadcast %jit3A_1597 : f32 to vector<16xf32>
        %select_n3A_1599 = arith.select %ne3A_1588, %max3A_1596, %broadcast_in_dim3A_1598 : vector<16xi1>, vector<16xf32>
        %add3A_1600 = arith.addf %add3A_1500, %select_n3A_1599 : vector<16xf32>
        %jit3A_1601 = arith.constant 1 : i32
        %jit3A_1602 = arith.constant 0 : i32
        %broadcast_in_dim3A_1603 = vector.broadcast %jit3A_1601 : i32 to vector<16xi32>
        %broadcast_in_dim3A_1604 = vector.broadcast %jit3A_1602 : i32 to vector<16xi32>
        %select_n3A_1605 = arith.select %ne3A_1588, %broadcast_in_dim3A_1603, %broadcast_in_dim3A_1604 : vector<16xi1>, vector<16xi32>
        %add3A_1606 = arith.addi %add3A_1506, %select_n3A_1605 : vector<16xi32>
        %get3A_1607 = arith.index_cast %scan3A_141 : i32 to index
        %get3A_1608 = arith.constant 880 : index
        %get3A_1609 = tpu.vector_load %arg11[%get3A_1607, %get3A_1608] {strides = array<i32>} : memref<16x1000xi32, #tpu.memory_space<vmem>>, vector<16xi32>,
        %ne3A_1610 = arith.constant -1 : i32
        %ne3A_1611 = vector.broadcast %ne3A_1610 : i32 to vector<16xi32>
        %ne3A_1612 = arith.cmpi ne, %get3A_1609, %ne3A_1611 : vector<16xi32>
        %jit3A_1613 = arith.constant 0 : i32
        %broadcast_in_dim3A_1614 = vector.broadcast %jit3A_1613 : i32 to vector<16xi32>
        %select_n3A_1615 = arith.select %ne3A_1612, %get3A_1609, %broadcast_in_dim3A_1614 : vector<16xi1>, vector<16xi32>
        %gather3A_1616 = tpu.vector_load_idx %arg9[%broadcast_in_dim3A_150, %select_n3A_1615] : memref<16x1000xf32, #tpu.memory_space<vmem>>[vector<16xi32>, vector<16xi32>], vector<16xf32>,
        %add3A_1617 = arith.addf %gather3A_223, %gather3A_1616 : vector<16xf32>
        %max3A_1618 = arith.constant 0.000000e+00 : f32
        %max3A_1619 = vector.broadcast %max3A_1618 : f32 to vector<16xf32>
        %max3A_1620 = arith.maximumf %add3A_1617, %max3A_1619 : vector<16xf32>
        %jit3A_1621 = arith.constant 0.000000e+00 : f32
        %broadcast_in_dim3A_1622 = vector.broadcast %jit3A_1621 : f32 to vector<16xf32>
        %select_n3A_1623 = arith.select %ne3A_1612, %max3A_1620, %broadcast_in_dim3A_1622 : vector<16xi1>, vector<16xf32>
        %add3A_1624 = arith.addf %add3A_1524, %select_n3A_1623 : vector<16xf32>
        %jit3A_1625 = arith.constant 1 : i32
        %jit3A_1626 = arith.constant 0 : i32
        %broadcast_in_dim3A_1627 = vector.broadcast %jit3A_1625 : i32 to vector<16xi32>
        %broadcast_in_dim3A_1628 = vector.broadcast %jit3A_1626 : i32 to vector<16xi32>
        %select_n3A_1629 = arith.select %ne3A_1612, %broadcast_in_dim3A_1627, %broadcast_in_dim3A_1628 : vector<16xi1>, vector<16xi32>
        %add3A_1630 = arith.addi %add3A_1530, %select_n3A_1629 : vector<16xi32>
        %ge3A_1631 = arith.constant 4 : i32
        %ge3A_1632 = vector.broadcast %ge3A_1631 : i32 to vector<16xi32>
        %ge3A_1633 = arith.cmpi sge, %iota3A, %ge3A_1632 : vector<16xi32>
        %select_n3A_1634 = arith.select %ge3A_1633, %gather3A_227, %gather3A_223 : vector<16xi1>, vector<16xf32>
        %get3A_1635 = arith.index_cast %scan3A_141 : i32 to index
        %get3A_1636 = arith.constant 896 : index
        %get3A_1637 = tpu.vector_load %arg11[%get3A_1635, %get3A_1636] {strides = array<i32>} : memref<16x1000xi32, #tpu.memory_space<vmem>>, vector<16xi32>,
        %ne3A_1638 = arith.constant -1 : i32
        %ne3A_1639 = vector.broadcast %ne3A_1638 : i32 to vector<16xi32>
        %ne3A_1640 = arith.cmpi ne, %get3A_1637, %ne3A_1639 : vector<16xi32>
        %jit3A_1641 = arith.constant 0 : i32
        %broadcast_in_dim3A_1642 = vector.broadcast %jit3A_1641 : i32 to vector<16xi32>
        %select_n3A_1643 = arith.select %ne3A_1640, %get3A_1637, %broadcast_in_dim3A_1642 : vector<16xi1>, vector<16xi32>
        %gather3A_1644 = tpu.vector_load_idx %arg9[%broadcast_in_dim3A_150, %select_n3A_1643] : memref<16x1000xf32, #tpu.memory_space<vmem>>[vector<16xi32>, vector<16xi32>], vector<16xf32>,
        %add3A_1645 = arith.addf %select_n3A_1634, %gather3A_1644 : vector<16xf32>
        %max3A_1646 = arith.constant 0.000000e+00 : f32
        %max3A_1647 = vector.broadcast %max3A_1646 : f32 to vector<16xf32>
        %max3A_1648 = arith.maximumf %add3A_1645, %max3A_1647 : vector<16xf32>
        %jit3A_1649 = arith.constant 0.000000e+00 : f32
        %broadcast_in_dim3A_1650 = vector.broadcast %jit3A_1649 : f32 to vector<16xf32>
        %select_n3A_1651 = arith.select %ne3A_1640, %max3A_1648, %broadcast_in_dim3A_1650 : vector<16xi1>, vector<16xf32>
        %add3A_1652 = arith.addf %add3A_1548, %select_n3A_1651 : vector<16xf32>
        %jit3A_1653 = arith.constant 1 : i32
        %jit3A_1654 = arith.constant 0 : i32
        %broadcast_in_dim3A_1655 = vector.broadcast %jit3A_1653 : i32 to vector<16xi32>
        %broadcast_in_dim3A_1656 = vector.broadcast %jit3A_1654 : i32 to vector<16xi32>
        %select_n3A_1657 = arith.select %ne3A_1640, %broadcast_in_dim3A_1655, %broadcast_in_dim3A_1656 : vector<16xi1>, vector<16xi32>
        %add3A_1658 = arith.addi %add3A_1554, %select_n3A_1657 : vector<16xi32>
        %get3A_1659 = arith.index_cast %scan3A_141 : i32 to index
        %get3A_1660 = arith.constant 912 : index
        %get3A_1661 = tpu.vector_load %arg11[%get3A_1659, %get3A_1660] {strides = array<i32>} : memref<16x1000xi32, #tpu.memory_space<vmem>>, vector<16xi32>,
        %ne3A_1662 = arith.constant -1 : i32
        %ne3A_1663 = vector.broadcast %ne3A_1662 : i32 to vector<16xi32>
        %ne3A_1664 = arith.cmpi ne, %get3A_1661, %ne3A_1663 : vector<16xi32>
        %jit3A_1665 = arith.constant 0 : i32
        %broadcast_in_dim3A_1666 = vector.broadcast %jit3A_1665 : i32 to vector<16xi32>
        %select_n3A_1667 = arith.select %ne3A_1664, %get3A_1661, %broadcast_in_dim3A_1666 : vector<16xi1>, vector<16xi32>
        %gather3A_1668 = tpu.vector_load_idx %arg9[%broadcast_in_dim3A_150, %select_n3A_1667] : memref<16x1000xf32, #tpu.memory_space<vmem>>[vector<16xi32>, vector<16xi32>], vector<16xf32>,
        %add3A_1669 = arith.addf %gather3A_227, %gather3A_1668 : vector<16xf32>
        %max3A_1670 = arith.constant 0.000000e+00 : f32
        %max3A_1671 = vector.broadcast %max3A_1670 : f32 to vector<16xf32>
        %max3A_1672 = arith.maximumf %add3A_1669, %max3A_1671 : vector<16xf32>
        %jit3A_1673 = arith.constant 0.000000e+00 : f32
        %broadcast_in_dim3A_1674 = vector.broadcast %jit3A_1673 : f32 to vector<16xf32>
        %select_n3A_1675 = arith.select %ne3A_1664, %max3A_1672, %broadcast_in_dim3A_1674 : vector<16xi1>, vector<16xf32>
        %add3A_1676 = arith.addf %add3A_1576, %select_n3A_1675 : vector<16xf32>
        %jit3A_1677 = arith.constant 1 : i32
        %jit3A_1678 = arith.constant 0 : i32
        %broadcast_in_dim3A_1679 = vector.broadcast %jit3A_1677 : i32 to vector<16xi32>
        %broadcast_in_dim3A_1680 = vector.broadcast %jit3A_1678 : i32 to vector<16xi32>
        %select_n3A_1681 = arith.select %ne3A_1664, %broadcast_in_dim3A_1679, %broadcast_in_dim3A_1680 : vector<16xi1>, vector<16xi32>
        %add3A_1682 = arith.addi %add3A_1582, %select_n3A_1681 : vector<16xi32>
        %get3A_1683 = arith.index_cast %scan3A_141 : i32 to index
        %get3A_1684 = arith.constant 928 : index
        %get3A_1685 = tpu.vector_load %arg11[%get3A_1683, %get3A_1684] {strides = array<i32>} : memref<16x1000xi32, #tpu.memory_space<vmem>>, vector<16xi32>,
        %ne3A_1686 = arith.constant -1 : i32
        %ne3A_1687 = vector.broadcast %ne3A_1686 : i32 to vector<16xi32>
        %ne3A_1688 = arith.cmpi ne, %get3A_1685, %ne3A_1687 : vector<16xi32>
        %jit3A_1689 = arith.constant 0 : i32
        %broadcast_in_dim3A_1690 = vector.broadcast %jit3A_1689 : i32 to vector<16xi32>
        %select_n3A_1691 = arith.select %ne3A_1688, %get3A_1685, %broadcast_in_dim3A_1690 : vector<16xi1>, vector<16xi32>
        %gather3A_1692 = tpu.vector_load_idx %arg9[%broadcast_in_dim3A_150, %select_n3A_1691] : memref<16x1000xf32, #tpu.memory_space<vmem>>[vector<16xi32>, vector<16xi32>], vector<16xf32>,
        %add3A_1693 = arith.addf %gather3A_227, %gather3A_1692 : vector<16xf32>
        %max3A_1694 = arith.constant 0.000000e+00 : f32
        %max3A_1695 = vector.broadcast %max3A_1694 : f32 to vector<16xf32>
        %max3A_1696 = arith.maximumf %add3A_1693, %max3A_1695 : vector<16xf32>
        %jit3A_1697 = arith.constant 0.000000e+00 : f32
        %broadcast_in_dim3A_1698 = vector.broadcast %jit3A_1697 : f32 to vector<16xf32>
        %select_n3A_1699 = arith.select %ne3A_1688, %max3A_1696, %broadcast_in_dim3A_1698 : vector<16xi1>, vector<16xf32>
        %add3A_1700 = arith.addf %add3A_1600, %select_n3A_1699 : vector<16xf32>
        %jit3A_1701 = arith.constant 1 : i32
        %jit3A_1702 = arith.constant 0 : i32
        %broadcast_in_dim3A_1703 = vector.broadcast %jit3A_1701 : i32 to vector<16xi32>
        %broadcast_in_dim3A_1704 = vector.broadcast %jit3A_1702 : i32 to vector<16xi32>
        %select_n3A_1705 = arith.select %ne3A_1688, %broadcast_in_dim3A_1703, %broadcast_in_dim3A_1704 : vector<16xi1>, vector<16xi32>
        %add3A_1706 = arith.addi %add3A_1606, %select_n3A_1705 : vector<16xi32>
        %ge3A_1707 = arith.constant 6 : i32
        %ge3A_1708 = vector.broadcast %ge3A_1707 : i32 to vector<16xi32>
        %ge3A_1709 = arith.cmpi sge, %iota3A, %ge3A_1708 : vector<16xi32>
        %select_n3A_1710 = arith.select %ge3A_1709, %gather3A_231, %gather3A_227 : vector<16xi1>, vector<16xf32>
        %get3A_1711 = arith.index_cast %scan3A_141 : i32 to index
        %get3A_1712 = arith.constant 944 : index
        %get3A_1713 = tpu.vector_load %arg11[%get3A_1711, %get3A_1712] {strides = array<i32>} : memref<16x1000xi32, #tpu.memory_space<vmem>>, vector<16xi32>,
        %ne3A_1714 = arith.constant -1 : i32
        %ne3A_1715 = vector.broadcast %ne3A_1714 : i32 to vector<16xi32>
        %ne3A_1716 = arith.cmpi ne, %get3A_1713, %ne3A_1715 : vector<16xi32>
        %jit3A_1717 = arith.constant 0 : i32
        %broadcast_in_dim3A_1718 = vector.broadcast %jit3A_1717 : i32 to vector<16xi32>
        %select_n3A_1719 = arith.select %ne3A_1716, %get3A_1713, %broadcast_in_dim3A_1718 : vector<16xi1>, vector<16xi32>
        %gather3A_1720 = tpu.vector_load_idx %arg9[%broadcast_in_dim3A_150, %select_n3A_1719] : memref<16x1000xf32, #tpu.memory_space<vmem>>[vector<16xi32>, vector<16xi32>], vector<16xf32>,
        %add3A_1721 = arith.addf %select_n3A_1710, %gather3A_1720 : vector<16xf32>
        %max3A_1722 = arith.constant 0.000000e+00 : f32
        %max3A_1723 = vector.broadcast %max3A_1722 : f32 to vector<16xf32>
        %max3A_1724 = arith.maximumf %add3A_1721, %max3A_1723 : vector<16xf32>
        %jit3A_1725 = arith.constant 0.000000e+00 : f32
        %broadcast_in_dim3A_1726 = vector.broadcast %jit3A_1725 : f32 to vector<16xf32>
        %select_n3A_1727 = arith.select %ne3A_1716, %max3A_1724, %broadcast_in_dim3A_1726 : vector<16xi1>, vector<16xf32>
        %add3A_1728 = arith.addf %add3A_1624, %select_n3A_1727 : vector<16xf32>
        %jit3A_1729 = arith.constant 1 : i32
        %jit3A_1730 = arith.constant 0 : i32
        %broadcast_in_dim3A_1731 = vector.broadcast %jit3A_1729 : i32 to vector<16xi32>
        %broadcast_in_dim3A_1732 = vector.broadcast %jit3A_1730 : i32 to vector<16xi32>
        %select_n3A_1733 = arith.select %ne3A_1716, %broadcast_in_dim3A_1731, %broadcast_in_dim3A_1732 : vector<16xi1>, vector<16xi32>
        %add3A_1734 = arith.addi %add3A_1630, %select_n3A_1733 : vector<16xi32>
        %get3A_1735 = arith.index_cast %scan3A_141 : i32 to index
        %get3A_1736 = arith.constant 960 : index
        %get3A_1737 = tpu.vector_load %arg11[%get3A_1735, %get3A_1736] {strides = array<i32>} : memref<16x1000xi32, #tpu.memory_space<vmem>>, vector<16xi32>,
        %ne3A_1738 = arith.constant -1 : i32
        %ne3A_1739 = vector.broadcast %ne3A_1738 : i32 to vector<16xi32>
        %ne3A_1740 = arith.cmpi ne, %get3A_1737, %ne3A_1739 : vector<16xi32>
        %jit3A_1741 = arith.constant 0 : i32
        %broadcast_in_dim3A_1742 = vector.broadcast %jit3A_1741 : i32 to vector<16xi32>
        %select_n3A_1743 = arith.select %ne3A_1740, %get3A_1737, %broadcast_in_dim3A_1742 : vector<16xi1>, vector<16xi32>
        %gather3A_1744 = tpu.vector_load_idx %arg9[%broadcast_in_dim3A_150, %select_n3A_1743] : memref<16x1000xf32, #tpu.memory_space<vmem>>[vector<16xi32>, vector<16xi32>], vector<16xf32>,
        %add3A_1745 = arith.addf %gather3A_231, %gather3A_1744 : vector<16xf32>
        %max3A_1746 = arith.constant 0.000000e+00 : f32
        %max3A_1747 = vector.broadcast %max3A_1746 : f32 to vector<16xf32>
        %max3A_1748 = arith.maximumf %add3A_1745, %max3A_1747 : vector<16xf32>
        %jit3A_1749 = arith.constant 0.000000e+00 : f32
        %broadcast_in_dim3A_1750 = vector.broadcast %jit3A_1749 : f32 to vector<16xf32>
        %select_n3A_1751 = arith.select %ne3A_1740, %max3A_1748, %broadcast_in_dim3A_1750 : vector<16xi1>, vector<16xf32>
        %add3A_1752 = arith.addf %add3A_1652, %select_n3A_1751 : vector<16xf32>
        %jit3A_1753 = arith.constant 1 : i32
        %jit3A_1754 = arith.constant 0 : i32
        %broadcast_in_dim3A_1755 = vector.broadcast %jit3A_1753 : i32 to vector<16xi32>
        %broadcast_in_dim3A_1756 = vector.broadcast %jit3A_1754 : i32 to vector<16xi32>
        %select_n3A_1757 = arith.select %ne3A_1740, %broadcast_in_dim3A_1755, %broadcast_in_dim3A_1756 : vector<16xi1>, vector<16xi32>
        %add3A_1758 = arith.addi %add3A_1658, %select_n3A_1757 : vector<16xi32>
        %get3A_1759 = arith.index_cast %scan3A_141 : i32 to index
        %get3A_1760 = arith.constant 976 : index
        %get3A_1761 = tpu.vector_load %arg11[%get3A_1759, %get3A_1760] {strides = array<i32>} : memref<16x1000xi32, #tpu.memory_space<vmem>>, vector<16xi32>,
        %ne3A_1762 = arith.constant -1 : i32
        %ne3A_1763 = vector.broadcast %ne3A_1762 : i32 to vector<16xi32>
        %ne3A_1764 = arith.cmpi ne, %get3A_1761, %ne3A_1763 : vector<16xi32>
        %jit3A_1765 = arith.constant 0 : i32
        %broadcast_in_dim3A_1766 = vector.broadcast %jit3A_1765 : i32 to vector<16xi32>
        %select_n3A_1767 = arith.select %ne3A_1764, %get3A_1761, %broadcast_in_dim3A_1766 : vector<16xi1>, vector<16xi32>
        %gather3A_1768 = tpu.vector_load_idx %arg9[%broadcast_in_dim3A_150, %select_n3A_1767] : memref<16x1000xf32, #tpu.memory_space<vmem>>[vector<16xi32>, vector<16xi32>], vector<16xf32>,
        %add3A_1769 = arith.addf %gather3A_231, %gather3A_1768 : vector<16xf32>
        %max3A_1770 = arith.constant 0.000000e+00 : f32
        %max3A_1771 = vector.broadcast %max3A_1770 : f32 to vector<16xf32>
        %max3A_1772 = arith.maximumf %add3A_1769, %max3A_1771 : vector<16xf32>
        %jit3A_1773 = arith.constant 0.000000e+00 : f32
        %broadcast_in_dim3A_1774 = vector.broadcast %jit3A_1773 : f32 to vector<16xf32>
        %select_n3A_1775 = arith.select %ne3A_1764, %max3A_1772, %broadcast_in_dim3A_1774 : vector<16xi1>, vector<16xf32>
        %add3A_1776 = arith.addf %add3A_1676, %select_n3A_1775 : vector<16xf32>
        %jit3A_1777 = arith.constant 1 : i32
        %jit3A_1778 = arith.constant 0 : i32
        %broadcast_in_dim3A_1779 = vector.broadcast %jit3A_1777 : i32 to vector<16xi32>
        %broadcast_in_dim3A_1780 = vector.broadcast %jit3A_1778 : i32 to vector<16xi32>
        %select_n3A_1781 = arith.select %ne3A_1764, %broadcast_in_dim3A_1779, %broadcast_in_dim3A_1780 : vector<16xi1>, vector<16xi32>
        %add3A_1782 = arith.addi %add3A_1682, %select_n3A_1781 : vector<16xi32>
        %get3A_1783 = arith.index_cast %scan3A_141 : i32 to index
        %get3A_1784 = arith.constant 984 : index
        %get3A_1785 = tpu.vector_load %arg11[%get3A_1783, %get3A_1784] {strides = array<i32>} : memref<16x1000xi32, #tpu.memory_space<vmem>>, vector<16xi32>,
        %ne3A_1786 = arith.constant -1 : i32
        %ne3A_1787 = vector.broadcast %ne3A_1786 : i32 to vector<16xi32>
        %ne3A_1788 = arith.cmpi ne, %get3A_1785, %ne3A_1787 : vector<16xi32>
        %and3A = arith.andi %ne3A_1788, %ge3A_4 : vector<16xi1>
        %jit3A_1789 = arith.constant 0 : i32
        %broadcast_in_dim3A_1790 = vector.broadcast %jit3A_1789 : i32 to vector<16xi32>
        %select_n3A_1791 = arith.select %and3A, %get3A_1785, %broadcast_in_dim3A_1790 : vector<16xi1>, vector<16xi32>
        %gather3A_1792 = tpu.vector_load_idx %arg9[%broadcast_in_dim3A_150, %select_n3A_1791] : memref<16x1000xf32, #tpu.memory_space<vmem>>[vector<16xi32>, vector<16xi32>], vector<16xf32>,
        %add3A_1793 = arith.addf %gather3A_231, %gather3A_1792 : vector<16xf32>
        %max3A_1794 = arith.constant 0.000000e+00 : f32
        %max3A_1795 = vector.broadcast %max3A_1794 : f32 to vector<16xf32>
        %max3A_1796 = arith.maximumf %add3A_1793, %max3A_1795 : vector<16xf32>
        %jit3A_1797 = arith.constant 0.000000e+00 : f32
        %broadcast_in_dim3A_1798 = vector.broadcast %jit3A_1797 : f32 to vector<16xf32>
        %select_n3A_1799 = arith.select %and3A, %max3A_1796, %broadcast_in_dim3A_1798 : vector<16xi1>, vector<16xf32>
        %add3A_1800 = arith.addf %add3A_1700, %select_n3A_1799 : vector<16xf32>
        %jit3A_1801 = arith.constant 1 : i32
        %jit3A_1802 = arith.constant 0 : i32
        %broadcast_in_dim3A_1803 = vector.broadcast %jit3A_1801 : i32 to vector<16xi32>
        %broadcast_in_dim3A_1804 = vector.broadcast %jit3A_1802 : i32 to vector<16xi32>
        %select_n3A_1805 = arith.select %and3A, %broadcast_in_dim3A_1803, %broadcast_in_dim3A_1804 : vector<16xi1>, vector<16xi32>
        %add3A_1806 = arith.addi %add3A_1706, %select_n3A_1805 : vector<16xi32>
        scf.yield %add3A_1752, %add3A_1776, %add3A_1800, %add3A_1728, %add3A_1758, %add3A_1782, %add3A_1806, %add3A_1734 : vector<16xf32>, vector<16xf32>, vector<16xf32>, vector<16xf32>, vector<16xi32>, vector<16xi32>, vector<16xi32>, vector<16xi32>
      }
      %scan3A_135 = arith.constant 16 : i32
      %lt3A_136 = arith.constant 3 : i32
      %lt3A_137 = arith.cmpi slt, %scan3A_60, %lt3A_136 : i32
      %convert_element_type3A_138 = arith.extui %lt3A_137 : i1 to i32
      %cond3A_139 = arith.constant 0 : i32
      %cond3A_140 = arith.cmpi ne, %convert_element_type3A_138, %cond3A_139 : i32
      scf.if %cond3A_140 {
        %mul3A_141 = arith.constant 2 : i32
        %mul3A_142 = arith.muli %mul3A_141, %scan3A_60 : i32
        %add3A_143 = arith.constant 3 : i32
        %add3A_144 = arith.addi %mul3A_142, %add3A_143 : i32
        %mul3A_145 = arith.constant 16 : i32
        %mul3A_146 = arith.muli %add3A_144, %mul3A_145 : i32
        %add3A_147 = arith.addi %mul3A_2, %mul3A_146 : i32
        %dma_start3A_148 = arith.constant 0 : i32
        %dma_start3A_149 = tpu.memref_slice %arg2[%add3A_147, %dma_start3A_148] : memref<4096x1000xf32, #tpu.memory_space<hbm>> -> memref<16x1000xf32, #tpu.memory_space<hbm>>
        %dma_start3A_150 = arith.constant 0 : i32
        %dma_start3A_151 = tpu.memref_slice %arg2[%add3A_147, %dma_start3A_150] : memref<4096x1000xf32, #tpu.memory_space<hbm>> -> memref<16x1000xf32, #tpu.memory_space<hbm>>
        tpu.enqueue_dma source(%dma_start3A_151 : memref<16x1000xf32, #tpu.memory_space<hbm>>) target(%arg9 : memref<16x1000xf32, #tpu.memory_space<vmem>>) target_semaphore(%arg20 : memref<!tpu.dma_semaphore, #tpu.memory_space<semaphore_mem>>)
        %dma_start3A_152 = arith.constant 0 : i32
        %dma_start3A_153 = tpu.memref_slice %arg3[%add3A_147, %dma_start3A_152] : memref<4096x1000xi32, #tpu.memory_space<hbm>> -> memref<16x1000xi32, #tpu.memory_space<hbm>>
        %dma_start3A_154 = arith.constant 0 : i32
        %dma_start3A_155 = tpu.memref_slice %arg3[%add3A_147, %dma_start3A_154] : memref<4096x1000xi32, #tpu.memory_space<hbm>> -> memref<16x1000xi32, #tpu.memory_space<hbm>>
        tpu.enqueue_dma source(%dma_start3A_155 : memref<16x1000xi32, #tpu.memory_space<hbm>>) target(%arg11 : memref<16x1000xi32, #tpu.memory_space<vmem>>) target_semaphore(%arg20 : memref<!tpu.dma_semaphore, #tpu.memory_space<semaphore_mem>>)
        %dma_start3A_156 = arith.constant 0 : i32
        %dma_start3A_157 = tpu.memref_slice %arg4[%add3A_147, %dma_start3A_156] : memref<4096x20xi32, #tpu.memory_space<hbm>> -> memref<16x20xi32, #tpu.memory_space<hbm>>
        %dma_start3A_158 = arith.constant 0 : i32
        %dma_start3A_159 = tpu.memref_slice %arg4[%add3A_147, %dma_start3A_158] : memref<4096x20xi32, #tpu.memory_space<hbm>> -> memref<16x20xi32, #tpu.memory_space<hbm>>
        tpu.enqueue_dma source(%dma_start3A_159 : memref<16x20xi32, #tpu.memory_space<hbm>>) target(%arg13 : memref<16x20xi32, #tpu.memory_space<vmem>>) target_semaphore(%arg20 : memref<!tpu.dma_semaphore, #tpu.memory_space<semaphore_mem>>)
        %dma_start3A_160 = arith.constant 0 : i32
        %dma_start3A_161 = tpu.memref_slice %arg5[%add3A_147, %dma_start3A_160] : memref<4096x20xi32, #tpu.memory_space<hbm>> -> memref<16x20xi32, #tpu.memory_space<hbm>>
        %dma_start3A_162 = arith.constant 0 : i32
        %dma_start3A_163 = tpu.memref_slice %arg5[%add3A_147, %dma_start3A_162] : memref<4096x20xi32, #tpu.memory_space<hbm>> -> memref<16x20xi32, #tpu.memory_space<hbm>>
        tpu.enqueue_dma source(%dma_start3A_163 : memref<16x20xi32, #tpu.memory_space<hbm>>) target(%arg15 : memref<16x20xi32, #tpu.memory_space<vmem>>) target_semaphore(%arg20 : memref<!tpu.dma_semaphore, #tpu.memory_space<semaphore_mem>>)
      } else {
      }
      scf.yield %scan3A_134#0, %scan3A_134#1, %scan3A_134#2, %scan3A_134#3, %scan3A_134#4, %scan3A_134#5, %scan3A_134#6, %scan3A_134#7 : vector<16xf32>, vector<16xf32>, vector<16xf32>, vector<16xf32>, vector<16xi32>, vector<16xi32>, vector<16xi32>, vector<16xi32>
    }
    %scan3A_47 = arith.constant 4 : i32
    %add3A_48 = arith.addf %scan3A_46#0, %scan3A_46#1 : vector<16xf32>
    %swap3A = arith.constant 0 : index
    %swap3A_49 = tpu.vector_load %arg18[%swap3A] {strides = array<i32>} : memref<64xf32, #tpu.memory_space<vmem>>, vector<16xf32>,
    tpu.vector_store %arg18[%swap3A], %add3A_48 {strides = array<i32>} : memref<64xf32, #tpu.memory_space<vmem>>, vector<16xf32>,
    %add3A_50 = arith.addf %scan3A_46#2, %scan3A_46#3 : vector<16xf32>
    %swap3A_51 = arith.constant 16 : index
    %swap3A_52 = tpu.vector_load %arg18[%swap3A_51] {strides = array<i32>} : memref<64xf32, #tpu.memory_space<vmem>>, vector<16xf32>,
    tpu.vector_store %arg18[%swap3A_51], %add3A_50 {strides = array<i32>} : memref<64xf32, #tpu.memory_space<vmem>>, vector<16xf32>,
    %add3A_53 = arith.addi %scan3A_46#4, %scan3A_46#5 : vector<16xi32>
    %convert_element_type3A = arith.sitofp %add3A_53 : vector<16xi32> to vector<16xf32>
    %swap3A_54 = arith.constant 32 : index
    %swap3A_55 = tpu.vector_load %arg18[%swap3A_54] {strides = array<i32>} : memref<64xf32, #tpu.memory_space<vmem>>, vector<16xf32>,
    tpu.vector_store %arg18[%swap3A_54], %convert_element_type3A {strides = array<i32>} : memref<64xf32, #tpu.memory_space<vmem>>, vector<16xf32>,
    %add3A_56 = arith.addi %scan3A_46#6, %scan3A_46#7 : vector<16xi32>
    %convert_element_type3A_57 = arith.sitofp %add3A_56 : vector<16xi32> to vector<16xf32>
    %swap3A_58 = arith.constant 48 : index
    %swap3A_59 = tpu.vector_load %arg18[%swap3A_58] {strides = array<i32>} : memref<64xf32, #tpu.memory_space<vmem>>, vector<16xf32>,
    tpu.vector_store %arg18[%swap3A_58], %convert_element_type3A_57 {strides = array<i32>} : memref<64xf32, #tpu.memory_space<vmem>>, vector<16xf32>,
    "tpu.region"() ({
      %run_scoped3A = tpu.sem_alloc : memref<!tpu.dma_semaphore, #tpu.memory_space<semaphore_mem>>
      %dma_start3A_60 = arith.constant 0 : i32
      %dma_start3A_61 = tpu.memref_slice %arg7[%add3A, %dma_start3A_60] : memref<32x64xf32, #tpu.memory_space<hbm>> -> memref<1x64xf32, #tpu.memory_space<hbm>>
      %dma_start3A_62 = tpu.memref_squeeze %dma_start3A_61 : memref<1x64xf32, #tpu.memory_space<hbm>> -> memref<64xf32, #tpu.memory_space<hbm>>
      %dma_start3A_63 = arith.constant 0 : i32
      %dma_start3A_64 = tpu.memref_slice %arg7[%add3A, %dma_start3A_63] : memref<32x64xf32, #tpu.memory_space<hbm>> -> memref<1x64xf32, #tpu.memory_space<hbm>>
      %dma_start3A_65 = tpu.memref_squeeze %dma_start3A_64 : memref<1x64xf32, #tpu.memory_space<hbm>> -> memref<64xf32, #tpu.memory_space<hbm>>
      tpu.enqueue_dma source(%arg18 : memref<64xf32, #tpu.memory_space<vmem>>) target(%dma_start3A_65 : memref<64xf32, #tpu.memory_space<hbm>>) target_semaphore(%run_scoped3A : memref<!tpu.dma_semaphore, #tpu.memory_space<semaphore_mem>>)
      %dma_wait3A = arith.constant 0 : i32
      %dma_wait3A_66 = tpu.memref_slice %arg7[%add3A, %dma_wait3A] : memref<32x64xf32, #tpu.memory_space<hbm>> -> memref<1x64xf32, #tpu.memory_space<hbm>>
      %dma_wait3A_67 = tpu.memref_squeeze %dma_wait3A_66 : memref<1x64xf32, #tpu.memory_space<hbm>> -> memref<64xf32, #tpu.memory_space<hbm>>
      %dma_wait3A_68 = arith.constant 0 : i32
      %dma_wait3A_69 = tpu.memref_slice %arg7[%add3A, %dma_wait3A_68] : memref<32x64xf32, #tpu.memory_space<hbm>> -> memref<1x64xf32, #tpu.memory_space<hbm>>
      %dma_wait3A_70 = tpu.memref_squeeze %dma_wait3A_69 : memref<1x64xf32, #tpu.memory_space<hbm>> -> memref<64xf32, #tpu.memory_space<hbm>>
      tpu.wait_dma2 semaphore(%run_scoped3A : memref<!tpu.dma_semaphore, #tpu.memory_space<semaphore_mem>>) src(%arg18 : memref<64xf32, #tpu.memory_space<vmem>>) dst(%dma_wait3A_70 : memref<64xf32, #tpu.memory_space<hbm>>)
      tpu.yield
    }) : () -> ()
    return
  }
}

</mosaic_0001>

<sc_bundles>
// kernel: kernel.3.cloned.1.call-start
scs
__scs_entry_jumppad:
0x0: {  	(pc) =	sbr.rel $0x88, $3  }
0x1: {  	(tag) =	ssettag $0x0;
	lr =	simm.s32 $0x1  }
0x2: {  	[smem:$0x3F9B] =	sst lr;
	_ =	strace $0xD0000000  }
0x3: {  	_ = 	snop  }
0x4: {  	_ = 	snop  }
0x5: {  	_ = 	snop  }
0x6: {  	_ = 	snop  }
0x7: {  	_ = 	snop  }
__scs_overlays_trampoline_lowered:
0x8: {  	[smem:$0x3FAA] =	sst s0  }
0x9: {  	[smem:$0x3FAB] =	sst s1  }
0xa: {  	[smem:$0x3FAC] =	sst s2  }
0xb: {  	[smem:$0x3FAD] =	sst s3  }
0xc: {  	[smem:$0x3FAE] =	sst s4  }
0xd: {  	[smem:$0x3FAF] =	sst s5  }
0xe: {  	[smem:$0x3FB0] =	sst s6  }
0xf: {  	[smem:$0x3FB1] =	sst s7  }
0x10: {  	[smem:$0x3FB2] =	sst s8  }
0x11: {  	[smem:$0x3FB3] =	sst s9;
	s0 =	simm.s32 @!p0 $0x0  }
0x12: {  	s1 =	sld [smem:$0x3F99];
	s0 =	simm.s32 @p0 $0x1  }
0x13: {  	[smem:$0x3FB4] =	sst s0;
	s0 =	simm.s32 @!p1 $0x0  }
0x14: {  	s2 =	sld [smem:$0x3F98];
	s0 =	simm.s32 @p1 $0x1  }
0x15: {  	[smem:$0x3FB5] =	sst s0;
	s0 =	simm.s32 @!p2 $0x0  }
0x16: {  	s3 =	sld [smem:$0x3FDB];
	s0 =	simm.s32 @p2 $0x1  }
0x17: {  	s4 =	simm.s32 $0x1BF5;
	[smem:$0x3FB7] =	sst s0  }
0x18: {  	s0 =	sld [smem:$0x3F9A];
	_ =	swait.ge [sflag:s4], $0x0  }
0x19: {  	s7 =	sld [smem:$0x3F9B]  }
0x1a: {  	s8 =	sadd.s32 $0xFFFFE003, lr  }
0x1b: {  	s9 =	sadd.s32 $0xFFFFFEF7, lr;
	s5 =	simm.s32 $0xFFFFFFFF;
	p2 =	slt.u32 s8, $0xFFFFF086  }
0x1c: {  	p1 =	slt.u32 s9, $0xF7A;
	s5 =	simm.s32 @!p2 $0x0  }
0x1d: {  	s5 =	simm.s32 @p1 $0x1;
	p0 =	seq.s32 s7, s2  }
0x1e: {  	s7 =	smul.u32 @!p0 $0xF7A, s2;
	p2 =	seq.s32 @!p0 s5, $0x0  }
0x1f: {  	s9 =	smul.u32 $0xF7A, s1;
	s8 =	simm.s32 @!p0 $0x1BF5;
	p2 =	por !p2, p0  }
0x20: {  	[sflag:s8] =	ssyncset.s32 @!p0 $0xFFFFF086;
	s6 =	sadd.s32 @!p0 s3, s7;
	s7 =	simm.s32 @!p0 $0x108  }
0x21: {  	s3 =	sadd.s32 s3, s9;
	s6 =	sadd.s32 @!p0 $0x88, s6;
	s7 =	simm.s32 @p2 $0x1082  }
0x22: {  	[simem:s7], [sflag:s8] =	dma.local @!p0 [hbm:s6], $0xF7A  }
0x23: {  	s9 =	sor.u32 $0xD0000000, s2;
	s6 =	simm.s32 $0x108;
	_ =	swait.ge @!p0 [sflag:s8], $0x0  }
0x24: {  	s3 =	sadd.s32 $0x88, s3;
	s6 =	simm.s32 @!p1 $0x1082;
	[sflag:s4] =	ssyncset.s32 $0xFFFFF086  }
0x25: {  	[simem:s6], [sflag:s4] =	dma.local [hbm:s3], $0xF7A  }
0x26: {  	[smem:$0x3F9B] =	sst s1;
	(tag) =	ssettag s2;
	_ =	strace s9  }
0x27: {  	s1 =	sld [smem:$0x3FAB]  }
0x28: {  	s2 =	sld [smem:$0x3FAC]  }
0x29: {  	s4 =	sld [smem:$0x3FAE]  }
0x2a: {  	p0 =	seq.s32 s5, $0x0;
	s5 =	sld [smem:$0x3FAF]  }
0x2b: {  	s6 =	sld [smem:$0x3FB0]  }
0x2c: {  	s7 =	sld [smem:$0x3FB1]  }
0x2d: {  	s3 =	simm.s32 $0x108;
	s8 =	sld [smem:$0x3FB2]  }
0x2e: {  	s3 =	simm.s32 @!p0 $0x1082;
	s9 =	sld [smem:$0x3FB3]  }
0x2f: {  	lr =	sadd.s32 s0, s3;
	s0 =	sld [smem:$0x3FAA]  }
0x30: {  	s3 =	sld [smem:$0x3FAD]  }
0x31: {  	[smem:$0x3FB6] =	sst s10  }
0x32: {  	s10 =	sld [smem:$0x3FB4];
	_ =	sdelay $0x3  }
0x33: {  	p0 =	seq.s32 s10, $0x1;
	s10 =	sld [smem:$0x3FB6];
	_ =	sdelay $0x3  }
0x34: {  	[smem:$0x3FB6] =	sst s10  }
0x35: {  	s10 =	sld [smem:$0x3FB5];
	_ =	sdelay $0x3  }
0x36: {  	p1 =	seq.s32 s10, $0x1;
	s10 =	sld [smem:$0x3FB6];
	_ =	sdelay $0x3  }
0x37: {  	[smem:$0x3FB6] =	sst s10  }
0x38: {  	s10 =	sld [smem:$0x3FB7]  }
0x39: {  	_ = 	snop;
	(pc) =	sbr.ind lr, $3  }
0x3a: {  	_ = 	snop  }
0x3b: {  	_ = 	snop  }
0x3c: {  	p2 =	seq.s32 s10, $0x1;
	s10 =	sld [smem:$0x3FB6]  }
0x3d: {  	_ =	shalt  }
0x3e: {  	_ =	shalt  }
0x3f: {  	_ =	shalt  }
0x40: {  	_ =	shalt  }
0x41: {  	_ =	shalt  }
0x42: {  	_ =	shalt  }
0x43: {  	_ =	shalt  }
0x44: {  	_ =	shalt  }
0x45: {  	_ =	shalt  }
0x46: {  	_ =	shalt  }
0x47: {  	_ =	shalt  }
0x48: {  	_ =	shalt  }
0x49: {  	_ =	shalt  }
0x4a: {  	_ =	shalt  }
0x4b: {  	_ =	shalt  }
0x4c: {  	_ =	shalt  }
0x4d: {  	_ =	shalt  }
0x4e: {  	_ =	shalt  }
0x4f: {  	_ =	shalt  }
0x50: {  	_ =	shalt  }
0x51: {  	_ =	shalt  }
0x52: {  	_ =	shalt  }
0x53: {  	_ =	shalt  }
0x54: {  	_ =	shalt  }
0x55: {  	_ =	shalt  }
0x56: {  	_ =	shalt  }
0x57: {  	_ =	shalt  }
0x58: {  	_ =	shalt  }
0x59: {  	_ =	shalt  }
0x5a: {  	_ =	shalt  }
0x5b: {  	_ =	shalt  }
0x5c: {  	_ =	shalt  }
0x5d: {  	_ =	shalt  }
0x5e: {  	_ =	shalt  }
0x5f: {  	_ =	shalt  }
0x60: {  	_ =	shalt  }
0x61: {  	_ =	shalt  }
0x62: {  	_ =	shalt  }
0x63: {  	_ =	shalt  }
0x64: {  	_ =	shalt  }
0x65: {  	_ =	shalt  }
0x66: {  	_ =	shalt  }
0x67: {  	_ =	shalt  }
0x68: {  	_ =	shalt  }
0x69: {  	_ =	shalt  }
0x6a: {  	_ =	shalt  }
0x6b: {  	_ =	shalt  }
0x6c: {  	_ =	shalt  }
0x6d: {  	_ =	shalt  }
0x6e: {  	_ =	shalt  }
0x6f: {  	_ =	shalt  }
0x70: {  	_ =	shalt  }
0x71: {  	_ =	shalt  }
0x72: {  	_ =	shalt  }
0x73: {  	_ =	shalt  }
0x74: {  	_ =	shalt  }
0x75: {  	_ =	shalt  }
0x76: {  	_ =	shalt  }
0x77: {  	_ =	shalt  }
0x78: {  	_ =	shalt  }
0x79: {  	_ =	shalt  }
0x7a: {  	_ =	shalt  }
0x7b: {  	_ =	shalt  }
0x7c: {  	_ =	shalt  }
0x7d: {  	_ =	shalt  }
0x7e: {  	_ =	shalt  }
0x7f: {  	_ =	shalt  }
0x80: {  	_ =	shalt  }
0x81: {  	_ =	shalt  }
0x82: {  	_ =	shalt  }
0x83: {  	_ =	shalt  }
0x84: {  	_ =	shalt  }
0x85: {  	_ =	shalt  }
0x86: {  	_ =	shalt  }
0x87: {  	_ =	shalt  }
.Lfunc_end0:
.L_simem_size_0:
called_computation_lowered:
.L_overlay_start_0:
0x88: {  	s2 =	sld [smem:$0x3FD9]  }
0x89: {  	s3 =	sld [smem:$0x3FFE];
	_ =	sdelay $0x1  }
0x8a: {  	s1 =	srdreg.scid  }
0x8b: {  	s0 =	sand.u32 $0x1, s1  }
0x8c: {  	s17 =	sshll.u32 s0, $0xA;
	s2 =	sadd.s32 s3, s2  }
0x8d: {  	s2 =	sadd.s32 s2, s17  }
0x8e: {  	[smem:$0x3FC2] =	sst s2  }
0x8f: {  	_ = 	snop  }
0x90: {  	s2 =	sld [smem:$0x3FD0];
	(tm) =	ssettm $0x1  }
0x91: {  	s18 =	sld [smem:$0x3FFB];
	_ =	sdelay $0x3  }
0x92: {  	_ =	strace s18  }
0x93: {  	s3 =	sld [smem:$0x3FFC];
	_ =	sdelay $0x3  }
0x94: {  	_ =	strace s3  }
0x95: {  	s3 =	sld [smem:$0x3FFD];
	_ =	sdelay $0x3  }
0x96: {  	_ =	strace s3  }
0x97: {  	_ =	strace $0x8FFFFFFF  }
0x98: {  	s19 =	sld [smem:$0x3FDB];
	_ =	sdelay $0x1  }
0x99: {  	s4 =	simm.s32 $_scs_section_size  }
0x9a: {  	s5 =	simm.s32 $_size__tile_overlayer_lowered;
	s6 =	simm.s32 $_tile_overlayer_lowered  }
0x9b: {  	s22 =	simm.s32 $0x1BFF;
	s21 =	sshll.u32 s6, $0x1;
	s3 =	sadd.s32 s4, s19  }
0x9c: {  	s7 =	simm.s32 $0x0;
	s20 =	sshll.u32 s5, $0x1;
	s5 =	sadd.s32 s21, s3  }
0x9d: {  	[timem:s7], [sflag:s22] =	dma.local [hbm:s5], s20  }
0x9e: {  	_ =	swait.ge [sflag:s22], s20  }
0x9f: {  	s4 =	ssub.s32 $0x0, s20;
	[sflag:s22] =	ssyncset.done $0x0  }
0xa0: {  	[sflag:s22] =	ssyncadd.s32 s4;
	_ =	sdelay $0x1  }
0xa1: {  	s23 =	simm.s32 $0x1B8B  }
0xa2: {  	_ =	swait.ge [sflag:s23], $0x1  }
0xa3: {  	[sflag:s23] =	ssyncset.done $0x0  }
0xa4: {  	s25 =	simm.s32 $0x1B8E;
	s24 =	sld [smem:$0x3FFE];
	[sflag:s23] =	ssyncadd.s32 $0xFFFFFFFF  }
0xa5: {  	s26 =	simm.s32 $execute0_lowered;
	[smem:$0x3FD2] =	sst s25  }
0xa6: {  	s5 =	sshll.u32 s26, $0x1;
	_ =	strace $0x80000046;
	[dreg:$0x1] =	wrdreg $0xFFFFFFFF  }
0xa7: {  	s28 =	simm.s32 $_size_execute0_lowered;
	s3 =	sadd.s32 s3, s5;
	[dreg:$0x0] =	wrdreg $0x0  }
0xa8: {  	s5 =	sshll.u32 s28, $0x1;
	[dreg:$0x2] =	wrdreg s3  }
0xa9: {  	[dreg:$0x3] =	wrdreg s5  }
0xaa: {  	[dreg:$0x4] =	wrdreg $0xC0  }
0xab: {  	_ =	task [dreg:s7], $0x5FFFF  }
0xac: {  	[dreg:$0x1] =	wrdreg $0xFFFFFFFF  }
0xad: {  	[dreg:$0x0] =	wrdreg $0x60  }
0xae: {  	[dreg:$0x2] =	wrdreg s24  }
0xaf: {  	[dreg:$0x3] =	wrdreg s2  }
0xb0: {  	[dreg:$0x4] =	wrdreg $0x9  }
0xb1: {  	_ =	task.clear_ibuf [dreg:s7], $0x5FFFF;
	_ =	strace $0x90000046  }
0xb2: {  	s29 =	simm.s32 $0x9;
	_ =	strace $0x80000048  }
0xb3: {  	_ =	swait.ge [sflag:s29], $0x1  }
0xb4: {  	[sflag:s29] =	ssyncadd.s32 $0xFFFFFFFF  }
0xb5: {  	_ =	strace $0x90000048  }
0xb6: {  	_ =	sfence  }
0xb7: {  	s30 =	sld [smem:$0x0];
	_ =	sdelay $0x2  }
0xb8: {  	s31 =	sshll.u32 s1, $0xD;
	s1 =	sshrl.u32 s1, $0x2  }
0xb9: {  	s3 =	sand.u32 $0x4000, s31;
	s1 =	sadd.s32 s1, s30  }
0xba: {  	s0 =	sor.u32 s3, s0;
	s1 =	sshll.u32 s1, $0x11  }
0xbb: {  	s0 =	sor.u32 s1, s0  }
0xbc: {  	s0 =	sadd.s32 $0x8F2B, s0  }
0xbd: {  	[sflag:s0] =	ssyncadd.remote.s32 $0x1  }
0xbe: {  	_ =	sfence.sel $0xFFFF  }
0xbf: {  	[dreg:$0x0] =	wrdreg $0xFFFFFFFF;
	(pc) =	sbr.abs _section_cstart, $3  }
0xc0: {  	[dreg:$0x1] =	wrdreg $0xFFFFFFFF  }
0xc1: {  	_ =	task.clear_ibuf [dreg:s7], $0x2FFFF;
	_ =	strace $0x9FFFFFFF  }
0xc2: {  	(tm) =	ssettm $0x7FFFFFFF  }
0xc3: {  	_ =	shalt  }
tec
execute0_lowered:
.L_overlay_start_1:
0x0: {  	(tag) =	ssettag $0x1  }
0x1: {  	s0 =	rddreg [dreg:$0x0];
	s3 =	simm.s32 $0x0;
	s1 =	srdreg.scid  }
0x2: {  	s2 =	stileid.u32;
	s28 =	simm.s32 $0x10800;
	s29 =	simm.s32 $0x11800  }
0x3: {  	s30 =	simm.s32 $0x1;
	s31 =	simm.s32 $0x12000;
	[smem:$0x7FF] =	sst s3  }
0x4: {  	s1 =	sand.u32 $0x1, s1;
	s2 =	sshll.u32 s2, $0x1;
	s4 =	sadd.s32 $0xA0E00, s0  }
0x5: {  	s5 =	sadd.s32 $0x20E00, s0;
	s6 =	sadd.s32 $0xE00, s0;
	s7 =	sadd.s32 $0x10E00, s0  }
0x6: {  	_ =	strace $0x80000047;
	s2 =	sor.u32 s1, s2;
	s1 =	ssub.s32 $0x2, s1  }
0x7: {  	s8 =	sshll.u32 s2, $0x4;
	s9 =	sshrl.u32 s1, $0x1;
	s20 =	sshll.u32 s2, $0x7  }
0x8: {  	s10 =	sshll.u32 s2, $0xE;
	s2 =	sshll.u32 s2, $0xB;
	s0 =	sadd.s32 s8, s0  }
0x9: {  	s1 =	ssub.s32 s1, s9;
	s11 =	sadd.s32 s4, s10;
	s8 =	sor.u32 $0x2, s8  }
0xa: {  	s10 =	sadd.s32 s5, s10;
	s21 =	sadd.s32 s6, s2;
	[dreg:$0x3] =	wrdreg s11  }
0xb: {  	s2 =	sadd.s32 s7, s2;
	s16 =	sor.u32 $0x20, s20;
	[dreg:$0x4] =	wrdreg s10  }
0xc: {  	s17 =	sor.u32 $0x30, s20;
	s20 =	simm.s32 $0x12180;
	[dreg:$0x5] =	wrdreg s21  }
0xd: {  	vm3 =	vmmov $0x3ff;
	v0 =	vimm.s32 $0x0;
	s22 =	sshll.u32 s8, $0xA;
	[dreg:$0x6] =	wrdreg s2;
	s24 =	sshll.u32 s8, $0x7  }
0xe: {  	vm4 =	vmmov $0xfff;
	v60 =	vimm.s32 $0x0;
	v0 =	vsel vm3, $0xFFFFFFFF, v0;
	s18 =	sadd.s32 $0x120E00, s0;
	s19 =	smax.u32 s1, $0x1;
	s23 =	sadd.s32 s4, s22  }
.Ltmp0:
0xf: {  	vm5 =	vmmov $0x3fff;
	v61 =	vimm.s32 $0x0;
	[tilespmem:$0x1FFB0] =	vst v0;
	v0 =	vsel vm4, $0xFFFFFFFF, v60;
	s25 =	sadd.s32 s5, s22;
	[dreg:$0x7] =	wrdreg s23;
	(pc) =	sbr.rel .LBB2_1-.Ltmp0, $4  }
0x10: {  	vm0 =	vmmov $0x3;
	v62 =	vimm.s32 $0x0;
	[tilespmem:$0x1FFC0] =	vst v0;
	v0 =	vsel vm5, $0xFFFFFFFF, v61;
	s21 =	simm.s32 $0x3;
	s26 =	sadd.s32 s6, s24;
	[dreg:$0x8] =	wrdreg s25  }
0x11: {  	vm1 =	vmmov $0xf;
	v63 =	vimm.s32 $0x0;
	[tilespmem:$0x1FFD0] =	vst v0;
	v0 =	vsel vm0, $0xFFFFFFFF, v62;
	s0 =	simm.s32 $0x2;
	s2 =	sadd.s32 s7, s24;
	[dreg:$0x9] =	wrdreg s26  }
0x12: {  	v56 =	vlaneseq.u32;
	v47 =	vimm.s32 $0x0;
	s1 =	simm.s32 $0x0;
	[tilespmem:$0x1FFE0] =	vst v0;
	v0 =	vsel vm1, $0xFFFFFFFF, v63;
	s24 =	simm.s32 $0x11000;
	[dreg:$0xa] =	wrdreg s2  }
0x13: {  	vm2 =	vmmov $0x3f;
	vm15 =	vmmov $0xff;
	vm10 =	vcmask $0x3F20;
	[tilespmem:$0x1FFF0] =	vst v0;
	s23 =	simm.s32 $0x10000;
	s25 =	simm.s32 $0x4000;
	s26 =	simm.s32 $0xC000  }
.LBB2_12:
0x14: {  	_ = 	snop  }
0x15: {  	v0 =	vadd.f32 v8, v9  }
0x16: {  	v61 =	vadd.s32 v7, v5;
	v1 =	vadd.f32 v3, v6  }
0x17: {  	v2 =	vadd.s32 v4, v2;
	v62 =	vcvt.s32.f32 v61;
	[tilespmem:$0x12200] =	vst v0  }
0x18: {  	s1 =	sadd.s32 $0x1, s1;
	v63 =	vcvt.s32.f32 v2;
	[tilespmem:$0x12210] =	vst v1  }
0x19: {  	p0 =	sne.s32 s1, s19;
	[tilespmem:$0x12220] =	vst v62  }
.Ltmp1:
0x1a: {  	s2 =	simm.s32 $0x12200;
	[tilespmem:$0x12230] =	vst v63;
	(pc) =	sbr.rel @!p0 .LBB2_13-.Ltmp1, $4  }
0x1b: {  	[hbm4b:s18+s3] =	stream.linear.scatter [tilespmem:s2], [sflag:$0x3], $0x80, $0x38;
	[tilespmem:$0x12280] =	vst v63  }
0x1c: {  	_ =	swait.ge [sflag:s21], $0x80  }
0x1d: {  	[sflag:s21] =	ssyncset.done $0x0  }
0x1e: {  	[sflag:s21] =	ssyncadd.s32 $0xFFFFFF80  }
.LBB2_1:
0x1f: {  	s2 =	rddreg [dreg:$0x1]  }
0x20: {  	[tilespmem:s20], [sflag:$0x3] =	stream.linear.gather [hbm4b:s2+s3], $0x80, $0x38;
	[tilespmem:$0x12280] =	vst v63  }
0x21: {  	_ =	swait.ge [sflag:s21], $0x80  }
0x22: {  	[sflag:s21] =	ssyncset.done $0x0  }
0x23: {  	s9 =	rddreg [dreg:$0x3];
	[sflag:s21] =	ssyncadd.s32 $0xFFFFFF80  }
0x24: {  	[tilespmem:s3], [sflag:$0x1] =	stream.linear.gather [hbm4b:s9+s3], $0x4000, $0x38;
	[tilespmem:$0x12280] =	vst v63  }
0x25: {  	s8 =	simm.s32 $0x8000;
	s10 =	rddreg [dreg:$0x4]  }
0x26: {  	[tilespmem:s8], [sflag:$0x1] =	stream.linear.gather [hbm4b:s10+s3], $0x4000, $0x38;
	[tilespmem:$0x12280] =	vst v63  }
0x27: {  	s11 =	rddreg [dreg:$0x5]  }
0x28: {  	[tilespmem:s23], [sflag:$0x1] =	stream.linear.gather [hbm4b:s11+s3], $0x800, $0x38;
	[tilespmem:$0x12280] =	vst v63  }
0x29: {  	s12 =	rddreg [dreg:$0x6]  }
0x2a: {  	[tilespmem:s24], [sflag:$0x1] =	stream.linear.gather [hbm4b:s12+s3], $0x800, $0x38;
	[tilespmem:$0x12280] =	vst v63  }
0x2b: {  	s13 =	rddreg [dreg:$0x7]  }
0x2c: {  	[tilespmem:s25], [sflag:$0x2] =	stream.linear.gather [hbm4b:s13+s3], $0x4000, $0x38;
	[tilespmem:$0x12280] =	vst v63  }
0x2d: {  	s14 =	rddreg [dreg:$0x8]  }
0x2e: {  	[tilespmem:s26], [sflag:$0x2] =	stream.linear.gather [hbm4b:s14+s3], $0x4000, $0x38;
	[tilespmem:$0x12280] =	vst v63  }
0x2f: {  	s15 =	rddreg [dreg:$0x9]  }
0x30: {  	[tilespmem:s28], [sflag:$0x2] =	stream.linear.gather [hbm4b:s15+s3], $0x800, $0x38;
	[tilespmem:$0x12280] =	vst v63  }
0x31: {  	v3 =	vimm.f32 $0.0e+00;
	v2 =	vimm.s32 $0x0;
	s22 =	rddreg [dreg:$0xa]  }
0x32: {  	v4 =	vimm.s32 $0x0;
	v5 =	vimm.s32 $0x0;
	v7 =	vimm.s32 $0x0;
	[tilespmem:s29], [sflag:$0x2] =	stream.linear.gather [hbm4b:s22+s3], $0x800, $0x38;
	[tilespmem:$0x12280] =	vst v63  }
0x33: {  	v6 =	vimm.f32 $0.0e+00;
	v8 =	vimm.f32 $0.0e+00;
	v9 =	vimm.f32 $0.0e+00;
	s22 =	simm.s32 $0x0  }
.LBB2_2:
0x34: {  	s2 =	simm.s32 $0x0  }
0x35: {  	v10 =	vor.u32 s2, v56  }
0x36: {  	v11 =	vmulhi.u32 $0xCCCCCCCD, v10;
	_ =	sdelay $0x1  }
0x37: {  	s8 =	simm.s32 $0x10;
	v11 =	vshrl.u32 v11, $0x4  }
0x38: {  	v12 =	vor.u32 s8, v56;
	v16 =	vmul.u32 $0xFFFFFFEC, v11  }
0x39: {  	v18 =	vmov s2;
	v14 =	vmulhi.u32 $0xCCCCCCCD, v12;
	v19 =	vsub.s32 $0x0, v10  }
0x3a: {  	vm7 =	veq.s32 v18, v56;
	vm8 =	vne.s32 v16, v19  }
0x3b: {  	v16 =	vshrl.u32 v14, $0x4;
	vm7 =	vmand vm7, vm8  }
0x3c: {  	_ =	swait.ge [sflag:s30], $0x4000;
	v21 =	vmul.u32 $0xFFFFFFEC, v16;
	v22 =	vsel vm7, $0xFFFFFFFF, v47  }
0x3d: {  	s9 =	simm.s32 $0x20;
	[sflag:s30] =	ssyncset.done $0x0;
	v11 =	vadd.s32 v22, v11  }
0x3e: {  	s12 =	simm.s32 $0x30;
	v13 =	vor.u32 s9, v56;
	[sflag:s30] =	ssyncadd.s32 $0xFFFFC000;
	v12 =	vadd.s32 v12, v21;
	v21 =	vmul.u32 $0xFFFFFFEC, v11  }
0x3f: {  	s15 =	simm.s32 $0x70;
	v15 =	vor.u32 s12, v56;
	v17 =	vmulhi.u32 $0xCCCCCCCD, v13;
	_ =	swait.ge [sflag:s30], $0x4000  }
0x40: {  	v27 =	vor.u32 s15, v56;
	v20 =	vmulhi.u32 $0xCCCCCCCD, v15;
	[sflag:s30] =	ssyncset.done $0x0;
	v10 =	vadd.s32 v10, v21  }
0x41: {  	v18 =	vshrl.u32 v17, $0x4;
	[sflag:s30] =	ssyncadd.s32 $0xFFFFC000;
	v25 =	vshll.u32 v11, $0x7;
	v21 =	vand.u32 $0xFFFFFF80, v10  }
0x42: {  	v23 =	vmul.u32 $0xFFFFFFEC, v18;
	_ =	swait.ge [sflag:s30], $0x800;
	v10 =	vand.u32 $0x7F, v10;
	v21 =	vadd.s32 v25, v21  }
0x43: {  	v35 =	vmulhi.u32 $0xCCCCCCCD, v27;
	v19 =	vshrl.u32 v20, $0x4;
	[sflag:s30] =	ssyncset.done $0x0;
	v10 =	vor.u32 v10, v21  }
0x44: {  	v18 =	vshll.u32 v18, $0x7;
	v13 =	vadd.s32 v13, v23;
	v24 =	vmul.u32 $0xFFFFFFEC, v19;
	[sflag:s30] =	ssyncadd.s32 $0xFFFFF800  }
0x45: {  	v16 =	vshll.u32 v16, $0x7;
	v23 =	vand.u32 $0xFFFFFF80, v13;
	_ =	swait.ge [sflag:s30], $0x800;
	v22 =	vand.u32 $0xFFFFFF80, v12  }
0x46: {  	v13 =	vand.u32 $0x7F, v13;
	[sflag:s30] =	ssyncset.done $0x0;
	v12 =	vand.u32 $0x7F, v12;
	v22 =	vadd.s32 v16, v22  }
0x47: {  	v15 =	vadd.s32 v15, v24;
	[sflag:s30] =	ssyncadd.s32 $0xFFFFF800;
	v12 =	vor.u32 v12, v22;
	v21 =	vadd.s32 v18, v23  }
0x48: {  	v19 =	vshll.u32 v19, $0x7;
	v24 =	vand.u32 $0xFFFFFF80, v15;
	v13 =	vor.u32 v13, v21;
	v21 =	vld.idx.msk [tilespmem:v10+s23+$0x0], $0xffff  }
0x49: {  	v15 =	vand.u32 $0x7F, v15;
	v22 =	vadd.s32 v19, v24  }
0x4a: {  	s13 =	simm.s32 $0x40;
	v54 =	vshrl.u32 v35, $0x4;
	v15 =	vor.u32 v15, v22  }
0x4b: {  	v36 =	vmov s13;
	v17 =	vshll.u32 v17, $0x6;
	v40 =	vmul.u32 $0xFFFFFFEC, v54  }
0x4c: {  	v17 =	vand.u32 $0x7FFFE000, v17;
	v29 =	vand.u32 $0x380, v18;
	v14 =	vshll.u32 v14, $0x6;
	v22 =	vld.idx.msk [tilespmem:v12+s23+$0x0], $0xffff  }
0x4d: {  	v20 =	vshll.u32 v20, $0x6;
	v27 =	vadd.s32 v27, v40;
	vm7 =	veq.s32 v21, $0xFFFFFFFF  }
0x4e: {  	v26 =	vand.u32 $0x7FFFE000, v14;
	v20 =	vand.u32 $0x7FFFE000, v20;
	v23 =	vld.idx.msk [tilespmem:v13+s23+$0x0], $0xffff;
	v14 =	vsel vm7, $0x0, v21  }
0x4f: {  	v28 =	vand.u32 $0x380, v16;
	v11 =	vshll.u32 v11, $0xA;
	v24 =	vld.idx.msk [tilespmem:v15+s23+$0x0], $0xffff;
	v16 =	vshll.u32 v14, $0x3  }
0x50: {  	v40 =	vand.u32 $0xFFFFFF80, v27;
	v11 =	vand.u32 $0xFFFFE000, v11;
	v10 =	vld.idx.msk [tilespmem:v10+s24+$0x0], $0xffff;
	v16 =	vand.u32 $0xFFFFFC00, v16  }
0x51: {  	vm7 =	veq.s32 v22, $0xFFFFFFFF;
	v11 =	vadd.s32 v11, v16;
	v16 =	vand.u32 $0x380, v25  }
0x52: {  	v14 =	vand.u32 $0x7F, v14;
	v11 =	vor.u32 v16, v11;
	v16 =	vor.u32 s13, v56  }
0x53: {  	vm8 =	veq.s32 v23, $0xFFFFFFFF;
	v11 =	vor.u32 v14, v11;
	v14 =	vmulhi.u32 $0xCCCCCCCD, v16  }
0x54: {  	s10 =	simm.s32 $0x60;
	vm9 =	veq.s32 v24, $0xFFFFFFFF;
	v21 =	vsel vm7, $0x0, v22;
	v22 =	vsel vm8, $0x0, v23  }
0x55: {  	s14 =	simm.s32 $0x50;
	v23 =	vsel vm9, $0x0, v24;
	v24 =	vor.u32 s10, v56;
	v14 =	vshrl.u32 v14, $0x4  }
0x56: {  	v18 =	vor.u32 s14, v56;
	v31 =	vmulhi.u32 $0xCCCCCCCD, v24;
	v33 =	vmul.u32 $0xFFFFFFEC, v14  }
0x57: {  	v19 =	vand.u32 $0x380, v19;
	v25 =	vmulhi.u32 $0xCCCCCCCD, v18;
	v37 =	vsub.s32 $0x0, v16  }
0x58: {  	vm7 =	veq.s32 v36, v56;
	v30 =	vshll.u32 v21, $0x3;
	v10 =	vld.idx.msk [tilespmem:v10+s20+$0x0], $0xffff;
	vm8 =	vne.s32 v33, v37  }
0x59: {  	v38 =	vshrl.u32 v31, $0x4;
	v34 =	vshrl.u32 v25, $0x4;
	v11 =	vld.idx.msk [tilespmem:v11+s2+$0x0], $0xffff;
	vm7 =	vmand vm7, vm8  }
0x5a: {  	v57 =	vmul.u32 $0xFFFFFFEC, v38;
	v55 =	vmul.u32 $0xFFFFFFEC, v34;
	v39 =	vsel vm7, $0xFFFFFFFF, v47  }
0x5b: {  	v12 =	vld.idx.msk [tilespmem:v12+s24+$0x0], $0xffff;
	v32 =	vshll.u32 v22, $0x3;
	v21 =	vand.u32 $0x7F, v21;
	v39 =	vadd.s32 v39, v14  }
0x5c: {  	v13 =	vld.idx.msk [tilespmem:v13+s24+$0x0], $0xffff;
	v14 =	vadd.s32 v18, v55;
	v18 =	vadd.s32 v24, v57;
	v24 =	vmul.u32 $0xFFFFFFEC, v39  }
0x5d: {  	v61 =	vld.idx.msk [tilespmem:v15+s24+$0x0], $0xffff;
	v15 =	vshll.u32 v31, $0x6;
	v34 =	vshll.u32 v34, $0x7;
	v33 =	vshll.u32 v54, $0x7  }
0x5e: {  	v36 =	vand.u32 $0xFFFFFF80, v14;
	v41 =	vsub.f32 v10, v11;
	v10 =	vadd.s32 v16, v24  }
0x5f: {  	v37 =	vand.u32 $0xFFFFFF80, v18;
	v58 =	vshll.u32 v39, $0x7;
	v11 =	vand.u32 $0xFFFFFF80, v10  }
0x60: {  	v24 =	vshll.u32 v38, $0x7;
	v10 =	vand.u32 $0x7F, v10;
	v11 =	vadd.s32 v58, v11  }
0x61: {  	v16 =	vadd.s32 v34, v36;
	v60 =	vor.u32 v10, v11;
	v10 =	vand.u32 $0x7F, v14  }
0x62: {  	v11 =	vadd.s32 v33, v40;
	v14 =	vand.u32 $0x7F, v27;
	v42 =	vor.u32 v10, v16  }
0x63: {  	v63 =	vand.u32 $0x380, v58;
	v59 =	vadd.s32 v24, v37;
	v43 =	vor.u32 v14, v11  }
0x64: {  	v10 =	vand.u32 $0x7F, v18;
	v14 =	vshll.u32 v23, $0x3;
	v16 =	vshll.u32 v35, $0x6;
	v11 =	vld.idx.msk [tilespmem:v13+s20+$0x0], $0xffff  }
0x65: {  	v18 =	vand.u32 $0xFFFFFC00, v30;
	v36 =	vor.u32 v10, v59;
	v10 =	vld.idx.msk [tilespmem:v12+s20+$0x0], $0xffff;
	v12 =	vshll.u32 v25, $0x6  }
0x66: {  	v25 =	vand.u32 $0xFFFFFC00, v32;
	v27 =	vand.u32 $0xFFFFFC00, v14;
	v14 =	vand.u32 $0x7FFFE000, v12;
	v30 =	vld.idx.msk [tilespmem:v60+s23+$0x0], $0xffff  }
0x67: {  	v12 =	vadd.s32 v26, v18;
	v25 =	vadd.s32 v17, v25;
	v20 =	vadd.s32 v20, v27;
	v31 =	vld.idx.msk [tilespmem:v42+s23+$0x0], $0xffff  }
0x68: {  	v18 =	vand.u32 $0x380, v24;
	v24 =	vor.u32 v28, v12;
	v25 =	vor.u32 v29, v25;
	v27 =	vld.idx.msk [tilespmem:v43+s23+$0x0], $0xffff  }
0x69: {  	v19 =	vor.u32 v19, v20;
	v20 =	vand.u32 $0x7F, v22;
	v22 =	vor.u32 v21, v24;
	v24 =	vld.idx.msk [tilespmem:v42+s24+$0x0], $0xffff  }
0x6a: {  	v13 =	vand.u32 $0x7FFFE000, v15;
	v15 =	vand.u32 $0x380, v34;
	v20 =	vor.u32 v20, v25;
	v62 =	vld.idx.msk [tilespmem:v36+s23+$0x0], $0xffff  }
0x6b: {  	v16 =	vand.u32 $0x7FFFE000, v16;
	v21 =	vand.u32 $0x7F, v23;
	v25 =	vld.idx.msk [tilespmem:v36+s24+$0x0], $0xffff;
	vm7 =	veq.s32 v30, $0xFFFFFFFF  }
0x6c: {  	v29 =	vor.u32 v21, v19;
	v26 =	vld.idx.msk [tilespmem:v43+s24+$0x0], $0xffff;
	v19 =	vshll.u32 v39, $0xA;
	v23 =	vsel vm7, $0x0, v30  }
0x6d: {  	v17 =	vand.u32 $0x380, v33;
	v28 =	vld.idx.msk [tilespmem:v60+s24+$0x0], $0xffff;
	v19 =	vand.u32 $0xFFFFE000, v19;
	v21 =	vshll.u32 v23, $0x3  }
0x6e: {  	v12 =	vld.idx.msk [tilespmem:v61+s20+$0x0], $0xffff;
	vm8 =	veq.s32 v31, $0xFFFFFFFF;
	vm7 =	veq.s32 v27, $0xFFFFFFFF;
	v21 =	vand.u32 $0xFFFFFC00, v21  }
0x6f: {  	s8 =	simm.s32 $0x12020;
	v20 =	vld.idx.msk [tilespmem:v20+s2+$0x0], $0xffff;
	vm9 =	veq.s32 v62, $0xFFFFFFFF;
	v23 =	vand.u32 $0x7F, v23;
	v30 =	vadd.s32 v19, v21  }
0x70: {  	s11 =	simm.s32 $0x80;
	s9 =	simm.s32 $0x12020;
	s10 =	simm.s32 $0x4;
	[tilespmem:s8+$0xFFFFFFE0] =	vst v41;
	v21 =	vsel vm8, $0x0, v31;
	v19 =	vld.idx.msk [tilespmem:v22+s2+$0x0], $0xffff;
	v22 =	vsel vm9, $0x0, v62;
	v30 =	vor.u32 v63, v30  }
.LBB2_3:
0x71: {  	v31 =	vor.u32 s11, v56;
	s12 =	sadd.s32 $0x10, s11;
	s13 =	sadd.s32 $0x20, s11;
	s10 =	sadd.s32 $0x4, s10;
	v30 =	vor.u32 v23, v30;
	v32 =	vsel vm7, $0x0, v27;
	v23 =	vld.idx.msk [tilespmem:v29+s2+$0x0], $0xffff  }
0x72: {  	v27 =	vmulhi.u32 $0xCCCCCCCD, v31;
	v29 =	vor.u32 s12, v56;
	v33 =	vor.u32 s13, v56;
	s12 =	sadd.s32 $0x30, s11;
	p0 =	slt.u32 s10, $0x10;
	v34 =	vld.idx.msk [tilespmem:v24+s20+$0x0], $0xffff  }
0x73: {  	v36 =	vshll.u32 v21, $0x3;
	v24 =	vmulhi.u32 $0xCCCCCCCD, v29;
	v35 =	vor.u32 s12, v56;
	v37 =	vld.idx.msk [tilespmem:v25+s20+$0x0], $0xffff  }
0x74: {  	v38 =	vshll.u32 v22, $0x3;
	v25 =	vshrl.u32 v27, $0x4;
	v27 =	vmulhi.u32 $0xCCCCCCCD, v33;
	v39 =	vld.idx.msk [tilespmem:v26+s20+$0x0], $0xffff  }
0x75: {  	v41 =	vmulhi.u32 $0xCCCCCCCD, v35;
	v26 =	vmul.u32 $0xFFFFFFEC, v25;
	v40 =	vshrl.u32 v24, $0x4;
	v28 =	vld.idx.msk [tilespmem:v28+s20+$0x0], $0xffff  }
0x76: {  	v42 =	vmov s11;
	v43 =	vsub.s32 $0x0, v31;
	v44 =	vshrl.u32 v27, $0x4;
	v30 =	vld.idx.msk [tilespmem:v30+s2+$0x0], $0xffff  }
0x77: {  	vm7 =	veq.s32 v42, v56;
	vm8 =	vne.s32 v26, v43;
	v26 =	vshrl.u32 v41, $0x4  }
0x78: {  	v42 =	vmul.u32 $0xFFFFFFEC, v40;
	v43 =	vmul.u32 $0xFFFFFFEC, v44;
	vm7 =	vmand vm7, vm8  }
0x79: {  	v40 =	vshll.u32 v40, $0x7;
	v46 =	vmul.u32 $0xFFFFFFEC, v26;
	v45 =	vsel vm7, $0xFFFFFFFF, v47  }
0x7a: {  	v45 =	vadd.s32 v45, v25;
	v25 =	vadd.s32 v29, v42;
	v29 =	vadd.s32 v33, v43  }
0x7b: {  	v35 =	vadd.s32 v35, v46;
	v33 =	vmul.u32 $0xFFFFFFEC, v45;
	v42 =	vand.u32 $0xFFFFFF80, v25  }
0x7c: {  	v43 =	vand.u32 $0xFFFFFF80, v29;
	v46 =	vand.u32 $0xFFFFFF80, v35;
	v28 =	vsub.f32 v28, v30  }
0x7d: {  	s8 =	sadd.s32 $0x40, s8;
	v26 =	vshll.u32 v26, $0x7;
	v30 =	vadd.s32 v31, v33;
	v31 =	vshll.u32 v44, $0x7  }
0x7e: {  	v42 =	vadd.s32 v40, v42;
	v44 =	vshll.u32 v45, $0x7;
	v33 =	vand.u32 $0xFFFFFF80, v30;
	[tilespmem:s8+$0xFFFFFFE0] =	vst v28  }
0x7f: {  	v28 =	vand.u32 $0x7F, v30;
	v30 =	vadd.s32 v44, v33;
	v33 =	vadd.s32 v31, v43  }
0x80: {  	v25 =	vand.u32 $0x7F, v25;
	v28 =	vor.u32 v28, v30;
	v30 =	vadd.s32 v26, v46  }
0x81: {  	v29 =	vand.u32 $0x7F, v29;
	v35 =	vand.u32 $0x7F, v35;
	v25 =	vor.u32 v25, v42  }
0x82: {  	v29 =	vor.u32 v29, v33;
	v33 =	vshll.u32 v32, $0x3;
	v30 =	vor.u32 v35, v30  }
0x83: {  	v24 =	vshll.u32 v24, $0x6;
	v27 =	vshll.u32 v27, $0x6;
	v35 =	vshll.u32 v41, $0x6  }
0x84: {  	v36 =	vand.u32 $0xFFFFFC00, v36;
	v38 =	vand.u32 $0xFFFFFC00, v38;
	v33 =	vand.u32 $0xFFFFFC00, v33  }
0x85: {  	v24 =	vand.u32 $0x7FFFE000, v24;
	v27 =	vand.u32 $0x7FFFE000, v27;
	v35 =	vand.u32 $0x7FFFE000, v35;
	v41 =	vld.idx.msk [tilespmem:v28+s23+$0x0], $0xffff  }
0x86: {  	v36 =	vadd.s32 v14, v36;
	v38 =	vadd.s32 v13, v38;
	v16 =	vadd.s32 v16, v33;
	v42 =	vld.idx.msk [tilespmem:v25+s23+$0x0], $0xffff  }
0x87: {  	v14 =	vmovc v24;
	v13 =	vmovc v27;
	v31 =	vand.u32 $0x380, v31;
	v43 =	vand.u32 $0x380, v26;
	v33 =	vand.u32 $0x380, v40;
	v40 =	vld.idx.msk [tilespmem:v29+s23+$0x0], $0xffff  }
0x88: {  	v18 =	vor.u32 v18, v38;
	v26 =	vor.u32 v15, v36;
	v17 =	vor.u32 v17, v16;
	v27 =	vld.idx.msk [tilespmem:v30+s23+$0x0], $0xffff  }
0x89: {  	v21 =	vand.u32 $0x7F, v21;
	v22 =	vand.u32 $0x7F, v22;
	v32 =	vand.u32 $0x7F, v32;
	v15 =	vmovc v33;
	v16 =	vmovc v35;
	v24 =	vld.idx.msk [tilespmem:v25+s24+$0x0], $0xffff  }
0x8a: {  	v33 =	vor.u32 v21, v26;
	v35 =	vor.u32 v22, v18;
	v25 =	vld.idx.msk [tilespmem:v29+s24+$0x0], $0xffff;
	v29 =	vor.u32 v32, v17  }
0x8b: {  	v0 =	vsub.f32 v10, v19;
	v19 =	vsub.f32 v11, v20;
	v10 =	vmovc v34;
	vm7 =	veq.s32 v41, $0xFFFFFFFF;
	v26 =	vld.idx.msk [tilespmem:v30+s24+$0x0], $0xffff  }
.Ltmp2:
0x8c: {  	v11 =	vmovc v37;
	v22 =	vsub.f32 v12, v23;
	v12 =	vmovc v39;
	v20 =	vsel vm7, $0x0, v41;
	vm8 =	veq.s32 v42, $0xFFFFFFFF;
	(pc) =	sbr.rel @p0 .LBB2_3-.Ltmp2, $4  }
0x8d: {  	v21 =	vshll.u32 v45, $0xA;
	v18 =	vmovc v31;
	v17 =	vmovc v43;
	v23 =	vshll.u32 v20, $0x3;
	vm9 =	veq.s32 v40, $0xFFFFFFFF;
	v28 =	vld.idx.msk [tilespmem:v28+s24+$0x0], $0xffff;
	[tilespmem:s9+$0xFFFFFFF0] =	vst v0  }
0x8e: {  	v21 =	vand.u32 $0xFFFFE000, v21;
	v23 =	vand.u32 $0xFFFFFC00, v23;
	vm7 =	veq.s32 v27, $0xFFFFFFFF;
	[tilespmem:s9+$0x0] =	vst v19  }
0x8f: {  	v31 =	vand.u32 $0x380, v44;
	v30 =	vadd.s32 v21, v23;
	v21 =	vsel vm8, $0x0, v42;
	v19 =	vld.idx.msk [tilespmem:v33+s2+$0x0], $0xffff;
	[tilespmem:s9+$0x10] =	vst v22;
	s9 =	smov.u32 s8  }
0x90: {  	s11 =	sadd.s32 $0x40, s11;
	v23 =	vand.u32 $0x7F, v20;
	v30 =	vor.u32 v31, v30;
	v22 =	vsel vm9, $0x0, v40;
	v20 =	vld.idx.msk [tilespmem:v35+s2+$0x0], $0xffff  }
0x91: {  	v23 =	vor.u32 v23, v30  }
0x92: {  	v27 =	vsel vm7, $0x0, v27;
	v52 =	vshll.u32 v21, $0x3;
	v31 =	vshll.u32 v22, $0x3  }
0x93: {  	v54 =	vand.u32 $0x7F, v21;
	v57 =	vand.u32 $0x7F, v22;
	v30 =	vand.u32 $0xFFFFFC00, v52  }
0x94: {  	v32 =	vshll.u32 v27, $0x3;
	v31 =	vand.u32 $0xFFFFFC00, v31;
	v14 =	vadd.s32 v14, v30  }
0x95: {  	v29 =	vld.idx.msk [tilespmem:v29+s2+$0x0], $0xffff;
	v53 =	vand.u32 $0xFFFFFC00, v32;
	v13 =	vadd.s32 v13, v31;
	v14 =	vor.u32 v15, v14  }
0x96: {  	v60 =	vld.idx.msk [tilespmem:v24+s20+$0x0], $0xffff;
	v16 =	vadd.s32 v16, v53;
	v13 =	vor.u32 v18, v13;
	v14 =	vor.u32 v54, v14  }
0x97: {  	v61 =	vld.idx.msk [tilespmem:v25+s20+$0x0], $0xffff;
	v59 =	vand.u32 $0x7F, v27;
	v16 =	vor.u32 v17, v16;
	v13 =	vor.u32 v57, v13  }
0x98: {  	v62 =	vld.idx.msk [tilespmem:v26+s20+$0x0], $0xffff;
	v16 =	vor.u32 v59, v16  }
0x99: {  	v55 =	vld.idx.msk [tilespmem:v28+s20+$0x0], $0xffff  }
0x9a: {  	v58 =	vld.idx.msk [tilespmem:v23+s2+$0x0], $0xffff  }
0x9b: {  	v14 =	vld.idx.msk [tilespmem:v14+s2+$0x0], $0xffff  }
0x9c: {  	v10 =	vsub.f32 v10, v19;
	v13 =	vld.idx.msk [tilespmem:v13+s2+$0x0], $0xffff  }
0x9d: {  	v11 =	vsub.f32 v11, v20;
	v16 =	vld.idx.msk [tilespmem:v16+s2+$0x0], $0xffff  }
0x9e: {  	v12 =	vsub.f32 v12, v29;
	[tilespmem:s9+$0xFFFFFFF0] =	vst v10  }
0x9f: {  	[tilespmem:s9+$0x0] =	vst v11;
	v15 =	vsub.f32 v55, v58  }
0xa0: {  	s10 =	sadd.s32 $0x40, s8;
	[tilespmem:s9+$0x10] =	vst v12;
	v10 =	vsub.f32 v60, v14  }
0xa1: {  	[tilespmem:s10+$0xFFFFFFE0] =	vst v15;
	v11 =	vsub.f32 v61, v13  }
0xa2: {  	v63 =	vsub.f32 v62, v16;
	[tilespmem:s10+$0xFFFFFFF0] =	vst v10  }
0xa3: {  	[tilespmem:s10+$0x0] =	vst v11  }
0xa4: {  	[tilespmem:s10+$0x10] =	vst v63  }
0xa5: {  	v0 =	vld [tilespmem:$0x1FFE0];
	_ =	sdelay $0x3  }
0xa6: {  	s8 =	simm.s32 $0x13  }
0xa7: {  	s11 =	simm.s32 $0x0;
	s9 =	simm.s32 $0x0;
	s10 =	simm.s32 $0x0;
	vm0 =	vnez.u8 v0  }
.LBB2_5:
0xa8: {  	s12 =	sadd.s32 $0xFFFFFFED, s8  }
0xa9: {  	s15 =	sadd.s32 $0xFFFFFFEE, s8;
	v12 =	vmov s11;
	vm3 =	vmmov vm10;
	v10 =	vmov s12  }
0xaa: {  	s13 =	sadd.s32 $0xFFFFFFEF, s8;
	v0 =	vmov s8;
	v11 =	vmov s15;
	v10 =	vand.u32 $0xFFFFFFFC, v10  }
0xab: {  	s14 =	sadd.s32 $0xFFFFFFF0, s8;
	v13 =	vbroadcast v10, $0x0;
	v10 =	vand.u32 $0xFFFFFFFD, v11;
	v11 =	vmov s13;
	s13 =	sadd.s32 $0xFFFFFFF1, s8  }
0xac: {  	v28 =	vmov s14;
	s15 =	sadd.s32 $0xFFFFFFF2, s8;
	[tilespmem:$0x1FF40] =	vst v0;
	v0 =	vld [tilespmem:$0x1FFB0];
	v11 =	vand.u32 $0xFFFFFFFE, v11;
	v14 =	vmov s13  }
0xad: {  	v30 =	vbroadcast v10, $0x0;
	v10 =	vmov s15;
	s15 =	sadd.s32 $0xFFFFFFF3, s8;
	v29 =	vbroadcast v11, $0x0  }
0xae: {  	s14 =	sand.u32 $0x380, s10;
	s13 =	sand.u32 $0x2000, s9;
	v11 =	vand.u32 $0xFFFFFFFC, v14;
	v10 =	vand.u32 $0xFFFFFFFD, v10;
	v36 =	vmov s15  }
0xaf: {  	s12 =	sor.u32 s14, s13;
	s14 =	sadd.s32 $0xFFFFFFF4, s8;
	s15 =	sadd.s32 $0xFFFFFFF5, s8;
	v27 =	vbroadcast v11, $0x0;
	v26 =	vbroadcast v10, $0x0;
	v10 =	vand.u32 $0xFFFFFFFE, v36  }
0xb0: {  	v24 =	vmov s14;
	s14 =	sadd.s32 $0xFFFFFFF6, s8;
	v25 =	vbroadcast v10, $0x0;
	v10 =	vmov s15  }
0xb1: {  	v15 =	vld [tilespmem:s12+$0x8000];
	vm6 =	vnez.u8 v0;
	s15 =	sadd.s32 $0xFFFFFFF7, s8;
	v11 =	vmov s14;
	s14 =	sadd.s32 $0xFFFFFFF8, s8;
	v10 =	vand.u32 $0xFFFFFFFC, v10  }
0xb2: {  	v16 =	vld [tilespmem:s12+$0x8010];
	v37 =	vmov s15;
	v20 =	vmov s14;
	s15 =	sadd.s32 $0xFFFFFFF9, s8;
	v23 =	vbroadcast v10, $0x0  }
0xb3: {  	v38 =	vld [tilespmem:s12+$0x8020];
	s14 =	sadd.s32 $0xFFFFFFFA, s8;
	v10 =	vand.u32 $0xFFFFFFFD, v11;
	v11 =	vand.u32 $0xFFFFFFFE, v37;
	v18 =	vmov s15  }
0xb4: {  	v31 =	vld [tilespmem:s12+$0x8030];
	v43 =	vmov s14;
	v22 =	vbroadcast v10, $0x0;
	v21 =	vbroadcast v11, $0x0  }
0xb5: {  	v0 =	vld [tilespmem:$0x1FFC0];
	s15 =	sadd.s32 $0xFFFFFFFB, s8;
	s14 =	sadd.s32 $0xFFFFFFFD, s8;
	v11 =	vshll.u32 v12, $0xA;
	v12 =	vshll.u32 v12, $0x7;
	v42 =	vand.u32 $0xFFFFFFFC, v18  }
0xb6: {  	v44 =	vand.u32 $0xFFFFFFFD, v43;
	v45 =	vmov s15;
	v46 =	vmov s14  }
0xb7: {  	vm11 =	vne.s32 v15, $0xFFFFFFFF;
	v11 =	vand.u32 $0x2000, v11;
	vm9 =	vne.s32 v16, $0xFFFFFFFF  }
0xb8: {  	vm8 =	vne.s32 v38, $0xFFFFFFFF;
	v19 =	vbroadcast v42, $0x0;
	v18 =	vbroadcast v44, $0x0  }
0xb9: {  	v32 =	vld.idx.msk [tilespmem:v13+s31+$0x0], $0xffff;
	s14 =	sadd.s32 $0xFFFFFFFE, s8;
	vm10 =	vne.s32 v31, $0xFFFFFFFF;
	v13 =	vand.u32 $0xFFFFFFFE, v45;
	v48 =	vand.u32 $0xFFFFFFFC, v46  }
0xba: {  	v50 =	vmov s14;
	vm5 =	vnez.u8 v0;
	v10 =	vnsel vm11, $0x0, v15  }
0xbb: {  	v39 =	vnsel vm9, $0x0, v16;
	v14 =	vnsel vm8, $0x0, v38;
	v31 =	vnsel vm10, $0x0, v31  }
0xbc: {  	v52 =	vand.u32 $0xFFFFFFFD, v50;
	v37 =	vsel vm11, $0x1, v47;
	v62 =	vsel vm9, $0x1, v47  }
0xbd: {  	v15 =	vand.u32 $0x7F, v10;
	v10 =	vshll.u32 v10, $0x3;
	v16 =	vshll.u32 v39, $0x3  }
0xbe: {  	v40 =	vshll.u32 v14, $0x3;
	v14 =	vand.u32 $0x7F, v14;
	v34 =	vshll.u32 v31, $0x3  }
0xbf: {  	v51 =	vand.u32 $0x7F, v31;
	v10 =	vand.u32 $0xFFFFFC00, v10;
	v16 =	vand.u32 $0xFFFFFC00, v16  }
0xc0: {  	v41 =	vand.u32 $0xFFFFFC00, v40;
	v17 =	vadd.s32 v11, v10;
	v10 =	vand.u32 $0x380, v12  }
0xc1: {  	v12 =	vand.u32 $0x7F, v39;
	v16 =	vadd.s32 v11, v16;
	v15 =	vor.u32 v15, v17  }
0xc2: {  	v38 =	vld [tilespmem:s12+$0x8050];
	v12 =	vor.u32 v12, v16;
	v16 =	vadd.s32 v11, v41;
	v15 =	vor.u32 v10, v15  }
0xc3: {  	v44 =	vld [tilespmem:s12+$0x8400];
	v49 =	vand.u32 $0xFFFFFC00, v34;
	v12 =	vor.u32 v10, v12;
	v14 =	vor.u32 v14, v16  }
0xc4: {  	v17 =	vbroadcast v13, $0x0;
	v13 =	vadd.s32 v11, v49;
	v14 =	vor.u32 v10, v14  }
0xc5: {  	s15 =	sadd.s32 $0xFFFFFFFC, s8;
	v50 =	vsel vm8, $0x1, v47;
	v7 =	vadd.s32 v37, v7;
	v41 =	vld [tilespmem:s12+$0x8070];
	v13 =	vor.u32 v51, v13  }
0xc6: {  	v30 =	vld.idx.msk [tilespmem:v30+s31+$0x0], $0xffff;
	v5 =	vadd.s32 v62, v5;
	v16 =	vmov s15;
	s15 =	sadd.s32 $0xFFFFFFFF, s8;
	v54 =	vor.u32 v10, v13  }
0xc7: {  	v4 =	vadd.s32 v50, v4;
	vm12 =	vne.s32 v38, $0xFFFFFFFF;
	v53 =	vmov s15;
	v33 =	vld.idx.msk [tilespmem:v15+s3+$0x0], $0xffff  }
0xc8: {  	vm14 =	vne.s32 v44, $0xFFFFFFFF;
	v42 =	vnsel vm12, $0x0, v38;
	v55 =	vand.u32 $0xFFFFFFFE, v53;
	v12 =	vld.idx.msk [tilespmem:v12+s3+$0x0], $0xffff  }
0xc9: {  	v43 =	vshll.u32 v42, $0x3;
	v37 =	vand.u32 $0x7F, v42;
	v53 =	vsel vm10, $0x1, v47;
	v35 =	vld.idx.msk [tilespmem:v14+s3+$0x0], $0xffff  }
0xca: {  	v0 =	vld [tilespmem:$0x1FFD0];
	v13 =	vbroadcast v55, $0x0;
	v2 =	vadd.s32 v53, v2;
	vm13 =	vne.s32 v41, $0xFFFFFFFF  }
0xcb: {  	v15 =	vbroadcast v48, $0x0;
	v34 =	vnsel vm13, $0x0, v41;
	v62 =	vsel vm13, $0x1, v47;
	v61 =	vld.idx.msk [tilespmem:v54+s3+$0x0], $0xffff  }
0xcc: {  	v36 =	vld [tilespmem:s12+$0x8040];
	v14 =	vbroadcast v52, $0x0;
	v39 =	vshll.u32 v34, $0x3;
	v34 =	vand.u32 $0x7F, v34  }
0xcd: {  	v46 =	vld [tilespmem:s12+$0x8410];
	v2 =	vadd.s32 v62, v2;
	v33 =	vadd.f32 v33, v32;
	v58 =	vadd.f32 v12, v32  }
0xce: {  	v48 =	vand.u32 $0xFFFFFC00, v39;
	v35 =	vadd.f32 v35, v32;
	v32 =	vsel vm0, v32, v30  }
0xcf: {  	vm0 =	vnez.u8 v0;
	v57 =	vmax.f32 v33, $0.0e+00;
	v33 =	vmax.f32 v58, $0.0e+00  }
0xd0: {  	v32 =	vadd.f32 v61, v32;
	v31 =	vnsel vm11, $0x0, v57;
	v59 =	vnsel vm9, $0x0, v33  }
0xd1: {  	v12 =	vld [tilespmem:s12+$0x8060];
	v60 =	vmax.f32 v35, $0.0e+00;
	vm11 =	vne.s32 v36, $0xFFFFFFFF;
	v33 =	vand.u32 $0xFFFFFC00, v43  }
0xd2: {  	vm9 =	vne.s32 v46, $0xFFFFFFFF;
	v57 =	vsel vm12, $0x1, v47;
	v9 =	vadd.f32 v31, v9  }
0xd3: {  	v8 =	vadd.f32 v59, v8;
	v31 =	vnsel vm8, $0x0, v60;
	v63 =	vnsel vm11, $0x0, v36  }
0xd4: {  	v33 =	vadd.s32 v11, v33;
	v38 =	vnsel vm9, $0x0, v46;
	v32 =	vmax.f32 v32, $0.0e+00  }
0xd5: {  	v55 =	vsel vm11, $0x1, v47;
	v5 =	vadd.s32 v57, v5;
	v6 =	vadd.f32 v31, v6  }
0xd6: {  	v40 =	vshll.u32 v63, $0x3;
	v35 =	vand.u32 $0x7F, v63;
	vm7 =	vne.s32 v12, $0xFFFFFFFF  }
0xd7: {  	v33 =	vor.u32 v37, v33;
	v51 =	vshll.u32 v38, $0x3;
	v38 =	vand.u32 $0x7F, v38  }
0xd8: {  	v0 =	vld [tilespmem:$0x1FFE0];
	v32 =	vnsel vm10, $0x0, v32;
	v7 =	vadd.s32 v55, v7;
	v63 =	vsel vm14, $0x1, v47  }
0xd9: {  	v31 =	vand.u32 $0xFFFFFC00, v40;
	v36 =	vnsel vm7, $0x0, v12;
	v33 =	vor.u32 v10, v33  }
0xda: {  	v3 =	vadd.f32 v32, v3;
	v31 =	vadd.s32 v11, v31;
	v45 =	vshll.u32 v36, $0x3  }
0xdb: {  	v61 =	vld [tilespmem:s12+$0x8430];
	v60 =	vsel vm7, $0x1, v47;
	v31 =	vor.u32 v35, v31;
	v37 =	vand.u32 $0xFFFFFC00, v45  }
0xdc: {  	v36 =	vand.u32 $0x7F, v36;
	v31 =	vor.u32 v10, v31;
	v37 =	vadd.s32 v11, v37  }
0xdd: {  	v59 =	vld [tilespmem:s12+$0x8420];
	v7 =	vadd.s32 v63, v7;
	vm4 =	vnez.u8 v0;
	v36 =	vor.u32 v36, v37  }
0xde: {  	v35 =	vnsel vm14, $0x0, v44;
	v37 =	vadd.s32 v11, v48;
	v36 =	vor.u32 v10, v36  }
0xdf: {  	v4 =	vadd.s32 v60, v4;
	v49 =	vshll.u32 v35, $0x3;
	v34 =	vor.u32 v34, v37;
	v33 =	vld.idx.msk [tilespmem:v33+s3+$0x0], $0xffff  }
0xe0: {  	v29 =	vld.idx.msk [tilespmem:v29+s31+$0x0], $0xffff;
	vm8 =	vne.s32 v61, $0xFFFFFFFF;
	v37 =	vand.u32 $0xFFFFFC00, v49;
	v34 =	vor.u32 v10, v34  }
0xe1: {  	v57 =	vsel vm8, $0x1, v47;
	v35 =	vand.u32 $0x7F, v35;
	v37 =	vadd.s32 v11, v37;
	v31 =	vld.idx.msk [tilespmem:v31+s3+$0x0], $0xffff  }
0xe2: {  	v12 =	vld [tilespmem:s12+$0x8440];
	vm10 =	vne.s32 v59, $0xFFFFFFFF;
	v2 =	vadd.s32 v57, v2;
	v35 =	vor.u32 v35, v37  }
0xe3: {  	v53 =	vsel vm10, $0x1, v47;
	v37 =	vand.u32 $0xFFFFFC00, v51;
	v35 =	vor.u32 v10, v35;
	v36 =	vld.idx.msk [tilespmem:v36+s3+$0x0], $0xffff  }
0xe4: {  	v39 =	vld [tilespmem:s12+$0x8450];
	v51 =	vsel vm9, $0x1, v47;
	v37 =	vadd.s32 v11, v37;
	v33 =	vadd.f32 v33, v30  }
0xe5: {  	v4 =	vadd.s32 v53, v4;
	v5 =	vadd.s32 v51, v5;
	v37 =	vor.u32 v38, v37;
	v34 =	vld.idx.msk [tilespmem:v34+s3+$0x0], $0xffff  }
0xe6: {  	v28 =	vld.idx.msk [tilespmem:v28+s31+$0x0], $0xffff;
	v52 =	vor.u32 v10, v37;
	v33 =	vmax.f32 v33, $0.0e+00;
	v31 =	vadd.f32 v31, v30  }
0xe7: {  	v44 =	vld [tilespmem:s12+$0x8470];
	v30 =	vsel vm1, v30, v29;
	v33 =	vnsel vm12, $0x0, v33;
	vm12 =	vne.s32 v12, $0xFFFFFFFF  }
0xe8: {  	v54 =	vld.idx.msk [tilespmem:v35+s3+$0x0], $0xffff;
	v8 =	vadd.f32 v33, v8;
	v31 =	vmax.f32 v31, $0.0e+00;
	v30 =	vadd.f32 v36, v30  }
0xe9: {  	v36 =	vnsel vm10, $0x0, v59;
	v59 =	vsel vm12, $0x1, v47;
	v31 =	vnsel vm11, $0x0, v31  }
0xea: {  	v42 =	vld [tilespmem:s12+$0x8460];
	v34 =	vadd.f32 v34, v29;
	v37 =	vshll.u32 v36, $0x3;
	vm11 =	vne.s32 v39, $0xFFFFFFFF  }
0xeb: {  	v32 =	vld.idx.msk [tilespmem:v52+s3+$0x0], $0xffff;
	v7 =	vadd.s32 v59, v7;
	v9 =	vadd.f32 v31, v9;
	v30 =	vmax.f32 v30, $0.0e+00  }
0xec: {  	v38 =	vand.u32 $0xFFFFFC00, v37;
	v30 =	vnsel vm7, $0x0, v30;
	v58 =	vmax.f32 v34, $0.0e+00  }
0xed: {  	v31 =	vadd.f32 v54, v29;
	v29 =	vsel vm2, v29, v28;
	vm7 =	vne.s32 v44, $0xFFFFFFFF  }
0xee: {  	v33 =	vnsel vm13, $0x0, v58;
	v6 =	vadd.f32 v30, v6;
	v30 =	vnsel vm8, $0x0, v61  }
0xef: {  	vm13 =	vne.s32 v42, $0xFFFFFFFF;
	v35 =	vnsel vm7, $0x0, v44;
	v37 =	vsel vm7, $0x1, v47  }
0xf0: {  	v3 =	vadd.f32 v33, v3;
	v31 =	vmax.f32 v31, $0.0e+00;
	v29 =	vadd.f32 v32, v29  }
0xf1: {  	v40 =	vshll.u32 v30, $0x3;
	v30 =	vand.u32 $0x7F, v30;
	v32 =	vnsel vm12, $0x0, v12  }
0xf2: {  	v33 =	vnsel vm11, $0x0, v39;
	v34 =	vnsel vm13, $0x0, v42;
	v50 =	vshll.u32 v35, $0x3  }
0xf3: {  	v35 =	vand.u32 $0x7F, v35;
	v12 =	vsel vm11, $0x1, v47;
	v2 =	vadd.s32 v37, v2  }
0xf4: {  	v31 =	vnsel vm14, $0x0, v31;
	v41 =	vand.u32 $0xFFFFFC00, v40;
	v29 =	vmax.f32 v29, $0.0e+00  }
0xf5: {  	v43 =	vshll.u32 v32, $0x3;
	v9 =	vadd.f32 v31, v9;
	v29 =	vnsel vm9, $0x0, v29  }
0xf6: {  	v46 =	vld [tilespmem:s12+$0x8800];
	v31 =	vand.u32 $0x7F, v36;
	v8 =	vadd.f32 v29, v8;
	v29 =	vadd.s32 v11, v38  }
0xf7: {  	v32 =	vand.u32 $0x7F, v32;
	v45 =	vshll.u32 v33, $0x3;
	v29 =	vor.u32 v31, v29  }
0xf8: {  	v33 =	vand.u32 $0x7F, v33;
	v31 =	vadd.s32 v11, v41;
	v29 =	vor.u32 v10, v29  }
0xf9: {  	v48 =	vshll.u32 v34, $0x3;
	v30 =	vor.u32 v30, v31;
	v31 =	vand.u32 $0xFFFFFC00, v43  }
0xfa: {  	v34 =	vand.u32 $0x7F, v34;
	v30 =	vor.u32 v10, v30;
	v31 =	vadd.s32 v11, v31  }
0xfb: {  	vm14 =	vne.s32 v46, $0xFFFFFFFF;
	v31 =	vor.u32 v32, v31;
	v32 =	vand.u32 $0xFFFFFC00, v45  }
0xfc: {  	v63 =	vld [tilespmem:s12+$0x8810];
	v5 =	vadd.s32 v12, v5;
	v31 =	vor.u32 v10, v31;
	v32 =	vadd.s32 v11, v32  }
0xfd: {  	v49 =	vand.u32 $0xFFFFFC00, v48;
	v36 =	vnsel vm14, $0x0, v46;
	v32 =	vor.u32 v33, v32;
	v29 =	vld.idx.msk [tilespmem:v29+s3+$0x0], $0xffff  }
0xfe: {  	v27 =	vld.idx.msk [tilespmem:v27+s31+$0x0], $0xffff;
	v44 =	vsel vm14, $0x1, v47;
	v33 =	vadd.s32 v11, v49;
	v32 =	vor.u32 v10, v32  }
0xff: {  	v52 =	vshll.u32 v36, $0x3;
	v33 =	vor.u32 v34, v33;
	v34 =	vand.u32 $0xFFFFFC00, v50;
	v30 =	vld.idx.msk [tilespmem:v30+s3+$0x0], $0xffff  }
0x100: {  	v26 =	vld.idx.msk [tilespmem:v26+s31+$0x0], $0xffff;
	v36 =	vand.u32 $0x7F, v36;
	v33 =	vor.u32 v10, v33;
	v34 =	vadd.s32 v11, v34  }
0x101: {  	vm9 =	vne.s32 v63, $0xFFFFFFFF;
	v34 =	vor.u32 v35, v34;
	v35 =	vand.u32 $0xFFFFFC00, v52;
	v31 =	vld.idx.msk [tilespmem:v31+s3+$0x0], $0xffff  }
0x102: {  	v52 =	vld [tilespmem:s12+$0x8870];
	v34 =	vor.u32 v10, v34;
	v35 =	vadd.s32 v11, v35;
	v29 =	vadd.f32 v29, v28  }
0x103: {  	v7 =	vadd.s32 v44, v7;
	v59 =	vsel vm9, $0x1, v47;
	v35 =	vor.u32 v36, v35;
	v32 =	vld.idx.msk [tilespmem:v32+s3+$0x0], $0xffff  }
0x104: {  	v39 =	vld [tilespmem:s12+$0x8830];
	v35 =	vor.u32 v10, v35;
	v30 =	vadd.f32 v30, v28;
	v29 =	vmax.f32 v29, $0.0e+00  }
0x105: {  	v5 =	vadd.s32 v59, v5;
	v28 =	vsel vm15, v28, v27;
	v33 =	vld.idx.msk [tilespmem:v33+s3+$0x0], $0xffff;
	v29 =	vnsel vm10, $0x0, v29  }
0x106: {  	v43 =	vld [tilespmem:s12+$0x8840];
	v30 =	vmax.f32 v30, $0.0e+00;
	v28 =	vadd.f32 v31, v28;
	v6 =	vadd.f32 v29, v6  }
0x107: {  	v55 =	vld.idx.msk [tilespmem:v34+s3+$0x0], $0xffff;
	v54 =	vnsel vm8, $0x0, v30;
	v29 =	vnsel vm9, $0x0, v63;
	vm8 =	vne.s32 v52, $0xFFFFFFFF  }
0x108: {  	v34 =	vld [tilespmem:s12+$0x8820];
	v3 =	vadd.f32 v54, v3;
	v28 =	vmax.f32 v28, $0.0e+00;
	v58 =	vadd.f32 v32, v27  }
0x109: {  	v61 =	vld.idx.msk [tilespmem:v35+s3+$0x0], $0xffff;
	v35 =	vsel vm13, $0x1, v47;
	v41 =	vshll.u32 v29, $0x3;
	v29 =	vand.u32 $0x7F, v29  }
0x10a: {  	v28 =	vnsel vm12, $0x0, v28;
	v60 =	vadd.f32 v33, v27;
	v27 =	vsel vm6, v27, v26  }
0x10b: {  	v4 =	vadd.s32 v35, v4;
	v42 =	vand.u32 $0xFFFFFC00, v41;
	vm12 =	vne.s32 v43, $0xFFFFFFFF  }
0x10c: {  	v35 =	vnsel vm8, $0x0, v52;
	v9 =	vadd.f32 v28, v9;
	v62 =	vmax.f32 v58, $0.0e+00  }
0x10d: {  	v49 =	vld [tilespmem:s12+$0x8860];
	v30 =	vnsel vm12, $0x0, v43;
	v28 =	vnsel vm11, $0x0, v62;
	v31 =	vmax.f32 v60, $0.0e+00  }
0x10e: {  	v27 =	vadd.f32 v55, v27;
	vm10 =	vne.s32 v34, $0xFFFFFFFF;
	vm11 =	vne.s32 v39, $0xFFFFFFFF  }
0x10f: {  	v50 =	vshll.u32 v30, $0x3;
	v30 =	vand.u32 $0x7F, v30;
	v55 =	vshll.u32 v35, $0x3  }
0x110: {  	v35 =	vand.u32 $0x7F, v35;
	v8 =	vadd.f32 v28, v8;
	v33 =	vnsel vm13, $0x0, v31  }
0x111: {  	v28 =	vnsel vm10, $0x0, v34;
	v31 =	vnsel vm11, $0x0, v39;
	v51 =	vand.u32 $0xFFFFFC00, v50  }
0x112: {  	v46 =	vld [tilespmem:s12+$0x8850];
	vm13 =	vne.s32 v49, $0xFFFFFFFF;
	v57 =	vand.u32 $0xFFFFFC00, v55;
	v6 =	vadd.f32 v33, v6  }
0x113: {  	v27 =	vmax.f32 v27, $0.0e+00;
	v36 =	vadd.f32 v61, v26;
	v45 =	vshll.u32 v28, $0x3  }
0x114: {  	v28 =	vand.u32 $0x7F, v28;
	v48 =	vshll.u32 v31, $0x3;
	v31 =	vand.u32 $0x7F, v31  }
0x115: {  	v34 =	vnsel vm13, $0x0, v49;
	v61 =	vsel vm10, $0x1, v47;
	v27 =	vnsel vm7, $0x0, v27  }
0x116: {  	v41 =	vsel vm13, $0x1, v47;
	v3 =	vadd.f32 v27, v3;
	v27 =	vadd.s32 v11, v42  }
0x117: {  	vm7 =	vne.s32 v46, $0xFFFFFFFF;
	v27 =	vor.u32 v29, v27;
	v29 =	vand.u32 $0xFFFFFC00, v45  }
0x118: {  	v54 =	vshll.u32 v34, $0x3;
	v27 =	vor.u32 v10, v27;
	v29 =	vadd.s32 v11, v29  }
0x119: {  	v34 =	vand.u32 $0x7F, v34;
	v4 =	vadd.s32 v61, v4;
	v28 =	vor.u32 v28, v29  }
0x11a: {  	v38 =	vmax.f32 v36, $0.0e+00;
	v29 =	vand.u32 $0xFFFFFC00, v48;
	v28 =	vor.u32 v10, v28  }
0x11b: {  	v33 =	vnsel vm7, $0x0, v46;
	v37 =	vsel vm7, $0x1, v47;
	v29 =	vadd.s32 v11, v29  }
0x11c: {  	v52 =	vld [tilespmem:s12+$0x8C50];
	v53 =	vshll.u32 v33, $0x3;
	v29 =	vor.u32 v31, v29;
	v31 =	vadd.s32 v11, v51  }
0x11d: {  	v29 =	vor.u32 v10, v29;
	v30 =	vor.u32 v30, v31;
	v31 =	vand.u32 $0xFFFFFC00, v53;
	v27 =	vld.idx.msk [tilespmem:v27+s3+$0x0], $0xffff  }
0x11e: {  	v25 =	vld.idx.msk [tilespmem:v25+s31+$0x0], $0xffff;
	v33 =	vand.u32 $0x7F, v33;
	v30 =	vor.u32 v10, v30;
	v31 =	vadd.s32 v11, v31  }
0x11f: {  	v4 =	vadd.s32 v41, v4;
	v31 =	vor.u32 v33, v31;
	v33 =	vand.u32 $0xFFFFFC00, v54;
	v28 =	vld.idx.msk [tilespmem:v28+s3+$0x0], $0xffff  }
0x120: {  	v24 =	vld.idx.msk [tilespmem:v24+s31+$0x0], $0xffff;
	v40 =	vnsel vm14, $0x0, v38;
	v5 =	vadd.s32 v37, v5;
	v33 =	vadd.s32 v11, v33  }
0x121: {  	v55 =	vld [tilespmem:s12+$0x8C60];
	vm14 =	vne.s32 v52, $0xFFFFFFFF;
	v31 =	vor.u32 v10, v31;
	v33 =	vor.u32 v34, v33  }
0x122: {  	v34 =	vadd.s32 v11, v57;
	v29 =	vld.idx.msk [tilespmem:v29+s3+$0x0], $0xffff;
	v33 =	vor.u32 v10, v33;
	v27 =	vadd.f32 v27, v26  }
0x123: {  	v34 =	vor.u32 v35, v34;
	v35 =	vsel vm12, $0x1, v47;
	v30 =	vld.idx.msk [tilespmem:v30+s3+$0x0], $0xffff;
	v26 =	vsel vm5, v26, v25  }
0x124: {  	v58 =	vor.u32 v10, v34;
	v34 =	vld [tilespmem:s12+$0x8C00];
	v27 =	vmax.f32 v27, $0.0e+00;
	v26 =	vadd.f32 v28, v26  }
0x125: {  	v38 =	vld [tilespmem:s12+$0x8C10];
	v9 =	vadd.f32 v40, v9;
	v7 =	vadd.s32 v35, v7;
	v27 =	vnsel vm9, $0x0, v27  }
0x126: {  	v31 =	vld.idx.msk [tilespmem:v31+s3+$0x0], $0xffff;
	vm9 =	vne.s32 v55, $0xFFFFFFFF;
	v8 =	vadd.f32 v27, v8;
	v26 =	vmax.f32 v26, $0.0e+00  }
0x127: {  	v60 =	vadd.f32 v29, v25;
	v62 =	vld.idx.msk [tilespmem:v33+s3+$0x0], $0xffff;
	v33 =	vsel vm11, $0x1, v47;
	v32 =	vnsel vm9, $0x0, v55  }
0x128: {  	v26 =	vnsel vm10, $0x0, v26;
	v30 =	vadd.f32 v30, v25;
	v25 =	vsel vm0, v25, v24  }
0x129: {  	v2 =	vadd.s32 v33, v2;
	vm10 =	vne.s32 v34, $0xFFFFFFFF;
	v59 =	vshll.u32 v32, $0x3  }
0x12a: {  	v43 =	vld [tilespmem:s12+$0x8C20];
	v6 =	vadd.f32 v26, v6;
	v63 =	vmax.f32 v60, $0.0e+00;
	v42 =	vnsel vm10, $0x0, v34  }
0x12b: {  	v35 =	vsel vm10, $0x1, v47;
	v26 =	vnsel vm11, $0x0, v63;
	v12 =	vmax.f32 v30, $0.0e+00  }
0x12c: {  	v25 =	vadd.f32 v31, v25;
	v45 =	vshll.u32 v42, $0x3;
	vm11 =	vne.s32 v38, $0xFFFFFFFF  }
0x12d: {  	v28 =	vld.idx.msk [tilespmem:v58+s3+$0x0], $0xffff;
	v31 =	vnsel vm14, $0x0, v52;
	v63 =	vand.u32 $0x7F, v32;
	v7 =	vadd.s32 v35, v7  }
0x12e: {  	v27 =	vnsel vm12, $0x0, v12;
	v3 =	vadd.f32 v26, v3;
	v26 =	vand.u32 $0xFFFFFC00, v45  }
0x12f: {  	v29 =	vnsel vm11, $0x0, v38;
	vm12 =	vne.s32 v43, $0xFFFFFFFF;
	v9 =	vadd.f32 v27, v9  }
0x130: {  	v25 =	vmax.f32 v25, $0.0e+00;
	v36 =	vadd.f32 v62, v24;
	v27 =	vand.u32 $0x7F, v42  }
0x131: {  	v46 =	vld [tilespmem:s12+$0x8C30];
	v26 =	vadd.s32 v11, v26;
	v49 =	vshll.u32 v29, $0x3;
	v29 =	vand.u32 $0x7F, v29  }
0x132: {  	v25 =	vnsel vm7, $0x0, v25;
	v40 =	vadd.f32 v28, v24;
	v48 =	vor.u32 v27, v26  }
0x133: {  	v26 =	vand.u32 $0xFFFFFC00, v49;
	v28 =	vnsel vm12, $0x0, v43;
	v8 =	vadd.f32 v25, v8  }
0x134: {  	v39 =	vmax.f32 v36, $0.0e+00;
	v26 =	vadd.s32 v11, v26;
	v51 =	vshll.u32 v28, $0x3  }
0x135: {  	v50 =	vld [tilespmem:s12+$0x8C40];
	v28 =	vand.u32 $0x7F, v28;
	v25 =	vnsel vm13, $0x0, v39;
	v44 =	vmax.f32 v40, $0.0e+00  }
0x136: {  	v26 =	vor.u32 v29, v26;
	vm13 =	vne.s32 v46, $0xFFFFFFFF;
	v29 =	vand.u32 $0xFFFFFC00, v51  }
0x137: {  	v6 =	vadd.f32 v25, v6;
	v25 =	vnsel vm8, $0x0, v44;
	v30 =	vnsel vm13, $0x0, v46  }
0x138: {  	v29 =	vadd.s32 v11, v29;
	v3 =	vadd.f32 v25, v3;
	v25 =	vor.u32 v10, v48  }
0x139: {  	v26 =	vor.u32 v10, v26;
	v53 =	vshll.u32 v30, $0x3;
	v28 =	vor.u32 v28, v29  }
0x13a: {  	v23 =	vld.idx.msk [tilespmem:v23+s31+$0x0], $0xffff;
	vm7 =	vne.s32 v50, $0xFFFFFFFF;
	v54 =	vand.u32 $0xFFFFFC00, v53;
	v28 =	vor.u32 v10, v28  }
0x13b: {  	v22 =	vld.idx.msk [tilespmem:v22+s31+$0x0], $0xffff;
	v27 =	vnsel vm7, $0x0, v50;
	v30 =	vand.u32 $0x7F, v30;
	v29 =	vadd.s32 v11, v54  }
0x13c: {  	v21 =	vld.idx.msk [tilespmem:v21+s31+$0x0], $0xffff;
	v58 =	vshll.u32 v31, $0x3;
	v57 =	vshll.u32 v27, $0x3;
	v29 =	vor.u32 v30, v29  }
0x13d: {  	v31 =	vand.u32 $0x7F, v31;
	v30 =	vand.u32 $0xFFFFFC00, v57;
	v29 =	vor.u32 v10, v29;
	v25 =	vld.idx.msk [tilespmem:v25+s3+$0x0], $0xffff  }
0x13e: {  	v12 =	vsel vm8, $0x1, v47;
	v27 =	vand.u32 $0x7F, v27;
	v30 =	vadd.s32 v11, v30;
	v26 =	vld.idx.msk [tilespmem:v26+s3+$0x0], $0xffff  }
0x13f: {  	v37 =	vsel vm11, $0x1, v47;
	v27 =	vor.u32 v27, v30;
	v30 =	vand.u32 $0xFFFFFC00, v58;
	v60 =	vld.idx.msk [tilespmem:v28+s3+$0x0], $0xffff  }
0x140: {  	v34 =	vld.idx.msk [tilespmem:v19+s31+$0x0], $0xffff;
	v62 =	vand.u32 $0xFFFFFC00, v59;
	v27 =	vor.u32 v10, v27;
	v30 =	vadd.s32 v11, v30  }
0x141: {  	v45 =	vld [tilespmem:s12+$0x9000];
	v2 =	vadd.s32 v12, v2;
	v61 =	vor.u32 v31, v30;
	v30 =	vadd.s32 v11, v62  }
0x142: {  	v5 =	vadd.s32 v37, v5;
	v30 =	vor.u32 v63, v30;
	v29 =	vld.idx.msk [tilespmem:v29+s3+$0x0], $0xffff;
	v24 =	vadd.f32 v25, v24  }
0x143: {  	v41 =	vsel vm12, $0x1, v47;
	v63 =	vld.idx.msk [tilespmem:v20+s31+$0x0], $0xffff;
	v26 =	vadd.f32 v26, v23;
	v30 =	vor.u32 v10, v30  }
0x144: {  	v43 =	vadd.s32 v41, v4;
	v49 =	vld [tilespmem:s12+$0x9020];
	v25 =	vadd.f32 v60, v23;
	v24 =	vmax.f32 v24, $0.0e+00  }
0x145: {  	v28 =	vor.u32 v10, v61;
	v27 =	vld.idx.msk [tilespmem:v27+s3+$0x0], $0xffff;
	v36 =	vmax.f32 v26, $0.0e+00;
	v24 =	vnsel vm10, $0x0, v24  }
0x146: {  	v38 =	vmax.f32 v25, $0.0e+00;
	v9 =	vadd.f32 v24, v9;
	v24 =	vnsel vm11, $0x0, v36  }
0x147: {  	v60 =	vld [tilespmem:s12+$0x9050];
	v29 =	vadd.f32 v29, v23;
	v23 =	vsel vm4, v23, v22;
	vm11 =	vne.s32 v45, $0xFFFFFFFF  }
0x148: {  	v40 =	vld.idx.msk [tilespmem:v30+s3+$0x0], $0xffff;
	v30 =	vsel vm15, v63, v34;
	vm4 =	vmmov vm15;
	v8 =	vadd.f32 v24, v8  }
0x149: {  	v42 =	vld [tilespmem:s12+$0x8C70];
	v24 =	vnsel vm12, $0x0, v38;
	v50 =	vnsel vm11, $0x0, v45;
	vm12 =	vne.s32 v49, $0xFFFFFFFF  }
0x14a: {  	v28 =	vld.idx.msk [tilespmem:v28+s3+$0x0], $0xffff;
	v45 =	vsel vm2, v21, v63;
	v39 =	vmax.f32 v29, $0.0e+00;
	v23 =	vadd.f32 v27, v23  }
0x14b: {  	v6 =	vadd.f32 v24, v6;
	v51 =	vshll.u32 v50, $0x3;
	v27 =	vand.u32 $0x7F, v50  }
0x14c: {  	v54 =	vld [tilespmem:s12+$0x9040];
	v26 =	vnsel vm12, $0x0, v49;
	vm8 =	vne.s32 v60, $0xFFFFFFFF;
	v24 =	vsel vm12, $0x1, v47  }
0x14d: {  	v25 =	vnsel vm13, $0x0, v39;
	v55 =	vshll.u32 v26, $0x3;
	v26 =	vand.u32 $0x7F, v26  }
0x14e: {  	v38 =	vnsel vm8, $0x0, v60;
	v25 =	vadd.f32 v25, v3;
	v3 =	vsel vm13, $0x1, v47  }
0x14f: {  	v4 =	vmax.f32 v23, $0.0e+00;
	v44 =	vadd.f32 v28, v22;
	vm13 =	vne.s32 v42, $0xFFFFFFFF  }
0x150: {  	v53 =	vld [tilespmem:s12+$0x9030];
	v28 =	vadd.s32 v3, v2;
	v2 =	vnsel vm7, $0x0, v4;
	v3 =	vsel vm7, $0x1, v47  }
0x151: {  	v46 =	vadd.f32 v40, v22;
	vm7 =	vne.s32 v54, $0xFFFFFFFF;
	v9 =	vadd.f32 v2, v9  }
0x152: {  	v4 =	vadd.s32 v3, v7;
	v2 =	vmax.f32 v44, $0.0e+00;
	v7 =	vld [tilespmem:s12+$0x9010];
	v59 =	vnsel vm7, $0x0, v54  }
0x153: {  	v2 =	vnsel vm14, $0x0, v2;
	v31 =	vshll.u32 v59, $0x3;
	v61 =	vand.u32 $0x7F, v59  }
0x154: {  	v12 =	vadd.f32 v2, v8;
	v2 =	vsel vm14, $0x1, v47;
	v8 =	vnsel vm13, $0x0, v42  }
0x155: {  	vm14 =	vne.s32 v53, $0xFFFFFFFF;
	v31 =	vand.u32 $0xFFFFFC00, v31;
	v48 =	vshll.u32 v8, $0x3  }
0x156: {  	v8 =	vand.u32 $0x7F, v8;
	v57 =	vnsel vm14, $0x0, v53;
	v23 =	vand.u32 $0xFFFFFC00, v48  }
0x157: {  	v58 =	vshll.u32 v57, $0x3;
	v23 =	vadd.s32 v11, v23;
	vm10 =	vne.s32 v7, $0xFFFFFFFF  }
0x158: {  	v8 =	vor.u32 v8, v23;
	v7 =	vnsel vm10, $0x0, v7;
	v23 =	vand.u32 $0xFFFFFC00, v51  }
0x159: {  	v8 =	vor.u32 v10, v8;
	v52 =	vshll.u32 v7, $0x3;
	v23 =	vadd.s32 v11, v23  }
0x15a: {  	v7 =	vand.u32 $0x7F, v7;
	v23 =	vor.u32 v27, v23;
	v27 =	vand.u32 $0xFFFFFC00, v55  }
0x15b: {  	v29 =	vand.u32 $0xFFFFFC00, v52;
	v23 =	vor.u32 v10, v23;
	v27 =	vadd.s32 v11, v27  }
0x15c: {  	v29 =	vadd.s32 v11, v29;
	v26 =	vor.u32 v26, v27;
	v27 =	vand.u32 $0xFFFFFC00, v58  }
0x15d: {  	v7 =	vor.u32 v7, v29;
	v29 =	vand.u32 $0x7F, v57;
	v27 =	vadd.s32 v11, v27  }
0x15e: {  	v62 =	vadd.s32 v11, v31;
	v7 =	vor.u32 v10, v7;
	v8 =	vld.idx.msk [tilespmem:v8+s3+$0x0], $0xffff;
	v27 =	vor.u32 v29, v27  }
0x15f: {  	v39 =	vshll.u32 v38, $0x3;
	v29 =	vor.u32 v61, v62;
	v27 =	vor.u32 v10, v27  }
0x160: {  	v0 =	vadd.s32 v2, v5;
	v5 =	vmax.f32 v46, $0.0e+00;
	v36 =	vor.u32 v10, v29;
	v23 =	vld.idx.msk [tilespmem:v23+s3+$0x0], $0xffff  }
0x161: {  	v22 =	vsel vm1, v22, v21;
	v59 =	vld [tilespmem:s12+$0x9400];
	v5 =	vnsel vm9, $0x0, v5;
	v26 =	vor.u32 v10, v26  }
0x162: {  	v40 =	vsel vm13, $0x1, v47;
	v53 =	vld [tilespmem:s12+$0x9070];
	[tilespmem:$0x1FF50] =	vst v0;
	v0 =	vadd.f32 v5, v6;
	v6 =	vsel vm9, $0x1, v47  }
0x163: {  	v3 =	vimm.s32 $0x0;
	v6 =	vadd.s32 v6, v43;
	v37 =	vld.idx.msk [tilespmem:v7+s3+$0x0], $0xffff;
	v8 =	vadd.f32 v8, v22  }
0x164: {  	v19 =	vsel vm14, $0x1, v47;
	v43 =	vand.u32 $0x7F, v38;
	v6 =	vadd.s32 v24, v6;
	v41 =	vld.idx.msk [tilespmem:v27+s3+$0x0], $0xffff  }
0x165: {  	v42 =	vld.idx.msk [tilespmem:v36+s3+$0x0], $0xffff;
	v27 =	vsel vm11, $0x1, v47;
	v7 =	vmax.f32 v8, $0.0e+00;
	v23 =	vadd.f32 v23, v21  }
0x166: {  	v8 =	vld.idx.msk [tilespmem:v26+s3+$0x0], $0xffff;
	v26 =	vand.u32 $0xFFFFFC00, v39;
	v4 =	vadd.s32 v27, v4;
	v7 =	vnsel vm13, $0x0, v7  }
0x167: {  	[tilespmem:$0x1FF60] =	vst v0;
	v44 =	vadd.s32 v11, v26;
	vm13 =	vne.s32 v59, $0xFFFFFFFF;
	v0 =	vadd.f32 v7, v25  }
0x168: {  	v23 =	vmax.f32 v23, $0.0e+00;
	v20 =	vor.u32 v43, v44;
	v21 =	vadd.f32 v37, v21  }
0x169: {  	v46 =	vld [tilespmem:s12+$0x9060];
	v25 =	vsel vm10, $0x1, v47;
	v33 =	vnsel vm13, $0x0, v59;
	v23 =	vnsel vm11, $0x0, v23  }
0x16a: {  	v49 =	vor.u32 v10, v20;
	vm11 =	vne.s32 v53, $0xFFFFFFFF;
	[tilespmem:$0x1FF70] =	vst v0;
	v0 =	vadd.s32 v40, v28  }
0x16b: {  	v50 =	vmax.f32 v21, $0.0e+00;
	v52 =	vadd.f32 v41, v63;
	v55 =	vadd.f32 v42, v63  }
0x16c: {  	v60 =	vld [tilespmem:s12+$0x9410];
	v28 =	vnsel vm11, $0x0, v53;
	v40 =	vshll.u32 v33, $0x3;
	v33 =	vand.u32 $0x7F, v33  }
0x16d: {  	v43 =	vld [tilespmem:s12+$0x9440];
	v48 =	vadd.f32 v8, v45;
	[tilespmem:$0x1FF80] =	vst v0;
	v0 =	vadd.f32 v23, v9;
	v26 =	vnsel vm10, $0x0, v50  }
0x16e: {  	v63 =	vld [tilespmem:s12+$0x9420];
	vm10 =	vne.s32 v46, $0xFFFFFFFF;
	v23 =	vsel vm7, $0x1, v47;
	v62 =	vshll.u32 v28, $0x3  }
0x16f: {  	v42 =	vld [tilespmem:s12+$0x9430];
	v28 =	vand.u32 $0x7F, v28;
	v54 =	vmax.f32 v52, $0.0e+00;
	v58 =	vnsel vm10, $0x0, v46  }
0x170: {  	v22 =	vmax.f32 v55, $0.0e+00;
	v55 =	vld.idx.msk [tilespmem:v18+s31+$0x0], $0xffff;
	v18 =	vsel vm8, $0x1, v47;
	v12 =	vadd.f32 v26, v12  }
0x171: {  	v51 =	vmax.f32 v48, $0.0e+00;
	v21 =	vnsel vm14, $0x0, v54;
	v32 =	vshll.u32 v58, $0x3  }
0x172: {  	v22 =	vnsel vm7, $0x0, v22;
	v31 =	vand.u32 $0x7F, v58;
	vm15 =	vne.s32 v43, $0xFFFFFFFF  }
0x173: {  	v50 =	vld [tilespmem:s12+$0x9450];
	v20 =	vnsel vm12, $0x0, v51;
	v32 =	vand.u32 $0xFFFFFC00, v32;
	vm12 =	vne.s32 v60, $0xFFFFFFFF  }
0x174: {  	v57 =	vld.idx.msk [tilespmem:v49+s3+$0x0], $0xffff;
	v49 =	vnsel vm15, $0x0, v43;
	v32 =	vadd.s32 v11, v32;
	v35 =	vnsel vm12, $0x0, v60  }
0x175: {  	vm14 =	vne.s32 v63, $0xFFFFFFFF;
	vm7 =	vne.s32 v42, $0xFFFFFFFF;
	v51 =	vshll.u32 v49, $0x3  }
0x176: {  	v9 =	vld [tilespmem:$0x1FF80];
	v53 =	vand.u32 $0x7F, v49;
	v31 =	vor.u32 v31, v32;
	v41 =	vshll.u32 v35, $0x3  }
0x177: {  	v35 =	vand.u32 $0x7F, v35;
	v32 =	vnsel vm14, $0x0, v63;
	v46 =	vnsel vm7, $0x0, v42  }
0x178: {  	v39 =	vand.u32 $0xFFFFFC00, v51;
	vm9 =	vne.s32 v50, $0xFFFFFFFF;
	v42 =	vld.idx.msk [tilespmem:v17+s31+$0x0], $0xffff;
	v17 =	vsel vm10, $0x1, v47  }
0x179: {  	v61 =	vor.u32 v10, v31;
	v31 =	vand.u32 $0xFFFFFC00, v62;
	v36 =	vand.u32 $0xFFFFFC00, v41  }
0x17a: {  	v45 =	vshll.u32 v32, $0x3;
	v32 =	vand.u32 $0x7F, v32;
	v48 =	vshll.u32 v46, $0x3  }
0x17b: {  	v54 =	vadd.s32 v11, v39;
	v39 =	vsel vm7, $0x1, v47;
	v19 =	vadd.s32 v19, v9  }
0x17c: {  	v31 =	vadd.s32 v11, v31;
	v36 =	vadd.s32 v11, v36;
	v59 =	vor.u32 v53, v54  }
0x17d: {  	v28 =	vor.u32 v28, v31;
	v31 =	vand.u32 $0xFFFFFC00, v40;
	v44 =	vor.u32 v35, v36  }
0x17e: {  	v35 =	vand.u32 $0xFFFFFC00, v45;
	v28 =	vor.u32 v10, v28;
	v31 =	vadd.s32 v11, v31  }
0x17f: {  	v35 =	vadd.s32 v11, v35;
	v31 =	vor.u32 v33, v31;
	v33 =	vor.u32 v10, v44  }
0x180: {  	v29 =	vadd.f32 v57, v30;
	v32 =	vor.u32 v32, v35;
	v31 =	vor.u32 v10, v31;
	v30 =	vld.idx.msk [tilespmem:v61+s3+$0x0], $0xffff  }
0x181: {  	v36 =	vand.u32 $0x7F, v46;
	v35 =	vand.u32 $0xFFFFFC00, v48;
	v32 =	vor.u32 v10, v32  }
0x182: {  	v41 =	vld [tilespmem:s12+$0x9460];
	v29 =	vmax.f32 v29, $0.0e+00;
	v35 =	vadd.s32 v11, v35;
	v61 =	vnsel vm9, $0x0, v50  }
0x183: {  	v52 =	vor.u32 v36, v35;
	v35 =	vor.u32 v10, v59;
	v38 =	vshll.u32 v61, $0x3;
	v40 =	vld.idx.msk [tilespmem:v28+s3+$0x0], $0xffff  }
0x184: {  	v53 =	vsel vm5, v55, v42;
	v58 =	vor.u32 v10, v52;
	v38 =	vand.u32 $0xFFFFFC00, v38;
	v33 =	vld.idx.msk [tilespmem:v33+s3+$0x0], $0xffff  }
0x185: {  	v44 =	vand.u32 $0x7F, v61;
	v45 =	vadd.s32 v11, v38;
	v57 =	vadd.f32 v30, v34;
	v31 =	vld.idx.msk [tilespmem:v31+s3+$0x0], $0xffff  }
0x186: {  	v29 =	vnsel vm8, $0x0, v29;
	v38 =	vsel vm14, $0x1, v47;
	v49 =	vor.u32 v44, v45;
	v32 =	vld.idx.msk [tilespmem:v32+s3+$0x0], $0xffff  }
0x187: {  	v43 =	vld [tilespmem:s12+$0x9470];
	v30 =	vsel vm11, $0x1, v47;
	v50 =	vor.u32 v10, v49;
	v60 =	vmax.f32 v57, $0.0e+00  }
0x188: {  	[tilespmem:$0x1FF90] =	vst v0;
	v48 =	vld.idx.msk [tilespmem:v35+s3+$0x0], $0xffff;
	v0 =	vnsel vm10, $0x0, v60;
	v62 =	vadd.f32 v40, v34;
	vm10 =	vne.s32 v41, $0xFFFFFFFF  }
0x189: {  	v63 =	vld.idx.msk [tilespmem:v58+s3+$0x0], $0xffff;
	v34 =	vsel vm6, v34, v55;
	v51 =	vadd.f32 v33, v55;
	v45 =	vnsel vm10, $0x0, v41  }
0x18a: {  	v41 =	vsel vm15, $0x1, v3;
	v46 =	vmax.f32 v62, $0.0e+00;
	v34 =	vadd.f32 v31, v34  }
0x18b: {  	v52 =	vadd.f32 v32, v55;
	v32 =	vsel vm13, $0x1, v47;
	v58 =	vshll.u32 v45, $0x3  }
0x18c: {  	v49 =	vld [tilespmem:s12+$0x9820];
	v45 =	vand.u32 $0x7F, v45;
	v31 =	vnsel vm11, $0x0, v46;
	v35 =	vmax.f32 v51, $0.0e+00  }
0x18d: {  	v57 =	vadd.f32 v48, v42;
	vm11 =	vne.s32 v43, $0xFFFFFFFF;
	v34 =	vmax.f32 v34, $0.0e+00  }
0x18e: {  	v54 =	vmax.f32 v52, $0.0e+00;
	v40 =	vadd.f32 v63, v53;
	v36 =	vnsel vm12, $0x0, v35  }
0x18f: {  	v61 =	vld [tilespmem:s12+$0x9830];
	v35 =	vsel vm12, $0x1, v47;
	v47 =	vand.u32 $0xFFFFFC00, v58;
	v43 =	vnsel vm11, $0x0, v43  }
0x190: {  	v46 =	vld [tilespmem:s12+$0x9800];
	v33 =	vnsel vm13, $0x0, v34;
	v34 =	vnsel vm14, $0x0, v54;
	v47 =	vadd.s32 v11, v47  }
0x191: {  	v48 =	vld [tilespmem:s12+$0x9810];
	v59 =	vshll.u32 v43, $0x3;
	v43 =	vand.u32 $0x7F, v43;
	vm14 =	vne.s32 v49, $0xFFFFFFFF  }
0x192: {  	v55 =	vmax.f32 v40, $0.0e+00;
	v40 =	vmax.f32 v57, $0.0e+00;
	v45 =	vor.u32 v45, v47  }
0x193: {  	v63 =	vld [tilespmem:s12+$0x9840];
	v47 =	vand.u32 $0xFFFFFC00, v59;
	v28 =	vnsel vm14, $0x0, v49;
	v37 =	vnsel vm7, $0x0, v55  }
0x194: {  	v40 =	vnsel vm15, $0x0, v40;
	v45 =	vor.u32 v10, v45;
	v47 =	vadd.s32 v11, v47  }
0x195: {  	v49 =	vshll.u32 v28, $0x3;
	vm15 =	vne.s32 v61, $0xFFFFFFFF;
	v53 =	vand.u32 $0x7F, v28  }
0x196: {  	vm12 =	vne.s32 v46, $0xFFFFFFFF;
	vm13 =	vne.s32 v48, $0xFFFFFFFF;
	v43 =	vor.u32 v43, v47  }
0x197: {  	v54 =	vand.u32 $0xFFFFFC00, v49;
	v55 =	vnsel vm15, $0x0, v61;
	v46 =	vnsel vm12, $0x0, v46  }
0x198: {  	v59 =	vld [tilespmem:s12+$0x9850];
	v48 =	vnsel vm13, $0x0, v48;
	v43 =	vor.u32 v10, v43;
	vm7 =	vne.s32 v63, $0xFFFFFFFF  }
0x199: {  	v44 =	vld.idx.msk [tilespmem:v50+s3+$0x0], $0xffff;
	v49 =	vand.u32 $0x7F, v55;
	v50 =	vshll.u32 v46, $0x3;
	v46 =	vand.u32 $0x7F, v46  }
0x19a: {  	v51 =	vshll.u32 v48, $0x3;
	v48 =	vand.u32 $0x7F, v48;
	v60 =	vand.u32 $0xFFFFFC00, v50  }
0x19b: {  	v58 =	vnsel vm7, $0x0, v63;
	v62 =	vand.u32 $0xFFFFFC00, v51;
	v47 =	vadd.s32 v11, v60  }
0x19c: {  	v50 =	vshll.u32 v55, $0x3;
	v46 =	vor.u32 v46, v47;
	v47 =	vadd.s32 v11, v62  }
0x19d: {  	v2 =	vld.idx.msk [tilespmem:v14+s31+$0x0], $0xffff;
	vm8 =	vne.s32 v59, $0xFFFFFFFF;
	v47 =	vor.u32 v48, v47;
	v48 =	vadd.s32 v11, v54  }
0x19e: {  	v52 =	vld.idx.msk [tilespmem:v16+s31+$0x0], $0xffff;
	v57 =	vand.u32 $0xFFFFFC00, v50;
	v16 =	vor.u32 v53, v48;
	v53 =	vshll.u32 v58, $0x3  }
0x19f: {  	v9 =	vld [tilespmem:$0x1FF90];
	v62 =	vand.u32 $0x7F, v58;
	v48 =	vadd.s32 v11, v57;
	v61 =	vand.u32 $0xFFFFFC00, v53  }
0x1a0: {  	[tilespmem:$0x1FFA0] =	vst v0;
	v0 =	vld [tilespmem:$0x1FFE0];
	v47 =	vor.u32 v10, v47;
	v60 =	vor.u32 v49, v48;
	v48 =	vadd.s32 v11, v61  }
0x1a1: {  	v55 =	vld.idx.msk [tilespmem:v15+s31+$0x0], $0xffff;
	v28 =	vnsel vm8, $0x0, v59;
	v54 =	vor.u32 v10, v16;
	v16 =	vor.u32 v62, v48  }
0x1a2: {  	v4 =	vadd.s32 v23, v4;
	v45 =	vld.idx.msk [tilespmem:v45+s3+$0x0], $0xffff;
	v58 =	vshll.u32 v28, $0x3;
	v63 =	vor.u32 v10, v16  }
0x1a3: {  	v6 =	vadd.s32 v17, v6;
	v43 =	vld.idx.msk [tilespmem:v43+s3+$0x0], $0xffff;
	v49 =	vor.u32 v10, v60;
	v60 =	vand.u32 $0xFFFFFC00, v58  }
0x1a4: {  	v44 =	vadd.f32 v44, v42;
	v46 =	vor.u32 v10, v46;
	v62 =	vadd.s32 v11, v60;
	v60 =	vld [tilespmem:s12+$0x9860]  }
0x1a5: {  	v9 =	vadd.f32 v22, v9;
	v12 =	vadd.f32 v29, v12;
	v6 =	vadd.s32 v38, v6;
	v47 =	vld.idx.msk [tilespmem:v47+s3+$0x0], $0xffff  }
0x1a6: {  	v44 =	vmax.f32 v44, $0.0e+00;
	v42 =	vsel vm0, v42, v52;
	v61 =	vand.u32 $0x7F, v28;
	v57 =	vld.idx.msk [tilespmem:v54+s3+$0x0], $0xffff  }
0x1a7: {  	vm0 =	vnez.u8 v0;
	v14 =	vsel vm12, $0x1, v3;
	v51 =	vld.idx.msk [tilespmem:v63+s3+$0x0], $0xffff;
	v63 =	vor.u32 v61, v62  }
0x1a8: {  	v15 =	vnsel vm9, $0x0, v44;
	v42 =	vadd.f32 v45, v42;
	v49 =	vld.idx.msk [tilespmem:v49+s3+$0x0], $0xffff;
	v28 =	vor.u32 v10, v63  }
0x1a9: {  	v50 =	vsel vm14, $0x1, v3;
	v45 =	vsel vm11, $0x1, v3;
	v46 =	vld.idx.msk [tilespmem:v46+s3+$0x0], $0xffff;
	v43 =	vadd.f32 v43, v52  }
0x1aa: {  	s14 =	sand.u32 $0x7, s2;
	v48 =	vsel vm13, $0x1, v3;
	v16 =	vsel vm9, $0x1, v3;
	v42 =	vmax.f32 v42, $0.0e+00  }
0x1ab: {  	s13 =	sshll.u32 s14, $0x7;
	v42 =	vnsel vm10, $0x0, v42;
	v59 =	vmax.f32 v43, $0.0e+00;
	v47 =	vadd.f32 v47, v52  }
0x1ac: {  	v43 =	vsel vm10, $0x1, v3;
	v44 =	vnsel vm11, $0x0, v59;
	v61 =	vadd.f32 v57, v55;
	v57 =	vld [tilespmem:s12+$0x9870];
	s12 =	sadd.s32 s13, s9  }
0x1ad: {  	vm9 =	vne.s32 v60, $0xFFFFFFFF;
	v47 =	vmax.f32 v47, $0.0e+00;
	v62 =	vadd.f32 v49, v55;
	s13 =	sor.u32 $0x1C00, s12;
	v59 =	vld.idx.msk [tilespmem:v28+s3+$0x0], $0xffff  }
0x1ae: {  	v46 =	vadd.f32 v46, v52;
	v47 =	vnsel vm13, $0x0, v47;
	v28 =	vnsel vm9, $0x0, v60;
	v60 =	vld [tilespmem:s13+$0x8000]  }
0x1af: {  	v63 =	vmax.f32 v61, $0.0e+00;
	v54 =	vmax.f32 v62, $0.0e+00;
	v58 =	vadd.f32 v51, v55  }
0x1b0: {  	v55 =	vsel vm0, v55, v2;
	v51 =	vnsel vm15, $0x0, v54;
	v61 =	vshll.u32 v28, $0x3  }
0x1b1: {  	v54 =	vmax.f32 v58, $0.0e+00;
	vm10 =	vne.s32 v57, $0xFFFFFFFF;
	v61 =	vand.u32 $0xFFFFFC00, v61  }
0x1b2: {  	s14 =	sor.u32 $0x1C20, s12;
	v58 =	vand.u32 $0x7F, v28;
	v57 =	vnsel vm10, $0x0, v57;
	v61 =	vadd.s32 v11, v61  }
0x1b3: {  	v28 =	vshll.u32 v57, $0x3;
	v58 =	vor.u32 v58, v61;
	v61 =	vld [tilespmem:s14+$0x8000];
	vm11 =	vne.s32 v60, $0xFFFFFFFF  }
0x1b4: {  	s15 =	sor.u32 $0x1C10, s12;
	v55 =	vadd.f32 v59, v55;
	v59 =	vand.u32 $0xFFFFFC00, v28;
	v60 =	vnsel vm11, $0x0, v60  }
0x1b5: {  	v62 =	vld [tilespmem:s15+$0x8000];
	v57 =	vand.u32 $0x7F, v57;
	v59 =	vadd.s32 v11, v59;
	v28 =	vshll.u32 v60, $0x3  }
0x1b6: {  	v49 =	vnsel vm14, $0x0, v63;
	v57 =	vor.u32 v57, v59;
	v59 =	vand.u32 $0xFFFFFC00, v28  }
0x1b7: {  	s15 =	sor.u32 $0x1C30, s12;
	v58 =	vor.u32 v10, v58;
	v60 =	vand.u32 $0x7F, v60;
	v59 =	vadd.s32 v11, v59  }
0x1b8: {  	v63 =	vld [tilespmem:s15+$0x8000];
	v57 =	vor.u32 v10, v57;
	vm13 =	vne.s32 v61, $0xFFFFFFFF;
	v59 =	vor.u32 v60, v59  }
0x1b9: {  	v46 =	vmax.f32 v46, $0.0e+00;
	v28 =	vnsel vm13, $0x0, v61;
	v59 =	vor.u32 v10, v59  }
0x1ba: {  	v13 =	vld.idx.msk [tilespmem:v13+s31+$0x0], $0xffff;
	v46 =	vnsel vm12, $0x0, v46;
	vm12 =	vne.s32 v62, $0xFFFFFFFF;
	s14 =	sor.u32 $0x1C40, s12;
	v0 =	vshll.u32 v28, $0x3  }
0x1bb: {  	v53 =	vnsel vm7, $0x0, v54;
	v62 =	vnsel vm12, $0x0, v62;
	v61 =	vld [tilespmem:s14+$0x8000];
	v0 =	vand.u32 $0xFFFFFC00, v0  }
0x1bc: {  	v1 =	vshll.u32 v62, $0x3;
	v58 =	vld.idx.msk [tilespmem:v58+s3+$0x0], $0xffff;
	v60 =	vand.u32 $0x7F, v28;
	v0 =	vadd.s32 v11, v0  }
0x1bd: {  	vm14 =	vne.s32 v63, $0xFFFFFFFF;
	v1 =	vand.u32 $0xFFFFFC00, v1;
	v57 =	vld.idx.msk [tilespmem:v57+s3+$0x0], $0xffff;
	v0 =	vor.u32 v60, v0  }
0x1be: {  	v62 =	vand.u32 $0x7F, v62;
	v1 =	vadd.s32 v11, v1;
	v0 =	vor.u32 v10, v0;
	v59 =	vld.idx.msk [tilespmem:v59+s3+$0x0], $0xffff  }
0x1bf: {  	v54 =	vsel vm7, $0x1, v3;
	v1 =	vor.u32 v62, v1;
	v62 =	vnsel vm14, $0x0, v63  }
0x1c0: {  	v1 =	vor.u32 v10, v1;
	v28 =	vshll.u32 v62, $0x3;
	v62 =	vand.u32 $0x7F, v62  }
0x1c1: {  	v5 =	vld [tilespmem:$0x1FF40];
	v60 =	vand.u32 $0xFFFFFC00, v28;
	vm7 =	vne.s32 v61, $0xFFFFFFFF;
	v58 =	vadd.f32 v58, v2  }
0x1c2: {  	v61 =	vnsel vm7, $0x0, v61;
	v57 =	vadd.f32 v57, v2;
	v2 =	vsel vm1, v2, v13  }
0x1c3: {  	v60 =	vadd.s32 v11, v60;
	v28 =	vshll.u32 v61, $0x3;
	v0 =	vld.idx.msk [tilespmem:v0+s3+$0x0], $0xffff;
	v2 =	vadd.f32 v59, v2  }
0x1c4: {  	v60 =	vor.u32 v62, v60;
	v61 =	vand.u32 $0x7F, v61;
	v62 =	vand.u32 $0xFFFFFC00, v28  }
0x1c5: {  	v60 =	vor.u32 v10, v60;
	v62 =	vadd.s32 v11, v62;
	v2 =	vmax.f32 v2, $0.0e+00  }
0x1c6: {  	v19 =	vadd.s32 v30, v19;
	s15 =	sor.u32 $0x1C50, s12;
	v61 =	vor.u32 v61, v62;
	v7 =	vnsel vm11, $0x0, v2;
	v2 =	vld [tilespmem:$0x1FF50]  }
0x1c7: {  	v4 =	vadd.s32 v32, v4;
	v9 =	vadd.f32 v33, v9;
	v63 =	vld [tilespmem:s15+$0x8000];
	v61 =	vor.u32 v10, v61  }
0x1c8: {  	v19 =	vadd.s32 v39, v19;
	v4 =	vadd.s32 v41, v4;
	v1 =	vld.idx.msk [tilespmem:v1+s3+$0x0], $0xffff;
	v0 =	vadd.f32 v0, v13  }
0x1c9: {  	v12 =	vadd.f32 v36, v12;
	v9 =	vadd.f32 v40, v9;
	v4 =	vadd.s32 v14, v4;
	v59 =	vld.idx.msk [tilespmem:v5+s31+$0x0], $0xffff  }
0x1ca: {  	v6 =	vadd.s32 v43, v6;
	v27 =	vmax.f32 v57, $0.0e+00;
	v57 =	vld.idx.msk [tilespmem:v60+s3+$0x0], $0xffff;
	v0 =	vmax.f32 v0, $0.0e+00  }
0x1cb: {  	v9 =	vadd.f32 v46, v9;
	v25 =	vadd.s32 v25, v2;
	v2 =	vnsel vm13, $0x0, v0;
	v0 =	vld [tilespmem:$0x1FF60]  }
0x1cc: {  	v43 =	vadd.s32 v45, v19;
	v6 =	vadd.s32 v50, v6;
	v52 =	vsel vm15, $0x1, v3;
	v60 =	vld.idx.msk [tilespmem:v61+s3+$0x0], $0xffff  }
0x1cd: {  	v52 =	vadd.s32 v52, v43;
	v9 =	vadd.f32 v53, v9;
	vm15 =	vne.s32 v63, $0xFFFFFFFF  }
0x1ce: {  	s12 =	sor.u32 $0x1C58, s12;
	v26 =	vsel vm12, $0x1, v3;
	v55 =	vmax.f32 v55, $0.0e+00;
	v63 =	vnsel vm15, $0x0, v63  }
0x1cf: {  	v24 =	vld [tilespmem:s12+$0x8000];
	v23 =	vsel vm15, $0x1, v3;
	v28 =	vshll.u32 v63, $0x3;
	v63 =	vand.u32 $0x7F, v63  }
0x1d0: {  	v62 =	vand.u32 $0xFFFFFC00, v28;
	v28 =	vsel vm9, $0x1, v3;
	v20 =	vadd.f32 v20, v0;
	v0 =	vld [tilespmem:$0x1FF70]  }
0x1d1: {  	v1 =	vadd.f32 v1, v13;
	v62 =	vadd.s32 v11, v62;
	v60 =	vadd.f32 v60, v59  }
0x1d2: {  	v8 =	vnsel vm10, $0x0, v27;
	v27 =	vsel vm11, $0x1, v3;
	v62 =	vor.u32 v63, v62  }
0x1d3: {  	v63 =	vsel vm8, $0x1, v3;
	v1 =	vmax.f32 v1, $0.0e+00;
	v60 =	vmax.f32 v60, $0.0e+00  }
0x1d4: {  	v62 =	vor.u32 v10, v62;
	v5 =	vnsel vm12, $0x0, v1;
	v60 =	vnsel vm7, $0x0, v60  }
0x1d5: {  	v21 =	vadd.f32 v21, v0;
	v0 =	vsel vm7, $0x1, v3;
	vm7 =	vne.s32 v24, $0xFFFFFFFF  }
0x1d6: {  	v1 =	vsel vm14, $0x1, v3;
	v61 =	vsel vm10, $0x1, v3;
	vm7 =	vmand vm7, vm3  }
0x1d7: {  	v13 =	vsel vm2, v13, v59;
	v29 =	vadd.f32 v31, v21;
	v31 =	vnsel vm7, $0x0, v24  }
0x1d8: {  	v13 =	vadd.f32 v57, v13;
	v57 =	vsel vm13, $0x1, v3;
	v3 =	vld [tilespmem:$0x1FFA0];
	v24 =	vshll.u32 v31, $0x3  }
0x1d9: {  	v4 =	vadd.s32 v54, v4;
	v55 =	vnsel vm8, $0x0, v55;
	v24 =	vand.u32 $0xFFFFFC00, v24  }
0x1da: {  	v58 =	vmax.f32 v58, $0.0e+00;
	v62 =	vld.idx.msk [tilespmem:v62+s3+$0x0], $0xffff;
	v21 =	vand.u32 $0x7F, v31;
	v11 =	vadd.s32 v11, v24  }
0x1db: {  	v58 =	vnsel vm9, $0x0, v58;
	v6 =	vadd.s32 v28, v6;
	v11 =	vor.u32 v21, v11  }
0x1dc: {  	v4 =	vadd.s32 v27, v4;
	v7 =	vadd.f32 v7, v9;
	v10 =	vor.u32 v10, v11  }
0x1dd: {  	vm10 =	vmmov vm3;
	v13 =	vmax.f32 v13, $0.0e+00;
	v20 =	vadd.f32 v3, v20  }
0x1de: {  	v61 =	vadd.s32 v61, v52;
	v13 =	vnsel vm14, $0x0, v13;
	v18 =	vadd.s32 v18, v25  }
0x1df: {  	v18 =	vadd.s32 v35, v18;
	v62 =	vadd.f32 v62, v59;
	v20 =	vadd.f32 v34, v20  }
0x1e0: {  	v40 =	vadd.s32 v16, v18;
	v9 =	vadd.f32 v60, v7;
	v17 =	vadd.f32 v37, v29  }
0x1e1: {  	v62 =	vmax.f32 v62, $0.0e+00;
	v11 =	vadd.f32 v15, v12;
	v41 =	vadd.f32 v42, v20;
	v10 =	vld.idx.msk [tilespmem:v10+s3+$0x0], $0xffff  }
0x1e2: {  	v22 =	vnsel vm15, $0x0, v62;
	vm15 =	vmmov vm4;
	v42 =	vadd.f32 v44, v17  }
0x1e3: {  	v12 =	vadd.s32 v48, v40;
	v11 =	vadd.f32 v47, v11;
	v49 =	vadd.f32 v49, v41  }
0x1e4: {  	v7 =	vadd.s32 v0, v4;
	v12 =	vadd.s32 v63, v12;
	v51 =	vadd.f32 v51, v42  }
0x1e5: {  	p0 =	sne.s32 s8, $0x13F;
	v63 =	vadd.s32 v57, v6;
	v11 =	vadd.f32 v55, v11;
	v14 =	vadd.f32 v58, v49  }
.Ltmp3:
0x1e6: {  	v47 =	vimm.s32 $0x0;
	v8 =	vadd.f32 v8, v51;
	v10 =	vadd.f32 v10, v59;
	(pc) =	sbr.rel @p0 .LBB2_5-.Ltmp3, $4  }
0x1e7: {  	v5 =	vadd.f32 v5, v11;
	v11 =	vadd.s32 v26, v12;
	v62 =	vadd.f32 v2, v14  }
0x1e8: {  	v3 =	vadd.f32 v13, v8;
	v2 =	vadd.s32 v1, v61;
	v0 =	vmax.f32 v10, $0.0e+00  }
0x1e9: {  	s11 =	sadd.s32 $0x1, s11;
	s10 =	sadd.s32 $0x80, s10;
	v8 =	vadd.f32 v22, v5;
	v1 =	vsel vm7, $0x1, v47;
	v0 =	vnsel vm7, $0x0, v0  }
0x1ea: {  	s2 =	sadd.s32 $0x1, s2;
	s8 =	sadd.s32 $0x14, s8;
	s9 =	sadd.s32 $0x400, s9;
	v5 =	vadd.s32 v23, v11;
	v4 =	vadd.s32 v1, v63;
	v6 =	vadd.f32 v0, v62  }
0x1eb: {  	p0 =	seq.s32 s22, $0x3  }
0x1ec: {  	s2 =	sshll.u32 @!p0 s22, $0x5  }
0x1ed: {  	s8 =	sadd.s32 @!p0 s2, s16  }
0x1ee: {  	s9 =	sshll.u32 @!p0 s8, $0x7  }
0x1ef: {  	s10 =	simm.s32 @!p0 $0x0;
	s2 =	sadd.s32 @!p0 s4, s9  }
0x1f0: {  	[tilespmem:s10], [sflag:$0x1] =	stream.linear.gather @!p0 [hbm4b:s2+s10], $0x4000, $0x38;
	[tilespmem:$0x12280] =	vst v63  }
0x1f1: {  	s2 =	simm.s32 $0x0  }
0x1f2: {  	v0 =	vor.u32 s2, v56  }
0x1f3: {  	s13 =	simm.s32 $0x10;
	s14 =	simm.s32 $0x20;
	v1 =	vmulhi.u32 $0xCCCCCCCD, v0  }
0x1f4: {  	s11 =	simm.s32 @!p0 $0x8000;
	s8 =	sshll.u32 @!p0 s8, $0x4;
	s9 =	sadd.s32 @!p0 s5, s9  }
0x1f5: {  	[tilespmem:s11], [sflag:$0x1] =	stream.linear.gather @!p0 [hbm4b:s9+s10], $0x4000, $0x38;
	v1 =	vshrl.u32 v1, $0x4;
	[tilespmem:$0x12280] =	vst v63  }
0x1f6: {  	v10 =	vor.u32 s13, v56;
	v11 =	vor.u32 s14, v56;
	s12 =	simm.s32 @!p0 $0x10000;
	s11 =	sadd.s32 @!p0 s6, s8;
	v14 =	vmul.u32 $0xFFFFFFEC, v1  }
0x1f7: {  	v12 =	vmulhi.u32 $0xCCCCCCCD, v10;
	v16 =	vmov s2;
	v17 =	vsub.s32 $0x0, v0;
	[tilespmem:s12], [sflag:$0x1] =	stream.linear.gather @!p0 [hbm4b:s11+s10], $0x800, $0x38;
	[tilespmem:$0x12280] =	vst v63  }
0x1f8: {  	s15 =	simm.s32 $0x30;
	v15 =	vmulhi.u32 $0xCCCCCCCD, v11;
	s8 =	sadd.s32 @!p0 s7, s8;
	s9 =	simm.s32 @!p0 $0x11000;
	vm7 =	veq.s32 v16, v56;
	vm8 =	vne.s32 v14, v17  }
0x1f9: {  	v13 =	vor.u32 s15, v56;
	[tilespmem:s9], [sflag:$0x1] =	stream.linear.gather @!p0 [hbm4b:s8+s10], $0x800, $0x38;
	v14 =	vshrl.u32 v12, $0x4;
	vm7 =	vmand vm7, vm8;
	[tilespmem:$0x12280] =	vst v63  }
0x1fa: {  	v16 =	vshrl.u32 v15, $0x4;
	_ =	swait.ge [sflag:s0], $0x4000;
	v19 =	vmul.u32 $0xFFFFFFEC, v14;
	v20 =	vsel vm7, $0xFFFFFFFF, v47  }
0x1fb: {  	v18 =	vmulhi.u32 $0xCCCCCCCD, v13;
	v21 =	vmul.u32 $0xFFFFFFEC, v16;
	[sflag:s0] =	ssyncset.done $0x0;
	v1 =	vadd.s32 v20, v1  }
0x1fc: {  	[sflag:s0] =	ssyncadd.s32 $0xFFFFC000;
	v10 =	vadd.s32 v10, v19;
	v19 =	vmul.u32 $0xFFFFFFEC, v1  }
0x1fd: {  	v16 =	vshll.u32 v16, $0x7;
	v11 =	vadd.s32 v11, v21;
	v17 =	vshrl.u32 v18, $0x4;
	_ =	swait.ge [sflag:s0], $0x4000  }
0x1fe: {  	v21 =	vand.u32 $0xFFFFFF80, v11;
	v22 =	vmul.u32 $0xFFFFFFEC, v17;
	[sflag:s0] =	ssyncset.done $0x0;
	v0 =	vadd.s32 v0, v19  }
0x1ff: {  	v14 =	vshll.u32 v14, $0x7;
	v23 =	vshll.u32 v1, $0x7;
	[sflag:s0] =	ssyncadd.s32 $0xFFFFC000;
	v19 =	vand.u32 $0xFFFFFF80, v0  }
0x200: {  	v17 =	vshll.u32 v17, $0x7;
	_ =	swait.ge [sflag:s0], $0x800;
	v0 =	vand.u32 $0x7F, v0;
	v19 =	vadd.s32 v23, v19  }
0x201: {  	v13 =	vadd.s32 v13, v22;
	v20 =	vand.u32 $0xFFFFFF80, v10;
	[sflag:s0] =	ssyncset.done $0x0;
	v0 =	vor.u32 v0, v19  }
0x202: {  	v22 =	vand.u32 $0xFFFFFF80, v13;
	v10 =	vand.u32 $0x7F, v10;
	v20 =	vadd.s32 v14, v20;
	[sflag:s0] =	ssyncadd.s32 $0xFFFFF800  }
0x203: {  	v13 =	vand.u32 $0x7F, v13;
	v10 =	vor.u32 v10, v20;
	v20 =	vadd.s32 v17, v22;
	_ =	swait.ge [sflag:s0], $0x800  }
0x204: {  	v11 =	vand.u32 $0x7F, v11;
	v13 =	vor.u32 v13, v20;
	v19 =	vadd.s32 v16, v21;
	[sflag:s0] =	ssyncset.done $0x0  }
0x205: {  	v11 =	vor.u32 v11, v19;
	[sflag:s0] =	ssyncadd.s32 $0xFFFFF800  }
0x206: {  	s15 =	simm.s32 $0x70;
	v19 =	vld.idx.msk [tilespmem:v0+s28+$0x0], $0xffff  }
0x207: {  	v27 =	vor.u32 s15, v56  }
0x208: {  	v33 =	vmulhi.u32 $0xCCCCCCCD, v27;
	v15 =	vshll.u32 v15, $0x6;
	v20 =	vld.idx.msk [tilespmem:v10+s28+$0x0], $0xffff  }
0x209: {  	v15 =	vand.u32 $0x7FFFE000, v15;
	v25 =	vand.u32 $0x380, v16;
	s12 =	simm.s32 $0x40;
	v12 =	vshll.u32 v12, $0x6;
	v22 =	vld.idx.msk [tilespmem:v13+s28+$0x0], $0xffff  }
0x20a: {  	v34 =	vmov s12;
	v18 =	vshll.u32 v18, $0x6;
	v12 =	vand.u32 $0x7FFFE000, v12;
	v21 =	vld.idx.msk [tilespmem:v11+s28+$0x0], $0xffff  }
0x20b: {  	v18 =	vand.u32 $0x7FFFE000, v18;
	v24 =	vand.u32 $0x380, v14;
	vm7 =	veq.s32 v19, $0xFFFFFFFF  }
0x20c: {  	s13 =	simm.s32 $0x50;
	v26 =	vand.u32 $0x380, v17;
	v1 =	vshll.u32 v1, $0xA;
	v14 =	vsel vm7, $0x0, v19  }
0x20d: {  	v1 =	vand.u32 $0xFFFFE000, v1;
	v17 =	vor.u32 s13, v56;
	v16 =	vshll.u32 v14, $0x3  }
0x20e: {  	v0 =	vld.idx.msk [tilespmem:v0+s29+$0x0], $0xffff;
	vm9 =	veq.s32 v22, $0xFFFFFFFF;
	vm7 =	veq.s32 v20, $0xFFFFFFFF;
	v16 =	vand.u32 $0xFFFFFC00, v16  }
0x20f: {  	vm8 =	veq.s32 v21, $0xFFFFFFFF;
	v1 =	vadd.s32 v1, v16;
	v16 =	vand.u32 $0x380, v23  }
0x210: {  	v14 =	vand.u32 $0x7F, v14;
	v1 =	vor.u32 v16, v1;
	v16 =	vor.u32 s12, v56  }
0x211: {  	s14 =	simm.s32 $0x60;
	v19 =	vsel vm7, $0x0, v20;
	v1 =	vor.u32 v14, v1;
	v14 =	vmulhi.u32 $0xCCCCCCCD, v16  }
0x212: {  	v20 =	vsel vm8, $0x0, v21;
	v21 =	vsel vm9, $0x0, v22;
	v22 =	vor.u32 s14, v56  }
0x213: {  	vm7 =	veq.s32 v34, v56;
	v28 =	vshll.u32 v19, $0x3;
	v14 =	vshrl.u32 v14, $0x4  }
0x214: {  	v29 =	vmulhi.u32 $0xCCCCCCCD, v22;
	v30 =	vshll.u32 v20, $0x3;
	v31 =	vmul.u32 $0xFFFFFFEC, v14  }
0x215: {  	v19 =	vand.u32 $0x7F, v19;
	v23 =	vmulhi.u32 $0xCCCCCCCD, v17;
	v35 =	vsub.s32 $0x0, v16  }
0x216: {  	v0 =	vld.idx.msk [tilespmem:v0+s20+$0x0], $0xffff;
	v20 =	vand.u32 $0x7F, v20;
	v36 =	vshrl.u32 v29, $0x4;
	vm8 =	vne.s32 v31, v35  }
0x217: {  	v32 =	vshrl.u32 v23, $0x4;
	v59 =	vmul.u32 $0xFFFFFFEC, v36;
	v1 =	vld.idx.msk [tilespmem:v1+s25+$0x0], $0xffff;
	vm7 =	vmand vm7, vm8  }
0x218: {  	v58 =	vmul.u32 $0xFFFFFFEC, v32;
	v31 =	vshrl.u32 v33, $0x4;
	v37 =	vsel vm7, $0xFFFFFFFF, v47  }
0x219: {  	v32 =	vshll.u32 v32, $0x7;
	v38 =	vmul.u32 $0xFFFFFFEC, v31;
	v37 =	vadd.s32 v37, v14  }
0x21a: {  	v10 =	vld.idx.msk [tilespmem:v10+s29+$0x0], $0xffff;
	v14 =	vadd.s32 v17, v58;
	v17 =	vadd.s32 v22, v59;
	v22 =	vmul.u32 $0xFFFFFFEC, v37  }
0x21b: {  	v11 =	vld.idx.msk [tilespmem:v11+s29+$0x0], $0xffff;
	v31 =	vshll.u32 v31, $0x7;
	v27 =	vadd.s32 v27, v38;
	v34 =	vand.u32 $0xFFFFFF80, v14  }
0x21c: {  	v35 =	vand.u32 $0xFFFFFF80, v17;
	v0 =	vsub.f32 v0, v1;
	v1 =	vadd.s32 v16, v22  }
0x21d: {  	v38 =	vand.u32 $0xFFFFFF80, v27;
	v60 =	vshll.u32 v37, $0x7;
	v16 =	vand.u32 $0xFFFFFF80, v1  }
0x21e: {  	v14 =	vand.u32 $0x7F, v14;
	v1 =	vand.u32 $0x7F, v1;
	v16 =	vadd.s32 v60, v16  }
0x21f: {  	v34 =	vadd.s32 v32, v34;
	v22 =	vshll.u32 v36, $0x7;
	v1 =	vor.u32 v1, v16  }
0x220: {  	v61 =	vld.idx.msk [tilespmem:v13+s29+$0x0], $0xffff;
	v13 =	vand.u32 $0x7F, v17;
	v34 =	vor.u32 v14, v34;
	v35 =	vadd.s32 v22, v35  }
0x221: {  	v14 =	vand.u32 $0x7F, v27;
	v35 =	vor.u32 v13, v35;
	v16 =	vadd.s32 v31, v38  }
0x222: {  	v10 =	vld.idx.msk [tilespmem:v10+s20+$0x0], $0xffff;
	v17 =	vshll.u32 v33, $0x6;
	v27 =	vand.u32 $0xFFFFFC00, v30;
	v39 =	vor.u32 v14, v16  }
0x223: {  	v11 =	vld.idx.msk [tilespmem:v11+s20+$0x0], $0xffff;
	v13 =	vshll.u32 v21, $0x3;
	v21 =	vand.u32 $0x7F, v21;
	v14 =	vshll.u32 v23, $0x6  }
0x224: {  	v16 =	vshll.u32 v29, $0x6;
	v23 =	vand.u32 $0xFFFFFC00, v28;
	v28 =	vand.u32 $0xFFFFFC00, v13;
	v30 =	vld.idx.msk [tilespmem:v1+s28+$0x0], $0xffff  }
0x225: {  	v14 =	vand.u32 $0x7FFFE000, v14;
	v13 =	vand.u32 $0x7FFFE000, v16;
	v16 =	vand.u32 $0x7FFFE000, v17;
	v62 =	vld.idx.msk [tilespmem:v34+s28+$0x0], $0xffff  }
0x226: {  	v12 =	vadd.s32 v12, v23;
	v23 =	vadd.s32 v15, v27;
	v28 =	vadd.s32 v18, v28;
	v63 =	vld.idx.msk [tilespmem:v35+s28+$0x0], $0xffff  }
0x227: {  	v15 =	vand.u32 $0x380, v32;
	v18 =	vand.u32 $0x380, v22;
	v22 =	vor.u32 v24, v12;
	v27 =	vld.idx.msk [tilespmem:v39+s28+$0x0], $0xffff  }
0x228: {  	v17 =	vand.u32 $0x380, v31;
	v23 =	vor.u32 v25, v23;
	v24 =	vld.idx.msk [tilespmem:v34+s29+$0x0], $0xffff;
	v19 =	vor.u32 v19, v22  }
0x229: {  	v26 =	vor.u32 v26, v28;
	v20 =	vor.u32 v20, v23;
	v25 =	vld.idx.msk [tilespmem:v35+s29+$0x0], $0xffff;
	vm7 =	veq.s32 v30, $0xFFFFFFFF  }
0x22a: {  	v29 =	vor.u32 v21, v26;
	v21 =	vshll.u32 v37, $0xA;
	v26 =	vld.idx.msk [tilespmem:v39+s29+$0x0], $0xffff;
	v22 =	vsel vm7, $0x0, v30  }
0x22b: {  	v28 =	vld.idx.msk [tilespmem:v1+s29+$0x0], $0xffff;
	v1 =	vand.u32 $0xFFFFE000, v21;
	vm8 =	veq.s32 v62, $0xFFFFFFFF;
	v23 =	vshll.u32 v22, $0x3  }
0x22c: {  	v12 =	vld.idx.msk [tilespmem:v61+s20+$0x0], $0xffff;
	vm9 =	veq.s32 v63, $0xFFFFFFFF;
	vm7 =	veq.s32 v27, $0xFFFFFFFF;
	v21 =	vand.u32 $0xFFFFFC00, v23  }
0x22d: {  	s8 =	simm.s32 $0x12020;
	v19 =	vld.idx.msk [tilespmem:v19+s25+$0x0], $0xffff;
	v30 =	vand.u32 $0x380, v60;
	v23 =	vand.u32 $0x7F, v22;
	v1 =	vadd.s32 v1, v21  }
0x22e: {  	s11 =	simm.s32 $0x80;
	s10 =	simm.s32 $0x4;
	s9 =	simm.s32 $0x12020;
	[tilespmem:s8+$0xFFFFFFE0] =	vst v0;
	v20 =	vld.idx.msk [tilespmem:v20+s25+$0x0], $0xffff;
	v22 =	vsel vm9, $0x0, v63;
	v21 =	vsel vm8, $0x0, v62;
	v30 =	vor.u32 v30, v1  }
.LBB2_7:
0x22f: {  	v0 =	vor.u32 s11, v56;
	s12 =	sadd.s32 $0x10, s11;
	s13 =	sadd.s32 $0x20, s11;
	s10 =	sadd.s32 $0x4, s10;
	v1 =	vor.u32 v23, v30;
	v30 =	vsel vm7, $0x0, v27;
	v23 =	vld.idx.msk [tilespmem:v29+s25+$0x0], $0xffff  }
0x230: {  	v27 =	vmulhi.u32 $0xCCCCCCCD, v0;
	v29 =	vor.u32 s12, v56;
	v31 =	vor.u32 s13, v56;
	s12 =	sadd.s32 $0x30, s11;
	p1 =	slt.u32 s10, $0x10;
	v32 =	vld.idx.msk [tilespmem:v24+s20+$0x0], $0xffff  }
0x231: {  	v34 =	vshll.u32 v21, $0x3;
	v24 =	vmulhi.u32 $0xCCCCCCCD, v29;
	v33 =	vor.u32 s12, v56;
	v35 =	vld.idx.msk [tilespmem:v25+s20+$0x0], $0xffff  }
0x232: {  	v36 =	vshll.u32 v22, $0x3;
	v25 =	vshrl.u32 v27, $0x4;
	v27 =	vmulhi.u32 $0xCCCCCCCD, v31;
	v37 =	vld.idx.msk [tilespmem:v26+s20+$0x0], $0xffff  }
0x233: {  	v39 =	vmulhi.u32 $0xCCCCCCCD, v33;
	v26 =	vmul.u32 $0xFFFFFFEC, v25;
	v38 =	vshrl.u32 v24, $0x4;
	v28 =	vld.idx.msk [tilespmem:v28+s20+$0x0], $0xffff  }
0x234: {  	v40 =	vmov s11;
	v41 =	vsub.s32 $0x0, v0;
	v42 =	vshrl.u32 v27, $0x4;
	v1 =	vld.idx.msk [tilespmem:v1+s25+$0x0], $0xffff  }
0x235: {  	vm7 =	veq.s32 v40, v56;
	vm8 =	vne.s32 v26, v41;
	v26 =	vshrl.u32 v39, $0x4  }
0x236: {  	v40 =	vmul.u32 $0xFFFFFFEC, v38;
	v41 =	vmul.u32 $0xFFFFFFEC, v42;
	vm7 =	vmand vm7, vm8  }
0x237: {  	v38 =	vshll.u32 v38, $0x7;
	v44 =	vmul.u32 $0xFFFFFFEC, v26;
	v43 =	vsel vm7, $0xFFFFFFFF, v47  }
0x238: {  	v43 =	vadd.s32 v43, v25;
	v25 =	vadd.s32 v29, v40;
	v29 =	vadd.s32 v31, v41  }
0x239: {  	v33 =	vadd.s32 v33, v44;
	v31 =	vmul.u32 $0xFFFFFFEC, v43;
	v40 =	vand.u32 $0xFFFFFF80, v25  }
0x23a: {  	v41 =	vand.u32 $0xFFFFFF80, v29;
	v44 =	vand.u32 $0xFFFFFF80, v33;
	v1 =	vsub.f32 v28, v1  }
0x23b: {  	s8 =	sadd.s32 $0x40, s8;
	v26 =	vshll.u32 v26, $0x7;
	v28 =	vshll.u32 v42, $0x7;
	v0 =	vadd.s32 v0, v31  }
0x23c: {  	v42 =	vshll.u32 v43, $0x7;
	v40 =	vadd.s32 v38, v40;
	v31 =	vand.u32 $0xFFFFFF80, v0;
	[tilespmem:s8+$0xFFFFFFE0] =	vst v1  }
0x23d: {  	v0 =	vand.u32 $0x7F, v0;
	v1 =	vadd.s32 v42, v31;
	v31 =	vadd.s32 v28, v41  }
0x23e: {  	v0 =	vor.u32 v0, v1;
	v1 =	vand.u32 $0x7F, v25;
	v25 =	vadd.s32 v26, v44  }
0x23f: {  	v29 =	vand.u32 $0x7F, v29;
	v33 =	vand.u32 $0x7F, v33;
	v1 =	vor.u32 v1, v40  }
0x240: {  	v29 =	vor.u32 v29, v31;
	v31 =	vor.u32 v33, v25;
	v25 =	vshll.u32 v30, $0x3  }
0x241: {  	v24 =	vshll.u32 v24, $0x6;
	v27 =	vshll.u32 v27, $0x6;
	v33 =	vshll.u32 v39, $0x6  }
0x242: {  	v34 =	vand.u32 $0xFFFFFC00, v34;
	v36 =	vand.u32 $0xFFFFFC00, v36;
	v25 =	vand.u32 $0xFFFFFC00, v25  }
0x243: {  	v24 =	vand.u32 $0x7FFFE000, v24;
	v27 =	vand.u32 $0x7FFFE000, v27;
	v33 =	vand.u32 $0x7FFFE000, v33;
	v39 =	vld.idx.msk [tilespmem:v0+s28+$0x0], $0xffff  }
0x244: {  	v34 =	vadd.s32 v14, v34;
	v36 =	vadd.s32 v13, v36;
	v16 =	vadd.s32 v16, v25;
	v40 =	vld.idx.msk [tilespmem:v1+s28+$0x0], $0xffff  }
0x245: {  	v14 =	vmovc v24;
	v13 =	vmovc v27;
	v41 =	vand.u32 $0x380, v28;
	v44 =	vand.u32 $0x380, v26;
	v25 =	vand.u32 $0x380, v38;
	v38 =	vld.idx.msk [tilespmem:v29+s28+$0x0], $0xffff  }
0x246: {  	v18 =	vor.u32 v18, v36;
	v26 =	vor.u32 v15, v34;
	v17 =	vor.u32 v17, v16;
	v27 =	vld.idx.msk [tilespmem:v31+s28+$0x0], $0xffff  }
0x247: {  	v15 =	vmovc v25;
	v16 =	vmovc v33;
	v24 =	vld.idx.msk [tilespmem:v1+s29+$0x0], $0xffff;
	v1 =	vand.u32 $0x7F, v21;
	v21 =	vand.u32 $0x7F, v22;
	v22 =	vand.u32 $0x7F, v30  }
0x248: {  	v25 =	vld.idx.msk [tilespmem:v29+s29+$0x0], $0xffff;
	v1 =	vor.u32 v1, v26;
	v33 =	vor.u32 v21, v18;
	v29 =	vor.u32 v22, v17  }
0x249: {  	v30 =	vsub.f32 v10, v19;
	v19 =	vsub.f32 v11, v20;
	v10 =	vmovc v32;
	vm7 =	veq.s32 v39, $0xFFFFFFFF;
	v26 =	vld.idx.msk [tilespmem:v31+s29+$0x0], $0xffff  }
.Ltmp4:
0x24a: {  	v11 =	vmovc v35;
	v22 =	vsub.f32 v12, v23;
	v12 =	vmovc v37;
	v20 =	vsel vm7, $0x0, v39;
	vm8 =	veq.s32 v40, $0xFFFFFFFF;
	(pc) =	sbr.rel @p1 .LBB2_7-.Ltmp4, $4  }
0x24b: {  	v18 =	vmovc v41;
	v17 =	vmovc v44;
	v21 =	vshll.u32 v20, $0x3;
	vm9 =	veq.s32 v38, $0xFFFFFFFF;
	v28 =	vld.idx.msk [tilespmem:v0+s29+$0x0], $0xffff;
	v0 =	vshll.u32 v43, $0xA;
	[tilespmem:s9+$0xFFFFFFF0] =	vst v30  }
0x24c: {  	v21 =	vand.u32 $0xFFFFFC00, v21;
	vm7 =	veq.s32 v27, $0xFFFFFFFF;
	v0 =	vand.u32 $0xFFFFE000, v0;
	[tilespmem:s9+$0x0] =	vst v19  }
0x24d: {  	v30 =	vand.u32 $0x380, v42;
	v0 =	vadd.s32 v0, v21;
	v21 =	vsel vm8, $0x0, v40;
	v19 =	vld.idx.msk [tilespmem:v1+s25+$0x0], $0xffff;
	[tilespmem:s9+$0x10] =	vst v22;
	s9 =	smov.u32 s8  }
0x24e: {  	s11 =	sadd.s32 $0x40, s11;
	v23 =	vand.u32 $0x7F, v20;
	v22 =	vsel vm9, $0x0, v38;
	v30 =	vor.u32 v30, v0;
	v20 =	vld.idx.msk [tilespmem:v33+s25+$0x0], $0xffff  }
0x24f: {  	v0 =	vor.u32 v23, v30  }
0x250: {  	v1 =	vsel vm7, $0x0, v27;
	v51 =	vshll.u32 v21, $0x3;
	v52 =	vshll.u32 v22, $0x3  }
0x251: {  	v57 =	vand.u32 $0x7F, v21;
	v59 =	vand.u32 $0x7F, v22;
	v23 =	vand.u32 $0xFFFFFC00, v51  }
0x252: {  	v53 =	vshll.u32 v1, $0x3;
	v27 =	vand.u32 $0xFFFFFC00, v52;
	v14 =	vadd.s32 v14, v23  }
0x253: {  	v55 =	vld.idx.msk [tilespmem:v29+s25+$0x0], $0xffff;
	v54 =	vand.u32 $0xFFFFFC00, v53;
	v13 =	vadd.s32 v13, v27;
	v14 =	vor.u32 v15, v14  }
0x254: {  	v58 =	vld.idx.msk [tilespmem:v28+s20+$0x0], $0xffff;
	v16 =	vadd.s32 v16, v54;
	v13 =	vor.u32 v18, v13;
	v14 =	vor.u32 v57, v14  }
0x255: {  	v1 =	vand.u32 $0x7F, v1;
	v60 =	vor.u32 v17, v16;
	v13 =	vor.u32 v59, v13;
	v0 =	vld.idx.msk [tilespmem:v0+s25+$0x0], $0xffff  }
0x256: {  	v61 =	vld.idx.msk [tilespmem:v24+s20+$0x0], $0xffff;
	v1 =	vor.u32 v1, v60  }
0x257: {  	v62 =	vld.idx.msk [tilespmem:v25+s20+$0x0], $0xffff  }
0x258: {  	v63 =	vld.idx.msk [tilespmem:v26+s20+$0x0], $0xffff  }
0x259: {  	v14 =	vld.idx.msk [tilespmem:v14+s25+$0x0], $0xffff  }
0x25a: {  	v13 =	vld.idx.msk [tilespmem:v13+s25+$0x0], $0xffff;
	v0 =	vsub.f32 v58, v0  }
0x25b: {  	s10 =	sadd.s32 $0x40, s8;
	v10 =	vsub.f32 v10, v19;
	v1 =	vld.idx.msk [tilespmem:v1+s25+$0x0], $0xffff  }
0x25c: {  	[tilespmem:s10+$0xFFFFFFE0] =	vst v0;
	v0 =	vsub.f32 v11, v20  }
0x25d: {  	[tilespmem:s9+$0xFFFFFFF0] =	vst v10;
	v11 =	vsub.f32 v12, v55  }
0x25e: {  	[tilespmem:s9+$0x0] =	vst v0;
	v0 =	vsub.f32 v61, v14  }
0x25f: {  	[tilespmem:s9+$0x10] =	vst v11;
	v10 =	vsub.f32 v62, v13  }
0x260: {  	v1 =	vsub.f32 v63, v1;
	[tilespmem:s10+$0xFFFFFFF0] =	vst v0  }
0x261: {  	[tilespmem:s10+$0x0] =	vst v10  }
0x262: {  	[tilespmem:s10+$0x10] =	vst v1  }
0x263: {  	v0 =	vld [tilespmem:$0x1FFF0];
	_ =	sdelay $0x3  }
0x264: {  	s8 =	simm.s32 $0x13  }
0x265: {  	s11 =	simm.s32 $0x0;
	s9 =	simm.s32 $0x0;
	s10 =	simm.s32 $0x0;
	vm1 =	vnez.u8 v0  }
.LBB2_9:
0x266: {  	s12 =	sadd.s32 $0xFFFFFFED, s8  }
0x267: {  	s15 =	sadd.s32 $0xFFFFFFEE, s8;
	v1 =	vmov s11;
	s13 =	sadd.s32 $0xFFFFFFEF, s8;
	s14 =	sadd.s32 $0xFFFFFFF0, s8;
	v45 =	vmov s8;
	v0 =	vmov s12  }
0x268: {  	v10 =	vmov s15;
	v11 =	vmov s13;
	v28 =	vmov s14  }
0x269: {  	s13 =	sadd.s32 $0xFFFFFFF1, s8;
	v0 =	vand.u32 $0xFFFFFFFC, v0;
	v10 =	vand.u32 $0xFFFFFFFD, v10;
	v11 =	vand.u32 $0xFFFFFFFE, v11  }
0x26a: {  	s15 =	sadd.s32 $0xFFFFFFF2, s8;
	s14 =	sand.u32 $0x380, s10;
	v12 =	vmov s13;
	s13 =	sand.u32 $0x2000, s9;
	v0 =	vbroadcast v0, $0x0;
	v13 =	vbroadcast v10, $0x0  }
0x26b: {  	v29 =	vbroadcast v11, $0x0;
	v10 =	vmov s15;
	s15 =	sadd.s32 $0xFFFFFFF3, s8;
	s12 =	sor.u32 s14, s13;
	v11 =	vand.u32 $0xFFFFFFFC, v12  }
0x26c: {  	s14 =	sadd.s32 $0xFFFFFFF4, s8;
	v10 =	vand.u32 $0xFFFFFFFD, v10;
	v60 =	vmov s15;
	v14 =	vld [tilespmem:s12+$0xC000];
	v27 =	vbroadcast v11, $0x0  }
0x26d: {  	s15 =	sadd.s32 $0xFFFFFFF5, s8;
	v24 =	vmov s14;
	s14 =	sadd.s32 $0xFFFFFFF6, s8;
	v15 =	vld [tilespmem:s12+$0xC010];
	v26 =	vbroadcast v10, $0x0;
	v10 =	vand.u32 $0xFFFFFFFE, v60  }
0x26e: {  	v62 =	vld [tilespmem:s12+$0xC020];
	v11 =	vmov s14;
	s14 =	sadd.s32 $0xFFFFFFF8, s8;
	v25 =	vbroadcast v10, $0x0;
	v10 =	vmov s15;
	s15 =	sadd.s32 $0xFFFFFFF7, s8  }
0x26f: {  	v17 =	vld [tilespmem:s12+$0xC030];
	v20 =	vmov s14;
	s14 =	sadd.s32 $0xFFFFFFFA, s8;
	v10 =	vand.u32 $0xFFFFFFFC, v10;
	v61 =	vmov s15  }
0x270: {  	v50 =	vld [tilespmem:s12+$0xC060];
	s15 =	sadd.s32 $0xFFFFFFF9, s8;
	v31 =	vmov s14;
	v23 =	vbroadcast v10, $0x0;
	v10 =	vand.u32 $0xFFFFFFFD, v11  }
0x271: {  	v51 =	vld [tilespmem:s12+$0xC070];
	s14 =	sadd.s32 $0xFFFFFFFD, s8;
	v11 =	vand.u32 $0xFFFFFFFE, v61;
	v18 =	vmov s15;
	v32 =	vand.u32 $0xFFFFFFFD, v31  }
0x272: {  	v54 =	vld [tilespmem:s12+$0xC400];
	v34 =	vmov s14;
	v22 =	vbroadcast v10, $0x0;
	v21 =	vbroadcast v11, $0x0  }
0x273: {  	vm11 =	vne.s32 v14, $0xFFFFFFFF;
	v11 =	vshll.u32 v1, $0xA;
	v1 =	vshll.u32 v1, $0x7  }
0x274: {  	s15 =	sadd.s32 $0xFFFFFFFB, s8;
	vm9 =	vne.s32 v15, $0xFFFFFFFF;
	vm8 =	vne.s32 v62, $0xFFFFFFFF;
	v30 =	vand.u32 $0xFFFFFFFC, v18  }
0x275: {  	s14 =	sadd.s32 $0xFFFFFFFE, s8;
	v18 =	vbroadcast v32, $0x0;
	v33 =	vmov s15;
	vm10 =	vne.s32 v17, $0xFFFFFFFF  }
0x276: {  	v35 =	vand.u32 $0xFFFFFFFC, v34;
	v32 =	vmov s14;
	vm7 =	vne.s32 v50, $0xFFFFFFFF  }
0x277: {  	vm13 =	vne.s32 v51, $0xFFFFFFFF;
	vm14 =	vne.s32 v54, $0xFFFFFFFF;
	v10 =	vnsel vm11, $0x0, v14  }
0x278: {  	v11 =	vand.u32 $0x2000, v11;
	v12 =	vnsel vm8, $0x0, v62;
	v38 =	vand.u32 $0xFFFFFFFD, v32  }
0x279: {  	v48 =	vsel vm9, $0x1, v47;
	v60 =	vsel vm8, $0x1, v47;
	v62 =	vsel vm10, $0x1, v47  }
0x27a: {  	v14 =	vand.u32 $0x7F, v10;
	v10 =	vshll.u32 v10, $0x3;
	v63 =	vshll.u32 v12, $0x3  }
0x27b: {  	v12 =	vand.u32 $0x7F, v12;
	v5 =	vadd.s32 v48, v5;
	v10 =	vand.u32 $0xFFFFFC00, v10  }
0x27c: {  	v16 =	vadd.s32 v11, v10;
	v10 =	vand.u32 $0x380, v1;
	v1 =	vnsel vm9, $0x0, v15  }
0x27d: {  	v4 =	vadd.s32 v60, v4;
	v14 =	vor.u32 v14, v16;
	v15 =	vshll.u32 v1, $0x3  }
0x27e: {  	v2 =	vadd.s32 v62, v2;
	v14 =	vor.u32 v10, v14;
	v15 =	vand.u32 $0xFFFFFC00, v15  }
0x27f: {  	s15 =	sadd.s32 $0xFFFFFFFC, s8;
	v19 =	vand.u32 $0xFFFFFC00, v63;
	v1 =	vand.u32 $0x7F, v1;
	v15 =	vadd.s32 v11, v15  }
0x280: {  	v16 =	vmov s15;
	s15 =	sadd.s32 $0xFFFFFFFF, s8;
	v1 =	vor.u32 v1, v15;
	v15 =	vadd.s32 v11, v19  }
0x281: {  	v0 =	vld.idx.msk [tilespmem:v0+s31+$0x0], $0xffff;
	v40 =	vmov s15;
	v1 =	vor.u32 v10, v1;
	v12 =	vor.u32 v12, v15  }
0x282: {  	v44 =	vld.idx.msk [tilespmem:v13+s31+$0x0], $0xffff;
	v42 =	vand.u32 $0xFFFFFFFE, v40;
	v40 =	vsel vm13, $0x1, v47;
	v12 =	vor.u32 v10, v12  }
0x283: {  	v19 =	vbroadcast v30, $0x0;
	v30 =	vnsel vm10, $0x0, v17;
	v13 =	vbroadcast v42, $0x0;
	v14 =	vld.idx.msk [tilespmem:v14+s25+$0x0], $0xffff  }
0x284: {  	v2 =	vadd.s32 v40, v2;
	v42 =	vsel vm14, $0x1, v47;
	v15 =	vand.u32 $0xFFFFFFFE, v33  }
0x285: {  	v34 =	vld [tilespmem:s12+$0xC040];
	v31 =	vshll.u32 v30, $0x3;
	v36 =	vand.u32 $0x7F, v30;
	v17 =	vbroadcast v15, $0x0  }
0x286: {  	v15 =	vbroadcast v35, $0x0;
	v31 =	vand.u32 $0xFFFFFC00, v31;
	v35 =	vsel vm11, $0x1, v47;
	v1 =	vld.idx.msk [tilespmem:v1+s25+$0x0], $0xffff  }
0x287: {  	v37 =	vadd.s32 v11, v31;
	v7 =	vadd.s32 v35, v7;
	v31 =	vnsel vm13, $0x0, v51;
	v33 =	vld.idx.msk [tilespmem:v12+s25+$0x0], $0xffff  }
0x288: {  	v12 =	vor.u32 v36, v37;
	v37 =	vshll.u32 v31, $0x3;
	v39 =	vadd.f32 v14, v0  }
0x289: {  	v36 =	vld [tilespmem:s12+$0xC050];
	v31 =	vand.u32 $0x7F, v31;
	v14 =	vbroadcast v38, $0x0;
	v41 =	vor.u32 v10, v12  }
0x28a: {  	v58 =	vand.u32 $0xFFFFFC00, v37;
	v43 =	vmax.f32 v39, $0.0e+00;
	v39 =	vsel vm7, $0x1, v47  }
0x28b: {  	v1 =	vadd.f32 v1, v0;
	v30 =	vnsel vm11, $0x0, v43;
	vm11 =	vne.s32 v34, $0xFFFFFFFF  }
0x28c: {  	v4 =	vadd.s32 v39, v4;
	v33 =	vadd.f32 v33, v0;
	v9 =	vadd.f32 v30, v9  }
0x28d: {  	v49 =	vnsel vm11, $0x0, v34;
	v0 =	vsel vm0, v0, v44;
	v1 =	vmax.f32 v1, $0.0e+00  }
0x28e: {  	vm12 =	vne.s32 v36, $0xFFFFFFFF;
	v34 =	vnsel vm7, $0x0, v50;
	v1 =	vnsel vm9, $0x0, v1  }
0x28f: {  	v12 =	vsel vm11, $0x1, v47;
	v1 =	vadd.f32 v1, v8;
	v8 =	vmax.f32 v33, $0.0e+00  }
0x290: {  	v52 =	vnsel vm12, $0x0, v36;
	v55 =	vshll.u32 v34, $0x3;
	v8 =	vnsel vm8, $0x0, v8  }
0x291: {  	v53 =	vshll.u32 v52, $0x3;
	v6 =	vadd.f32 v8, v6;
	v8 =	vshll.u32 v49, $0x3  }
0x292: {  	v57 =	vld [tilespmem:s12+$0xC410];
	v35 =	vand.u32 $0x7F, v52;
	v30 =	vand.u32 $0xFFFFFC00, v53;
	v8 =	vand.u32 $0xFFFFFC00, v8  }
0x293: {  	v33 =	vand.u32 $0x7F, v49;
	v30 =	vadd.s32 v11, v30;
	v8 =	vadd.s32 v11, v8  }
0x294: {  	v46 =	vld.idx.msk [tilespmem:v41+s25+$0x0], $0xffff;
	v30 =	vor.u32 v35, v30;
	v35 =	vand.u32 $0xFFFFFC00, v55;
	v8 =	vor.u32 v33, v8  }
0x295: {  	v34 =	vand.u32 $0x7F, v34;
	v35 =	vadd.s32 v11, v35;
	v8 =	vor.u32 v10, v8  }
0x296: {  	v7 =	vadd.s32 v12, v7;
	v34 =	vor.u32 v34, v35;
	v35 =	vadd.s32 v11, v58  }
0x297: {  	vm9 =	vne.s32 v57, $0xFFFFFFFF;
	v30 =	vor.u32 v10, v30;
	v31 =	vor.u32 v31, v35  }
0x298: {  	v38 =	vld [tilespmem:s12+$0xC420];
	v7 =	vadd.s32 v42, v7;
	v33 =	vnsel vm14, $0x0, v54;
	v31 =	vor.u32 v10, v31  }
0x299: {  	v36 =	vnsel vm9, $0x0, v57;
	v0 =	vadd.f32 v46, v0;
	v59 =	vshll.u32 v33, $0x3  }
0x29a: {  	v61 =	vshll.u32 v36, $0x3;
	v34 =	vor.u32 v10, v34;
	v35 =	vand.u32 $0xFFFFFC00, v59;
	v8 =	vld.idx.msk [tilespmem:v8+s25+$0x0], $0xffff  }
0x29b: {  	v29 =	vld.idx.msk [tilespmem:v29+s31+$0x0], $0xffff;
	v0 =	vmax.f32 v0, $0.0e+00;
	v33 =	vand.u32 $0x7F, v33;
	v35 =	vadd.s32 v11, v35  }
0x29c: {  	v36 =	vand.u32 $0x7F, v36;
	v0 =	vnsel vm10, $0x0, v0;
	v30 =	vld.idx.msk [tilespmem:v30+s25+$0x0], $0xffff;
	v33 =	vor.u32 v33, v35  }
0x29d: {  	vm10 =	vne.s32 v38, $0xFFFFFFFF;
	v35 =	vand.u32 $0xFFFFFC00, v61;
	v33 =	vor.u32 v10, v33;
	v31 =	vld.idx.msk [tilespmem:v31+s25+$0x0], $0xffff  }
0x29e: {  	[tilespmem:$0x1FED0] =	vst v45;
	v45 =	vld [tilespmem:s12+$0xC450];
	v58 =	vsel vm9, $0x1, v47;
	v60 =	vsel vm10, $0x1, v47;
	v35 =	vadd.s32 v11, v35  }
0x29f: {  	v34 =	vld.idx.msk [tilespmem:v34+s25+$0x0], $0xffff;
	v35 =	vor.u32 v36, v35;
	v36 =	vsel vm12, $0x1, v47;
	v8 =	vadd.f32 v8, v44  }
0x2a0: {  	v43 =	vld [tilespmem:s12+$0xC440];
	v0 =	vadd.f32 v0, v3;
	v4 =	vadd.s32 v60, v4;
	v5 =	vadd.s32 v36, v5  }
0x2a1: {  	v49 =	vld [tilespmem:s12+$0xC460];
	v30 =	vadd.f32 v30, v44;
	v3 =	vmax.f32 v8, $0.0e+00;
	v8 =	vor.u32 v10, v35  }
0x2a2: {  	v5 =	vadd.s32 v58, v5;
	v63 =	vld.idx.msk [tilespmem:v33+s25+$0x0], $0xffff;
	v31 =	vadd.f32 v31, v29;
	v3 =	vnsel vm11, $0x0, v3  }
0x2a3: {  	v28 =	vld.idx.msk [tilespmem:v28+s31+$0x0], $0xffff;
	v30 =	vmax.f32 v30, $0.0e+00;
	v3 =	vadd.f32 v3, v9;
	v9 =	vsel vm1, v44, v29  }
0x2a4: {  	v30 =	vnsel vm12, $0x0, v30;
	v37 =	vmax.f32 v31, $0.0e+00;
	v9 =	vadd.f32 v34, v9  }
0x2a5: {  	v51 =	vld [tilespmem:s12+$0xC470];
	vm12 =	vne.s32 v43, $0xFFFFFFFF;
	v1 =	vadd.f32 v30, v1;
	v30 =	vnsel vm13, $0x0, v37  }
0x2a6: {  	vm11 =	vne.s32 v45, $0xFFFFFFFF;
	vm13 =	vne.s32 v49, $0xFFFFFFFF;
	v9 =	vmax.f32 v9, $0.0e+00;
	v8 =	vld.idx.msk [tilespmem:v8+s25+$0x0], $0xffff  }
0x2a7: {  	v53 =	vld [tilespmem:s12+$0xC800];
	v32 =	vadd.f32 v63, v29;
	v0 =	vadd.f32 v30, v0;
	v9 =	vnsel vm7, $0x0, v9  }
0x2a8: {  	v29 =	vsel vm2, v29, v28;
	v44 =	vnsel vm10, $0x0, v38;
	v6 =	vadd.f32 v9, v6;
	v9 =	vld [tilespmem:s12+$0xC430]  }
0x2a9: {  	v30 =	vnsel vm12, $0x0, v43;
	v36 =	vsel vm13, $0x1, v47;
	v31 =	vshll.u32 v44, $0x3  }
0x2aa: {  	v50 =	vshll.u32 v30, $0x3;
	v30 =	vand.u32 $0x7F, v30;
	v32 =	vmax.f32 v32, $0.0e+00  }
0x2ab: {  	v41 =	vnsel vm14, $0x0, v32;
	v32 =	vnsel vm13, $0x0, v49;
	v8 =	vadd.f32 v8, v29  }
0x2ac: {  	vm14 =	vne.s32 v53, $0xFFFFFFFF;
	v54 =	vshll.u32 v32, $0x3;
	vm7 =	vne.s32 v51, $0xFFFFFFFF  }
0x2ad: {  	v32 =	vand.u32 $0x7F, v32;
	v8 =	vmax.f32 v8, $0.0e+00;
	vm8 =	vne.s32 v9, $0xFFFFFFFF  }
0x2ae: {  	v34 =	vnsel vm14, $0x0, v53;
	v8 =	vnsel vm9, $0x0, v8;
	v9 =	vnsel vm8, $0x0, v9  }
0x2af: {  	v1 =	vadd.f32 v8, v1;
	v8 =	vand.u32 $0xFFFFFC00, v31;
	v46 =	vshll.u32 v9, $0x3  }
0x2b0: {  	v29 =	vand.u32 $0x7F, v44;
	v8 =	vadd.s32 v11, v8;
	v48 =	vand.u32 $0xFFFFFC00, v46  }
0x2b1: {  	v9 =	vand.u32 $0x7F, v9;
	v8 =	vor.u32 v29, v8;
	v29 =	vadd.s32 v11, v48  }
0x2b2: {  	v55 =	vand.u32 $0xFFFFFC00, v54;
	v8 =	vor.u32 v10, v8;
	v9 =	vor.u32 v9, v29  }
0x2b3: {  	v31 =	vnsel vm11, $0x0, v45;
	v29 =	vand.u32 $0xFFFFFC00, v50;
	v9 =	vor.u32 v10, v9  }
0x2b4: {  	v33 =	vnsel vm7, $0x0, v51;
	v52 =	vshll.u32 v31, $0x3;
	v29 =	vadd.s32 v11, v29  }
0x2b5: {  	v60 =	vld [tilespmem:$0x1FFD0];
	v59 =	vshll.u32 v34, $0x3;
	v29 =	vor.u32 v30, v29;
	v30 =	vand.u32 $0xFFFFFC00, v52  }
0x2b6: {  	v27 =	vld.idx.msk [tilespmem:v27+s31+$0x0], $0xffff;
	v31 =	vand.u32 $0x7F, v31;
	v29 =	vor.u32 v10, v29;
	v30 =	vadd.s32 v11, v30  }
0x2b7: {  	v57 =	vshll.u32 v33, $0x3;
	v30 =	vor.u32 v31, v30;
	v31 =	vadd.s32 v11, v55;
	v8 =	vld.idx.msk [tilespmem:v8+s25+$0x0], $0xffff  }
0x2b8: {  	v30 =	vor.u32 v10, v30;
	v31 =	vor.u32 v32, v31;
	v32 =	vand.u32 $0xFFFFFC00, v57;
	v9 =	vld.idx.msk [tilespmem:v9+s25+$0x0], $0xffff  }
0x2b9: {  	v33 =	vand.u32 $0x7F, v33;
	v55 =	vld [tilespmem:$0x1FFC0];
	v31 =	vor.u32 v10, v31;
	v32 =	vadd.s32 v11, v32  }
0x2ba: {  	vm1 =	vnez.u8 v60;
	v50 =	vld [tilespmem:s12+$0xC870];
	v32 =	vor.u32 v33, v32;
	v33 =	vand.u32 $0xFFFFFC00, v59  }
0x2bb: {  	v4 =	vadd.s32 v36, v4;
	v34 =	vand.u32 $0x7F, v34;
	v29 =	vld.idx.msk [tilespmem:v29+s25+$0x0], $0xffff;
	v33 =	vadd.s32 v11, v33  }
0x2bc: {  	v3 =	vadd.f32 v41, v3;
	v33 =	vor.u32 v34, v33;
	v34 =	vld [tilespmem:s12+$0xC810];
	v8 =	vadd.f32 v8, v28  }
0x2bd: {  	v42 =	vsel vm14, $0x1, v47;
	v30 =	vld.idx.msk [tilespmem:v30+s25+$0x0], $0xffff;
	v33 =	vor.u32 v10, v33;
	v9 =	vadd.f32 v9, v28  }
0x2be: {  	v32 =	vor.u32 v10, v32;
	vm5 =	vnez.u8 v55;
	v31 =	vld.idx.msk [tilespmem:v31+s25+$0x0], $0xffff;
	v8 =	vmax.f32 v8, $0.0e+00  }
0x2bf: {  	v26 =	vld.idx.msk [tilespmem:v26+s31+$0x0], $0xffff;
	v28 =	vsel vm15, v28, v27;
	v8 =	vnsel vm10, $0x0, v8;
	v9 =	vmax.f32 v9, $0.0e+00  }
0x2c0: {  	v41 =	vld [tilespmem:s12+$0xC840];
	v28 =	vadd.f32 v29, v28;
	v6 =	vadd.f32 v8, v6;
	v8 =	vnsel vm8, $0x0, v9  }
0x2c1: {  	v46 =	vld [tilespmem:s12+$0xC860];
	vm9 =	vne.s32 v34, $0xFFFFFFFF;
	v0 =	vadd.f32 v8, v0;
	v8 =	vsel vm8, $0x1, v47  }
0x2c2: {  	v28 =	vmax.f32 v28, $0.0e+00;
	v61 =	vadd.f32 v30, v27;
	v63 =	vld.idx.msk [tilespmem:v33+s25+$0x0], $0xffff;
	vm8 =	vne.s32 v50, $0xFFFFFFFF  }
0x2c3: {  	v33 =	vld [tilespmem:$0x1FFB0];
	v2 =	vadd.s32 v8, v2;
	v8 =	vnsel vm12, $0x0, v28;
	v62 =	vadd.f32 v31, v27  }
0x2c4: {  	v39 =	vld [tilespmem:s12+$0xC830];
	v28 =	vnsel vm9, $0x0, v34;
	v3 =	vadd.f32 v8, v3;
	v8 =	vsel vm12, $0x1, v47  }
0x2c5: {  	v9 =	vld.idx.msk [tilespmem:v32+s25+$0x0], $0xffff;
	v40 =	vshll.u32 v28, $0x3;
	v28 =	vand.u32 $0x7F, v28;
	vm12 =	vne.s32 v41, $0xFFFFFFFF  }
0x2c6: {  	v7 =	vadd.s32 v8, v7;
	v8 =	vmax.f32 v61, $0.0e+00;
	v29 =	vmax.f32 v62, $0.0e+00  }
0x2c7: {  	v8 =	vnsel vm11, $0x0, v8;
	v35 =	vnsel vm13, $0x0, v29;
	vm13 =	vne.s32 v46, $0xFFFFFFFF  }
0x2c8: {  	v7 =	vadd.s32 v42, v7;
	vm6 =	vnez.u8 v33;
	v1 =	vadd.f32 v8, v1  }
0x2c9: {  	v8 =	vsel vm11, $0x1, v47;
	v6 =	vadd.f32 v35, v6;
	v27 =	vsel vm6, v27, v26  }
0x2ca: {  	v37 =	vadd.f32 v63, v26;
	vm11 =	vne.s32 v39, $0xFFFFFFFF;
	v9 =	vadd.f32 v9, v27  }
0x2cb: {  	v32 =	vnsel vm13, $0x0, v46;
	v33 =	vnsel vm8, $0x0, v50;
	v5 =	vadd.s32 v8, v5  }
0x2cc: {  	v29 =	vnsel vm11, $0x0, v39;
	v52 =	vshll.u32 v32, $0x3;
	v8 =	vmax.f32 v9, $0.0e+00;
	v9 =	vld [tilespmem:s12+$0xC820]  }
0x2cd: {  	v32 =	vand.u32 $0x7F, v32;
	v53 =	vshll.u32 v33, $0x3;
	v33 =	vand.u32 $0x7F, v33  }
0x2ce: {  	v61 =	vsel vm11, $0x1, v47;
	v38 =	vmax.f32 v37, $0.0e+00;
	v8 =	vnsel vm7, $0x0, v8  }
0x2cf: {  	v45 =	vshll.u32 v29, $0x3;
	v0 =	vadd.f32 v8, v0;
	v8 =	vsel vm7, $0x1, v47  }
0x2d0: {  	v27 =	vnsel vm12, $0x0, v41;
	v2 =	vadd.s32 v8, v2;
	v8 =	vnsel vm14, $0x0, v38  }
0x2d1: {  	v44 =	vld [tilespmem:s12+$0xC850];
	v3 =	vadd.f32 v8, v3;
	v8 =	vand.u32 $0xFFFFFC00, v40;
	vm10 =	vne.s32 v9, $0xFFFFFFFF  }
0x2d2: {  	v29 =	vand.u32 $0x7F, v29;
	v8 =	vadd.s32 v11, v8;
	v9 =	vnsel vm10, $0x0, v9  }
0x2d3: {  	v54 =	vand.u32 $0xFFFFFC00, v53;
	v37 =	vld [tilespmem:s12+$0xCC50];
	v8 =	vor.u32 v28, v8;
	v43 =	vshll.u32 v9, $0x3  }
0x2d4: {  	v48 =	vshll.u32 v27, $0x3;
	v8 =	vor.u32 v10, v8;
	v28 =	vand.u32 $0xFFFFFC00, v43  }
0x2d5: {  	v27 =	vand.u32 $0x7F, v27;
	v9 =	vand.u32 $0x7F, v9;
	v28 =	vadd.s32 v11, v28  }
0x2d6: {  	v49 =	vand.u32 $0xFFFFFC00, v48;
	vm7 =	vne.s32 v44, $0xFFFFFFFF;
	v9 =	vor.u32 v9, v28  }
0x2d7: {  	v31 =	vnsel vm7, $0x0, v44;
	v28 =	vand.u32 $0xFFFFFC00, v45;
	v9 =	vor.u32 v10, v9  }
0x2d8: {  	vm14 =	vne.s32 v37, $0xFFFFFFFF;
	v51 =	vshll.u32 v31, $0x3;
	v28 =	vadd.s32 v11, v28  }
0x2d9: {  	v31 =	vand.u32 $0x7F, v31;
	v28 =	vor.u32 v29, v28;
	v29 =	vadd.s32 v11, v49;
	v8 =	vld.idx.msk [tilespmem:v8+s25+$0x0], $0xffff  }
0x2da: {  	v25 =	vld.idx.msk [tilespmem:v25+s31+$0x0], $0xffff;
	v28 =	vor.u32 v10, v28;
	v27 =	vor.u32 v27, v29;
	v29 =	vand.u32 $0xFFFFFC00, v51  }
0x2db: {  	v24 =	vld.idx.msk [tilespmem:v24+s31+$0x0], $0xffff;
	v58 =	vsel vm10, $0x1, v47;
	v27 =	vor.u32 v10, v27;
	v29 =	vadd.s32 v11, v29  }
0x2dc: {  	v2 =	vadd.s32 v61, v2;
	v4 =	vadd.s32 v58, v4;
	v29 =	vor.u32 v31, v29;
	v9 =	vld.idx.msk [tilespmem:v9+s25+$0x0], $0xffff  }
0x2dd: {  	v40 =	vld [tilespmem:s12+$0xCC60];
	v49 =	vsel vm8, $0x1, v47;
	v31 =	vand.u32 $0xFFFFFC00, v52;
	v29 =	vor.u32 v10, v29  }
0x2de: {  	v62 =	vld [tilespmem:s12+$0xCC00];
	v2 =	vadd.s32 v49, v2;
	v31 =	vadd.s32 v11, v31;
	v8 =	vadd.f32 v8, v26  }
0x2df: {  	v31 =	vor.u32 v32, v31;
	v32 =	vadd.s32 v11, v54;
	v26 =	vsel vm5, v26, v25;
	v28 =	vld.idx.msk [tilespmem:v28+s25+$0x0], $0xffff  }
0x2e0: {  	v31 =	vor.u32 v10, v31;
	v32 =	vor.u32 v33, v32;
	v27 =	vld.idx.msk [tilespmem:v27+s25+$0x0], $0xffff;
	v8 =	vmax.f32 v8, $0.0e+00  }
0x2e1: {  	v57 =	vor.u32 v10, v32;
	v8 =	vnsel vm9, $0x0, v8;
	v9 =	vadd.f32 v9, v26  }
0x2e2: {  	v1 =	vadd.f32 v8, v1;
	v8 =	vsel vm9, $0x1, v47;
	v29 =	vld.idx.msk [tilespmem:v29+s25+$0x0], $0xffff;
	vm9 =	vne.s32 v40, $0xFFFFFFFF  }
0x2e3: {  	v12 =	vld [tilespmem:s12+$0xCC10];
	v5 =	vadd.s32 v8, v5;
	v30 =	vnsel vm9, $0x0, v40;
	v8 =	vmax.f32 v9, $0.0e+00  }
0x2e4: {  	v33 =	vld [tilespmem:s12+$0xCC20];
	v9 =	vadd.f32 v28, v25;
	v43 =	vshll.u32 v30, $0x3;
	v8 =	vnsel vm10, $0x0, v8  }
0x2e5: {  	v59 =	vld.idx.msk [tilespmem:v31+s25+$0x0], $0xffff;
	v27 =	vadd.f32 v27, v25;
	v25 =	vsel vm1, v25, v24;
	vm10 =	vne.s32 v62, $0xFFFFFFFF  }
0x2e6: {  	v6 =	vadd.f32 v8, v6;
	v8 =	vmax.f32 v9, $0.0e+00;
	v32 =	vnsel vm10, $0x0, v62  }
0x2e7: {  	v8 =	vnsel vm11, $0x0, v8;
	v9 =	vmax.f32 v27, $0.0e+00;
	v25 =	vadd.f32 v29, v25  }
0x2e8: {  	v26 =	vld.idx.msk [tilespmem:v57+s25+$0x0], $0xffff;
	vm11 =	vne.s32 v12, $0xFFFFFFFF;
	v9 =	vnsel vm12, $0x0, v9;
	v0 =	vadd.f32 v8, v0  }
0x2e9: {  	v8 =	vsel vm12, $0x1, v47;
	v27 =	vnsel vm11, $0x0, v12;
	vm12 =	vne.s32 v33, $0xFFFFFFFF  }
0x2ea: {  	v3 =	vadd.f32 v9, v3;
	v9 =	vmax.f32 v25, $0.0e+00;
	v63 =	vadd.f32 v59, v24  }
0x2eb: {  	v35 =	vld [tilespmem:s12+$0xCC40];
	v7 =	vadd.s32 v8, v7;
	v25 =	vand.u32 $0x7F, v32;
	v8 =	vnsel vm7, $0x0, v9  }
0x2ec: {  	v9 =	vsel vm7, $0x1, v47;
	v1 =	vadd.f32 v8, v1;
	v8 =	vmax.f32 v63, $0.0e+00  }
0x2ed: {  	v5 =	vadd.s32 v9, v5;
	v9 =	vadd.f32 v26, v24;
	v8 =	vnsel vm13, $0x0, v8  }
0x2ee: {  	v34 =	vld [tilespmem:s12+$0xCC30];
	v26 =	vnsel vm12, $0x0, v33;
	v6 =	vadd.f32 v8, v6;
	v8 =	vsel vm13, $0x1, v47  }
0x2ef: {  	v4 =	vadd.s32 v8, v4;
	v8 =	vmax.f32 v9, $0.0e+00;
	v9 =	vshll.u32 v32, $0x3  }
0x2f0: {  	vm7 =	vne.s32 v35, $0xFFFFFFFF;
	v36 =	vshll.u32 v26, $0x3;
	v9 =	vand.u32 $0xFFFFFC00, v9  }
0x2f1: {  	v26 =	vand.u32 $0x7F, v26;
	v8 =	vnsel vm8, $0x0, v8;
	v9 =	vadd.s32 v11, v9  }
0x2f2: {  	v0 =	vadd.f32 v8, v0;
	v8 =	vor.u32 v25, v9;
	v9 =	vshll.u32 v27, $0x3  }
0x2f3: {  	vm13 =	vne.s32 v34, $0xFFFFFFFF;
	v8 =	vor.u32 v10, v8;
	v9 =	vand.u32 $0xFFFFFC00, v9  }
0x2f4: {  	v28 =	vnsel vm13, $0x0, v34;
	v27 =	vand.u32 $0x7F, v27;
	v9 =	vadd.s32 v11, v9  }
0x2f5: {  	v38 =	vshll.u32 v28, $0x3;
	v9 =	vor.u32 v27, v9;
	v27 =	vand.u32 $0xFFFFFC00, v36  }
0x2f6: {  	v28 =	vand.u32 $0x7F, v28;
	v9 =	vor.u32 v10, v9;
	v27 =	vadd.s32 v11, v27  }
0x2f7: {  	v23 =	vld.idx.msk [tilespmem:v23+s31+$0x0], $0xffff;
	v39 =	vand.u32 $0xFFFFFC00, v38;
	v25 =	vnsel vm7, $0x0, v35;
	v26 =	vor.u32 v26, v27  }
0x2f8: {  	v41 =	vshll.u32 v25, $0x3;
	v27 =	vadd.s32 v11, v39;
	v26 =	vor.u32 v10, v26;
	v8 =	vld.idx.msk [tilespmem:v8+s25+$0x0], $0xffff  }
0x2f9: {  	v22 =	vld.idx.msk [tilespmem:v22+s31+$0x0], $0xffff;
	v29 =	vnsel vm14, $0x0, v37;
	v27 =	vor.u32 v28, v27;
	v28 =	vand.u32 $0xFFFFFC00, v41  }
0x2fa: {  	v21 =	vld.idx.msk [tilespmem:v21+s31+$0x0], $0xffff;
	v25 =	vand.u32 $0x7F, v25;
	v27 =	vor.u32 v10, v27;
	v28 =	vadd.s32 v11, v28  }
0x2fb: {  	v48 =	vand.u32 $0x7F, v30;
	v42 =	vshll.u32 v29, $0x3;
	v25 =	vor.u32 v25, v28;
	v9 =	vld.idx.msk [tilespmem:v9+s25+$0x0], $0xffff  }
0x2fc: {  	v61 =	vld [tilespmem:s12+$0xD020];
	v46 =	vand.u32 $0xFFFFFC00, v43;
	v28 =	vand.u32 $0xFFFFFC00, v42;
	v25 =	vor.u32 v10, v25  }
0x2fd: {  	v29 =	vand.u32 $0x7F, v29;
	v28 =	vadd.s32 v11, v28;
	v8 =	vadd.f32 v8, v24;
	v44 =	vld.idx.msk [tilespmem:v26+s25+$0x0], $0xffff  }
0x2fe: {  	v50 =	vsel vm11, $0x1, v47;
	v41 =	vld.idx.msk [tilespmem:v20+s31+$0x0], $0xffff;
	v45 =	vor.u32 v29, v28;
	v28 =	vadd.s32 v11, v46  }
0x2ff: {  	v26 =	vor.u32 v10, v45;
	v28 =	vor.u32 v48, v28;
	v27 =	vld.idx.msk [tilespmem:v27+s25+$0x0], $0xffff;
	v8 =	vmax.f32 v8, $0.0e+00  }
0x300: {  	v30 =	vld.idx.msk [tilespmem:v19+s31+$0x0], $0xffff;
	v28 =	vor.u32 v10, v28;
	v8 =	vnsel vm10, $0x0, v8;
	v9 =	vadd.f32 v9, v23  }
0x301: {  	v52 =	vsel vm12, $0x1, v47;
	v25 =	vld.idx.msk [tilespmem:v25+s25+$0x0], $0xffff;
	v3 =	vadd.f32 v8, v3;
	v8 =	vsel vm10, $0x1, v47  }
0x302: {  	v7 =	vadd.s32 v8, v7;
	v8 =	vmax.f32 v9, $0.0e+00;
	v9 =	vadd.f32 v44, v23  }
0x303: {  	v53 =	vld [tilespmem:s12+$0xCC70];
	v5 =	vadd.s32 v50, v5;
	v48 =	vsel vm2, v21, v41;
	v8 =	vnsel vm11, $0x0, v8  }
0x304: {  	v26 =	vld.idx.msk [tilespmem:v26+s25+$0x0], $0xffff;
	v27 =	vadd.f32 v27, v23;
	v1 =	vadd.f32 v8, v1;
	v8 =	vmax.f32 v9, $0.0e+00  }
0x305: {  	v23 =	vsel vm0, v23, v22;
	v51 =	vld.idx.msk [tilespmem:v28+s25+$0x0], $0xffff;
	v28 =	vsel vm15, v41, v30;
	v8 =	vnsel vm12, $0x0, v8  }
0x306: {  	v9 =	vmax.f32 v27, $0.0e+00;
	v23 =	vadd.f32 v25, v23;
	vm12 =	vne.s32 v61, $0xFFFFFFFF  }
0x307: {  	v9 =	vnsel vm13, $0x0, v9;
	v6 =	vadd.f32 v8, v6;
	v8 =	vadd.s32 v52, v4  }
0x308: {  	v33 =	vld [tilespmem:s12+$0xD040];
	v4 =	vsel vm13, $0x1, v47;
	vm13 =	vne.s32 v53, $0xFFFFFFFF;
	v34 =	vnsel vm12, $0x0, v61  }
0x309: {  	v0 =	vadd.f32 v9, v0;
	v9 =	vmax.f32 v23, $0.0e+00;
	v54 =	vadd.f32 v26, v22  }
0x30a: {  	v55 =	vadd.s32 v4, v2;
	v4 =	vsel vm7, $0x1, v47;
	v59 =	vnsel vm13, $0x0, v53  }
0x30b: {  	v32 =	vld [tilespmem:s12+$0xD030];
	v24 =	vshll.u32 v34, $0x3;
	v2 =	vnsel vm7, $0x0, v9;
	v4 =	vadd.s32 v4, v7  }
0x30c: {  	v58 =	vadd.f32 v51, v22;
	v60 =	vand.u32 $0x7F, v59;
	v24 =	vand.u32 $0xFFFFFC00, v24  }
0x30d: {  	vm7 =	vne.s32 v33, $0xFFFFFFFF;
	v57 =	vadd.f32 v2, v3;
	v2 =	vmax.f32 v54, $0.0e+00  }
0x30e: {  	v9 =	vld [tilespmem:s12+$0xD000];
	v24 =	vadd.s32 v11, v24;
	v37 =	vnsel vm7, $0x0, v33;
	v3 =	vimm.s32 $0x0  }
0x30f: {  	v7 =	vld [tilespmem:s12+$0xD010];
	v2 =	vnsel vm14, $0x0, v2;
	v29 =	vshll.u32 v37, $0x3;
	v39 =	vand.u32 $0x7F, v37  }
0x310: {  	v12 =	vadd.f32 v2, v1;
	v1 =	vsel vm14, $0x1, v47;
	vm14 =	vne.s32 v32, $0xFFFFFFFF  }
0x311: {  	v29 =	vand.u32 $0xFFFFFC00, v29;
	v1 =	vadd.s32 v1, v5;
	v5 =	vshll.u32 v59, $0x3  }
0x312: {  	v35 =	vnsel vm14, $0x0, v32;
	v40 =	vadd.s32 v11, v29;
	v19 =	vsel vm14, $0x1, v47  }
0x313: {  	[tilespmem:$0x1FEE0] =	vst v1;
	v1 =	vmax.f32 v58, $0.0e+00;
	v5 =	vand.u32 $0xFFFFFC00, v5;
	vm11 =	vne.s32 v9, $0xFFFFFFFF  }
0x314: {  	vm10 =	vne.s32 v7, $0xFFFFFFFF;
	v36 =	vshll.u32 v35, $0x3;
	v5 =	vadd.s32 v11, v5  }
0x315: {  	v9 =	vnsel vm11, $0x0, v9;
	v7 =	vnsel vm10, $0x0, v7;
	v1 =	vnsel vm9, $0x0, v1  }
0x316: {  	v27 =	vsel vm11, $0x1, v47;
	v5 =	vor.u32 v60, v5;
	v62 =	vshll.u32 v9, $0x3  }
0x317: {  	v2 =	vld [tilespmem:$0x1FFF0];
	v63 =	vshll.u32 v7, $0x3;
	v9 =	vand.u32 $0x7F, v9;
	v23 =	vand.u32 $0xFFFFFC00, v62  }
0x318: {  	v5 =	vor.u32 v10, v5;
	v25 =	vand.u32 $0xFFFFFC00, v63;
	v23 =	vadd.s32 v11, v23  }
0x319: {  	v38 =	vld [tilespmem:s12+$0xD050];
	v7 =	vand.u32 $0x7F, v7;
	v25 =	vadd.s32 v11, v25;
	v9 =	vor.u32 v9, v23  }
0x31a: {  	v7 =	vor.u32 v7, v25;
	v23 =	vand.u32 $0x7F, v34;
	v9 =	vor.u32 v10, v9  }
0x31b: {  	v1 =	vadd.f32 v1, v6;
	v7 =	vor.u32 v10, v7;
	v23 =	vor.u32 v23, v24  }
0x31c: {  	v4 =	vadd.s32 v27, v4;
	vm8 =	vnez.u8 v2;
	v63 =	vld [tilespmem:s12+$0xD440];
	v23 =	vor.u32 v10, v23  }
0x31d: {  	v22 =	vsel vm8, v22, v21;
	[tilespmem:$0x1FEF0] =	vst v1;
	v1 =	vsel vm9, $0x1, v47;
	v24 =	vand.u32 $0xFFFFFC00, v36;
	v5 =	vld.idx.msk [tilespmem:v5+s25+$0x0], $0xffff  }
0x31e: {  	vm8 =	vne.s32 v38, $0xFFFFFFFF;
	v25 =	vand.u32 $0x7F, v35;
	v24 =	vadd.s32 v11, v24  }
0x31f: {  	v45 =	vnsel vm8, $0x0, v38;
	v24 =	vor.u32 v25, v24;
	v25 =	vor.u32 v39, v40;
	v9 =	vld.idx.msk [tilespmem:v9+s25+$0x0], $0xffff  }
0x320: {  	v6 =	vadd.s32 v1, v8;
	v46 =	vshll.u32 v45, $0x3;
	v43 =	vor.u32 v10, v25;
	v44 =	vld.idx.msk [tilespmem:v7+s25+$0x0], $0xffff  }
0x321: {  	v20 =	vand.u32 $0x7F, v45;
	vm15 =	vne.s32 v63, $0xFFFFFFFF;
	v8 =	vld.idx.msk [tilespmem:v23+s25+$0x0], $0xffff;
	v23 =	vand.u32 $0xFFFFFC00, v46  }
0x322: {  	v24 =	vor.u32 v10, v24;
	v42 =	vadd.f32 v5, v22;
	v23 =	vadd.s32 v11, v23  }
0x323: {  	v25 =	vsel vm10, $0x1, v47;
	v20 =	vor.u32 v20, v23;
	v23 =	vsel vm7, $0x1, v47  }
0x324: {  	v54 =	vld [tilespmem:s12+$0xD400];
	v1 =	vmax.f32 v42, $0.0e+00;
	v50 =	vor.u32 v10, v20;
	v42 =	vnsel vm15, $0x0, v63  }
0x325: {  	v22 =	vld.idx.msk [tilespmem:v43+s25+$0x0], $0xffff;
	v4 =	vadd.s32 v23, v4;
	v1 =	vnsel vm13, $0x0, v1;
	v9 =	vadd.f32 v9, v21  }
0x326: {  	v43 =	vld [tilespmem:s12+$0xD450];
	v21 =	vadd.f32 v44, v21;
	v44 =	vshll.u32 v42, $0x3;
	v45 =	vand.u32 $0x7F, v42  }
0x327: {  	v0 =	vadd.f32 v1, v0;
	v1 =	vld.idx.msk [tilespmem:v24+s25+$0x0], $0xffff;
	v24 =	vadd.f32 v8, v48;
	v37 =	vand.u32 $0xFFFFFC00, v44  }
0x328: {  	v48 =	vld.idx.msk [tilespmem:v18+s31+$0x0], $0xffff;
	v18 =	vsel vm8, $0x1, v47;
	v9 =	vmax.f32 v9, $0.0e+00;
	v46 =	vadd.s32 v11, v37  }
0x329: {  	v62 =	vld [tilespmem:s12+$0xD430];
	[tilespmem:$0x1FF00] =	vst v0;
	v0 =	vsel vm13, $0x1, v47;
	v9 =	vnsel vm11, $0x0, v9;
	v51 =	vmax.f32 v24, $0.0e+00  }
0x32a: {  	v49 =	vld [tilespmem:s12+$0xD060];
	v22 =	vadd.f32 v22, v41;
	v24 =	vsel vm12, $0x1, v47;
	vm13 =	vne.s32 v54, $0xFFFFFFFF  }
0x32b: {  	v59 =	vld [tilespmem:s12+$0xD420];
	vm9 =	vne.s32 v43, $0xFFFFFFFF;
	v0 =	vadd.s32 v0, v55;
	v20 =	vnsel vm12, $0x0, v51  }
0x32c: {  	v55 =	vld [tilespmem:s12+$0xD410];
	v32 =	vnsel vm13, $0x0, v54;
	[tilespmem:$0x1FF10] =	vst v0;
	v0 =	vadd.f32 v9, v57;
	v22 =	vmax.f32 v22, $0.0e+00  }
0x32d: {  	v60 =	vshll.u32 v32, $0x3;
	v32 =	vand.u32 $0x7F, v32;
	v1 =	vadd.f32 v1, v41  }
0x32e: {  	v22 =	vnsel vm7, $0x0, v22;
	vm7 =	vne.s32 v62, $0xFFFFFFFF;
	[tilespmem:$0x1FF20] =	vst v0;
	v0 =	vmax.f32 v21, $0.0e+00  }
0x32f: {  	v40 =	vnsel vm7, $0x0, v62;
	v26 =	vnsel vm10, $0x0, v0;
	v1 =	vmax.f32 v1, $0.0e+00  }
0x330: {  	v0 =	vld [tilespmem:s12+$0xD070];
	vm10 =	vne.s32 v49, $0xFFFFFFFF;
	v41 =	vshll.u32 v40, $0x3;
	v21 =	vnsel vm14, $0x0, v1  }
0x331: {  	v52 =	vnsel vm10, $0x0, v49;
	vm12 =	vne.s32 v55, $0xFFFFFFFF;
	vm14 =	vne.s32 v59, $0xFFFFFFFF  }
0x332: {  	v1 =	vld.idx.msk [tilespmem:v50+s25+$0x0], $0xffff;
	v50 =	vor.u32 v45, v46;
	v53 =	vshll.u32 v52, $0x3;
	v29 =	vand.u32 $0x7F, v52  }
0x333: {  	v33 =	vnsel vm12, $0x0, v55;
	v35 =	vor.u32 v10, v50;
	v31 =	vand.u32 $0xFFFFFC00, v53  }
0x334: {  	v61 =	vshll.u32 v33, $0x3;
	v33 =	vand.u32 $0x7F, v33;
	v31 =	vadd.s32 v11, v31  }
0x335: {  	v34 =	vand.u32 $0xFFFFFC00, v61;
	vm11 =	vne.s32 v0, $0xFFFFFFFF;
	v29 =	vor.u32 v29, v31  }
0x336: {  	v34 =	vadd.s32 v11, v34;
	v31 =	vnsel vm14, $0x0, v59;
	v0 =	vnsel vm11, $0x0, v0  }
0x337: {  	v1 =	vadd.f32 v1, v28;
	v57 =	vor.u32 v10, v29;
	v38 =	vor.u32 v33, v34  }
0x338: {  	v39 =	vshll.u32 v31, $0x3;
	v31 =	vand.u32 $0x7F, v31;
	v58 =	vshll.u32 v0, $0x3  }
0x339: {  	v34 =	vand.u32 $0x7F, v40;
	v33 =	vand.u32 $0xFFFFFC00, v39;
	v29 =	vand.u32 $0xFFFFFC00, v58  }
0x33a: {  	v0 =	vand.u32 $0x7F, v0;
	v33 =	vadd.s32 v11, v33;
	v29 =	vadd.s32 v11, v29  }
0x33b: {  	v42 =	vld.idx.msk [tilespmem:v17+s31+$0x0], $0xffff;
	v31 =	vor.u32 v31, v33;
	v0 =	vor.u32 v0, v29;
	v29 =	vand.u32 $0xFFFFFC00, v60  }
0x33c: {  	v33 =	vand.u32 $0xFFFFFC00, v41;
	v0 =	vor.u32 v10, v0;
	v29 =	vadd.s32 v11, v29;
	v28 =	vld.idx.msk [tilespmem:v57+s25+$0x0], $0xffff  }
0x33d: {  	v9 =	vld [tilespmem:$0x1FF10];
	v33 =	vadd.s32 v11, v33;
	v29 =	vor.u32 v32, v29;
	v32 =	vor.u32 v10, v38  }
0x33e: {  	v36 =	vnsel vm9, $0x0, v43;
	v39 =	vld.idx.msk [tilespmem:v35+s25+$0x0], $0xffff;
	v33 =	vor.u32 v34, v33;
	v29 =	vor.u32 v10, v29  }
0x33f: {  	v6 =	vadd.s32 v24, v6;
	v62 =	vld [tilespmem:s12+$0xD830];
	v17 =	vsel vm10, $0x1, v47;
	v33 =	vor.u32 v10, v33  }
0x340: {  	v12 =	vadd.f32 v26, v12;
	v52 =	vshll.u32 v36, $0x3;
	v40 =	vld [tilespmem:s12+$0xD460];
	v31 =	vor.u32 v10, v31  }
0x341: {  	v6 =	vadd.s32 v17, v6;
	v53 =	vand.u32 $0x7F, v36;
	v0 =	vld.idx.msk [tilespmem:v0+s25+$0x0], $0xffff;
	v49 =	vadd.f32 v28, v30  }
0x342: {  	v19 =	vadd.s32 v19, v9;
	v35 =	vsel vm12, $0x1, v47;
	v1 =	vmax.f32 v1, $0.0e+00;
	v32 =	vld.idx.msk [tilespmem:v32+s25+$0x0], $0xffff  }
0x343: {  	v41 =	vadd.f32 v39, v42;
	v51 =	vld.idx.msk [tilespmem:v29+s25+$0x0], $0xffff;
	v29 =	vnsel vm8, $0x0, v1;
	v1 =	vmax.f32 v49, $0.0e+00  }
0x344: {  	v57 =	vsel vm5, v48, v42;
	v39 =	vsel vm7, $0x1, v47;
	v38 =	vld.idx.msk [tilespmem:v33+s25+$0x0], $0xffff;
	v1 =	vnsel vm10, $0x0, v1  }
0x345: {  	v58 =	vmax.f32 v41, $0.0e+00;
	v41 =	vsel vm15, $0x1, v47;
	vm10 =	vne.s32 v40, $0xFFFFFFFF;
	[tilespmem:$0x1FF30] =	vst v1;
	v1 =	vld.idx.msk [tilespmem:v31+s25+$0x0], $0xffff  }
0x346: {  	v31 =	vand.u32 $0xFFFFFC00, v52;
	v43 =	vnsel vm10, $0x0, v40;
	v40 =	vnsel vm15, $0x0, v58  }
0x347: {  	vm15 =	vne.s32 v62, $0xFFFFFFFF;
	v0 =	vadd.f32 v0, v30;
	v30 =	vsel vm6, v30, v48  }
0x348: {  	v31 =	vadd.s32 v11, v31;
	v45 =	vshll.u32 v43, $0x3;
	v43 =	vand.u32 $0x7F, v43  }
0x349: {  	v33 =	vor.u32 v53, v31;
	v55 =	vadd.f32 v32, v48;
	v37 =	vadd.f32 v38, v57  }
0x34a: {  	v44 =	vld [tilespmem:s12+$0xD800];
	v32 =	vsel vm13, $0x1, v47;
	v34 =	vadd.f32 v51, v30;
	v1 =	vadd.f32 v1, v48  }
0x34b: {  	v28 =	vld [tilespmem:s12+$0xD840];
	v38 =	vsel vm14, $0x1, v47;
	v45 =	vand.u32 $0xFFFFFC00, v45;
	v0 =	vmax.f32 v0, $0.0e+00  }
0x34c: {  	v46 =	vld [tilespmem:s12+$0xD810];
	v54 =	vmax.f32 v34, $0.0e+00;
	v34 =	vmax.f32 v55, $0.0e+00;
	v1 =	vmax.f32 v1, $0.0e+00  }
0x34d: {  	v30 =	vsel vm11, $0x1, v47;
	v36 =	vnsel vm12, $0x0, v34;
	v34 =	vnsel vm14, $0x0, v1;
	v1 =	vld [tilespmem:s12+$0xD470]  }
0x34e: {  	v45 =	vadd.s32 v11, v45;
	v31 =	vnsel vm11, $0x0, v0;
	v37 =	vmax.f32 v37, $0.0e+00  }
0x34f: {  	v0 =	vor.u32 v10, v33;
	v43 =	vor.u32 v43, v45;
	v37 =	vnsel vm7, $0x0, v37  }
0x350: {  	v43 =	vor.u32 v10, v43;
	v55 =	vnsel vm15, $0x0, v62;
	vm7 =	vne.s32 v28, $0xFFFFFFFF  }
0x351: {  	v33 =	vnsel vm13, $0x0, v54;
	vm12 =	vne.s32 v44, $0xFFFFFFFF;
	vm13 =	vne.s32 v46, $0xFFFFFFFF  }
0x352: {  	v60 =	vld [tilespmem:s12+$0xD820];
	v58 =	vnsel vm7, $0x0, v28;
	v44 =	vnsel vm12, $0x0, v44;
	vm11 =	vne.s32 v1, $0xFFFFFFFF  }
0x353: {  	v46 =	vnsel vm13, $0x0, v46;
	v51 =	vshll.u32 v58, $0x3;
	v1 =	vnsel vm11, $0x0, v1  }
0x354: {  	v62 =	vand.u32 $0x7F, v58;
	v48 =	vshll.u32 v44, $0x3;
	v59 =	vshll.u32 v1, $0x3  }
0x355: {  	v44 =	vand.u32 $0x7F, v44;
	v49 =	vshll.u32 v46, $0x3;
	v45 =	vand.u32 $0xFFFFFC00, v59  }
0x356: {  	v46 =	vand.u32 $0x7F, v46;
	v1 =	vand.u32 $0x7F, v1;
	v45 =	vadd.s32 v11, v45  }
0x357: {  	vm14 =	vne.s32 v60, $0xFFFFFFFF;
	v61 =	vand.u32 $0xFFFFFC00, v48;
	v1 =	vor.u32 v1, v45  }
0x358: {  	v63 =	vand.u32 $0xFFFFFC00, v49;
	v52 =	vnsel vm14, $0x0, v60;
	v1 =	vor.u32 v10, v1  }
0x359: {  	v2 =	vld [tilespmem:$0x1FFF0];
	v48 =	vshll.u32 v55, $0x3;
	v47 =	vshll.u32 v52, $0x3;
	v45 =	vadd.s32 v11, v61  }
0x35a: {  	v0 =	vld.idx.msk [tilespmem:v0+s25+$0x0], $0xffff;
	v53 =	vand.u32 $0x7F, v52;
	v57 =	vand.u32 $0xFFFFFC00, v48;
	v44 =	vor.u32 v44, v45  }
0x35b: {  	v9 =	vld [tilespmem:$0x1FF20];
	v54 =	vand.u32 $0xFFFFFC00, v47;
	v45 =	vadd.s32 v11, v63;
	v44 =	vor.u32 v10, v44  }
0x35c: {  	v50 =	vld.idx.msk [tilespmem:v16+s31+$0x0], $0xffff;
	v47 =	vand.u32 $0x7F, v55;
	v45 =	vor.u32 v46, v45;
	v46 =	vadd.s32 v11, v54  }
0x35d: {  	v61 =	vand.u32 $0xFFFFFC00, v51;
	v16 =	vor.u32 v53, v46;
	v46 =	vadd.s32 v11, v57;
	v1 =	vld.idx.msk [tilespmem:v1+s25+$0x0], $0xffff  }
0x35e: {  	v59 =	vld [tilespmem:s12+$0xD850];
	v45 =	vor.u32 v10, v45;
	v60 =	vor.u32 v47, v46;
	v46 =	vadd.s32 v11, v61  }
0x35f: {  	v43 =	vld.idx.msk [tilespmem:v43+s25+$0x0], $0xffff;
	v0 =	vadd.f32 v0, v42;
	v52 =	vor.u32 v10, v16;
	v16 =	vor.u32 v62, v46  }
0x360: {  	v9 =	vadd.f32 v22, v9;
	v12 =	vadd.f32 v29, v12;
	v46 =	vor.u32 v10, v16;
	v44 =	vld.idx.msk [tilespmem:v44+s25+$0x0], $0xffff  }
0x361: {  	v4 =	vadd.s32 v32, v4;
	v55 =	vld.idx.msk [tilespmem:v15+s31+$0x0], $0xffff;
	v0 =	vmax.f32 v0, $0.0e+00;
	v47 =	vor.u32 v10, v60  }
0x362: {  	v6 =	vadd.s32 v38, v6;
	v15 =	vnsel vm9, $0x0, v0;
	v53 =	vld [tilespmem:s12+$0xD860];
	v0 =	vadd.f32 v1, v50  }
0x363: {  	v48 =	vsel vm13, $0x1, v3;
	v42 =	vsel vm1, v42, v50;
	vm8 =	vne.s32 v59, $0xFFFFFFFF;
	v1 =	vld.idx.msk [tilespmem:v45+s25+$0x0], $0xffff  }
0x364: {  	vm1 =	vnez.u8 v2;
	v63 =	vnsel vm8, $0x0, v59;
	v28 =	vld.idx.msk [tilespmem:v52+s25+$0x0], $0xffff;
	v0 =	vmax.f32 v0, $0.0e+00  }
0x365: {  	v54 =	vshll.u32 v63, $0x3;
	v57 =	vadd.f32 v44, v50;
	v44 =	vnsel vm11, $0x0, v0;
	v0 =	vld.idx.msk [tilespmem:v46+s25+$0x0], $0xffff  }
0x366: {  	v42 =	vadd.f32 v43, v42;
	v43 =	vsel vm10, $0x1, v3;
	v47 =	vld.idx.msk [tilespmem:v47+s25+$0x0], $0xffff;
	v45 =	vand.u32 $0xFFFFFC00, v54  }
0x367: {  	v58 =	vand.u32 $0x7F, v63;
	v16 =	vsel vm9, $0x1, v3;
	v45 =	vadd.s32 v11, v45  }
0x368: {  	s14 =	sand.u32 $0x7, s2;
	vm9 =	vne.s32 v53, $0xFFFFFFFF;
	v45 =	vor.u32 v58, v45;
	v1 =	vadd.f32 v1, v50  }
0x369: {  	s13 =	sshll.u32 s14, $0x7;
	v59 =	vmax.f32 v57, $0.0e+00;
	v60 =	vor.u32 v10, v45;
	v61 =	vadd.f32 v28, v55  }
0x36a: {  	v58 =	vld [tilespmem:s12+$0xD870];
	s12 =	sadd.s32 s13, s9;
	v46 =	vnsel vm12, $0x0, v59;
	v1 =	vmax.f32 v1, $0.0e+00;
	v0 =	vadd.f32 v0, v55  }
0x36b: {  	v57 =	vld.idx.msk [tilespmem:v14+s31+$0x0], $0xffff;
	s15 =	sor.u32 $0x1C10, s12;
	v62 =	vadd.f32 v47, v55;
	v47 =	vnsel vm13, $0x0, v1;
	v1 =	vmax.f32 v61, $0.0e+00  }
0x36c: {  	v59 =	vnsel vm9, $0x0, v53;
	v61 =	vld [tilespmem:s15+$0xC000];
	s15 =	sor.u32 $0x1C30, s12;
	v49 =	vnsel vm14, $0x0, v1;
	v0 =	vmax.f32 v0, $0.0e+00  }
0x36d: {  	v1 =	vmax.f32 v62, $0.0e+00;
	v62 =	vld [tilespmem:s15+$0xC000];
	v53 =	vnsel vm7, $0x0, v0;
	v0 =	vshll.u32 v59, $0x3  }
0x36e: {  	v42 =	vmax.f32 v42, $0.0e+00;
	s13 =	sor.u32 $0x1C00, s12;
	v51 =	vnsel vm15, $0x0, v1;
	v1 =	vld.idx.msk [tilespmem:v60+s25+$0x0], $0xffff;
	v0 =	vand.u32 $0xFFFFFC00, v0  }
0x36f: {  	v42 =	vnsel vm10, $0x0, v42;
	s14 =	sor.u32 $0x1C20, s12;
	v60 =	vld [tilespmem:s13+$0xC000];
	v59 =	vand.u32 $0x7F, v59;
	v0 =	vadd.s32 v11, v0  }
0x370: {  	v45 =	vsel vm11, $0x1, v3;
	vm10 =	vne.s32 v58, $0xFFFFFFFF;
	v0 =	vor.u32 v59, v0;
	v59 =	vld [tilespmem:s14+$0xC000]  }
0x371: {  	v14 =	vsel vm12, $0x1, v3;
	v50 =	vsel vm14, $0x1, v3;
	v58 =	vnsel vm10, $0x0, v58  }
0x372: {  	v55 =	vsel vm0, v55, v57;
	v63 =	vshll.u32 v58, $0x3;
	vm12 =	vne.s32 v61, $0xFFFFFFFF  }
0x373: {  	v58 =	vand.u32 $0x7F, v58;
	v61 =	vnsel vm12, $0x0, v61;
	vm14 =	vne.s32 v62, $0xFFFFFFFF  }
0x374: {  	v2 =	vadd.f32 v1, v55;
	v1 =	vor.u32 v10, v0;
	v55 =	vand.u32 $0xFFFFFC00, v63  }
0x375: {  	vm11 =	vne.s32 v60, $0xFFFFFFFF;
	v63 =	vshll.u32 v61, $0x3;
	vm13 =	vne.s32 v59, $0xFFFFFFFF  }
0x376: {  	v55 =	vadd.s32 v11, v55;
	v60 =	vnsel vm11, $0x0, v60;
	v59 =	vnsel vm13, $0x0, v59  }
0x377: {  	v55 =	vor.u32 v58, v55;
	v28 =	vshll.u32 v60, $0x3;
	v0 =	vshll.u32 v59, $0x3  }
0x378: {  	s14 =	sor.u32 $0x1C40, s12;
	v60 =	vand.u32 $0x7F, v60;
	v58 =	vand.u32 $0xFFFFFC00, v28;
	v0 =	vand.u32 $0xFFFFFC00, v0  }
0x379: {  	v28 =	vand.u32 $0xFFFFFC00, v63;
	v63 =	vld [tilespmem:s14+$0xC000];
	v59 =	vand.u32 $0x7F, v59;
	v0 =	vadd.s32 v11, v0  }
0x37a: {  	v55 =	vor.u32 v10, v55;
	v58 =	vadd.s32 v11, v58;
	v0 =	vor.u32 v59, v0  }
0x37b: {  	v61 =	vand.u32 $0x7F, v61;
	v58 =	vor.u32 v60, v58;
	v0 =	vor.u32 v10, v0  }
0x37c: {  	v13 =	vld.idx.msk [tilespmem:v13+s31+$0x0], $0xffff;
	v2 =	vmax.f32 v2, $0.0e+00;
	v60 =	vadd.s32 v11, v28;
	v58 =	vor.u32 v10, v58  }
0x37d: {  	v8 =	vnsel vm8, $0x0, v2;
	v2 =	vld [tilespmem:$0x1FED0];
	v60 =	vor.u32 v61, v60;
	v61 =	vnsel vm14, $0x0, v62  }
0x37e: {  	v54 =	vsel vm7, $0x1, v3;
	v1 =	vld.idx.msk [tilespmem:v1+s25+$0x0], $0xffff;
	v28 =	vshll.u32 v61, $0x3;
	vm7 =	vne.s32 v63, $0xFFFFFFFF  }
0x37f: {  	v60 =	vor.u32 v10, v60;
	v55 =	vld.idx.msk [tilespmem:v55+s25+$0x0], $0xffff;
	v59 =	vand.u32 $0xFFFFFC00, v28;
	v63 =	vnsel vm7, $0x0, v63  }
0x380: {  	v61 =	vand.u32 $0x7F, v61;
	v59 =	vadd.s32 v11, v59;
	v28 =	vshll.u32 v63, $0x3;
	v0 =	vld.idx.msk [tilespmem:v0+s25+$0x0], $0xffff  }
0x381: {  	v19 =	vadd.s32 v30, v19;
	v59 =	vor.u32 v61, v59;
	v61 =	vand.u32 $0xFFFFFC00, v28;
	v58 =	vld.idx.msk [tilespmem:v58+s25+$0x0], $0xffff  }
0x382: {  	s15 =	sor.u32 $0x1C50, s12;
	v63 =	vand.u32 $0x7F, v63;
	v61 =	vadd.s32 v11, v61;
	v59 =	vor.u32 v10, v59  }
0x383: {  	v4 =	vadd.s32 v41, v4;
	v9 =	vadd.f32 v33, v9;
	v62 =	vld [tilespmem:s15+$0xC000];
	v61 =	vor.u32 v63, v61  }
0x384: {  	v12 =	vadd.f32 v36, v12;
	v1 =	vadd.f32 v1, v57;
	v60 =	vld.idx.msk [tilespmem:v60+s25+$0x0], $0xffff;
	v61 =	vor.u32 v10, v61  }
0x385: {  	v55 =	vadd.f32 v55, v57;
	v57 =	vsel vm1, v57, v13;
	v0 =	vadd.f32 v0, v13  }
0x386: {  	v19 =	vadd.s32 v39, v19;
	v9 =	vadd.f32 v40, v9;
	v57 =	vadd.f32 v58, v57;
	v58 =	vld.idx.msk [tilespmem:v2+s31+$0x0], $0xffff  }
0x387: {  	v6 =	vadd.s32 v43, v6;
	v27 =	vmax.f32 v55, $0.0e+00;
	v55 =	vld.idx.msk [tilespmem:v59+s25+$0x0], $0xffff;
	v0 =	vmax.f32 v0, $0.0e+00  }
0x388: {  	v52 =	vsel vm15, $0x1, v3;
	v5 =	vsel vm9, $0x1, v3;
	v2 =	vnsel vm13, $0x0, v0;
	v0 =	vld [tilespmem:$0x1FEF0]  }
0x389: {  	v43 =	vadd.s32 v45, v19;
	vm15 =	vne.s32 v62, $0xFFFFFFFF;
	v59 =	vadd.f32 v60, v13;
	v60 =	vld.idx.msk [tilespmem:v61+s25+$0x0], $0xffff  }
0x38a: {  	v4 =	vadd.s32 v14, v4;
	v62 =	vnsel vm15, $0x0, v62;
	v1 =	vmax.f32 v1, $0.0e+00  }
0x38b: {  	v9 =	vadd.f32 v46, v9;
	s12 =	sor.u32 $0x1C58, s12;
	v28 =	vshll.u32 v62, $0x3;
	v7 =	vnsel vm9, $0x0, v1;
	v1 =	vld [tilespmem:$0x1FEE0]  }
0x38c: {  	v52 =	vadd.s32 v52, v43;
	v26 =	vsel vm12, $0x1, v3;
	v24 =	vld [tilespmem:s12+$0xC000];
	v63 =	vand.u32 $0xFFFFFC00, v28  }
0x38d: {  	v62 =	vand.u32 $0x7F, v62;
	v63 =	vadd.s32 v11, v63;
	v20 =	vadd.f32 v20, v0;
	v0 =	vld [tilespmem:$0x1FF00]  }
0x38e: {  	v23 =	vsel vm15, $0x1, v3;
	v62 =	vor.u32 v62, v63;
	v60 =	vadd.f32 v60, v58  }
0x38f: {  	v63 =	vsel vm8, $0x1, v3;
	v28 =	vnsel vm10, $0x0, v27;
	v62 =	vor.u32 v10, v62  }
0x390: {  	v57 =	vmax.f32 v57, $0.0e+00;
	v25 =	vadd.s32 v25, v1;
	v60 =	vmax.f32 v60, $0.0e+00  }
0x391: {  	v1 =	vsel vm14, $0x1, v3;
	v61 =	vsel vm10, $0x1, v3;
	v60 =	vnsel vm7, $0x0, v60  }
0x392: {  	v21 =	vadd.f32 v21, v0;
	v0 =	vsel vm7, $0x1, v3;
	vm7 =	vne.s32 v24, $0xFFFFFFFF  }
0x393: {  	v27 =	vnsel vm11, $0x0, v57;
	v57 =	vsel vm11, $0x1, v3;
	vm7 =	vmand vm7, vm3  }
0x394: {  	v13 =	vsel vm2, v13, v58;
	v29 =	vadd.f32 v31, v21;
	v31 =	vnsel vm7, $0x0, v24  }
0x395: {  	v13 =	vadd.f32 v55, v13;
	v55 =	vsel vm13, $0x1, v3;
	v3 =	vld [tilespmem:$0x1FF30];
	v24 =	vshll.u32 v31, $0x3  }
0x396: {  	v4 =	vadd.s32 v54, v4;
	v6 =	vadd.s32 v50, v6;
	v62 =	vld.idx.msk [tilespmem:v62+s25+$0x0], $0xffff;
	v24 =	vand.u32 $0xFFFFFC00, v24  }
0x397: {  	v5 =	vadd.s32 v5, v6;
	v21 =	vand.u32 $0x7F, v31;
	v11 =	vadd.s32 v11, v24  }
0x398: {  	v9 =	vadd.f32 v53, v9;
	v59 =	vmax.f32 v59, $0.0e+00;
	v11 =	vor.u32 v21, v11  }
0x399: {  	v18 =	vadd.s32 v18, v25;
	v59 =	vnsel vm12, $0x0, v59;
	v10 =	vor.u32 v10, v11  }
0x39a: {  	v18 =	vadd.s32 v35, v18;
	v9 =	vadd.f32 v27, v9;
	v20 =	vadd.f32 v3, v20  }
0x39b: {  	v4 =	vadd.s32 v57, v4;
	v13 =	vmax.f32 v13, $0.0e+00;
	v62 =	vadd.f32 v62, v58  }
0x39c: {  	v40 =	vadd.s32 v16, v18;
	v13 =	vnsel vm14, $0x0, v13;
	v20 =	vadd.f32 v34, v20  }
0x39d: {  	v62 =	vmax.f32 v62, $0.0e+00;
	v17 =	vadd.f32 v37, v29;
	v11 =	vadd.f32 v15, v12  }
0x39e: {  	v9 =	vadd.f32 v60, v9;
	v22 =	vnsel vm15, $0x0, v62;
	v41 =	vadd.f32 v42, v20;
	v10 =	vld.idx.msk [tilespmem:v10+s25+$0x0], $0xffff  }
0x39f: {  	vm15 =	vmmov vm4;
	v42 =	vadd.f32 v44, v17;
	v11 =	vadd.f32 v47, v11  }
0x3a0: {  	v62 =	vadd.s32 v61, v52;
	v12 =	vadd.s32 v48, v40;
	v49 =	vadd.f32 v49, v41  }
0x3a1: {  	v47 =	vimm.s32 $0x0;
	v51 =	vadd.f32 v51, v42;
	v8 =	vadd.f32 v8, v11  }
0x3a2: {  	p1 =	sne.s32 s8, $0x13F;
	v11 =	vadd.s32 v63, v12;
	v63 =	vadd.s32 v55, v5;
	v7 =	vadd.f32 v7, v49  }
.Ltmp5:
0x3a3: {  	v11 =	vadd.s32 v26, v11;
	v6 =	vadd.f32 v28, v51;
	v10 =	vadd.f32 v10, v58;
	(pc) =	sbr.rel @p1 .LBB2_9-.Ltmp5, $4  }
0x3a4: {  	v8 =	vadd.f32 v59, v8;
	v5 =	vadd.s32 v23, v11;
	v14 =	vadd.f32 v2, v7  }
0x3a5: {  	v3 =	vadd.f32 v13, v6;
	v7 =	vadd.s32 v0, v4;
	v0 =	vmax.f32 v10, $0.0e+00  }
0x3a6: {  	s11 =	sadd.s32 $0x1, s11;
	s10 =	sadd.s32 $0x80, s10;
	v2 =	vadd.s32 v1, v62;
	v1 =	vsel vm7, $0x1, v47;
	v0 =	vnsel vm7, $0x0, v0  }
0x3a7: {  	s2 =	sadd.s32 $0x1, s2;
	s8 =	sadd.s32 $0x14, s8;
	s9 =	sadd.s32 $0x400, s9;
	v8 =	vadd.f32 v22, v8;
	v4 =	vadd.s32 v1, v63;
	v6 =	vadd.f32 v0, v14  }
.Ltmp6:
0x3a8: {  	(pc) =	sbr.rel @p0 .LBB2_12-.Ltmp6, $2  }
0x3a9: {  	_ =	sdelay $0x2  }
0x3aa: {  	vm10 =	vmmov vm3  }
0x3ab: {  	s2 =	sshll.u32 s22, $0x5  }
0x3ac: {  	s2 =	sadd.s32 s2, s17  }
0x3ad: {  	s8 =	sshll.u32 s2, $0x7  }
0x3ae: {  	s9 =	sadd.s32 s4, s8  }
0x3af: {  	[tilespmem:s25], [sflag:$0x2] =	stream.linear.gather [hbm4b:s9+s3], $0x4000, $0x38;
	[tilespmem:$0x12280] =	vst v63  }
0x3b0: {  	s8 =	sadd.s32 s5, s8  }
0x3b1: {  	[tilespmem:s26], [sflag:$0x2] =	stream.linear.gather [hbm4b:s8+s3], $0x4000, $0x38;
	[tilespmem:$0x12280] =	vst v63  }
.Ltmp7:
0x3b2: {  	s2 =	sshll.u32 s2, $0x4;
	(pc) =	sbr.rel .LBB2_2-.Ltmp7, $4  }
0x3b3: {  	s15 =	sadd.s32 s6, s2  }
0x3b4: {  	[tilespmem:s28], [sflag:$0x2] =	stream.linear.gather [hbm4b:s15+s3], $0x800, $0x38;
	[tilespmem:$0x12280] =	vst v63  }
0x3b5: {  	s22 =	sadd.s32 $0x1, s22;
	s2 =	sadd.s32 s7, s2  }
0x3b6: {  	[tilespmem:s29], [sflag:$0x2] =	stream.linear.gather [hbm4b:s2+s3], $0x800, $0x38;
	[tilespmem:$0x12280] =	vst v63  }
.LBB2_13:
0x3b7: {  	_ =	sfence.sel $0x180000  }
0x3b8: {  	[bflag:$0x0] =	sbarrier.arrive $0xFFFF  }
0x3b9: {  	_ =	strace $0x90000047  }
0x3ba: {  	s0 =	stileid.u32;
	[bflag:$0x2] =	sbarrier.arrive $0xFFFF  }
0x3bb: {  	p0 =	sne.s32 s0, $0x0;
	s0 =	rddreg [dreg:$0x2]  }
0x3bc: {  	s0 =	sadd.s32 @!p0 $0x100000, s0  }
0x3bd: {  	[sflag:s0] =	ssyncadd.tile.s32 @!p0 $0x1;
	_ =	shalt  }
.Lfunc_end2:
_tile_overlayer_lowered:
.L_overlay_start_2:
0x3be: {  	(tag) =	ssettag $0x2  }
0x3bf: {  	s0 =	rddreg [dreg:$0x0];
	s2 =	stileid.u32  }
0x3c0: {  	s1 =	rddreg [dreg:$0x1];
	p0 =	sne.s32 s2, $0x0  }
0x3c1: {  	s3 =	rddreg [dreg:$0x2];
	[bflag:$0x3] =	sbarrier.arrive $0xFFFF;
	s2 =	simm.s32 @!p0 $0x1C03  }
0x3c2: {  	[timem:s3], [sflag:s2] =	dma.local @!p0 [hbm:s0], s1  }
0x3c3: {  	s0 =	simm.s32 @!p0 $0x3  }
0x3c4: {  	_ =	swait.ge @!p0 [sflag:s0], s1  }
0x3c5: {  	s1 =	ssub.s32 @!p0 $0x0, s1;
	[sflag:s0] =	ssyncset.done @!p0 $0x0  }
0x3c6: {  	[sflag:s0] =	ssyncadd.s32 @!p0 s1  }
0x3c7: {  	[bflag:$0x3] =	sbarrier.arrive $0xFFFF  }
0x3c8: {  	_ =	shalt  }

</sc_bundles>
